<compile_context>
chip_gen: v7x
topology: tpu7x:2x2x1
jax: 0.10.2.dev20260603
libtpu: 0.0.44.dev20260713+nightly
codegen_flags: <defaults>
</compile_context>

<pallas_src>
import functools

import jax
import jax.numpy as jnp
from jax import lax
from jax.experimental import pallas as pl
from jax.experimental.pallas import tpu as pltpu
from jax.experimental.pallas import tpu_sc as plsc

_NC = 2
_NS = 16
_NW = _NC * _NS

_GROUP = 128
_GPC = 3
_DW = 8


def _grid_sizes(n, e):
    assert e % _GROUP == 0
    rows = e // _GROUP
    rw = rows // _NW
    rem = rows - rw * _NW
    full = rw // _GPC
    rtail = rw - full * _GPC
    rpt = -(-n // _NS)
    rpt = -(-rpt // 8) * 8
    np_ = rpt * _NS
    return rows, rw, rem, full, rtail, rpt, np_


def _worker_base(w, rw, rem):
    return w * rw + jnp.minimum(w, rem)


def _make_deg(n, e):
    rows, rw, rem, full, rtail, rpt, np_ = _grid_sizes(n, e)
    mesh = plsc.VectorSubcoreMesh(core_axis_name="c", subcore_axis_name="s")

    @functools.partial(
        pl.kernel,
        mesh=mesh,
        out_type=jax.ShapeDtypeStruct((_NC, np_, _DW), jnp.float32),
        scratch_types=[
            pltpu.VMEM((6, _GPC * _GROUP), jnp.int32),
            pltpu.VMEM((_GROUP,), jnp.int32),
            pltpu.VMEM((_GPC * _GROUP, _DW), jnp.float32),
            pltpu.VMEM_SHARED((np_, _DW), jnp.float32),
            pltpu.SemaphoreType.DMA,
            pltpu.SemaphoreType.DMA,
        ],
        compiler_params=pltpu.CompilerParams(use_tc_tiling_on_sc=False),
    )
    def deg_kernel(ei_hbm, zero_hbm, one_hbm, out_hbm, dst_v, dstt_v, one_v,
                   acc_sh, sem_i, sem_s):
        c = lax.axis_index("c")
        s = lax.axis_index("s")
        w = s * _NC + c
        base = _worker_base(w, rw, rem)
        base_e = base * _GROUP
        flat = _GPC * _GROUP

        def idx_load(k, b):
            pltpu.async_copy(ei_hbm.at[1, pl.ds(base_e + k * flat, flat)],
                             dst_v.at[b], sem_i)

        def idx_wait(b):
            pltpu.make_async_copy(ei_hbm.at[1, pl.ds(base_e, flat)],
                                  dst_v.at[b], sem_i).wait()

        def scat(b):
            pltpu.async_copy(one_v, acc_sh.at[dst_v.at[b]], sem_s, add=True)

        def scat_wait_chunk():
            pltpu.make_async_copy(one_v, acc_sh.at[dst_v.at[0]], sem_s).wait()

        pltpu.sync_copy(one_hbm, one_v)
        idx_load(0, 0)
        pltpu.sync_copy(zero_hbm.at[pl.ds(s * rpt, rpt)],
                        acc_sh.at[pl.ds(s * rpt, rpt)])
        plsc.subcore_barrier()
        idx_load(1, 1)
        idx_load(2, 2)

        def body(k, carry):
            b = k % 6
            idx_wait(b)
            scat(b)

            @pl.when(k + 3 < full)
            def _pre():
                idx_load(k + 3, (k + 3) % 6)

            @pl.when(k >= 3)
            def _ret():
                scat_wait_chunk()

            return carry

        lax.fori_loop(0, full, body, 0, unroll=False)
        for _ in range(min(3, full)):
            scat_wait_chunk()

        def single(goff):
            pltpu.sync_copy(ei_hbm.at[1, pl.ds(goff, _GROUP)], dstt_v)
            pltpu.sync_copy(one_v.at[pl.ds(0, _GROUP)], acc_sh.at[dstt_v],
                            add=True)

        for j in range(rtail):
            single(base_e + (full * _GPC + j) * _GROUP)

        @pl.when(w < rem)
        def _tail():
            single(base_e + rw * _GROUP)

        plsc.subcore_barrier()
        pltpu.sync_copy(acc_sh.at[pl.ds(s * rpt, rpt)],
                        out_hbm.at[c, pl.ds(s * rpt, rpt)])

    return deg_kernel


def _make_agg(n, e, d):
    rows, rw, rem, full, rtail, rpt, np_ = _grid_sizes(n, e)
    mesh = plsc.VectorSubcoreMesh(core_axis_name="c", subcore_axis_name="s")

    @functools.partial(
        pl.kernel,
        mesh=mesh,
        out_type=jax.ShapeDtypeStruct((_NC, np_, d), jnp.float32),
        scratch_types=[
            pltpu.VMEM((2, _GPC, _GROUP), jnp.int32),
            pltpu.VMEM((2, _GPC, _GROUP), jnp.int32),
            pltpu.VMEM((2, _GPC, _GROUP, d), jnp.float32),
            pltpu.VMEM_SHARED((np_, d), jnp.float32),
            pltpu.SemaphoreType.DMA,
            pltpu.SemaphoreType.DMA,
            pltpu.SemaphoreType.DMA,
        ],
        compiler_params=pltpu.CompilerParams(use_tc_tiling_on_sc=False),
    )
    def agg_kernel(u_hbm, ei_hbm, zero_hbm, out_hbm, src_v, dst_v, rows_v,
                   acc_sh, sem_i, sem_g, sem_s):
        c = lax.axis_index("c")
        s = lax.axis_index("s")
        w = s * _NC + c
        base = _worker_base(w, rw, rem)

        def idx_load(k, b):
            rb = base + k * _GPC
            pltpu.async_copy(ei_hbm.at[0, pl.ds(rb, _GPC)], src_v.at[b], sem_i)
            pltpu.async_copy(ei_hbm.at[1, pl.ds(rb, _GPC)], dst_v.at[b], sem_i)

        def idx_wait(b):
            pltpu.make_async_copy(ei_hbm.at[0, pl.ds(base, _GPC)],
                                  src_v.at[b], sem_i).wait()
            pltpu.make_async_copy(ei_hbm.at[1, pl.ds(base, _GPC)],
                                  dst_v.at[b], sem_i).wait()

        def gather(b):
            for j in range(_GPC):
                pltpu.async_copy(u_hbm.at[src_v.at[b, j]], rows_v.at[b, j],
                                 sem_g)

        def gather_wait(b):
            for j in range(_GPC):
                pltpu.make_async_copy(u_hbm.at[src_v.at[b, j]],
                                      rows_v.at[b, j], sem_g).wait()

        def scat(b):
            for j in range(_GPC):
                pltpu.async_copy(rows_v.at[b, j], acc_sh.at[dst_v.at[b, j]],
                                 sem_s, add=True)

        def scat_wait(b):
            for j in range(_GPC):
                pltpu.make_async_copy(rows_v.at[b, j],
                                      acc_sh.at[dst_v.at[b, j]], sem_s).wait()

        pltpu.sync_copy(ei_hbm.at[0, pl.ds(base, _GPC)], src_v.at[0])
        pltpu.sync_copy(ei_hbm.at[1, pl.ds(base, _GPC)], dst_v.at[0])
        gather(0)
        idx_load(1, 1)
        pltpu.sync_copy(zero_hbm.at[pl.ds(s * rpt, rpt)],
                        acc_sh.at[pl.ds(s * rpt, rpt)])
        plsc.subcore_barrier()

        gather_wait(0)
        scat(0)
        idx_wait(1)
        gather(1)

        def body(m, carry):
            k = 2 * m + 1
            scat_wait(0)
            idx_load(k + 1, 0)
            gather_wait(1)
            scat(1)
            idx_wait(0)
            gather(0)
            scat_wait(1)
            idx_load(k + 2, 1)
            gather_wait(0)
            scat(0)
            idx_wait(1)
            gather(1)
            return carry

        pairs = (full - 2) // 2
        lax.fori_loop(0, pairs, body, 0, unroll=False)
        done = 1 + 2 * pairs
        for k in range(done, full):
            b = k % 2
            scat_wait(1 - b)
            if k + 1 < full:
                idx_load(k + 1, 1 - b)
            gather_wait(b)
            scat(b)
            if k + 1 < full:
                idx_wait(1 - b)
                gather(1 - b)
        scat_wait((full - 1) % 2)

        def single(rb):
            pltpu.sync_copy(ei_hbm.at[0, pl.ds(rb, 1)], src_v.at[0, pl.ds(0, 1)])
            pltpu.sync_copy(ei_hbm.at[1, pl.ds(rb, 1)], dst_v.at[0, pl.ds(0, 1)])
            pltpu.async_copy(u_hbm.at[src_v.at[0, 0]], rows_v.at[0, 0],
                             sem_g).wait()
            pltpu.sync_copy(rows_v.at[0, 0], acc_sh.at[dst_v.at[0, 0]], add=True)

        for j in range(rtail):
            single(base + full * _GPC + j)

        @pl.when(w < rem)
        def _tail():
            single(base + rw)

        plsc.subcore_barrier()
        pltpu.sync_copy(acc_sh.at[pl.ds(s * rpt, rpt)],
                        out_hbm.at[c, pl.ds(s * rpt, rpt)])

    return agg_kernel



_R4BLK = 3128


def _init_body(deg_ref, x_ref, w_ref, dinv_ref, u_ref):
    r4 = x_ref.shape[0]
    li8 = lax.broadcasted_iota(jnp.int32, (32, 4), 0)
    jj8 = lax.broadcasted_iota(jnp.int32, (32, 4), 1)
    pick = ((li8 // 8 == jj8) & (li8 % 8 == 0)).astype(jnp.float32)
    d44 = jnp.dot(deg_ref[0] + deg_ref[1], pick,
                  preferred_element_type=jnp.float32) + 1.0
    dinv44 = lax.rsqrt(d44)
    ji = lax.broadcasted_iota(jnp.int32, (4, 128), 0)
    li = lax.broadcasted_iota(jnp.int32, (4, 128), 1)
    sel = (li // 32 == ji).astype(jnp.float32)
    xb = jnp.dot(x_ref[...], sel, preferred_element_type=jnp.float32)
    dinv = jnp.dot(dinv44, sel, preferred_element_type=jnp.float32)
    h0 = jnp.zeros((r4, 128), jnp.float32)
    for cls in range(w_ref.shape[0]):
        h0 += jnp.where(xb == float(cls), w_ref[cls:cls + 1, :], 0.0)
    dinv_ref[...] = dinv
    u_ref[...] = h0 * dinv


def _update_body(relu, rescale, p_ref, u_ref, dinv_ref, w_ref, b_ref, o_ref):
    g = (p_ref[0] + p_ref[1] + u_ref[...]) * dinv_ref[...]
    y = jnp.dot(g, w_ref[...], preferred_element_type=jnp.float32) + b_ref[...]
    if relu:
        y = jnp.maximum(y, 0.0)
    if rescale:
        y = y * dinv_ref[...]
    o_ref[...] = y


def _tc_init(deg32, x4f, w_in_t, np4):
    grid = np4 // _R4BLK
    return pl.pallas_call(
        _init_body,
        grid=(grid,),
        in_specs=[
            pl.BlockSpec((_NC, _R4BLK, 32), lambda i: (0, i, 0)),
            pl.BlockSpec((_R4BLK, 4), lambda i: (i, 0)),
            pl.BlockSpec(w_in_t.shape, lambda i: (0, 0)),
        ],
        out_specs=[
            pl.BlockSpec((_R4BLK, 128), lambda i: (i, 0)),
            pl.BlockSpec((_R4BLK, 128), lambda i: (i, 0)),
        ],
        out_shape=[
            jax.ShapeDtypeStruct((np4, 128), jnp.float32),
            jax.ShapeDtypeStruct((np4, 128), jnp.float32),
        ],
    )(deg32, x4f, w_in_t)


def _tc_update(p4, u4, dinv4, w4, b4, relu, rescale, np4):
    grid = np4 // _R4BLK
    dout = w4.shape[1]
    return pl.pallas_call(
        functools.partial(_update_body, relu, rescale),
        grid=(grid,),
        in_specs=[
            pl.BlockSpec((_NC, _R4BLK, 128), lambda i: (0, i, 0)),
            pl.BlockSpec((_R4BLK, 128), lambda i: (i, 0)),
            pl.BlockSpec((_R4BLK, 128), lambda i: (i, 0)),
            pl.BlockSpec((128, dout), lambda i: (0, 0)),
            pl.BlockSpec((1, dout), lambda i: (0, 0)),
        ],
        out_specs=pl.BlockSpec((_R4BLK, dout), lambda i: (i, 0)),
        out_shape=jax.ShapeDtypeStruct((np4, dout), jnp.float32),
    )(p4, u4, dinv4, w4, b4)


def _blockdiag4(w):
    din, dout = w.shape
    z = jnp.zeros((din, dout), w.dtype)
    return jnp.block([
        [w, z, z, z],
        [z, w, z, z],
        [z, z, w, z],
        [z, z, z, w],
    ])


def kernel(x, edge_index, num_iterations, W_in, W_shared, b_shared, W_dec, b_dec):
    n = x.shape[0]
    e = edge_index.shape[1]
    cdim, d = W_in.shape
    assert d == 32 and n % 4 == 0
    rows, rw, rem, full, rtail, rpt, np_ = _grid_sizes(n, e)
    np4 = np_ // 4

    ei3 = edge_index.reshape(2, rows, _GROUP)
    zero_rows = jnp.zeros((np_, d), jnp.float32)
    zero_deg = jnp.zeros((np_, _DW), jnp.float32)
    one_g = jnp.ones((_GPC * _GROUP, _DW), jnp.float32)

    deg_kernel = _make_deg(n, e)
    agg_kernel = _make_agg(n, e, d)

    deg = deg_kernel(edge_index, zero_deg, one_g)
    deg32 = deg.reshape(_NC, np4, 32)

    x4f = jnp.pad(x.astype(jnp.float32).reshape(n // 4, 4),
                  ((0, np4 - n // 4), (0, 0)))
    w_in_t = jnp.tile(W_in, (1, 4))
    dinv4, u4 = _tc_init(deg32, x4f, w_in_t, np4)

    w4 = _blockdiag4(W_shared)
    b4 = jnp.tile(b_shared.reshape(1, d), (1, 4))
    wd4 = _blockdiag4(W_dec)
    bd4 = jnp.tile(b_dec.reshape(1, cdim), (1, 4))

    def one_iter(_, u4):
        p = agg_kernel(u4.reshape(np_, d), ei3, zero_rows)
        p4 = p.reshape(_NC, np4, 128)
        return _tc_update(p4, u4, dinv4, w4, b4, True, True, np4)

    u4 = lax.fori_loop(0, num_iterations, one_iter, u4)

    p = agg_kernel(u4.reshape(np_, d), ei3, zero_rows)
    p4 = p.reshape(_NC, np4, 128)
    y4 = _tc_update(p4, u4, dinv4, wd4, bd4, False, False, np4)
    return y4[:n // 4].reshape(n, cdim)

# --- scband reference (transcript-rebuilt; emitter-appended) ---
"""Pipeline reference for scband-gnnmodel-13597866459552 (READ-ONLY COPY).

The authoritative reference and input builder live on the scoring server;
editing this copy changes nothing except your own understanding.
"""

import jax, jax.numpy as jnp
import numpy as np

N = 50000
E = 800000
ALPHA = 7
C = ALPHA + 1  # num_node_types = size_alphabet + 1
D = 32         # embed_dim == num_hidden
NUM_ITERS = 3


def setup_inputs(seed: int = 0) -> dict:
    key = jax.random.key(seed)
    ks = jax.random.split(key, 8)
    x = jax.random.randint(ks[0], (N, 1), 0, C, dtype=jnp.int32)
    edge_index = jax.random.randint(ks[1], (2, E), 0, N, dtype=jnp.int32)
    W_in = jax.random.normal(ks[2], (C, D), dtype=jnp.float32) * 0.1
    W_shared = jax.random.normal(ks[3], (D, D), dtype=jnp.float32) * 0.1
    b_shared = jnp.zeros((D,), dtype=jnp.float32)
    W_dec = jax.random.normal(ks[4], (D, C), dtype=jnp.float32) * 0.1
    b_dec = jnp.zeros((C,), dtype=jnp.float32)
    return {
        "x": x,
        "edge_index": edge_index,
        "num_iterations": NUM_ITERS,
        "W_in": W_in,
        "W_shared": W_shared,
        "b_shared": b_shared,
        "W_dec": W_dec,
        "b_dec": b_dec,
    }


def _gcn_conv(x, W, b, src, dst, n):
    # Faithful PyG GCNConv: add self loops, symmetric normalization, aggregate at dst.
    x = x @ W
    loops = jnp.arange(n, dtype=src.dtype)
    s = jnp.concatenate([src, loops])
    d = jnp.concatenate([dst, loops])
    deg = jnp.zeros((n,), dtype=x.dtype).at[d].add(1.0)
    dinv = jnp.where(deg > 0, deg ** -0.5, 0.0)
    norm = dinv[s] * dinv[d]
    msgs = x[s] * norm[:, None]
    out = jax.ops.segment_sum(msgs, d, num_segments=n)
    return out + b


def reference(x, edge_index, num_iterations, W_in, W_shared, b_shared, W_dec, b_dec):
    src, dst = edge_index[0], edge_index[1]
    h = jax.nn.one_hot(jnp.squeeze(x), C, dtype=jnp.float32)
    h = h @ W_in  # input_proj, bias=False
    h = jax.lax.fori_loop(
        0,
        num_iterations,
        lambda _, hh: jax.nn.relu(_gcn_conv(hh, W_shared, b_shared, src, dst, N)),
        h,
    )
    out = _gcn_conv(h, W_dec, b_dec, src, dst, N)
    return out

if __name__ == "__main__":
    import jax
    _d = setup_inputs()
    print(jax.jit(kernel)(*tuple(_d.values())))

</pallas_src>

<mosaic_0001>
#map = affine_map<(d0, d1) -> (0, 0)>
#map1 = affine_map<(d0, d1) -> (0, 0, 0)>
module attributes {stable_mosaic.version = 14 : i64} {
  func.func @agg_kernel(%arg0: i32, %arg1: i32, %arg2: memref<50048x32xf32, #tpu.memory_space<hbm>>, %arg3: memref<2x6250x128xi32, #tpu.memory_space<hbm>>, %arg4: memref<50048x32xf32, #tpu.memory_space<hbm>>, %arg5: memref<2x50048x32xf32, #tpu.memory_space<hbm>>, %arg6: memref<2x3x128xi32, #tpu.memory_space<vmem>>, %arg7: memref<2x3x128xi32, #tpu.memory_space<vmem>>, %arg8: memref<2x3x128x32xf32, #tpu.memory_space<vmem>>, %arg9: memref<50048x32xf32, #tpu.memory_space<vmem_shared>>, %arg10: memref<!tpu.dma_semaphore, #tpu.memory_space<semaphore_mem>>, %arg11: memref<!tpu.dma_semaphore, #tpu.memory_space<semaphore_mem>>, %arg12: memref<!tpu.dma_semaphore, #tpu.memory_space<semaphore_mem>>) attributes {dimension_semantics = [#tpu.dimension_semantics<core_parallel>, #tpu.dimension_semantics<subcore_parallel>], iteration_bounds = array<i64: 2, 16>, scalar_prefetch = 0 : i64, scratch_operands = 7 : i64, tpu.core_type = #tpu.core_type<sc_vector_subcore>, window_params = [{transform_indices = #map}, {transform_indices = #map1}, {transform_indices = #map}, {transform_indices = #map1}]} {
    %mul3A = arith.constant 2 : i32
    %mul3A_0 = arith.muli %arg1, %mul3A : i32
    %add3A = arith.addi %mul3A_0, %arg0 : i32
    %mul3A_1 = arith.constant 195 : i32
    %mul3A_2 = arith.muli %add3A, %mul3A_1 : i32
    %min3A = arith.constant 10 : i32
    %min3A_3 = arith.minsi %add3A, %min3A : i32
    %add3A_4 = arith.addi %mul3A_2, %min3A_3 : i32
    %run_scoped3A = arith.constant 0 : i32
    %run_scoped3A_5 = arith.constant 0 : i32
    "tpu.region"() ({
      %run_scoped3A_658 = tpu.sem_alloc : memref<!tpu.dma_semaphore, #tpu.memory_space<semaphore_mem>>
      %dma_start3A_659 = arith.constant 0 : i32
      %dma_start3A_660 = arith.constant 0 : i32
      %dma_start3A_661 = tpu.memref_slice %arg6[%run_scoped3A_5, %dma_start3A_659, %dma_start3A_660] : memref<2x3x128xi32, #tpu.memory_space<vmem>> -> memref<1x3x128xi32, #tpu.memory_space<vmem>>
      %dma_start3A_662 = tpu.memref_squeeze %dma_start3A_661 : memref<1x3x128xi32, #tpu.memory_space<vmem>> -> memref<3x128xi32, #tpu.memory_space<vmem>>
      %dma_start3A_663 = arith.constant 0 : i32
      %dma_start3A_664 = tpu.memref_slice %arg3[%run_scoped3A, %add3A_4, %dma_start3A_663] : memref<2x6250x128xi32, #tpu.memory_space<hbm>> -> memref<1x3x128xi32, #tpu.memory_space<hbm>>
      %dma_start3A_665 = tpu.memref_squeeze %dma_start3A_664 : memref<1x3x128xi32, #tpu.memory_space<hbm>> -> memref<3x128xi32, #tpu.memory_space<hbm>>
      %dma_start3A_666 = arith.constant 0 : i32
      %dma_start3A_667 = arith.constant 0 : i32
      %dma_start3A_668 = tpu.memref_slice %arg6[%run_scoped3A_5, %dma_start3A_666, %dma_start3A_667] : memref<2x3x128xi32, #tpu.memory_space<vmem>> -> memref<1x3x128xi32, #tpu.memory_space<vmem>>
      %dma_start3A_669 = tpu.memref_squeeze %dma_start3A_668 : memref<1x3x128xi32, #tpu.memory_space<vmem>> -> memref<3x128xi32, #tpu.memory_space<vmem>>
      %dma_start3A_670 = arith.constant 0 : i32
      %dma_start3A_671 = tpu.memref_slice %arg3[%run_scoped3A, %add3A_4, %dma_start3A_670] : memref<2x6250x128xi32, #tpu.memory_space<hbm>> -> memref<1x3x128xi32, #tpu.memory_space<hbm>>
      %dma_start3A_672 = tpu.memref_squeeze %dma_start3A_671 : memref<1x3x128xi32, #tpu.memory_space<hbm>> -> memref<3x128xi32, #tpu.memory_space<hbm>>
      tpu.enqueue_dma source(%dma_start3A_672 : memref<3x128xi32, #tpu.memory_space<hbm>>) target(%dma_start3A_669 : memref<3x128xi32, #tpu.memory_space<vmem>>) target_semaphore(%run_scoped3A_658 : memref<!tpu.dma_semaphore, #tpu.memory_space<semaphore_mem>>)
      %dma_wait3A_673 = arith.constant 0 : i32
      %dma_wait3A_674 = arith.constant 0 : i32
      %dma_wait3A_675 = tpu.memref_slice %arg6[%run_scoped3A_5, %dma_wait3A_673, %dma_wait3A_674] : memref<2x3x128xi32, #tpu.memory_space<vmem>> -> memref<1x3x128xi32, #tpu.memory_space<vmem>>
      %dma_wait3A_676 = tpu.memref_squeeze %dma_wait3A_675 : memref<1x3x128xi32, #tpu.memory_space<vmem>> -> memref<3x128xi32, #tpu.memory_space<vmem>>
      %dma_wait3A_677 = arith.constant 0 : i32
      %dma_wait3A_678 = tpu.memref_slice %arg3[%run_scoped3A, %add3A_4, %dma_wait3A_677] : memref<2x6250x128xi32, #tpu.memory_space<hbm>> -> memref<1x3x128xi32, #tpu.memory_space<hbm>>
      %dma_wait3A_679 = tpu.memref_squeeze %dma_wait3A_678 : memref<1x3x128xi32, #tpu.memory_space<hbm>> -> memref<3x128xi32, #tpu.memory_space<hbm>>
      %dma_wait3A_680 = arith.constant 0 : i32
      %dma_wait3A_681 = arith.constant 0 : i32
      %dma_wait3A_682 = tpu.memref_slice %arg6[%run_scoped3A_5, %dma_wait3A_680, %dma_wait3A_681] : memref<2x3x128xi32, #tpu.memory_space<vmem>> -> memref<1x3x128xi32, #tpu.memory_space<vmem>>
      %dma_wait3A_683 = tpu.memref_squeeze %dma_wait3A_682 : memref<1x3x128xi32, #tpu.memory_space<vmem>> -> memref<3x128xi32, #tpu.memory_space<vmem>>
      %dma_wait3A_684 = arith.constant 0 : i32
      %dma_wait3A_685 = tpu.memref_slice %arg3[%run_scoped3A, %add3A_4, %dma_wait3A_684] : memref<2x6250x128xi32, #tpu.memory_space<hbm>> -> memref<1x3x128xi32, #tpu.memory_space<hbm>>
      %dma_wait3A_686 = tpu.memref_squeeze %dma_wait3A_685 : memref<1x3x128xi32, #tpu.memory_space<hbm>> -> memref<3x128xi32, #tpu.memory_space<hbm>>
      tpu.wait_dma2 semaphore(%run_scoped3A_658 : memref<!tpu.dma_semaphore, #tpu.memory_space<semaphore_mem>>) src(%dma_wait3A_686 : memref<3x128xi32, #tpu.memory_space<hbm>>) dst(%dma_wait3A_683 : memref<3x128xi32, #tpu.memory_space<vmem>>)
      tpu.yield
    }) : () -> ()
    %run_scoped3A_6 = arith.constant 1 : i32
    %run_scoped3A_7 = arith.constant 0 : i32
    "tpu.region"() ({
      %run_scoped3A_658 = tpu.sem_alloc : memref<!tpu.dma_semaphore, #tpu.memory_space<semaphore_mem>>
      %dma_start3A_659 = arith.constant 0 : i32
      %dma_start3A_660 = arith.constant 0 : i32
      %dma_start3A_661 = tpu.memref_slice %arg7[%run_scoped3A_7, %dma_start3A_659, %dma_start3A_660] : memref<2x3x128xi32, #tpu.memory_space<vmem>> -> memref<1x3x128xi32, #tpu.memory_space<vmem>>
      %dma_start3A_662 = tpu.memref_squeeze %dma_start3A_661 : memref<1x3x128xi32, #tpu.memory_space<vmem>> -> memref<3x128xi32, #tpu.memory_space<vmem>>
      %dma_start3A_663 = arith.constant 0 : i32
      %dma_start3A_664 = tpu.memref_slice %arg3[%run_scoped3A_6, %add3A_4, %dma_start3A_663] : memref<2x6250x128xi32, #tpu.memory_space<hbm>> -> memref<1x3x128xi32, #tpu.memory_space<hbm>>
      %dma_start3A_665 = tpu.memref_squeeze %dma_start3A_664 : memref<1x3x128xi32, #tpu.memory_space<hbm>> -> memref<3x128xi32, #tpu.memory_space<hbm>>
      %dma_start3A_666 = arith.constant 0 : i32
      %dma_start3A_667 = arith.constant 0 : i32
      %dma_start3A_668 = tpu.memref_slice %arg7[%run_scoped3A_7, %dma_start3A_666, %dma_start3A_667] : memref<2x3x128xi32, #tpu.memory_space<vmem>> -> memref<1x3x128xi32, #tpu.memory_space<vmem>>
      %dma_start3A_669 = tpu.memref_squeeze %dma_start3A_668 : memref<1x3x128xi32, #tpu.memory_space<vmem>> -> memref<3x128xi32, #tpu.memory_space<vmem>>
      %dma_start3A_670 = arith.constant 0 : i32
      %dma_start3A_671 = tpu.memref_slice %arg3[%run_scoped3A_6, %add3A_4, %dma_start3A_670] : memref<2x6250x128xi32, #tpu.memory_space<hbm>> -> memref<1x3x128xi32, #tpu.memory_space<hbm>>
      %dma_start3A_672 = tpu.memref_squeeze %dma_start3A_671 : memref<1x3x128xi32, #tpu.memory_space<hbm>> -> memref<3x128xi32, #tpu.memory_space<hbm>>
      tpu.enqueue_dma source(%dma_start3A_672 : memref<3x128xi32, #tpu.memory_space<hbm>>) target(%dma_start3A_669 : memref<3x128xi32, #tpu.memory_space<vmem>>) target_semaphore(%run_scoped3A_658 : memref<!tpu.dma_semaphore, #tpu.memory_space<semaphore_mem>>)
      %dma_wait3A_673 = arith.constant 0 : i32
      %dma_wait3A_674 = arith.constant 0 : i32
      %dma_wait3A_675 = tpu.memref_slice %arg7[%run_scoped3A_7, %dma_wait3A_673, %dma_wait3A_674] : memref<2x3x128xi32, #tpu.memory_space<vmem>> -> memref<1x3x128xi32, #tpu.memory_space<vmem>>
      %dma_wait3A_676 = tpu.memref_squeeze %dma_wait3A_675 : memref<1x3x128xi32, #tpu.memory_space<vmem>> -> memref<3x128xi32, #tpu.memory_space<vmem>>
      %dma_wait3A_677 = arith.constant 0 : i32
      %dma_wait3A_678 = tpu.memref_slice %arg3[%run_scoped3A_6, %add3A_4, %dma_wait3A_677] : memref<2x6250x128xi32, #tpu.memory_space<hbm>> -> memref<1x3x128xi32, #tpu.memory_space<hbm>>
      %dma_wait3A_679 = tpu.memref_squeeze %dma_wait3A_678 : memref<1x3x128xi32, #tpu.memory_space<hbm>> -> memref<3x128xi32, #tpu.memory_space<hbm>>
      %dma_wait3A_680 = arith.constant 0 : i32
      %dma_wait3A_681 = arith.constant 0 : i32
      %dma_wait3A_682 = tpu.memref_slice %arg7[%run_scoped3A_7, %dma_wait3A_680, %dma_wait3A_681] : memref<2x3x128xi32, #tpu.memory_space<vmem>> -> memref<1x3x128xi32, #tpu.memory_space<vmem>>
      %dma_wait3A_683 = tpu.memref_squeeze %dma_wait3A_682 : memref<1x3x128xi32, #tpu.memory_space<vmem>> -> memref<3x128xi32, #tpu.memory_space<vmem>>
      %dma_wait3A_684 = arith.constant 0 : i32
      %dma_wait3A_685 = tpu.memref_slice %arg3[%run_scoped3A_6, %add3A_4, %dma_wait3A_684] : memref<2x6250x128xi32, #tpu.memory_space<hbm>> -> memref<1x3x128xi32, #tpu.memory_space<hbm>>
      %dma_wait3A_686 = tpu.memref_squeeze %dma_wait3A_685 : memref<1x3x128xi32, #tpu.memory_space<hbm>> -> memref<3x128xi32, #tpu.memory_space<hbm>>
      tpu.wait_dma2 semaphore(%run_scoped3A_658 : memref<!tpu.dma_semaphore, #tpu.memory_space<semaphore_mem>>) src(%dma_wait3A_686 : memref<3x128xi32, #tpu.memory_space<hbm>>) dst(%dma_wait3A_683 : memref<3x128xi32, #tpu.memory_space<vmem>>)
      tpu.yield
    }) : () -> ()
    %dma_start3A = arith.constant 0 : i32
    %dma_start3A_8 = arith.constant 0 : i32
    %dma_start3A_9 = arith.constant 0 : i32
    %dma_start3A_10 = arith.constant 0 : i32
    %dma_start3A_11 = arith.constant 0 : i32
    %dma_start3A_12 = arith.constant 0 : i32
    %dma_start3A_13 = tpu.memref_slice %arg8[%dma_start3A_9, %dma_start3A_10, %dma_start3A_11, %dma_start3A_12] : memref<2x3x128x32xf32, #tpu.memory_space<vmem>> -> memref<1x1x128x32xf32, #tpu.memory_space<vmem>>
    %dma_start3A_14 = tpu.memref_squeeze %dma_start3A_13 : memref<1x1x128x32xf32, #tpu.memory_space<vmem>> -> memref<128x32xf32, #tpu.memory_space<vmem>>
    %dma_start3A_15 = arith.constant 0 : i32
    %dma_start3A_16 = tpu.memref_slice %arg6[%dma_start3A, %dma_start3A_8, %dma_start3A_15] : memref<2x3x128xi32, #tpu.memory_space<vmem>> -> memref<1x1x128xi32, #tpu.memory_space<vmem>>
    %dma_start3A_17 = tpu.memref_squeeze %dma_start3A_16 : memref<1x1x128xi32, #tpu.memory_space<vmem>> -> memref<128xi32, #tpu.memory_space<vmem>>
    %dma_start3A_18 = arith.constant 0 : i32
    %dma_start3A_19 = arith.constant 0 : i32
    %dma_start3A_20 = tpu.memref_slice %arg2[%dma_start3A_18, %dma_start3A_19] : memref<50048x32xf32, #tpu.memory_space<hbm>> -> memref<50048x32xf32, #tpu.memory_space<hbm>>
    tpu.enqueue_indirect_dma source(%dma_start3A_20 : memref<50048x32xf32, #tpu.memory_space<hbm>>) target(%dma_start3A_14 : memref<128x32xf32, #tpu.memory_space<vmem>>) offsets(%dma_start3A_17 : memref<128xi32, #tpu.memory_space<vmem>>) semaphore(%arg11 : memref<!tpu.dma_semaphore, #tpu.memory_space<semaphore_mem>>)
    %dma_start3A_21 = arith.constant 0 : i32
    %dma_start3A_22 = arith.constant 1 : i32
    %dma_start3A_23 = arith.constant 0 : i32
    %dma_start3A_24 = arith.constant 1 : i32
    %dma_start3A_25 = arith.constant 0 : i32
    %dma_start3A_26 = arith.constant 0 : i32
    %dma_start3A_27 = tpu.memref_slice %arg8[%dma_start3A_23, %dma_start3A_24, %dma_start3A_25, %dma_start3A_26] : memref<2x3x128x32xf32, #tpu.memory_space<vmem>> -> memref<1x1x128x32xf32, #tpu.memory_space<vmem>>
    %dma_start3A_28 = tpu.memref_squeeze %dma_start3A_27 : memref<1x1x128x32xf32, #tpu.memory_space<vmem>> -> memref<128x32xf32, #tpu.memory_space<vmem>>
    %dma_start3A_29 = arith.constant 0 : i32
    %dma_start3A_30 = tpu.memref_slice %arg6[%dma_start3A_21, %dma_start3A_22, %dma_start3A_29] : memref<2x3x128xi32, #tpu.memory_space<vmem>> -> memref<1x1x128xi32, #tpu.memory_space<vmem>>
    %dma_start3A_31 = tpu.memref_squeeze %dma_start3A_30 : memref<1x1x128xi32, #tpu.memory_space<vmem>> -> memref<128xi32, #tpu.memory_space<vmem>>
    %dma_start3A_32 = arith.constant 0 : i32
    %dma_start3A_33 = arith.constant 0 : i32
    %dma_start3A_34 = tpu.memref_slice %arg2[%dma_start3A_32, %dma_start3A_33] : memref<50048x32xf32, #tpu.memory_space<hbm>> -> memref<50048x32xf32, #tpu.memory_space<hbm>>
    tpu.enqueue_indirect_dma source(%dma_start3A_34 : memref<50048x32xf32, #tpu.memory_space<hbm>>) target(%dma_start3A_28 : memref<128x32xf32, #tpu.memory_space<vmem>>) offsets(%dma_start3A_31 : memref<128xi32, #tpu.memory_space<vmem>>) semaphore(%arg11 : memref<!tpu.dma_semaphore, #tpu.memory_space<semaphore_mem>>)
    %dma_start3A_35 = arith.constant 0 : i32
    %dma_start3A_36 = arith.constant 2 : i32
    %dma_start3A_37 = arith.constant 0 : i32
    %dma_start3A_38 = arith.constant 2 : i32
    %dma_start3A_39 = arith.constant 0 : i32
    %dma_start3A_40 = arith.constant 0 : i32
    %dma_start3A_41 = tpu.memref_slice %arg8[%dma_start3A_37, %dma_start3A_38, %dma_start3A_39, %dma_start3A_40] : memref<2x3x128x32xf32, #tpu.memory_space<vmem>> -> memref<1x1x128x32xf32, #tpu.memory_space<vmem>>
    %dma_start3A_42 = tpu.memref_squeeze %dma_start3A_41 : memref<1x1x128x32xf32, #tpu.memory_space<vmem>> -> memref<128x32xf32, #tpu.memory_space<vmem>>
    %dma_start3A_43 = arith.constant 0 : i32
    %dma_start3A_44 = tpu.memref_slice %arg6[%dma_start3A_35, %dma_start3A_36, %dma_start3A_43] : memref<2x3x128xi32, #tpu.memory_space<vmem>> -> memref<1x1x128xi32, #tpu.memory_space<vmem>>
    %dma_start3A_45 = tpu.memref_squeeze %dma_start3A_44 : memref<1x1x128xi32, #tpu.memory_space<vmem>> -> memref<128xi32, #tpu.memory_space<vmem>>
    %dma_start3A_46 = arith.constant 0 : i32
    %dma_start3A_47 = arith.constant 0 : i32
    %dma_start3A_48 = tpu.memref_slice %arg2[%dma_start3A_46, %dma_start3A_47] : memref<50048x32xf32, #tpu.memory_space<hbm>> -> memref<50048x32xf32, #tpu.memory_space<hbm>>
    tpu.enqueue_indirect_dma source(%dma_start3A_48 : memref<50048x32xf32, #tpu.memory_space<hbm>>) target(%dma_start3A_42 : memref<128x32xf32, #tpu.memory_space<vmem>>) offsets(%dma_start3A_45 : memref<128xi32, #tpu.memory_space<vmem>>) semaphore(%arg11 : memref<!tpu.dma_semaphore, #tpu.memory_space<semaphore_mem>>)
    %add3A_49 = arith.constant 3 : i32
    %add3A_50 = arith.addi %add3A_4, %add3A_49 : i32
    %dma_start3A_51 = arith.constant 0 : i32
    %dma_start3A_52 = arith.constant 1 : i32
    %dma_start3A_53 = arith.constant 0 : i32
    %dma_start3A_54 = arith.constant 0 : i32
    %dma_start3A_55 = tpu.memref_slice %arg6[%dma_start3A_52, %dma_start3A_53, %dma_start3A_54] : memref<2x3x128xi32, #tpu.memory_space<vmem>> -> memref<1x3x128xi32, #tpu.memory_space<vmem>>
    %dma_start3A_56 = tpu.memref_squeeze %dma_start3A_55 : memref<1x3x128xi32, #tpu.memory_space<vmem>> -> memref<3x128xi32, #tpu.memory_space<vmem>>
    %dma_start3A_57 = arith.constant 0 : i32
    %dma_start3A_58 = tpu.memref_slice %arg3[%dma_start3A_51, %add3A_50, %dma_start3A_57] : memref<2x6250x128xi32, #tpu.memory_space<hbm>> -> memref<1x3x128xi32, #tpu.memory_space<hbm>>
    %dma_start3A_59 = tpu.memref_squeeze %dma_start3A_58 : memref<1x3x128xi32, #tpu.memory_space<hbm>> -> memref<3x128xi32, #tpu.memory_space<hbm>>
    %dma_start3A_60 = arith.constant 0 : i32
    %dma_start3A_61 = arith.constant 0 : i32
    %dma_start3A_62 = tpu.memref_slice %arg6[%dma_start3A_52, %dma_start3A_60, %dma_start3A_61] : memref<2x3x128xi32, #tpu.memory_space<vmem>> -> memref<1x3x128xi32, #tpu.memory_space<vmem>>
    %dma_start3A_63 = tpu.memref_squeeze %dma_start3A_62 : memref<1x3x128xi32, #tpu.memory_space<vmem>> -> memref<3x128xi32, #tpu.memory_space<vmem>>
    %dma_start3A_64 = arith.constant 0 : i32
    %dma_start3A_65 = tpu.memref_slice %arg3[%dma_start3A_51, %add3A_50, %dma_start3A_64] : memref<2x6250x128xi32, #tpu.memory_space<hbm>> -> memref<1x3x128xi32, #tpu.memory_space<hbm>>
    %dma_start3A_66 = tpu.memref_squeeze %dma_start3A_65 : memref<1x3x128xi32, #tpu.memory_space<hbm>> -> memref<3x128xi32, #tpu.memory_space<hbm>>
    tpu.enqueue_dma source(%dma_start3A_66 : memref<3x128xi32, #tpu.memory_space<hbm>>) target(%dma_start3A_63 : memref<3x128xi32, #tpu.memory_space<vmem>>) target_semaphore(%arg10 : memref<!tpu.dma_semaphore, #tpu.memory_space<semaphore_mem>>)
    %dma_start3A_67 = arith.constant 1 : i32
    %dma_start3A_68 = arith.constant 1 : i32
    %dma_start3A_69 = arith.constant 0 : i32
    %dma_start3A_70 = arith.constant 0 : i32
    %dma_start3A_71 = tpu.memref_slice %arg7[%dma_start3A_68, %dma_start3A_69, %dma_start3A_70] : memref<2x3x128xi32, #tpu.memory_space<vmem>> -> memref<1x3x128xi32, #tpu.memory_space<vmem>>
    %dma_start3A_72 = tpu.memref_squeeze %dma_start3A_71 : memref<1x3x128xi32, #tpu.memory_space<vmem>> -> memref<3x128xi32, #tpu.memory_space<vmem>>
    %dma_start3A_73 = arith.constant 0 : i32
    %dma_start3A_74 = tpu.memref_slice %arg3[%dma_start3A_67, %add3A_50, %dma_start3A_73] : memref<2x6250x128xi32, #tpu.memory_space<hbm>> -> memref<1x3x128xi32, #tpu.memory_space<hbm>>
    %dma_start3A_75 = tpu.memref_squeeze %dma_start3A_74 : memref<1x3x128xi32, #tpu.memory_space<hbm>> -> memref<3x128xi32, #tpu.memory_space<hbm>>
    %dma_start3A_76 = arith.constant 0 : i32
    %dma_start3A_77 = arith.constant 0 : i32
    %dma_start3A_78 = tpu.memref_slice %arg7[%dma_start3A_68, %dma_start3A_76, %dma_start3A_77] : memref<2x3x128xi32, #tpu.memory_space<vmem>> -> memref<1x3x128xi32, #tpu.memory_space<vmem>>
    %dma_start3A_79 = tpu.memref_squeeze %dma_start3A_78 : memref<1x3x128xi32, #tpu.memory_space<vmem>> -> memref<3x128xi32, #tpu.memory_space<vmem>>
    %dma_start3A_80 = arith.constant 0 : i32
    %dma_start3A_81 = tpu.memref_slice %arg3[%dma_start3A_67, %add3A_50, %dma_start3A_80] : memref<2x6250x128xi32, #tpu.memory_space<hbm>> -> memref<1x3x128xi32, #tpu.memory_space<hbm>>
    %dma_start3A_82 = tpu.memref_squeeze %dma_start3A_81 : memref<1x3x128xi32, #tpu.memory_space<hbm>> -> memref<3x128xi32, #tpu.memory_space<hbm>>
    tpu.enqueue_dma source(%dma_start3A_82 : memref<3x128xi32, #tpu.memory_space<hbm>>) target(%dma_start3A_79 : memref<3x128xi32, #tpu.memory_space<vmem>>) target_semaphore(%arg10 : memref<!tpu.dma_semaphore, #tpu.memory_space<semaphore_mem>>)
    %mul3A_83 = arith.constant 3128 : i32
    %mul3A_84 = arith.muli %arg1, %mul3A_83 : i32
    %mul3A_85 = arith.constant 3128 : i32
    %mul3A_86 = arith.muli %arg1, %mul3A_85 : i32
    "tpu.region"() ({
      %run_scoped3A_658 = tpu.sem_alloc : memref<!tpu.dma_semaphore, #tpu.memory_space<semaphore_mem>>
      %dma_start3A_659 = arith.constant 0 : i32
      %dma_start3A_660 = tpu.memref_slice %arg9[%mul3A_86, %dma_start3A_659] : memref<50048x32xf32, #tpu.memory_space<vmem_shared>> -> memref<3128x32xf32, #tpu.memory_space<vmem_shared>>
      %dma_start3A_661 = arith.constant 0 : i32
      %dma_start3A_662 = tpu.memref_slice %arg4[%mul3A_84, %dma_start3A_661] : memref<50048x32xf32, #tpu.memory_space<hbm>> -> memref<3128x32xf32, #tpu.memory_space<hbm>>
      tpu.enqueue_dma source(%dma_start3A_662 : memref<3128x32xf32, #tpu.memory_space<hbm>>) target(%dma_start3A_660 : memref<3128x32xf32, #tpu.memory_space<vmem_shared>>) target_semaphore(%run_scoped3A_658 : memref<!tpu.dma_semaphore, #tpu.memory_space<semaphore_mem>>)
      %dma_wait3A_663 = arith.constant 0 : i32
      %dma_wait3A_664 = tpu.memref_slice %arg9[%mul3A_86, %dma_wait3A_663] : memref<50048x32xf32, #tpu.memory_space<vmem_shared>> -> memref<3128x32xf32, #tpu.memory_space<vmem_shared>>
      %dma_wait3A_665 = arith.constant 0 : i32
      %dma_wait3A_666 = tpu.memref_slice %arg4[%mul3A_84, %dma_wait3A_665] : memref<50048x32xf32, #tpu.memory_space<hbm>> -> memref<3128x32xf32, #tpu.memory_space<hbm>>
      tpu.wait_dma2 semaphore(%run_scoped3A_658 : memref<!tpu.dma_semaphore, #tpu.memory_space<semaphore_mem>>) src(%dma_wait3A_666 : memref<3128x32xf32, #tpu.memory_space<hbm>>) dst(%dma_wait3A_664 : memref<3128x32xf32, #tpu.memory_space<vmem_shared>>)
      tpu.yield
    }) : () -> ()
    %barrier3A = arith.constant 0 : index
    tpu.barrier barrier_id(%barrier3A)
    %dma_wait3A = arith.constant 0 : i32
    %dma_wait3A_87 = arith.constant 0 : i32
    %dma_wait3A_88 = arith.constant 0 : i32
    %dma_wait3A_89 = arith.constant 0 : i32
    %dma_wait3A_90 = arith.constant 0 : i32
    %dma_wait3A_91 = arith.constant 0 : i32
    %dma_wait3A_92 = tpu.memref_slice %arg8[%dma_wait3A_88, %dma_wait3A_89, %dma_wait3A_90, %dma_wait3A_91] : memref<2x3x128x32xf32, #tpu.memory_space<vmem>> -> memref<1x1x128x32xf32, #tpu.memory_space<vmem>>
    %dma_wait3A_93 = tpu.memref_squeeze %dma_wait3A_92 : memref<1x1x128x32xf32, #tpu.memory_space<vmem>> -> memref<128x32xf32, #tpu.memory_space<vmem>>
    %dma_wait3A_94 = arith.constant 0 : i32
    %dma_wait3A_95 = tpu.memref_slice %arg6[%dma_wait3A, %dma_wait3A_87, %dma_wait3A_94] : memref<2x3x128xi32, #tpu.memory_space<vmem>> -> memref<1x1x128xi32, #tpu.memory_space<vmem>>
    %dma_wait3A_96 = tpu.memref_squeeze %dma_wait3A_95 : memref<1x1x128xi32, #tpu.memory_space<vmem>> -> memref<128xi32, #tpu.memory_space<vmem>>
    %dma_wait3A_97 = arith.constant 0 : i32
    %dma_wait3A_98 = arith.constant 0 : i32
    %dma_wait3A_99 = tpu.memref_slice %arg2[%dma_wait3A_97, %dma_wait3A_98] : memref<50048x32xf32, #tpu.memory_space<hbm>> -> memref<50048x32xf32, #tpu.memory_space<hbm>>
    tpu.wait_indirect_dma semaphore(%arg11 : memref<!tpu.dma_semaphore, #tpu.memory_space<semaphore_mem>>) src(%dma_wait3A_99 : memref<50048x32xf32, #tpu.memory_space<hbm>>) dst(%dma_wait3A_93 : memref<128x32xf32, #tpu.memory_space<vmem>>)
    %dma_wait3A_100 = arith.constant 0 : i32
    %dma_wait3A_101 = arith.constant 1 : i32
    %dma_wait3A_102 = arith.constant 0 : i32
    %dma_wait3A_103 = arith.constant 1 : i32
    %dma_wait3A_104 = arith.constant 0 : i32
    %dma_wait3A_105 = arith.constant 0 : i32
    %dma_wait3A_106 = tpu.memref_slice %arg8[%dma_wait3A_102, %dma_wait3A_103, %dma_wait3A_104, %dma_wait3A_105] : memref<2x3x128x32xf32, #tpu.memory_space<vmem>> -> memref<1x1x128x32xf32, #tpu.memory_space<vmem>>
    %dma_wait3A_107 = tpu.memref_squeeze %dma_wait3A_106 : memref<1x1x128x32xf32, #tpu.memory_space<vmem>> -> memref<128x32xf32, #tpu.memory_space<vmem>>
    %dma_wait3A_108 = arith.constant 0 : i32
    %dma_wait3A_109 = tpu.memref_slice %arg6[%dma_wait3A_100, %dma_wait3A_101, %dma_wait3A_108] : memref<2x3x128xi32, #tpu.memory_space<vmem>> -> memref<1x1x128xi32, #tpu.memory_space<vmem>>
    %dma_wait3A_110 = tpu.memref_squeeze %dma_wait3A_109 : memref<1x1x128xi32, #tpu.memory_space<vmem>> -> memref<128xi32, #tpu.memory_space<vmem>>
    %dma_wait3A_111 = arith.constant 0 : i32
    %dma_wait3A_112 = arith.constant 0 : i32
    %dma_wait3A_113 = tpu.memref_slice %arg2[%dma_wait3A_111, %dma_wait3A_112] : memref<50048x32xf32, #tpu.memory_space<hbm>> -> memref<50048x32xf32, #tpu.memory_space<hbm>>
    tpu.wait_indirect_dma semaphore(%arg11 : memref<!tpu.dma_semaphore, #tpu.memory_space<semaphore_mem>>) src(%dma_wait3A_113 : memref<50048x32xf32, #tpu.memory_space<hbm>>) dst(%dma_wait3A_107 : memref<128x32xf32, #tpu.memory_space<vmem>>)
    %dma_wait3A_114 = arith.constant 0 : i32
    %dma_wait3A_115 = arith.constant 2 : i32
    %dma_wait3A_116 = arith.constant 0 : i32
    %dma_wait3A_117 = arith.constant 2 : i32
    %dma_wait3A_118 = arith.constant 0 : i32
    %dma_wait3A_119 = arith.constant 0 : i32
    %dma_wait3A_120 = tpu.memref_slice %arg8[%dma_wait3A_116, %dma_wait3A_117, %dma_wait3A_118, %dma_wait3A_119] : memref<2x3x128x32xf32, #tpu.memory_space<vmem>> -> memref<1x1x128x32xf32, #tpu.memory_space<vmem>>
    %dma_wait3A_121 = tpu.memref_squeeze %dma_wait3A_120 : memref<1x1x128x32xf32, #tpu.memory_space<vmem>> -> memref<128x32xf32, #tpu.memory_space<vmem>>
    %dma_wait3A_122 = arith.constant 0 : i32
    %dma_wait3A_123 = tpu.memref_slice %arg6[%dma_wait3A_114, %dma_wait3A_115, %dma_wait3A_122] : memref<2x3x128xi32, #tpu.memory_space<vmem>> -> memref<1x1x128xi32, #tpu.memory_space<vmem>>
    %dma_wait3A_124 = tpu.memref_squeeze %dma_wait3A_123 : memref<1x1x128xi32, #tpu.memory_space<vmem>> -> memref<128xi32, #tpu.memory_space<vmem>>
    %dma_wait3A_125 = arith.constant 0 : i32
    %dma_wait3A_126 = arith.constant 0 : i32
    %dma_wait3A_127 = tpu.memref_slice %arg2[%dma_wait3A_125, %dma_wait3A_126] : memref<50048x32xf32, #tpu.memory_space<hbm>> -> memref<50048x32xf32, #tpu.memory_space<hbm>>
    tpu.wait_indirect_dma semaphore(%arg11 : memref<!tpu.dma_semaphore, #tpu.memory_space<semaphore_mem>>) src(%dma_wait3A_127 : memref<50048x32xf32, #tpu.memory_space<hbm>>) dst(%dma_wait3A_121 : memref<128x32xf32, #tpu.memory_space<vmem>>)
    %dma_start3A_128 = arith.constant 0 : i32
    %dma_start3A_129 = arith.constant 0 : i32
    %dma_start3A_130 = arith.constant 0 : i32
    %dma_start3A_131 = arith.constant 0 : i32
    %dma_start3A_132 = arith.constant 0 : i32
    %dma_start3A_133 = arith.constant 0 : i32
    %dma_start3A_134 = tpu.memref_slice %arg8[%dma_start3A_128, %dma_start3A_129, %dma_start3A_132, %dma_start3A_133] : memref<2x3x128x32xf32, #tpu.memory_space<vmem>> -> memref<1x1x128x32xf32, #tpu.memory_space<vmem>>
    %dma_start3A_135 = tpu.memref_squeeze %dma_start3A_134 : memref<1x1x128x32xf32, #tpu.memory_space<vmem>> -> memref<128x32xf32, #tpu.memory_space<vmem>>
    %dma_start3A_136 = arith.constant 0 : i32
    %dma_start3A_137 = tpu.memref_slice %arg7[%dma_start3A_130, %dma_start3A_131, %dma_start3A_136] : memref<2x3x128xi32, #tpu.memory_space<vmem>> -> memref<1x1x128xi32, #tpu.memory_space<vmem>>
    %dma_start3A_138 = tpu.memref_squeeze %dma_start3A_137 : memref<1x1x128xi32, #tpu.memory_space<vmem>> -> memref<128xi32, #tpu.memory_space<vmem>>
    %dma_start3A_139 = arith.constant 0 : i32
    %dma_start3A_140 = arith.constant 0 : i32
    %dma_start3A_141 = tpu.memref_slice %arg9[%dma_start3A_139, %dma_start3A_140] : memref<50048x32xf32, #tpu.memory_space<vmem_shared>> -> memref<50048x32xf32, #tpu.memory_space<vmem_shared>>
    tpu.enqueue_indirect_dma source(%dma_start3A_135 : memref<128x32xf32, #tpu.memory_space<vmem>>) target(%dma_start3A_141 : memref<50048x32xf32, #tpu.memory_space<vmem_shared>>) offsets(%dma_start3A_138 : memref<128xi32, #tpu.memory_space<vmem>>) semaphore(%arg12 : memref<!tpu.dma_semaphore, #tpu.memory_space<semaphore_mem>>) {add = true}
    %dma_start3A_142 = arith.constant 0 : i32
    %dma_start3A_143 = arith.constant 1 : i32
    %dma_start3A_144 = arith.constant 0 : i32
    %dma_start3A_145 = arith.constant 1 : i32
    %dma_start3A_146 = arith.constant 0 : i32
    %dma_start3A_147 = arith.constant 0 : i32
    %dma_start3A_148 = tpu.memref_slice %arg8[%dma_start3A_142, %dma_start3A_143, %dma_start3A_146, %dma_start3A_147] : memref<2x3x128x32xf32, #tpu.memory_space<vmem>> -> memref<1x1x128x32xf32, #tpu.memory_space<vmem>>
    %dma_start3A_149 = tpu.memref_squeeze %dma_start3A_148 : memref<1x1x128x32xf32, #tpu.memory_space<vmem>> -> memref<128x32xf32, #tpu.memory_space<vmem>>
    %dma_start3A_150 = arith.constant 0 : i32
    %dma_start3A_151 = tpu.memref_slice %arg7[%dma_start3A_144, %dma_start3A_145, %dma_start3A_150] : memref<2x3x128xi32, #tpu.memory_space<vmem>> -> memref<1x1x128xi32, #tpu.memory_space<vmem>>
    %dma_start3A_152 = tpu.memref_squeeze %dma_start3A_151 : memref<1x1x128xi32, #tpu.memory_space<vmem>> -> memref<128xi32, #tpu.memory_space<vmem>>
    %dma_start3A_153 = arith.constant 0 : i32
    %dma_start3A_154 = arith.constant 0 : i32
    %dma_start3A_155 = tpu.memref_slice %arg9[%dma_start3A_153, %dma_start3A_154] : memref<50048x32xf32, #tpu.memory_space<vmem_shared>> -> memref<50048x32xf32, #tpu.memory_space<vmem_shared>>
    tpu.enqueue_indirect_dma source(%dma_start3A_149 : memref<128x32xf32, #tpu.memory_space<vmem>>) target(%dma_start3A_155 : memref<50048x32xf32, #tpu.memory_space<vmem_shared>>) offsets(%dma_start3A_152 : memref<128xi32, #tpu.memory_space<vmem>>) semaphore(%arg12 : memref<!tpu.dma_semaphore, #tpu.memory_space<semaphore_mem>>) {add = true}
    %dma_start3A_156 = arith.constant 0 : i32
    %dma_start3A_157 = arith.constant 2 : i32
    %dma_start3A_158 = arith.constant 0 : i32
    %dma_start3A_159 = arith.constant 2 : i32
    %dma_start3A_160 = arith.constant 0 : i32
    %dma_start3A_161 = arith.constant 0 : i32
    %dma_start3A_162 = tpu.memref_slice %arg8[%dma_start3A_156, %dma_start3A_157, %dma_start3A_160, %dma_start3A_161] : memref<2x3x128x32xf32, #tpu.memory_space<vmem>> -> memref<1x1x128x32xf32, #tpu.memory_space<vmem>>
    %dma_start3A_163 = tpu.memref_squeeze %dma_start3A_162 : memref<1x1x128x32xf32, #tpu.memory_space<vmem>> -> memref<128x32xf32, #tpu.memory_space<vmem>>
    %dma_start3A_164 = arith.constant 0 : i32
    %dma_start3A_165 = tpu.memref_slice %arg7[%dma_start3A_158, %dma_start3A_159, %dma_start3A_164] : memref<2x3x128xi32, #tpu.memory_space<vmem>> -> memref<1x1x128xi32, #tpu.memory_space<vmem>>
    %dma_start3A_166 = tpu.memref_squeeze %dma_start3A_165 : memref<1x1x128xi32, #tpu.memory_space<vmem>> -> memref<128xi32, #tpu.memory_space<vmem>>
    %dma_start3A_167 = arith.constant 0 : i32
    %dma_start3A_168 = arith.constant 0 : i32
    %dma_start3A_169 = tpu.memref_slice %arg9[%dma_start3A_167, %dma_start3A_168] : memref<50048x32xf32, #tpu.memory_space<vmem_shared>> -> memref<50048x32xf32, #tpu.memory_space<vmem_shared>>
    tpu.enqueue_indirect_dma source(%dma_start3A_163 : memref<128x32xf32, #tpu.memory_space<vmem>>) target(%dma_start3A_169 : memref<50048x32xf32, #tpu.memory_space<vmem_shared>>) offsets(%dma_start3A_166 : memref<128xi32, #tpu.memory_space<vmem>>) semaphore(%arg12 : memref<!tpu.dma_semaphore, #tpu.memory_space<semaphore_mem>>) {add = true}
    %dma_wait3A_170 = arith.constant 0 : i32
    %dma_wait3A_171 = arith.constant 1 : i32
    %dma_wait3A_172 = arith.constant 0 : i32
    %dma_wait3A_173 = arith.constant 0 : i32
    %dma_wait3A_174 = tpu.memref_slice %arg6[%dma_wait3A_171, %dma_wait3A_172, %dma_wait3A_173] : memref<2x3x128xi32, #tpu.memory_space<vmem>> -> memref<1x3x128xi32, #tpu.memory_space<vmem>>
    %dma_wait3A_175 = tpu.memref_squeeze %dma_wait3A_174 : memref<1x3x128xi32, #tpu.memory_space<vmem>> -> memref<3x128xi32, #tpu.memory_space<vmem>>
    %dma_wait3A_176 = arith.constant 0 : i32
    %dma_wait3A_177 = tpu.memref_slice %arg3[%dma_wait3A_170, %add3A_4, %dma_wait3A_176] : memref<2x6250x128xi32, #tpu.memory_space<hbm>> -> memref<1x3x128xi32, #tpu.memory_space<hbm>>
    %dma_wait3A_178 = tpu.memref_squeeze %dma_wait3A_177 : memref<1x3x128xi32, #tpu.memory_space<hbm>> -> memref<3x128xi32, #tpu.memory_space<hbm>>
    %dma_wait3A_179 = arith.constant 0 : i32
    %dma_wait3A_180 = arith.constant 0 : i32
    %dma_wait3A_181 = tpu.memref_slice %arg6[%dma_wait3A_171, %dma_wait3A_179, %dma_wait3A_180] : memref<2x3x128xi32, #tpu.memory_space<vmem>> -> memref<1x3x128xi32, #tpu.memory_space<vmem>>
    %dma_wait3A_182 = tpu.memref_squeeze %dma_wait3A_181 : memref<1x3x128xi32, #tpu.memory_space<vmem>> -> memref<3x128xi32, #tpu.memory_space<vmem>>
    %dma_wait3A_183 = arith.constant 0 : i32
    %dma_wait3A_184 = tpu.memref_slice %arg3[%dma_wait3A_170, %add3A_4, %dma_wait3A_183] : memref<2x6250x128xi32, #tpu.memory_space<hbm>> -> memref<1x3x128xi32, #tpu.memory_space<hbm>>
    %dma_wait3A_185 = tpu.memref_squeeze %dma_wait3A_184 : memref<1x3x128xi32, #tpu.memory_space<hbm>> -> memref<3x128xi32, #tpu.memory_space<hbm>>
    tpu.wait_dma2 semaphore(%arg10 : memref<!tpu.dma_semaphore, #tpu.memory_space<semaphore_mem>>) src(%dma_wait3A_185 : memref<3x128xi32, #tpu.memory_space<hbm>>) dst(%dma_wait3A_182 : memref<3x128xi32, #tpu.memory_space<vmem>>)
    %dma_wait3A_186 = arith.constant 1 : i32
    %dma_wait3A_187 = arith.constant 1 : i32
    %dma_wait3A_188 = arith.constant 0 : i32
    %dma_wait3A_189 = arith.constant 0 : i32
    %dma_wait3A_190 = tpu.memref_slice %arg7[%dma_wait3A_187, %dma_wait3A_188, %dma_wait3A_189] : memref<2x3x128xi32, #tpu.memory_space<vmem>> -> memref<1x3x128xi32, #tpu.memory_space<vmem>>
    %dma_wait3A_191 = tpu.memref_squeeze %dma_wait3A_190 : memref<1x3x128xi32, #tpu.memory_space<vmem>> -> memref<3x128xi32, #tpu.memory_space<vmem>>
    %dma_wait3A_192 = arith.constant 0 : i32
    %dma_wait3A_193 = tpu.memref_slice %arg3[%dma_wait3A_186, %add3A_4, %dma_wait3A_192] : memref<2x6250x128xi32, #tpu.memory_space<hbm>> -> memref<1x3x128xi32, #tpu.memory_space<hbm>>
    %dma_wait3A_194 = tpu.memref_squeeze %dma_wait3A_193 : memref<1x3x128xi32, #tpu.memory_space<hbm>> -> memref<3x128xi32, #tpu.memory_space<hbm>>
    %dma_wait3A_195 = arith.constant 0 : i32
    %dma_wait3A_196 = arith.constant 0 : i32
    %dma_wait3A_197 = tpu.memref_slice %arg7[%dma_wait3A_187, %dma_wait3A_195, %dma_wait3A_196] : memref<2x3x128xi32, #tpu.memory_space<vmem>> -> memref<1x3x128xi32, #tpu.memory_space<vmem>>
    %dma_wait3A_198 = tpu.memref_squeeze %dma_wait3A_197 : memref<1x3x128xi32, #tpu.memory_space<vmem>> -> memref<3x128xi32, #tpu.memory_space<vmem>>
    %dma_wait3A_199 = arith.constant 0 : i32
    %dma_wait3A_200 = tpu.memref_slice %arg3[%dma_wait3A_186, %add3A_4, %dma_wait3A_199] : memref<2x6250x128xi32, #tpu.memory_space<hbm>> -> memref<1x3x128xi32, #tpu.memory_space<hbm>>
    %dma_wait3A_201 = tpu.memref_squeeze %dma_wait3A_200 : memref<1x3x128xi32, #tpu.memory_space<hbm>> -> memref<3x128xi32, #tpu.memory_space<hbm>>
    tpu.wait_dma2 semaphore(%arg10 : memref<!tpu.dma_semaphore, #tpu.memory_space<semaphore_mem>>) src(%dma_wait3A_201 : memref<3x128xi32, #tpu.memory_space<hbm>>) dst(%dma_wait3A_198 : memref<3x128xi32, #tpu.memory_space<vmem>>)
    %dma_start3A_202 = arith.constant 1 : i32
    %dma_start3A_203 = arith.constant 0 : i32
    %dma_start3A_204 = arith.constant 1 : i32
    %dma_start3A_205 = arith.constant 0 : i32
    %dma_start3A_206 = arith.constant 0 : i32
    %dma_start3A_207 = arith.constant 0 : i32
    %dma_start3A_208 = tpu.memref_slice %arg8[%dma_start3A_204, %dma_start3A_205, %dma_start3A_206, %dma_start3A_207] : memref<2x3x128x32xf32, #tpu.memory_space<vmem>> -> memref<1x1x128x32xf32, #tpu.memory_space<vmem>>
    %dma_start3A_209 = tpu.memref_squeeze %dma_start3A_208 : memref<1x1x128x32xf32, #tpu.memory_space<vmem>> -> memref<128x32xf32, #tpu.memory_space<vmem>>
    %dma_start3A_210 = arith.constant 0 : i32
    %dma_start3A_211 = tpu.memref_slice %arg6[%dma_start3A_202, %dma_start3A_203, %dma_start3A_210] : memref<2x3x128xi32, #tpu.memory_space<vmem>> -> memref<1x1x128xi32, #tpu.memory_space<vmem>>
    %dma_start3A_212 = tpu.memref_squeeze %dma_start3A_211 : memref<1x1x128xi32, #tpu.memory_space<vmem>> -> memref<128xi32, #tpu.memory_space<vmem>>
    %dma_start3A_213 = arith.constant 0 : i32
    %dma_start3A_214 = arith.constant 0 : i32
    %dma_start3A_215 = tpu.memref_slice %arg2[%dma_start3A_213, %dma_start3A_214] : memref<50048x32xf32, #tpu.memory_space<hbm>> -> memref<50048x32xf32, #tpu.memory_space<hbm>>
    tpu.enqueue_indirect_dma source(%dma_start3A_215 : memref<50048x32xf32, #tpu.memory_space<hbm>>) target(%dma_start3A_209 : memref<128x32xf32, #tpu.memory_space<vmem>>) offsets(%dma_start3A_212 : memref<128xi32, #tpu.memory_space<vmem>>) semaphore(%arg11 : memref<!tpu.dma_semaphore, #tpu.memory_space<semaphore_mem>>)
    %dma_start3A_216 = arith.constant 1 : i32
    %dma_start3A_217 = arith.constant 1 : i32
    %dma_start3A_218 = arith.constant 1 : i32
    %dma_start3A_219 = arith.constant 1 : i32
    %dma_start3A_220 = arith.constant 0 : i32
    %dma_start3A_221 = arith.constant 0 : i32
    %dma_start3A_222 = tpu.memref_slice %arg8[%dma_start3A_218, %dma_start3A_219, %dma_start3A_220, %dma_start3A_221] : memref<2x3x128x32xf32, #tpu.memory_space<vmem>> -> memref<1x1x128x32xf32, #tpu.memory_space<vmem>>
    %dma_start3A_223 = tpu.memref_squeeze %dma_start3A_222 : memref<1x1x128x32xf32, #tpu.memory_space<vmem>> -> memref<128x32xf32, #tpu.memory_space<vmem>>
    %dma_start3A_224 = arith.constant 0 : i32
    %dma_start3A_225 = tpu.memref_slice %arg6[%dma_start3A_216, %dma_start3A_217, %dma_start3A_224] : memref<2x3x128xi32, #tpu.memory_space<vmem>> -> memref<1x1x128xi32, #tpu.memory_space<vmem>>
    %dma_start3A_226 = tpu.memref_squeeze %dma_start3A_225 : memref<1x1x128xi32, #tpu.memory_space<vmem>> -> memref<128xi32, #tpu.memory_space<vmem>>
    %dma_start3A_227 = arith.constant 0 : i32
    %dma_start3A_228 = arith.constant 0 : i32
    %dma_start3A_229 = tpu.memref_slice %arg2[%dma_start3A_227, %dma_start3A_228] : memref<50048x32xf32, #tpu.memory_space<hbm>> -> memref<50048x32xf32, #tpu.memory_space<hbm>>
    tpu.enqueue_indirect_dma source(%dma_start3A_229 : memref<50048x32xf32, #tpu.memory_space<hbm>>) target(%dma_start3A_223 : memref<128x32xf32, #tpu.memory_space<vmem>>) offsets(%dma_start3A_226 : memref<128xi32, #tpu.memory_space<vmem>>) semaphore(%arg11 : memref<!tpu.dma_semaphore, #tpu.memory_space<semaphore_mem>>)
    %dma_start3A_230 = arith.constant 1 : i32
    %dma_start3A_231 = arith.constant 2 : i32
    %dma_start3A_232 = arith.constant 1 : i32
    %dma_start3A_233 = arith.constant 2 : i32
    %dma_start3A_234 = arith.constant 0 : i32
    %dma_start3A_235 = arith.constant 0 : i32
    %dma_start3A_236 = tpu.memref_slice %arg8[%dma_start3A_232, %dma_start3A_233, %dma_start3A_234, %dma_start3A_235] : memref<2x3x128x32xf32, #tpu.memory_space<vmem>> -> memref<1x1x128x32xf32, #tpu.memory_space<vmem>>
    %dma_start3A_237 = tpu.memref_squeeze %dma_start3A_236 : memref<1x1x128x32xf32, #tpu.memory_space<vmem>> -> memref<128x32xf32, #tpu.memory_space<vmem>>
    %dma_start3A_238 = arith.constant 0 : i32
    %dma_start3A_239 = tpu.memref_slice %arg6[%dma_start3A_230, %dma_start3A_231, %dma_start3A_238] : memref<2x3x128xi32, #tpu.memory_space<vmem>> -> memref<1x1x128xi32, #tpu.memory_space<vmem>>
    %dma_start3A_240 = tpu.memref_squeeze %dma_start3A_239 : memref<1x1x128xi32, #tpu.memory_space<vmem>> -> memref<128xi32, #tpu.memory_space<vmem>>
    %dma_start3A_241 = arith.constant 0 : i32
    %dma_start3A_242 = arith.constant 0 : i32
    %dma_start3A_243 = tpu.memref_slice %arg2[%dma_start3A_241, %dma_start3A_242] : memref<50048x32xf32, #tpu.memory_space<hbm>> -> memref<50048x32xf32, #tpu.memory_space<hbm>>
    tpu.enqueue_indirect_dma source(%dma_start3A_243 : memref<50048x32xf32, #tpu.memory_space<hbm>>) target(%dma_start3A_237 : memref<128x32xf32, #tpu.memory_space<vmem>>) offsets(%dma_start3A_240 : memref<128xi32, #tpu.memory_space<vmem>>) semaphore(%arg11 : memref<!tpu.dma_semaphore, #tpu.memory_space<semaphore_mem>>)
    %scan3A = arith.constant 0 : i32
    %scan3A_244 = arith.constant 0 : i32
    %scan3A_245 = arith.constant 31 : i32
    %scan3A_246 = arith.addi %scan3A_244, %scan3A_245 : i32
    %scan3A_247 = arith.constant 1 : i32
    scf.for %scan3A_658 = %scan3A_244 to %scan3A_246 step %scan3A_247  : i32 {
      %mul3A_659 = arith.constant 2 : i32
      %mul3A_660 = arith.muli %mul3A_659, %scan3A_658 : i32
      %add3A_661 = arith.constant 1 : i32
      %add3A_662 = arith.addi %mul3A_660, %add3A_661 : i32
      %dma_wait3A_663 = arith.constant 0 : i32
      %dma_wait3A_664 = arith.constant 0 : i32
      %dma_wait3A_665 = arith.constant 0 : i32
      %dma_wait3A_666 = arith.constant 0 : i32
      %dma_wait3A_667 = arith.constant 0 : i32
      %dma_wait3A_668 = arith.constant 0 : i32
      %dma_wait3A_669 = tpu.memref_slice %arg8[%dma_wait3A_663, %dma_wait3A_664, %dma_wait3A_667, %dma_wait3A_668] : memref<2x3x128x32xf32, #tpu.memory_space<vmem>> -> memref<1x1x128x32xf32, #tpu.memory_space<vmem>>
      %dma_wait3A_670 = tpu.memref_squeeze %dma_wait3A_669 : memref<1x1x128x32xf32, #tpu.memory_space<vmem>> -> memref<128x32xf32, #tpu.memory_space<vmem>>
      %dma_wait3A_671 = arith.constant 0 : i32
      %dma_wait3A_672 = tpu.memref_slice %arg7[%dma_wait3A_665, %dma_wait3A_666, %dma_wait3A_671] : memref<2x3x128xi32, #tpu.memory_space<vmem>> -> memref<1x1x128xi32, #tpu.memory_space<vmem>>
      %dma_wait3A_673 = tpu.memref_squeeze %dma_wait3A_672 : memref<1x1x128xi32, #tpu.memory_space<vmem>> -> memref<128xi32, #tpu.memory_space<vmem>>
      %dma_wait3A_674 = arith.constant 0 : i32
      %dma_wait3A_675 = arith.constant 0 : i32
      %dma_wait3A_676 = tpu.memref_slice %arg9[%dma_wait3A_674, %dma_wait3A_675] : memref<50048x32xf32, #tpu.memory_space<vmem_shared>> -> memref<50048x32xf32, #tpu.memory_space<vmem_shared>>
      tpu.wait_indirect_dma semaphore(%arg12 : memref<!tpu.dma_semaphore, #tpu.memory_space<semaphore_mem>>) src(%dma_wait3A_670 : memref<128x32xf32, #tpu.memory_space<vmem>>) dst(%dma_wait3A_676 : memref<50048x32xf32, #tpu.memory_space<vmem_shared>>)
      %dma_wait3A_677 = arith.constant 0 : i32
      %dma_wait3A_678 = arith.constant 1 : i32
      %dma_wait3A_679 = arith.constant 0 : i32
      %dma_wait3A_680 = arith.constant 1 : i32
      %dma_wait3A_681 = arith.constant 0 : i32
      %dma_wait3A_682 = arith.constant 0 : i32
      %dma_wait3A_683 = tpu.memref_slice %arg8[%dma_wait3A_677, %dma_wait3A_678, %dma_wait3A_681, %dma_wait3A_682] : memref<2x3x128x32xf32, #tpu.memory_space<vmem>> -> memref<1x1x128x32xf32, #tpu.memory_space<vmem>>
      %dma_wait3A_684 = tpu.memref_squeeze %dma_wait3A_683 : memref<1x1x128x32xf32, #tpu.memory_space<vmem>> -> memref<128x32xf32, #tpu.memory_space<vmem>>
      %dma_wait3A_685 = arith.constant 0 : i32
      %dma_wait3A_686 = tpu.memref_slice %arg7[%dma_wait3A_679, %dma_wait3A_680, %dma_wait3A_685] : memref<2x3x128xi32, #tpu.memory_space<vmem>> -> memref<1x1x128xi32, #tpu.memory_space<vmem>>
      %dma_wait3A_687 = tpu.memref_squeeze %dma_wait3A_686 : memref<1x1x128xi32, #tpu.memory_space<vmem>> -> memref<128xi32, #tpu.memory_space<vmem>>
      %dma_wait3A_688 = arith.constant 0 : i32
      %dma_wait3A_689 = arith.constant 0 : i32
      %dma_wait3A_690 = tpu.memref_slice %arg9[%dma_wait3A_688, %dma_wait3A_689] : memref<50048x32xf32, #tpu.memory_space<vmem_shared>> -> memref<50048x32xf32, #tpu.memory_space<vmem_shared>>
      tpu.wait_indirect_dma semaphore(%arg12 : memref<!tpu.dma_semaphore, #tpu.memory_space<semaphore_mem>>) src(%dma_wait3A_684 : memref<128x32xf32, #tpu.memory_space<vmem>>) dst(%dma_wait3A_690 : memref<50048x32xf32, #tpu.memory_space<vmem_shared>>)
      %dma_wait3A_691 = arith.constant 0 : i32
      %dma_wait3A_692 = arith.constant 2 : i32
      %dma_wait3A_693 = arith.constant 0 : i32
      %dma_wait3A_694 = arith.constant 2 : i32
      %dma_wait3A_695 = arith.constant 0 : i32
      %dma_wait3A_696 = arith.constant 0 : i32
      %dma_wait3A_697 = tpu.memref_slice %arg8[%dma_wait3A_691, %dma_wait3A_692, %dma_wait3A_695, %dma_wait3A_696] : memref<2x3x128x32xf32, #tpu.memory_space<vmem>> -> memref<1x1x128x32xf32, #tpu.memory_space<vmem>>
      %dma_wait3A_698 = tpu.memref_squeeze %dma_wait3A_697 : memref<1x1x128x32xf32, #tpu.memory_space<vmem>> -> memref<128x32xf32, #tpu.memory_space<vmem>>
      %dma_wait3A_699 = arith.constant 0 : i32
      %dma_wait3A_700 = tpu.memref_slice %arg7[%dma_wait3A_693, %dma_wait3A_694, %dma_wait3A_699] : memref<2x3x128xi32, #tpu.memory_space<vmem>> -> memref<1x1x128xi32, #tpu.memory_space<vmem>>
      %dma_wait3A_701 = tpu.memref_squeeze %dma_wait3A_700 : memref<1x1x128xi32, #tpu.memory_space<vmem>> -> memref<128xi32, #tpu.memory_space<vmem>>
      %dma_wait3A_702 = arith.constant 0 : i32
      %dma_wait3A_703 = arith.constant 0 : i32
      %dma_wait3A_704 = tpu.memref_slice %arg9[%dma_wait3A_702, %dma_wait3A_703] : memref<50048x32xf32, #tpu.memory_space<vmem_shared>> -> memref<50048x32xf32, #tpu.memory_space<vmem_shared>>
      tpu.wait_indirect_dma semaphore(%arg12 : memref<!tpu.dma_semaphore, #tpu.memory_space<semaphore_mem>>) src(%dma_wait3A_698 : memref<128x32xf32, #tpu.memory_space<vmem>>) dst(%dma_wait3A_704 : memref<50048x32xf32, #tpu.memory_space<vmem_shared>>)
      %add3A_705 = arith.constant 1 : i32
      %add3A_706 = arith.addi %add3A_662, %add3A_705 : i32
      %mul3A_707 = arith.constant 3 : i32
      %mul3A_708 = arith.muli %add3A_706, %mul3A_707 : i32
      %add3A_709 = arith.addi %add3A_4, %mul3A_708 : i32
      %dma_start3A_710 = arith.constant 0 : i32
      %dma_start3A_711 = arith.constant 0 : i32
      %dma_start3A_712 = arith.constant 0 : i32
      %dma_start3A_713 = arith.constant 0 : i32
      %dma_start3A_714 = tpu.memref_slice %arg6[%dma_start3A_711, %dma_start3A_712, %dma_start3A_713] : memref<2x3x128xi32, #tpu.memory_space<vmem>> -> memref<1x3x128xi32, #tpu.memory_space<vmem>>
      %dma_start3A_715 = tpu.memref_squeeze %dma_start3A_714 : memref<1x3x128xi32, #tpu.memory_space<vmem>> -> memref<3x128xi32, #tpu.memory_space<vmem>>
      %dma_start3A_716 = arith.constant 0 : i32
      %dma_start3A_717 = tpu.memref_slice %arg3[%dma_start3A_710, %add3A_709, %dma_start3A_716] : memref<2x6250x128xi32, #tpu.memory_space<hbm>> -> memref<1x3x128xi32, #tpu.memory_space<hbm>>
      %dma_start3A_718 = tpu.memref_squeeze %dma_start3A_717 : memref<1x3x128xi32, #tpu.memory_space<hbm>> -> memref<3x128xi32, #tpu.memory_space<hbm>>
      %dma_start3A_719 = arith.constant 0 : i32
      %dma_start3A_720 = arith.constant 0 : i32
      %dma_start3A_721 = tpu.memref_slice %arg6[%dma_start3A_711, %dma_start3A_719, %dma_start3A_720] : memref<2x3x128xi32, #tpu.memory_space<vmem>> -> memref<1x3x128xi32, #tpu.memory_space<vmem>>
      %dma_start3A_722 = tpu.memref_squeeze %dma_start3A_721 : memref<1x3x128xi32, #tpu.memory_space<vmem>> -> memref<3x128xi32, #tpu.memory_space<vmem>>
      %dma_start3A_723 = arith.constant 0 : i32
      %dma_start3A_724 = tpu.memref_slice %arg3[%dma_start3A_710, %add3A_709, %dma_start3A_723] : memref<2x6250x128xi32, #tpu.memory_space<hbm>> -> memref<1x3x128xi32, #tpu.memory_space<hbm>>
      %dma_start3A_725 = tpu.memref_squeeze %dma_start3A_724 : memref<1x3x128xi32, #tpu.memory_space<hbm>> -> memref<3x128xi32, #tpu.memory_space<hbm>>
      tpu.enqueue_dma source(%dma_start3A_725 : memref<3x128xi32, #tpu.memory_space<hbm>>) target(%dma_start3A_722 : memref<3x128xi32, #tpu.memory_space<vmem>>) target_semaphore(%arg10 : memref<!tpu.dma_semaphore, #tpu.memory_space<semaphore_mem>>)
      %dma_start3A_726 = arith.constant 1 : i32
      %dma_start3A_727 = arith.constant 0 : i32
      %dma_start3A_728 = arith.constant 0 : i32
      %dma_start3A_729 = arith.constant 0 : i32
      %dma_start3A_730 = tpu.memref_slice %arg7[%dma_start3A_727, %dma_start3A_728, %dma_start3A_729] : memref<2x3x128xi32, #tpu.memory_space<vmem>> -> memref<1x3x128xi32, #tpu.memory_space<vmem>>
      %dma_start3A_731 = tpu.memref_squeeze %dma_start3A_730 : memref<1x3x128xi32, #tpu.memory_space<vmem>> -> memref<3x128xi32, #tpu.memory_space<vmem>>
      %dma_start3A_732 = arith.constant 0 : i32
      %dma_start3A_733 = tpu.memref_slice %arg3[%dma_start3A_726, %add3A_709, %dma_start3A_732] : memref<2x6250x128xi32, #tpu.memory_space<hbm>> -> memref<1x3x128xi32, #tpu.memory_space<hbm>>
      %dma_start3A_734 = tpu.memref_squeeze %dma_start3A_733 : memref<1x3x128xi32, #tpu.memory_space<hbm>> -> memref<3x128xi32, #tpu.memory_space<hbm>>
      %dma_start3A_735 = arith.constant 0 : i32
      %dma_start3A_736 = arith.constant 0 : i32
      %dma_start3A_737 = tpu.memref_slice %arg7[%dma_start3A_727, %dma_start3A_735, %dma_start3A_736] : memref<2x3x128xi32, #tpu.memory_space<vmem>> -> memref<1x3x128xi32, #tpu.memory_space<vmem>>
      %dma_start3A_738 = tpu.memref_squeeze %dma_start3A_737 : memref<1x3x128xi32, #tpu.memory_space<vmem>> -> memref<3x128xi32, #tpu.memory_space<vmem>>
      %dma_start3A_739 = arith.constant 0 : i32
      %dma_start3A_740 = tpu.memref_slice %arg3[%dma_start3A_726, %add3A_709, %dma_start3A_739] : memref<2x6250x128xi32, #tpu.memory_space<hbm>> -> memref<1x3x128xi32, #tpu.memory_space<hbm>>
      %dma_start3A_741 = tpu.memref_squeeze %dma_start3A_740 : memref<1x3x128xi32, #tpu.memory_space<hbm>> -> memref<3x128xi32, #tpu.memory_space<hbm>>
      tpu.enqueue_dma source(%dma_start3A_741 : memref<3x128xi32, #tpu.memory_space<hbm>>) target(%dma_start3A_738 : memref<3x128xi32, #tpu.memory_space<vmem>>) target_semaphore(%arg10 : memref<!tpu.dma_semaphore, #tpu.memory_space<semaphore_mem>>)
      %dma_wait3A_742 = arith.constant 1 : i32
      %dma_wait3A_743 = arith.constant 0 : i32
      %dma_wait3A_744 = arith.constant 1 : i32
      %dma_wait3A_745 = arith.constant 0 : i32
      %dma_wait3A_746 = arith.constant 0 : i32
      %dma_wait3A_747 = arith.constant 0 : i32
      %dma_wait3A_748 = tpu.memref_slice %arg8[%dma_wait3A_744, %dma_wait3A_745, %dma_wait3A_746, %dma_wait3A_747] : memref<2x3x128x32xf32, #tpu.memory_space<vmem>> -> memref<1x1x128x32xf32, #tpu.memory_space<vmem>>
      %dma_wait3A_749 = tpu.memref_squeeze %dma_wait3A_748 : memref<1x1x128x32xf32, #tpu.memory_space<vmem>> -> memref<128x32xf32, #tpu.memory_space<vmem>>
      %dma_wait3A_750 = arith.constant 0 : i32
      %dma_wait3A_751 = tpu.memref_slice %arg6[%dma_wait3A_742, %dma_wait3A_743, %dma_wait3A_750] : memref<2x3x128xi32, #tpu.memory_space<vmem>> -> memref<1x1x128xi32, #tpu.memory_space<vmem>>
      %dma_wait3A_752 = tpu.memref_squeeze %dma_wait3A_751 : memref<1x1x128xi32, #tpu.memory_space<vmem>> -> memref<128xi32, #tpu.memory_space<vmem>>
      %dma_wait3A_753 = arith.constant 0 : i32
      %dma_wait3A_754 = arith.constant 0 : i32
      %dma_wait3A_755 = tpu.memref_slice %arg2[%dma_wait3A_753, %dma_wait3A_754] : memref<50048x32xf32, #tpu.memory_space<hbm>> -> memref<50048x32xf32, #tpu.memory_space<hbm>>
      tpu.wait_indirect_dma semaphore(%arg11 : memref<!tpu.dma_semaphore, #tpu.memory_space<semaphore_mem>>) src(%dma_wait3A_755 : memref<50048x32xf32, #tpu.memory_space<hbm>>) dst(%dma_wait3A_749 : memref<128x32xf32, #tpu.memory_space<vmem>>)
      %dma_wait3A_756 = arith.constant 1 : i32
      %dma_wait3A_757 = arith.constant 1 : i32
      %dma_wait3A_758 = arith.constant 1 : i32
      %dma_wait3A_759 = arith.constant 1 : i32
      %dma_wait3A_760 = arith.constant 0 : i32
      %dma_wait3A_761 = arith.constant 0 : i32
      %dma_wait3A_762 = tpu.memref_slice %arg8[%dma_wait3A_758, %dma_wait3A_759, %dma_wait3A_760, %dma_wait3A_761] : memref<2x3x128x32xf32, #tpu.memory_space<vmem>> -> memref<1x1x128x32xf32, #tpu.memory_space<vmem>>
      %dma_wait3A_763 = tpu.memref_squeeze %dma_wait3A_762 : memref<1x1x128x32xf32, #tpu.memory_space<vmem>> -> memref<128x32xf32, #tpu.memory_space<vmem>>
      %dma_wait3A_764 = arith.constant 0 : i32
      %dma_wait3A_765 = tpu.memref_slice %arg6[%dma_wait3A_756, %dma_wait3A_757, %dma_wait3A_764] : memref<2x3x128xi32, #tpu.memory_space<vmem>> -> memref<1x1x128xi32, #tpu.memory_space<vmem>>
      %dma_wait3A_766 = tpu.memref_squeeze %dma_wait3A_765 : memref<1x1x128xi32, #tpu.memory_space<vmem>> -> memref<128xi32, #tpu.memory_space<vmem>>
      %dma_wait3A_767 = arith.constant 0 : i32
      %dma_wait3A_768 = arith.constant 0 : i32
      %dma_wait3A_769 = tpu.memref_slice %arg2[%dma_wait3A_767, %dma_wait3A_768] : memref<50048x32xf32, #tpu.memory_space<hbm>> -> memref<50048x32xf32, #tpu.memory_space<hbm>>
      tpu.wait_indirect_dma semaphore(%arg11 : memref<!tpu.dma_semaphore, #tpu.memory_space<semaphore_mem>>) src(%dma_wait3A_769 : memref<50048x32xf32, #tpu.memory_space<hbm>>) dst(%dma_wait3A_763 : memref<128x32xf32, #tpu.memory_space<vmem>>)
      %dma_wait3A_770 = arith.constant 1 : i32
      %dma_wait3A_771 = arith.constant 2 : i32
      %dma_wait3A_772 = arith.constant 1 : i32
      %dma_wait3A_773 = arith.constant 2 : i32
      %dma_wait3A_774 = arith.constant 0 : i32
      %dma_wait3A_775 = arith.constant 0 : i32
      %dma_wait3A_776 = tpu.memref_slice %arg8[%dma_wait3A_772, %dma_wait3A_773, %dma_wait3A_774, %dma_wait3A_775] : memref<2x3x128x32xf32, #tpu.memory_space<vmem>> -> memref<1x1x128x32xf32, #tpu.memory_space<vmem>>
      %dma_wait3A_777 = tpu.memref_squeeze %dma_wait3A_776 : memref<1x1x128x32xf32, #tpu.memory_space<vmem>> -> memref<128x32xf32, #tpu.memory_space<vmem>>
      %dma_wait3A_778 = arith.constant 0 : i32
      %dma_wait3A_779 = tpu.memref_slice %arg6[%dma_wait3A_770, %dma_wait3A_771, %dma_wait3A_778] : memref<2x3x128xi32, #tpu.memory_space<vmem>> -> memref<1x1x128xi32, #tpu.memory_space<vmem>>
      %dma_wait3A_780 = tpu.memref_squeeze %dma_wait3A_779 : memref<1x1x128xi32, #tpu.memory_space<vmem>> -> memref<128xi32, #tpu.memory_space<vmem>>
      %dma_wait3A_781 = arith.constant 0 : i32
      %dma_wait3A_782 = arith.constant 0 : i32
      %dma_wait3A_783 = tpu.memref_slice %arg2[%dma_wait3A_781, %dma_wait3A_782] : memref<50048x32xf32, #tpu.memory_space<hbm>> -> memref<50048x32xf32, #tpu.memory_space<hbm>>
      tpu.wait_indirect_dma semaphore(%arg11 : memref<!tpu.dma_semaphore, #tpu.memory_space<semaphore_mem>>) src(%dma_wait3A_783 : memref<50048x32xf32, #tpu.memory_space<hbm>>) dst(%dma_wait3A_777 : memref<128x32xf32, #tpu.memory_space<vmem>>)
      %dma_start3A_784 = arith.constant 1 : i32
      %dma_start3A_785 = arith.constant 0 : i32
      %dma_start3A_786 = arith.constant 1 : i32
      %dma_start3A_787 = arith.constant 0 : i32
      %dma_start3A_788 = arith.constant 0 : i32
      %dma_start3A_789 = arith.constant 0 : i32
      %dma_start3A_790 = tpu.memref_slice %arg8[%dma_start3A_784, %dma_start3A_785, %dma_start3A_788, %dma_start3A_789] : memref<2x3x128x32xf32, #tpu.memory_space<vmem>> -> memref<1x1x128x32xf32, #tpu.memory_space<vmem>>
      %dma_start3A_791 = tpu.memref_squeeze %dma_start3A_790 : memref<1x1x128x32xf32, #tpu.memory_space<vmem>> -> memref<128x32xf32, #tpu.memory_space<vmem>>
      %dma_start3A_792 = arith.constant 0 : i32
      %dma_start3A_793 = tpu.memref_slice %arg7[%dma_start3A_786, %dma_start3A_787, %dma_start3A_792] : memref<2x3x128xi32, #tpu.memory_space<vmem>> -> memref<1x1x128xi32, #tpu.memory_space<vmem>>
      %dma_start3A_794 = tpu.memref_squeeze %dma_start3A_793 : memref<1x1x128xi32, #tpu.memory_space<vmem>> -> memref<128xi32, #tpu.memory_space<vmem>>
      %dma_start3A_795 = arith.constant 0 : i32
      %dma_start3A_796 = arith.constant 0 : i32
      %dma_start3A_797 = tpu.memref_slice %arg9[%dma_start3A_795, %dma_start3A_796] : memref<50048x32xf32, #tpu.memory_space<vmem_shared>> -> memref<50048x32xf32, #tpu.memory_space<vmem_shared>>
      tpu.enqueue_indirect_dma source(%dma_start3A_791 : memref<128x32xf32, #tpu.memory_space<vmem>>) target(%dma_start3A_797 : memref<50048x32xf32, #tpu.memory_space<vmem_shared>>) offsets(%dma_start3A_794 : memref<128xi32, #tpu.memory_space<vmem>>) semaphore(%arg12 : memref<!tpu.dma_semaphore, #tpu.memory_space<semaphore_mem>>) {add = true}
      %dma_start3A_798 = arith.constant 1 : i32
      %dma_start3A_799 = arith.constant 1 : i32
      %dma_start3A_800 = arith.constant 1 : i32
      %dma_start3A_801 = arith.constant 1 : i32
      %dma_start3A_802 = arith.constant 0 : i32
      %dma_start3A_803 = arith.constant 0 : i32
      %dma_start3A_804 = tpu.memref_slice %arg8[%dma_start3A_798, %dma_start3A_799, %dma_start3A_802, %dma_start3A_803] : memref<2x3x128x32xf32, #tpu.memory_space<vmem>> -> memref<1x1x128x32xf32, #tpu.memory_space<vmem>>
      %dma_start3A_805 = tpu.memref_squeeze %dma_start3A_804 : memref<1x1x128x32xf32, #tpu.memory_space<vmem>> -> memref<128x32xf32, #tpu.memory_space<vmem>>
      %dma_start3A_806 = arith.constant 0 : i32
      %dma_start3A_807 = tpu.memref_slice %arg7[%dma_start3A_800, %dma_start3A_801, %dma_start3A_806] : memref<2x3x128xi32, #tpu.memory_space<vmem>> -> memref<1x1x128xi32, #tpu.memory_space<vmem>>
      %dma_start3A_808 = tpu.memref_squeeze %dma_start3A_807 : memref<1x1x128xi32, #tpu.memory_space<vmem>> -> memref<128xi32, #tpu.memory_space<vmem>>
      %dma_start3A_809 = arith.constant 0 : i32
      %dma_start3A_810 = arith.constant 0 : i32
      %dma_start3A_811 = tpu.memref_slice %arg9[%dma_start3A_809, %dma_start3A_810] : memref<50048x32xf32, #tpu.memory_space<vmem_shared>> -> memref<50048x32xf32, #tpu.memory_space<vmem_shared>>
      tpu.enqueue_indirect_dma source(%dma_start3A_805 : memref<128x32xf32, #tpu.memory_space<vmem>>) target(%dma_start3A_811 : memref<50048x32xf32, #tpu.memory_space<vmem_shared>>) offsets(%dma_start3A_808 : memref<128xi32, #tpu.memory_space<vmem>>) semaphore(%arg12 : memref<!tpu.dma_semaphore, #tpu.memory_space<semaphore_mem>>) {add = true}
      %dma_start3A_812 = arith.constant 1 : i32
      %dma_start3A_813 = arith.constant 2 : i32
      %dma_start3A_814 = arith.constant 1 : i32
      %dma_start3A_815 = arith.constant 2 : i32
      %dma_start3A_816 = arith.constant 0 : i32
      %dma_start3A_817 = arith.constant 0 : i32
      %dma_start3A_818 = tpu.memref_slice %arg8[%dma_start3A_812, %dma_start3A_813, %dma_start3A_816, %dma_start3A_817] : memref<2x3x128x32xf32, #tpu.memory_space<vmem>> -> memref<1x1x128x32xf32, #tpu.memory_space<vmem>>
      %dma_start3A_819 = tpu.memref_squeeze %dma_start3A_818 : memref<1x1x128x32xf32, #tpu.memory_space<vmem>> -> memref<128x32xf32, #tpu.memory_space<vmem>>
      %dma_start3A_820 = arith.constant 0 : i32
      %dma_start3A_821 = tpu.memref_slice %arg7[%dma_start3A_814, %dma_start3A_815, %dma_start3A_820] : memref<2x3x128xi32, #tpu.memory_space<vmem>> -> memref<1x1x128xi32, #tpu.memory_space<vmem>>
      %dma_start3A_822 = tpu.memref_squeeze %dma_start3A_821 : memref<1x1x128xi32, #tpu.memory_space<vmem>> -> memref<128xi32, #tpu.memory_space<vmem>>
      %dma_start3A_823 = arith.constant 0 : i32
      %dma_start3A_824 = arith.constant 0 : i32
      %dma_start3A_825 = tpu.memref_slice %arg9[%dma_start3A_823, %dma_start3A_824] : memref<50048x32xf32, #tpu.memory_space<vmem_shared>> -> memref<50048x32xf32, #tpu.memory_space<vmem_shared>>
      tpu.enqueue_indirect_dma source(%dma_start3A_819 : memref<128x32xf32, #tpu.memory_space<vmem>>) target(%dma_start3A_825 : memref<50048x32xf32, #tpu.memory_space<vmem_shared>>) offsets(%dma_start3A_822 : memref<128xi32, #tpu.memory_space<vmem>>) semaphore(%arg12 : memref<!tpu.dma_semaphore, #tpu.memory_space<semaphore_mem>>) {add = true}
      %dma_wait3A_826 = arith.constant 0 : i32
      %dma_wait3A_827 = arith.constant 0 : i32
      %dma_wait3A_828 = arith.constant 0 : i32
      %dma_wait3A_829 = arith.constant 0 : i32
      %dma_wait3A_830 = tpu.memref_slice %arg6[%dma_wait3A_827, %dma_wait3A_828, %dma_wait3A_829] : memref<2x3x128xi32, #tpu.memory_space<vmem>> -> memref<1x3x128xi32, #tpu.memory_space<vmem>>
      %dma_wait3A_831 = tpu.memref_squeeze %dma_wait3A_830 : memref<1x3x128xi32, #tpu.memory_space<vmem>> -> memref<3x128xi32, #tpu.memory_space<vmem>>
      %dma_wait3A_832 = arith.constant 0 : i32
      %dma_wait3A_833 = tpu.memref_slice %arg3[%dma_wait3A_826, %add3A_4, %dma_wait3A_832] : memref<2x6250x128xi32, #tpu.memory_space<hbm>> -> memref<1x3x128xi32, #tpu.memory_space<hbm>>
      %dma_wait3A_834 = tpu.memref_squeeze %dma_wait3A_833 : memref<1x3x128xi32, #tpu.memory_space<hbm>> -> memref<3x128xi32, #tpu.memory_space<hbm>>
      %dma_wait3A_835 = arith.constant 0 : i32
      %dma_wait3A_836 = arith.constant 0 : i32
      %dma_wait3A_837 = tpu.memref_slice %arg6[%dma_wait3A_827, %dma_wait3A_835, %dma_wait3A_836] : memref<2x3x128xi32, #tpu.memory_space<vmem>> -> memref<1x3x128xi32, #tpu.memory_space<vmem>>
      %dma_wait3A_838 = tpu.memref_squeeze %dma_wait3A_837 : memref<1x3x128xi32, #tpu.memory_space<vmem>> -> memref<3x128xi32, #tpu.memory_space<vmem>>
      %dma_wait3A_839 = arith.constant 0 : i32
      %dma_wait3A_840 = tpu.memref_slice %arg3[%dma_wait3A_826, %add3A_4, %dma_wait3A_839] : memref<2x6250x128xi32, #tpu.memory_space<hbm>> -> memref<1x3x128xi32, #tpu.memory_space<hbm>>
      %dma_wait3A_841 = tpu.memref_squeeze %dma_wait3A_840 : memref<1x3x128xi32, #tpu.memory_space<hbm>> -> memref<3x128xi32, #tpu.memory_space<hbm>>
      tpu.wait_dma2 semaphore(%arg10 : memref<!tpu.dma_semaphore, #tpu.memory_space<semaphore_mem>>) src(%dma_wait3A_841 : memref<3x128xi32, #tpu.memory_space<hbm>>) dst(%dma_wait3A_838 : memref<3x128xi32, #tpu.memory_space<vmem>>)
      %dma_wait3A_842 = arith.constant 1 : i32
      %dma_wait3A_843 = arith.constant 0 : i32
      %dma_wait3A_844 = arith.constant 0 : i32
      %dma_wait3A_845 = arith.constant 0 : i32
      %dma_wait3A_846 = tpu.memref_slice %arg7[%dma_wait3A_843, %dma_wait3A_844, %dma_wait3A_845] : memref<2x3x128xi32, #tpu.memory_space<vmem>> -> memref<1x3x128xi32, #tpu.memory_space<vmem>>
      %dma_wait3A_847 = tpu.memref_squeeze %dma_wait3A_846 : memref<1x3x128xi32, #tpu.memory_space<vmem>> -> memref<3x128xi32, #tpu.memory_space<vmem>>
      %dma_wait3A_848 = arith.constant 0 : i32
      %dma_wait3A_849 = tpu.memref_slice %arg3[%dma_wait3A_842, %add3A_4, %dma_wait3A_848] : memref<2x6250x128xi32, #tpu.memory_space<hbm>> -> memref<1x3x128xi32, #tpu.memory_space<hbm>>
      %dma_wait3A_850 = tpu.memref_squeeze %dma_wait3A_849 : memref<1x3x128xi32, #tpu.memory_space<hbm>> -> memref<3x128xi32, #tpu.memory_space<hbm>>
      %dma_wait3A_851 = arith.constant 0 : i32
      %dma_wait3A_852 = arith.constant 0 : i32
      %dma_wait3A_853 = tpu.memref_slice %arg7[%dma_wait3A_843, %dma_wait3A_851, %dma_wait3A_852] : memref<2x3x128xi32, #tpu.memory_space<vmem>> -> memref<1x3x128xi32, #tpu.memory_space<vmem>>
      %dma_wait3A_854 = tpu.memref_squeeze %dma_wait3A_853 : memref<1x3x128xi32, #tpu.memory_space<vmem>> -> memref<3x128xi32, #tpu.memory_space<vmem>>
      %dma_wait3A_855 = arith.constant 0 : i32
      %dma_wait3A_856 = tpu.memref_slice %arg3[%dma_wait3A_842, %add3A_4, %dma_wait3A_855] : memref<2x6250x128xi32, #tpu.memory_space<hbm>> -> memref<1x3x128xi32, #tpu.memory_space<hbm>>
      %dma_wait3A_857 = tpu.memref_squeeze %dma_wait3A_856 : memref<1x3x128xi32, #tpu.memory_space<hbm>> -> memref<3x128xi32, #tpu.memory_space<hbm>>
      tpu.wait_dma2 semaphore(%arg10 : memref<!tpu.dma_semaphore, #tpu.memory_space<semaphore_mem>>) src(%dma_wait3A_857 : memref<3x128xi32, #tpu.memory_space<hbm>>) dst(%dma_wait3A_854 : memref<3x128xi32, #tpu.memory_space<vmem>>)
      %dma_start3A_858 = arith.constant 0 : i32
      %dma_start3A_859 = arith.constant 0 : i32
      %dma_start3A_860 = arith.constant 0 : i32
      %dma_start3A_861 = arith.constant 0 : i32
      %dma_start3A_862 = arith.constant 0 : i32
      %dma_start3A_863 = arith.constant 0 : i32
      %dma_start3A_864 = tpu.memref_slice %arg8[%dma_start3A_860, %dma_start3A_861, %dma_start3A_862, %dma_start3A_863] : memref<2x3x128x32xf32, #tpu.memory_space<vmem>> -> memref<1x1x128x32xf32, #tpu.memory_space<vmem>>
      %dma_start3A_865 = tpu.memref_squeeze %dma_start3A_864 : memref<1x1x128x32xf32, #tpu.memory_space<vmem>> -> memref<128x32xf32, #tpu.memory_space<vmem>>
      %dma_start3A_866 = arith.constant 0 : i32
      %dma_start3A_867 = tpu.memref_slice %arg6[%dma_start3A_858, %dma_start3A_859, %dma_start3A_866] : memref<2x3x128xi32, #tpu.memory_space<vmem>> -> memref<1x1x128xi32, #tpu.memory_space<vmem>>
      %dma_start3A_868 = tpu.memref_squeeze %dma_start3A_867 : memref<1x1x128xi32, #tpu.memory_space<vmem>> -> memref<128xi32, #tpu.memory_space<vmem>>
      %dma_start3A_869 = arith.constant 0 : i32
      %dma_start3A_870 = arith.constant 0 : i32
      %dma_start3A_871 = tpu.memref_slice %arg2[%dma_start3A_869, %dma_start3A_870] : memref<50048x32xf32, #tpu.memory_space<hbm>> -> memref<50048x32xf32, #tpu.memory_space<hbm>>
      tpu.enqueue_indirect_dma source(%dma_start3A_871 : memref<50048x32xf32, #tpu.memory_space<hbm>>) target(%dma_start3A_865 : memref<128x32xf32, #tpu.memory_space<vmem>>) offsets(%dma_start3A_868 : memref<128xi32, #tpu.memory_space<vmem>>) semaphore(%arg11 : memref<!tpu.dma_semaphore, #tpu.memory_space<semaphore_mem>>)
      %dma_start3A_872 = arith.constant 0 : i32
      %dma_start3A_873 = arith.constant 1 : i32
      %dma_start3A_874 = arith.constant 0 : i32
      %dma_start3A_875 = arith.constant 1 : i32
      %dma_start3A_876 = arith.constant 0 : i32
      %dma_start3A_877 = arith.constant 0 : i32
      %dma_start3A_878 = tpu.memref_slice %arg8[%dma_start3A_874, %dma_start3A_875, %dma_start3A_876, %dma_start3A_877] : memref<2x3x128x32xf32, #tpu.memory_space<vmem>> -> memref<1x1x128x32xf32, #tpu.memory_space<vmem>>
      %dma_start3A_879 = tpu.memref_squeeze %dma_start3A_878 : memref<1x1x128x32xf32, #tpu.memory_space<vmem>> -> memref<128x32xf32, #tpu.memory_space<vmem>>
      %dma_start3A_880 = arith.constant 0 : i32
      %dma_start3A_881 = tpu.memref_slice %arg6[%dma_start3A_872, %dma_start3A_873, %dma_start3A_880] : memref<2x3x128xi32, #tpu.memory_space<vmem>> -> memref<1x1x128xi32, #tpu.memory_space<vmem>>
      %dma_start3A_882 = tpu.memref_squeeze %dma_start3A_881 : memref<1x1x128xi32, #tpu.memory_space<vmem>> -> memref<128xi32, #tpu.memory_space<vmem>>
      %dma_start3A_883 = arith.constant 0 : i32
      %dma_start3A_884 = arith.constant 0 : i32
      %dma_start3A_885 = tpu.memref_slice %arg2[%dma_start3A_883, %dma_start3A_884] : memref<50048x32xf32, #tpu.memory_space<hbm>> -> memref<50048x32xf32, #tpu.memory_space<hbm>>
      tpu.enqueue_indirect_dma source(%dma_start3A_885 : memref<50048x32xf32, #tpu.memory_space<hbm>>) target(%dma_start3A_879 : memref<128x32xf32, #tpu.memory_space<vmem>>) offsets(%dma_start3A_882 : memref<128xi32, #tpu.memory_space<vmem>>) semaphore(%arg11 : memref<!tpu.dma_semaphore, #tpu.memory_space<semaphore_mem>>)
      %dma_start3A_886 = arith.constant 0 : i32
      %dma_start3A_887 = arith.constant 2 : i32
      %dma_start3A_888 = arith.constant 0 : i32
      %dma_start3A_889 = arith.constant 2 : i32
      %dma_start3A_890 = arith.constant 0 : i32
      %dma_start3A_891 = arith.constant 0 : i32
      %dma_start3A_892 = tpu.memref_slice %arg8[%dma_start3A_888, %dma_start3A_889, %dma_start3A_890, %dma_start3A_891] : memref<2x3x128x32xf32, #tpu.memory_space<vmem>> -> memref<1x1x128x32xf32, #tpu.memory_space<vmem>>
      %dma_start3A_893 = tpu.memref_squeeze %dma_start3A_892 : memref<1x1x128x32xf32, #tpu.memory_space<vmem>> -> memref<128x32xf32, #tpu.memory_space<vmem>>
      %dma_start3A_894 = arith.constant 0 : i32
      %dma_start3A_895 = tpu.memref_slice %arg6[%dma_start3A_886, %dma_start3A_887, %dma_start3A_894] : memref<2x3x128xi32, #tpu.memory_space<vmem>> -> memref<1x1x128xi32, #tpu.memory_space<vmem>>
      %dma_start3A_896 = tpu.memref_squeeze %dma_start3A_895 : memref<1x1x128xi32, #tpu.memory_space<vmem>> -> memref<128xi32, #tpu.memory_space<vmem>>
      %dma_start3A_897 = arith.constant 0 : i32
      %dma_start3A_898 = arith.constant 0 : i32
      %dma_start3A_899 = tpu.memref_slice %arg2[%dma_start3A_897, %dma_start3A_898] : memref<50048x32xf32, #tpu.memory_space<hbm>> -> memref<50048x32xf32, #tpu.memory_space<hbm>>
      tpu.enqueue_indirect_dma source(%dma_start3A_899 : memref<50048x32xf32, #tpu.memory_space<hbm>>) target(%dma_start3A_893 : memref<128x32xf32, #tpu.memory_space<vmem>>) offsets(%dma_start3A_896 : memref<128xi32, #tpu.memory_space<vmem>>) semaphore(%arg11 : memref<!tpu.dma_semaphore, #tpu.memory_space<semaphore_mem>>)
      %dma_wait3A_900 = arith.constant 1 : i32
      %dma_wait3A_901 = arith.constant 0 : i32
      %dma_wait3A_902 = arith.constant 1 : i32
      %dma_wait3A_903 = arith.constant 0 : i32
      %dma_wait3A_904 = arith.constant 0 : i32
      %dma_wait3A_905 = arith.constant 0 : i32
      %dma_wait3A_906 = tpu.memref_slice %arg8[%dma_wait3A_900, %dma_wait3A_901, %dma_wait3A_904, %dma_wait3A_905] : memref<2x3x128x32xf32, #tpu.memory_space<vmem>> -> memref<1x1x128x32xf32, #tpu.memory_space<vmem>>
      %dma_wait3A_907 = tpu.memref_squeeze %dma_wait3A_906 : memref<1x1x128x32xf32, #tpu.memory_space<vmem>> -> memref<128x32xf32, #tpu.memory_space<vmem>>
      %dma_wait3A_908 = arith.constant 0 : i32
      %dma_wait3A_909 = tpu.memref_slice %arg7[%dma_wait3A_902, %dma_wait3A_903, %dma_wait3A_908] : memref<2x3x128xi32, #tpu.memory_space<vmem>> -> memref<1x1x128xi32, #tpu.memory_space<vmem>>
      %dma_wait3A_910 = tpu.memref_squeeze %dma_wait3A_909 : memref<1x1x128xi32, #tpu.memory_space<vmem>> -> memref<128xi32, #tpu.memory_space<vmem>>
      %dma_wait3A_911 = arith.constant 0 : i32
      %dma_wait3A_912 = arith.constant 0 : i32
      %dma_wait3A_913 = tpu.memref_slice %arg9[%dma_wait3A_911, %dma_wait3A_912] : memref<50048x32xf32, #tpu.memory_space<vmem_shared>> -> memref<50048x32xf32, #tpu.memory_space<vmem_shared>>
      tpu.wait_indirect_dma semaphore(%arg12 : memref<!tpu.dma_semaphore, #tpu.memory_space<semaphore_mem>>) src(%dma_wait3A_907 : memref<128x32xf32, #tpu.memory_space<vmem>>) dst(%dma_wait3A_913 : memref<50048x32xf32, #tpu.memory_space<vmem_shared>>)
      %dma_wait3A_914 = arith.constant 1 : i32
      %dma_wait3A_915 = arith.constant 1 : i32
      %dma_wait3A_916 = arith.constant 1 : i32
      %dma_wait3A_917 = arith.constant 1 : i32
      %dma_wait3A_918 = arith.constant 0 : i32
      %dma_wait3A_919 = arith.constant 0 : i32
      %dma_wait3A_920 = tpu.memref_slice %arg8[%dma_wait3A_914, %dma_wait3A_915, %dma_wait3A_918, %dma_wait3A_919] : memref<2x3x128x32xf32, #tpu.memory_space<vmem>> -> memref<1x1x128x32xf32, #tpu.memory_space<vmem>>
      %dma_wait3A_921 = tpu.memref_squeeze %dma_wait3A_920 : memref<1x1x128x32xf32, #tpu.memory_space<vmem>> -> memref<128x32xf32, #tpu.memory_space<vmem>>
      %dma_wait3A_922 = arith.constant 0 : i32
      %dma_wait3A_923 = tpu.memref_slice %arg7[%dma_wait3A_916, %dma_wait3A_917, %dma_wait3A_922] : memref<2x3x128xi32, #tpu.memory_space<vmem>> -> memref<1x1x128xi32, #tpu.memory_space<vmem>>
      %dma_wait3A_924 = tpu.memref_squeeze %dma_wait3A_923 : memref<1x1x128xi32, #tpu.memory_space<vmem>> -> memref<128xi32, #tpu.memory_space<vmem>>
      %dma_wait3A_925 = arith.constant 0 : i32
      %dma_wait3A_926 = arith.constant 0 : i32
      %dma_wait3A_927 = tpu.memref_slice %arg9[%dma_wait3A_925, %dma_wait3A_926] : memref<50048x32xf32, #tpu.memory_space<vmem_shared>> -> memref<50048x32xf32, #tpu.memory_space<vmem_shared>>
      tpu.wait_indirect_dma semaphore(%arg12 : memref<!tpu.dma_semaphore, #tpu.memory_space<semaphore_mem>>) src(%dma_wait3A_921 : memref<128x32xf32, #tpu.memory_space<vmem>>) dst(%dma_wait3A_927 : memref<50048x32xf32, #tpu.memory_space<vmem_shared>>)
      %dma_wait3A_928 = arith.constant 1 : i32
      %dma_wait3A_929 = arith.constant 2 : i32
      %dma_wait3A_930 = arith.constant 1 : i32
      %dma_wait3A_931 = arith.constant 2 : i32
      %dma_wait3A_932 = arith.constant 0 : i32
      %dma_wait3A_933 = arith.constant 0 : i32
      %dma_wait3A_934 = tpu.memref_slice %arg8[%dma_wait3A_928, %dma_wait3A_929, %dma_wait3A_932, %dma_wait3A_933] : memref<2x3x128x32xf32, #tpu.memory_space<vmem>> -> memref<1x1x128x32xf32, #tpu.memory_space<vmem>>
      %dma_wait3A_935 = tpu.memref_squeeze %dma_wait3A_934 : memref<1x1x128x32xf32, #tpu.memory_space<vmem>> -> memref<128x32xf32, #tpu.memory_space<vmem>>
      %dma_wait3A_936 = arith.constant 0 : i32
      %dma_wait3A_937 = tpu.memref_slice %arg7[%dma_wait3A_930, %dma_wait3A_931, %dma_wait3A_936] : memref<2x3x128xi32, #tpu.memory_space<vmem>> -> memref<1x1x128xi32, #tpu.memory_space<vmem>>
      %dma_wait3A_938 = tpu.memref_squeeze %dma_wait3A_937 : memref<1x1x128xi32, #tpu.memory_space<vmem>> -> memref<128xi32, #tpu.memory_space<vmem>>
      %dma_wait3A_939 = arith.constant 0 : i32
      %dma_wait3A_940 = arith.constant 0 : i32
      %dma_wait3A_941 = tpu.memref_slice %arg9[%dma_wait3A_939, %dma_wait3A_940] : memref<50048x32xf32, #tpu.memory_space<vmem_shared>> -> memref<50048x32xf32, #tpu.memory_space<vmem_shared>>
      tpu.wait_indirect_dma semaphore(%arg12 : memref<!tpu.dma_semaphore, #tpu.memory_space<semaphore_mem>>) src(%dma_wait3A_935 : memref<128x32xf32, #tpu.memory_space<vmem>>) dst(%dma_wait3A_941 : memref<50048x32xf32, #tpu.memory_space<vmem_shared>>)
      %add3A_942 = arith.constant 2 : i32
      %add3A_943 = arith.addi %add3A_662, %add3A_942 : i32
      %mul3A_944 = arith.constant 3 : i32
      %mul3A_945 = arith.muli %add3A_943, %mul3A_944 : i32
      %add3A_946 = arith.addi %add3A_4, %mul3A_945 : i32
      %dma_start3A_947 = arith.constant 0 : i32
      %dma_start3A_948 = arith.constant 1 : i32
      %dma_start3A_949 = arith.constant 0 : i32
      %dma_start3A_950 = arith.constant 0 : i32
      %dma_start3A_951 = tpu.memref_slice %arg6[%dma_start3A_948, %dma_start3A_949, %dma_start3A_950] : memref<2x3x128xi32, #tpu.memory_space<vmem>> -> memref<1x3x128xi32, #tpu.memory_space<vmem>>
      %dma_start3A_952 = tpu.memref_squeeze %dma_start3A_951 : memref<1x3x128xi32, #tpu.memory_space<vmem>> -> memref<3x128xi32, #tpu.memory_space<vmem>>
      %dma_start3A_953 = arith.constant 0 : i32
      %dma_start3A_954 = tpu.memref_slice %arg3[%dma_start3A_947, %add3A_946, %dma_start3A_953] : memref<2x6250x128xi32, #tpu.memory_space<hbm>> -> memref<1x3x128xi32, #tpu.memory_space<hbm>>
      %dma_start3A_955 = tpu.memref_squeeze %dma_start3A_954 : memref<1x3x128xi32, #tpu.memory_space<hbm>> -> memref<3x128xi32, #tpu.memory_space<hbm>>
      %dma_start3A_956 = arith.constant 0 : i32
      %dma_start3A_957 = arith.constant 0 : i32
      %dma_start3A_958 = tpu.memref_slice %arg6[%dma_start3A_948, %dma_start3A_956, %dma_start3A_957] : memref<2x3x128xi32, #tpu.memory_space<vmem>> -> memref<1x3x128xi32, #tpu.memory_space<vmem>>
      %dma_start3A_959 = tpu.memref_squeeze %dma_start3A_958 : memref<1x3x128xi32, #tpu.memory_space<vmem>> -> memref<3x128xi32, #tpu.memory_space<vmem>>
      %dma_start3A_960 = arith.constant 0 : i32
      %dma_start3A_961 = tpu.memref_slice %arg3[%dma_start3A_947, %add3A_946, %dma_start3A_960] : memref<2x6250x128xi32, #tpu.memory_space<hbm>> -> memref<1x3x128xi32, #tpu.memory_space<hbm>>
      %dma_start3A_962 = tpu.memref_squeeze %dma_start3A_961 : memref<1x3x128xi32, #tpu.memory_space<hbm>> -> memref<3x128xi32, #tpu.memory_space<hbm>>
      tpu.enqueue_dma source(%dma_start3A_962 : memref<3x128xi32, #tpu.memory_space<hbm>>) target(%dma_start3A_959 : memref<3x128xi32, #tpu.memory_space<vmem>>) target_semaphore(%arg10 : memref<!tpu.dma_semaphore, #tpu.memory_space<semaphore_mem>>)
      %dma_start3A_963 = arith.constant 1 : i32
      %dma_start3A_964 = arith.constant 1 : i32
      %dma_start3A_965 = arith.constant 0 : i32
      %dma_start3A_966 = arith.constant 0 : i32
      %dma_start3A_967 = tpu.memref_slice %arg7[%dma_start3A_964, %dma_start3A_965, %dma_start3A_966] : memref<2x3x128xi32, #tpu.memory_space<vmem>> -> memref<1x3x128xi32, #tpu.memory_space<vmem>>
      %dma_start3A_968 = tpu.memref_squeeze %dma_start3A_967 : memref<1x3x128xi32, #tpu.memory_space<vmem>> -> memref<3x128xi32, #tpu.memory_space<vmem>>
      %dma_start3A_969 = arith.constant 0 : i32
      %dma_start3A_970 = tpu.memref_slice %arg3[%dma_start3A_963, %add3A_946, %dma_start3A_969] : memref<2x6250x128xi32, #tpu.memory_space<hbm>> -> memref<1x3x128xi32, #tpu.memory_space<hbm>>
      %dma_start3A_971 = tpu.memref_squeeze %dma_start3A_970 : memref<1x3x128xi32, #tpu.memory_space<hbm>> -> memref<3x128xi32, #tpu.memory_space<hbm>>
      %dma_start3A_972 = arith.constant 0 : i32
      %dma_start3A_973 = arith.constant 0 : i32
      %dma_start3A_974 = tpu.memref_slice %arg7[%dma_start3A_964, %dma_start3A_972, %dma_start3A_973] : memref<2x3x128xi32, #tpu.memory_space<vmem>> -> memref<1x3x128xi32, #tpu.memory_space<vmem>>
      %dma_start3A_975 = tpu.memref_squeeze %dma_start3A_974 : memref<1x3x128xi32, #tpu.memory_space<vmem>> -> memref<3x128xi32, #tpu.memory_space<vmem>>
      %dma_start3A_976 = arith.constant 0 : i32
      %dma_start3A_977 = tpu.memref_slice %arg3[%dma_start3A_963, %add3A_946, %dma_start3A_976] : memref<2x6250x128xi32, #tpu.memory_space<hbm>> -> memref<1x3x128xi32, #tpu.memory_space<hbm>>
      %dma_start3A_978 = tpu.memref_squeeze %dma_start3A_977 : memref<1x3x128xi32, #tpu.memory_space<hbm>> -> memref<3x128xi32, #tpu.memory_space<hbm>>
      tpu.enqueue_dma source(%dma_start3A_978 : memref<3x128xi32, #tpu.memory_space<hbm>>) target(%dma_start3A_975 : memref<3x128xi32, #tpu.memory_space<vmem>>) target_semaphore(%arg10 : memref<!tpu.dma_semaphore, #tpu.memory_space<semaphore_mem>>)
      %dma_wait3A_979 = arith.constant 0 : i32
      %dma_wait3A_980 = arith.constant 0 : i32
      %dma_wait3A_981 = arith.constant 0 : i32
      %dma_wait3A_982 = arith.constant 0 : i32
      %dma_wait3A_983 = arith.constant 0 : i32
      %dma_wait3A_984 = arith.constant 0 : i32
      %dma_wait3A_985 = tpu.memref_slice %arg8[%dma_wait3A_981, %dma_wait3A_982, %dma_wait3A_983, %dma_wait3A_984] : memref<2x3x128x32xf32, #tpu.memory_space<vmem>> -> memref<1x1x128x32xf32, #tpu.memory_space<vmem>>
      %dma_wait3A_986 = tpu.memref_squeeze %dma_wait3A_985 : memref<1x1x128x32xf32, #tpu.memory_space<vmem>> -> memref<128x32xf32, #tpu.memory_space<vmem>>
      %dma_wait3A_987 = arith.constant 0 : i32
      %dma_wait3A_988 = tpu.memref_slice %arg6[%dma_wait3A_979, %dma_wait3A_980, %dma_wait3A_987] : memref<2x3x128xi32, #tpu.memory_space<vmem>> -> memref<1x1x128xi32, #tpu.memory_space<vmem>>
      %dma_wait3A_989 = tpu.memref_squeeze %dma_wait3A_988 : memref<1x1x128xi32, #tpu.memory_space<vmem>> -> memref<128xi32, #tpu.memory_space<vmem>>
      %dma_wait3A_990 = arith.constant 0 : i32
      %dma_wait3A_991 = arith.constant 0 : i32
      %dma_wait3A_992 = tpu.memref_slice %arg2[%dma_wait3A_990, %dma_wait3A_991] : memref<50048x32xf32, #tpu.memory_space<hbm>> -> memref<50048x32xf32, #tpu.memory_space<hbm>>
      tpu.wait_indirect_dma semaphore(%arg11 : memref<!tpu.dma_semaphore, #tpu.memory_space<semaphore_mem>>) src(%dma_wait3A_992 : memref<50048x32xf32, #tpu.memory_space<hbm>>) dst(%dma_wait3A_986 : memref<128x32xf32, #tpu.memory_space<vmem>>)
      %dma_wait3A_993 = arith.constant 0 : i32
      %dma_wait3A_994 = arith.constant 1 : i32
      %dma_wait3A_995 = arith.constant 0 : i32
      %dma_wait3A_996 = arith.constant 1 : i32
      %dma_wait3A_997 = arith.constant 0 : i32
      %dma_wait3A_998 = arith.constant 0 : i32
      %dma_wait3A_999 = tpu.memref_slice %arg8[%dma_wait3A_995, %dma_wait3A_996, %dma_wait3A_997, %dma_wait3A_998] : memref<2x3x128x32xf32, #tpu.memory_space<vmem>> -> memref<1x1x128x32xf32, #tpu.memory_space<vmem>>
      %dma_wait3A_1000 = tpu.memref_squeeze %dma_wait3A_999 : memref<1x1x128x32xf32, #tpu.memory_space<vmem>> -> memref<128x32xf32, #tpu.memory_space<vmem>>
      %dma_wait3A_1001 = arith.constant 0 : i32
      %dma_wait3A_1002 = tpu.memref_slice %arg6[%dma_wait3A_993, %dma_wait3A_994, %dma_wait3A_1001] : memref<2x3x128xi32, #tpu.memory_space<vmem>> -> memref<1x1x128xi32, #tpu.memory_space<vmem>>
      %dma_wait3A_1003 = tpu.memref_squeeze %dma_wait3A_1002 : memref<1x1x128xi32, #tpu.memory_space<vmem>> -> memref<128xi32, #tpu.memory_space<vmem>>
      %dma_wait3A_1004 = arith.constant 0 : i32
      %dma_wait3A_1005 = arith.constant 0 : i32
      %dma_wait3A_1006 = tpu.memref_slice %arg2[%dma_wait3A_1004, %dma_wait3A_1005] : memref<50048x32xf32, #tpu.memory_space<hbm>> -> memref<50048x32xf32, #tpu.memory_space<hbm>>
      tpu.wait_indirect_dma semaphore(%arg11 : memref<!tpu.dma_semaphore, #tpu.memory_space<semaphore_mem>>) src(%dma_wait3A_1006 : memref<50048x32xf32, #tpu.memory_space<hbm>>) dst(%dma_wait3A_1000 : memref<128x32xf32, #tpu.memory_space<vmem>>)
      %dma_wait3A_1007 = arith.constant 0 : i32
      %dma_wait3A_1008 = arith.constant 2 : i32
      %dma_wait3A_1009 = arith.constant 0 : i32
      %dma_wait3A_1010 = arith.constant 2 : i32
      %dma_wait3A_1011 = arith.constant 0 : i32
      %dma_wait3A_1012 = arith.constant 0 : i32
      %dma_wait3A_1013 = tpu.memref_slice %arg8[%dma_wait3A_1009, %dma_wait3A_1010, %dma_wait3A_1011, %dma_wait3A_1012] : memref<2x3x128x32xf32, #tpu.memory_space<vmem>> -> memref<1x1x128x32xf32, #tpu.memory_space<vmem>>
      %dma_wait3A_1014 = tpu.memref_squeeze %dma_wait3A_1013 : memref<1x1x128x32xf32, #tpu.memory_space<vmem>> -> memref<128x32xf32, #tpu.memory_space<vmem>>
      %dma_wait3A_1015 = arith.constant 0 : i32
      %dma_wait3A_1016 = tpu.memref_slice %arg6[%dma_wait3A_1007, %dma_wait3A_1008, %dma_wait3A_1015] : memref<2x3x128xi32, #tpu.memory_space<vmem>> -> memref<1x1x128xi32, #tpu.memory_space<vmem>>
      %dma_wait3A_1017 = tpu.memref_squeeze %dma_wait3A_1016 : memref<1x1x128xi32, #tpu.memory_space<vmem>> -> memref<128xi32, #tpu.memory_space<vmem>>
      %dma_wait3A_1018 = arith.constant 0 : i32
      %dma_wait3A_1019 = arith.constant 0 : i32
      %dma_wait3A_1020 = tpu.memref_slice %arg2[%dma_wait3A_1018, %dma_wait3A_1019] : memref<50048x32xf32, #tpu.memory_space<hbm>> -> memref<50048x32xf32, #tpu.memory_space<hbm>>
      tpu.wait_indirect_dma semaphore(%arg11 : memref<!tpu.dma_semaphore, #tpu.memory_space<semaphore_mem>>) src(%dma_wait3A_1020 : memref<50048x32xf32, #tpu.memory_space<hbm>>) dst(%dma_wait3A_1014 : memref<128x32xf32, #tpu.memory_space<vmem>>)
      %dma_start3A_1021 = arith.constant 0 : i32
      %dma_start3A_1022 = arith.constant 0 : i32
      %dma_start3A_1023 = arith.constant 0 : i32
      %dma_start3A_1024 = arith.constant 0 : i32
      %dma_start3A_1025 = arith.constant 0 : i32
      %dma_start3A_1026 = arith.constant 0 : i32
      %dma_start3A_1027 = tpu.memref_slice %arg8[%dma_start3A_1021, %dma_start3A_1022, %dma_start3A_1025, %dma_start3A_1026] : memref<2x3x128x32xf32, #tpu.memory_space<vmem>> -> memref<1x1x128x32xf32, #tpu.memory_space<vmem>>
      %dma_start3A_1028 = tpu.memref_squeeze %dma_start3A_1027 : memref<1x1x128x32xf32, #tpu.memory_space<vmem>> -> memref<128x32xf32, #tpu.memory_space<vmem>>
      %dma_start3A_1029 = arith.constant 0 : i32
      %dma_start3A_1030 = tpu.memref_slice %arg7[%dma_start3A_1023, %dma_start3A_1024, %dma_start3A_1029] : memref<2x3x128xi32, #tpu.memory_space<vmem>> -> memref<1x1x128xi32, #tpu.memory_space<vmem>>
      %dma_start3A_1031 = tpu.memref_squeeze %dma_start3A_1030 : memref<1x1x128xi32, #tpu.memory_space<vmem>> -> memref<128xi32, #tpu.memory_space<vmem>>
      %dma_start3A_1032 = arith.constant 0 : i32
      %dma_start3A_1033 = arith.constant 0 : i32
      %dma_start3A_1034 = tpu.memref_slice %arg9[%dma_start3A_1032, %dma_start3A_1033] : memref<50048x32xf32, #tpu.memory_space<vmem_shared>> -> memref<50048x32xf32, #tpu.memory_space<vmem_shared>>
      tpu.enqueue_indirect_dma source(%dma_start3A_1028 : memref<128x32xf32, #tpu.memory_space<vmem>>) target(%dma_start3A_1034 : memref<50048x32xf32, #tpu.memory_space<vmem_shared>>) offsets(%dma_start3A_1031 : memref<128xi32, #tpu.memory_space<vmem>>) semaphore(%arg12 : memref<!tpu.dma_semaphore, #tpu.memory_space<semaphore_mem>>) {add = true}
      %dma_start3A_1035 = arith.constant 0 : i32
      %dma_start3A_1036 = arith.constant 1 : i32
      %dma_start3A_1037 = arith.constant 0 : i32
      %dma_start3A_1038 = arith.constant 1 : i32
      %dma_start3A_1039 = arith.constant 0 : i32
      %dma_start3A_1040 = arith.constant 0 : i32
      %dma_start3A_1041 = tpu.memref_slice %arg8[%dma_start3A_1035, %dma_start3A_1036, %dma_start3A_1039, %dma_start3A_1040] : memref<2x3x128x32xf32, #tpu.memory_space<vmem>> -> memref<1x1x128x32xf32, #tpu.memory_space<vmem>>
      %dma_start3A_1042 = tpu.memref_squeeze %dma_start3A_1041 : memref<1x1x128x32xf32, #tpu.memory_space<vmem>> -> memref<128x32xf32, #tpu.memory_space<vmem>>
      %dma_start3A_1043 = arith.constant 0 : i32
      %dma_start3A_1044 = tpu.memref_slice %arg7[%dma_start3A_1037, %dma_start3A_1038, %dma_start3A_1043] : memref<2x3x128xi32, #tpu.memory_space<vmem>> -> memref<1x1x128xi32, #tpu.memory_space<vmem>>
      %dma_start3A_1045 = tpu.memref_squeeze %dma_start3A_1044 : memref<1x1x128xi32, #tpu.memory_space<vmem>> -> memref<128xi32, #tpu.memory_space<vmem>>
      %dma_start3A_1046 = arith.constant 0 : i32
      %dma_start3A_1047 = arith.constant 0 : i32
      %dma_start3A_1048 = tpu.memref_slice %arg9[%dma_start3A_1046, %dma_start3A_1047] : memref<50048x32xf32, #tpu.memory_space<vmem_shared>> -> memref<50048x32xf32, #tpu.memory_space<vmem_shared>>
      tpu.enqueue_indirect_dma source(%dma_start3A_1042 : memref<128x32xf32, #tpu.memory_space<vmem>>) target(%dma_start3A_1048 : memref<50048x32xf32, #tpu.memory_space<vmem_shared>>) offsets(%dma_start3A_1045 : memref<128xi32, #tpu.memory_space<vmem>>) semaphore(%arg12 : memref<!tpu.dma_semaphore, #tpu.memory_space<semaphore_mem>>) {add = true}
      %dma_start3A_1049 = arith.constant 0 : i32
      %dma_start3A_1050 = arith.constant 2 : i32
      %dma_start3A_1051 = arith.constant 0 : i32
      %dma_start3A_1052 = arith.constant 2 : i32
      %dma_start3A_1053 = arith.constant 0 : i32
      %dma_start3A_1054 = arith.constant 0 : i32
      %dma_start3A_1055 = tpu.memref_slice %arg8[%dma_start3A_1049, %dma_start3A_1050, %dma_start3A_1053, %dma_start3A_1054] : memref<2x3x128x32xf32, #tpu.memory_space<vmem>> -> memref<1x1x128x32xf32, #tpu.memory_space<vmem>>
      %dma_start3A_1056 = tpu.memref_squeeze %dma_start3A_1055 : memref<1x1x128x32xf32, #tpu.memory_space<vmem>> -> memref<128x32xf32, #tpu.memory_space<vmem>>
      %dma_start3A_1057 = arith.constant 0 : i32
      %dma_start3A_1058 = tpu.memref_slice %arg7[%dma_start3A_1051, %dma_start3A_1052, %dma_start3A_1057] : memref<2x3x128xi32, #tpu.memory_space<vmem>> -> memref<1x1x128xi32, #tpu.memory_space<vmem>>
      %dma_start3A_1059 = tpu.memref_squeeze %dma_start3A_1058 : memref<1x1x128xi32, #tpu.memory_space<vmem>> -> memref<128xi32, #tpu.memory_space<vmem>>
      %dma_start3A_1060 = arith.constant 0 : i32
      %dma_start3A_1061 = arith.constant 0 : i32
      %dma_start3A_1062 = tpu.memref_slice %arg9[%dma_start3A_1060, %dma_start3A_1061] : memref<50048x32xf32, #tpu.memory_space<vmem_shared>> -> memref<50048x32xf32, #tpu.memory_space<vmem_shared>>
      tpu.enqueue_indirect_dma source(%dma_start3A_1056 : memref<128x32xf32, #tpu.memory_space<vmem>>) target(%dma_start3A_1062 : memref<50048x32xf32, #tpu.memory_space<vmem_shared>>) offsets(%dma_start3A_1059 : memref<128xi32, #tpu.memory_space<vmem>>) semaphore(%arg12 : memref<!tpu.dma_semaphore, #tpu.memory_space<semaphore_mem>>) {add = true}
      %dma_wait3A_1063 = arith.constant 0 : i32
      %dma_wait3A_1064 = arith.constant 1 : i32
      %dma_wait3A_1065 = arith.constant 0 : i32
      %dma_wait3A_1066 = arith.constant 0 : i32
      %dma_wait3A_1067 = tpu.memref_slice %arg6[%dma_wait3A_1064, %dma_wait3A_1065, %dma_wait3A_1066] : memref<2x3x128xi32, #tpu.memory_space<vmem>> -> memref<1x3x128xi32, #tpu.memory_space<vmem>>
      %dma_wait3A_1068 = tpu.memref_squeeze %dma_wait3A_1067 : memref<1x3x128xi32, #tpu.memory_space<vmem>> -> memref<3x128xi32, #tpu.memory_space<vmem>>
      %dma_wait3A_1069 = arith.constant 0 : i32
      %dma_wait3A_1070 = tpu.memref_slice %arg3[%dma_wait3A_1063, %add3A_4, %dma_wait3A_1069] : memref<2x6250x128xi32, #tpu.memory_space<hbm>> -> memref<1x3x128xi32, #tpu.memory_space<hbm>>
      %dma_wait3A_1071 = tpu.memref_squeeze %dma_wait3A_1070 : memref<1x3x128xi32, #tpu.memory_space<hbm>> -> memref<3x128xi32, #tpu.memory_space<hbm>>
      %dma_wait3A_1072 = arith.constant 0 : i32
      %dma_wait3A_1073 = arith.constant 0 : i32
      %dma_wait3A_1074 = tpu.memref_slice %arg6[%dma_wait3A_1064, %dma_wait3A_1072, %dma_wait3A_1073] : memref<2x3x128xi32, #tpu.memory_space<vmem>> -> memref<1x3x128xi32, #tpu.memory_space<vmem>>
      %dma_wait3A_1075 = tpu.memref_squeeze %dma_wait3A_1074 : memref<1x3x128xi32, #tpu.memory_space<vmem>> -> memref<3x128xi32, #tpu.memory_space<vmem>>
      %dma_wait3A_1076 = arith.constant 0 : i32
      %dma_wait3A_1077 = tpu.memref_slice %arg3[%dma_wait3A_1063, %add3A_4, %dma_wait3A_1076] : memref<2x6250x128xi32, #tpu.memory_space<hbm>> -> memref<1x3x128xi32, #tpu.memory_space<hbm>>
      %dma_wait3A_1078 = tpu.memref_squeeze %dma_wait3A_1077 : memref<1x3x128xi32, #tpu.memory_space<hbm>> -> memref<3x128xi32, #tpu.memory_space<hbm>>
      tpu.wait_dma2 semaphore(%arg10 : memref<!tpu.dma_semaphore, #tpu.memory_space<semaphore_mem>>) src(%dma_wait3A_1078 : memref<3x128xi32, #tpu.memory_space<hbm>>) dst(%dma_wait3A_1075 : memref<3x128xi32, #tpu.memory_space<vmem>>)
      %dma_wait3A_1079 = arith.constant 1 : i32
      %dma_wait3A_1080 = arith.constant 1 : i32
      %dma_wait3A_1081 = arith.constant 0 : i32
      %dma_wait3A_1082 = arith.constant 0 : i32
      %dma_wait3A_1083 = tpu.memref_slice %arg7[%dma_wait3A_1080, %dma_wait3A_1081, %dma_wait3A_1082] : memref<2x3x128xi32, #tpu.memory_space<vmem>> -> memref<1x3x128xi32, #tpu.memory_space<vmem>>
      %dma_wait3A_1084 = tpu.memref_squeeze %dma_wait3A_1083 : memref<1x3x128xi32, #tpu.memory_space<vmem>> -> memref<3x128xi32, #tpu.memory_space<vmem>>
      %dma_wait3A_1085 = arith.constant 0 : i32
      %dma_wait3A_1086 = tpu.memref_slice %arg3[%dma_wait3A_1079, %add3A_4, %dma_wait3A_1085] : memref<2x6250x128xi32, #tpu.memory_space<hbm>> -> memref<1x3x128xi32, #tpu.memory_space<hbm>>
      %dma_wait3A_1087 = tpu.memref_squeeze %dma_wait3A_1086 : memref<1x3x128xi32, #tpu.memory_space<hbm>> -> memref<3x128xi32, #tpu.memory_space<hbm>>
      %dma_wait3A_1088 = arith.constant 0 : i32
      %dma_wait3A_1089 = arith.constant 0 : i32
      %dma_wait3A_1090 = tpu.memref_slice %arg7[%dma_wait3A_1080, %dma_wait3A_1088, %dma_wait3A_1089] : memref<2x3x128xi32, #tpu.memory_space<vmem>> -> memref<1x3x128xi32, #tpu.memory_space<vmem>>
      %dma_wait3A_1091 = tpu.memref_squeeze %dma_wait3A_1090 : memref<1x3x128xi32, #tpu.memory_space<vmem>> -> memref<3x128xi32, #tpu.memory_space<vmem>>
      %dma_wait3A_1092 = arith.constant 0 : i32
      %dma_wait3A_1093 = tpu.memref_slice %arg3[%dma_wait3A_1079, %add3A_4, %dma_wait3A_1092] : memref<2x6250x128xi32, #tpu.memory_space<hbm>> -> memref<1x3x128xi32, #tpu.memory_space<hbm>>
      %dma_wait3A_1094 = tpu.memref_squeeze %dma_wait3A_1093 : memref<1x3x128xi32, #tpu.memory_space<hbm>> -> memref<3x128xi32, #tpu.memory_space<hbm>>
      tpu.wait_dma2 semaphore(%arg10 : memref<!tpu.dma_semaphore, #tpu.memory_space<semaphore_mem>>) src(%dma_wait3A_1094 : memref<3x128xi32, #tpu.memory_space<hbm>>) dst(%dma_wait3A_1091 : memref<3x128xi32, #tpu.memory_space<vmem>>)
      %dma_start3A_1095 = arith.constant 1 : i32
      %dma_start3A_1096 = arith.constant 0 : i32
      %dma_start3A_1097 = arith.constant 1 : i32
      %dma_start3A_1098 = arith.constant 0 : i32
      %dma_start3A_1099 = arith.constant 0 : i32
      %dma_start3A_1100 = arith.constant 0 : i32
      %dma_start3A_1101 = tpu.memref_slice %arg8[%dma_start3A_1097, %dma_start3A_1098, %dma_start3A_1099, %dma_start3A_1100] : memref<2x3x128x32xf32, #tpu.memory_space<vmem>> -> memref<1x1x128x32xf32, #tpu.memory_space<vmem>>
      %dma_start3A_1102 = tpu.memref_squeeze %dma_start3A_1101 : memref<1x1x128x32xf32, #tpu.memory_space<vmem>> -> memref<128x32xf32, #tpu.memory_space<vmem>>
      %dma_start3A_1103 = arith.constant 0 : i32
      %dma_start3A_1104 = tpu.memref_slice %arg6[%dma_start3A_1095, %dma_start3A_1096, %dma_start3A_1103] : memref<2x3x128xi32, #tpu.memory_space<vmem>> -> memref<1x1x128xi32, #tpu.memory_space<vmem>>
      %dma_start3A_1105 = tpu.memref_squeeze %dma_start3A_1104 : memref<1x1x128xi32, #tpu.memory_space<vmem>> -> memref<128xi32, #tpu.memory_space<vmem>>
      %dma_start3A_1106 = arith.constant 0 : i32
      %dma_start3A_1107 = arith.constant 0 : i32
      %dma_start3A_1108 = tpu.memref_slice %arg2[%dma_start3A_1106, %dma_start3A_1107] : memref<50048x32xf32, #tpu.memory_space<hbm>> -> memref<50048x32xf32, #tpu.memory_space<hbm>>
      tpu.enqueue_indirect_dma source(%dma_start3A_1108 : memref<50048x32xf32, #tpu.memory_space<hbm>>) target(%dma_start3A_1102 : memref<128x32xf32, #tpu.memory_space<vmem>>) offsets(%dma_start3A_1105 : memref<128xi32, #tpu.memory_space<vmem>>) semaphore(%arg11 : memref<!tpu.dma_semaphore, #tpu.memory_space<semaphore_mem>>)
      %dma_start3A_1109 = arith.constant 1 : i32
      %dma_start3A_1110 = arith.constant 1 : i32
      %dma_start3A_1111 = arith.constant 1 : i32
      %dma_start3A_1112 = arith.constant 1 : i32
      %dma_start3A_1113 = arith.constant 0 : i32
      %dma_start3A_1114 = arith.constant 0 : i32
      %dma_start3A_1115 = tpu.memref_slice %arg8[%dma_start3A_1111, %dma_start3A_1112, %dma_start3A_1113, %dma_start3A_1114] : memref<2x3x128x32xf32, #tpu.memory_space<vmem>> -> memref<1x1x128x32xf32, #tpu.memory_space<vmem>>
      %dma_start3A_1116 = tpu.memref_squeeze %dma_start3A_1115 : memref<1x1x128x32xf32, #tpu.memory_space<vmem>> -> memref<128x32xf32, #tpu.memory_space<vmem>>
      %dma_start3A_1117 = arith.constant 0 : i32
      %dma_start3A_1118 = tpu.memref_slice %arg6[%dma_start3A_1109, %dma_start3A_1110, %dma_start3A_1117] : memref<2x3x128xi32, #tpu.memory_space<vmem>> -> memref<1x1x128xi32, #tpu.memory_space<vmem>>
      %dma_start3A_1119 = tpu.memref_squeeze %dma_start3A_1118 : memref<1x1x128xi32, #tpu.memory_space<vmem>> -> memref<128xi32, #tpu.memory_space<vmem>>
      %dma_start3A_1120 = arith.constant 0 : i32
      %dma_start3A_1121 = arith.constant 0 : i32
      %dma_start3A_1122 = tpu.memref_slice %arg2[%dma_start3A_1120, %dma_start3A_1121] : memref<50048x32xf32, #tpu.memory_space<hbm>> -> memref<50048x32xf32, #tpu.memory_space<hbm>>
      tpu.enqueue_indirect_dma source(%dma_start3A_1122 : memref<50048x32xf32, #tpu.memory_space<hbm>>) target(%dma_start3A_1116 : memref<128x32xf32, #tpu.memory_space<vmem>>) offsets(%dma_start3A_1119 : memref<128xi32, #tpu.memory_space<vmem>>) semaphore(%arg11 : memref<!tpu.dma_semaphore, #tpu.memory_space<semaphore_mem>>)
      %dma_start3A_1123 = arith.constant 1 : i32
      %dma_start3A_1124 = arith.constant 2 : i32
      %dma_start3A_1125 = arith.constant 1 : i32
      %dma_start3A_1126 = arith.constant 2 : i32
      %dma_start3A_1127 = arith.constant 0 : i32
      %dma_start3A_1128 = arith.constant 0 : i32
      %dma_start3A_1129 = tpu.memref_slice %arg8[%dma_start3A_1125, %dma_start3A_1126, %dma_start3A_1127, %dma_start3A_1128] : memref<2x3x128x32xf32, #tpu.memory_space<vmem>> -> memref<1x1x128x32xf32, #tpu.memory_space<vmem>>
      %dma_start3A_1130 = tpu.memref_squeeze %dma_start3A_1129 : memref<1x1x128x32xf32, #tpu.memory_space<vmem>> -> memref<128x32xf32, #tpu.memory_space<vmem>>
      %dma_start3A_1131 = arith.constant 0 : i32
      %dma_start3A_1132 = tpu.memref_slice %arg6[%dma_start3A_1123, %dma_start3A_1124, %dma_start3A_1131] : memref<2x3x128xi32, #tpu.memory_space<vmem>> -> memref<1x1x128xi32, #tpu.memory_space<vmem>>
      %dma_start3A_1133 = tpu.memref_squeeze %dma_start3A_1132 : memref<1x1x128xi32, #tpu.memory_space<vmem>> -> memref<128xi32, #tpu.memory_space<vmem>>
      %dma_start3A_1134 = arith.constant 0 : i32
      %dma_start3A_1135 = arith.constant 0 : i32
      %dma_start3A_1136 = tpu.memref_slice %arg2[%dma_start3A_1134, %dma_start3A_1135] : memref<50048x32xf32, #tpu.memory_space<hbm>> -> memref<50048x32xf32, #tpu.memory_space<hbm>>
      tpu.enqueue_indirect_dma source(%dma_start3A_1136 : memref<50048x32xf32, #tpu.memory_space<hbm>>) target(%dma_start3A_1130 : memref<128x32xf32, #tpu.memory_space<vmem>>) offsets(%dma_start3A_1133 : memref<128xi32, #tpu.memory_space<vmem>>) semaphore(%arg11 : memref<!tpu.dma_semaphore, #tpu.memory_space<semaphore_mem>>)
    }
    %scan3A_248 = arith.constant 31 : i32
    %dma_wait3A_249 = arith.constant 0 : i32
    %dma_wait3A_250 = arith.constant 0 : i32
    %dma_wait3A_251 = arith.constant 0 : i32
    %dma_wait3A_252 = arith.constant 0 : i32
    %dma_wait3A_253 = arith.constant 0 : i32
    %dma_wait3A_254 = arith.constant 0 : i32
    %dma_wait3A_255 = tpu.memref_slice %arg8[%dma_wait3A_249, %dma_wait3A_250, %dma_wait3A_253, %dma_wait3A_254] : memref<2x3x128x32xf32, #tpu.memory_space<vmem>> -> memref<1x1x128x32xf32, #tpu.memory_space<vmem>>
    %dma_wait3A_256 = tpu.memref_squeeze %dma_wait3A_255 : memref<1x1x128x32xf32, #tpu.memory_space<vmem>> -> memref<128x32xf32, #tpu.memory_space<vmem>>
    %dma_wait3A_257 = arith.constant 0 : i32
    %dma_wait3A_258 = tpu.memref_slice %arg7[%dma_wait3A_251, %dma_wait3A_252, %dma_wait3A_257] : memref<2x3x128xi32, #tpu.memory_space<vmem>> -> memref<1x1x128xi32, #tpu.memory_space<vmem>>
    %dma_wait3A_259 = tpu.memref_squeeze %dma_wait3A_258 : memref<1x1x128xi32, #tpu.memory_space<vmem>> -> memref<128xi32, #tpu.memory_space<vmem>>
    %dma_wait3A_260 = arith.constant 0 : i32
    %dma_wait3A_261 = arith.constant 0 : i32
    %dma_wait3A_262 = tpu.memref_slice %arg9[%dma_wait3A_260, %dma_wait3A_261] : memref<50048x32xf32, #tpu.memory_space<vmem_shared>> -> memref<50048x32xf32, #tpu.memory_space<vmem_shared>>
    tpu.wait_indirect_dma semaphore(%arg12 : memref<!tpu.dma_semaphore, #tpu.memory_space<semaphore_mem>>) src(%dma_wait3A_256 : memref<128x32xf32, #tpu.memory_space<vmem>>) dst(%dma_wait3A_262 : memref<50048x32xf32, #tpu.memory_space<vmem_shared>>)
    %dma_wait3A_263 = arith.constant 0 : i32
    %dma_wait3A_264 = arith.constant 1 : i32
    %dma_wait3A_265 = arith.constant 0 : i32
    %dma_wait3A_266 = arith.constant 1 : i32
    %dma_wait3A_267 = arith.constant 0 : i32
    %dma_wait3A_268 = arith.constant 0 : i32
    %dma_wait3A_269 = tpu.memref_slice %arg8[%dma_wait3A_263, %dma_wait3A_264, %dma_wait3A_267, %dma_wait3A_268] : memref<2x3x128x32xf32, #tpu.memory_space<vmem>> -> memref<1x1x128x32xf32, #tpu.memory_space<vmem>>
    %dma_wait3A_270 = tpu.memref_squeeze %dma_wait3A_269 : memref<1x1x128x32xf32, #tpu.memory_space<vmem>> -> memref<128x32xf32, #tpu.memory_space<vmem>>
    %dma_wait3A_271 = arith.constant 0 : i32
    %dma_wait3A_272 = tpu.memref_slice %arg7[%dma_wait3A_265, %dma_wait3A_266, %dma_wait3A_271] : memref<2x3x128xi32, #tpu.memory_space<vmem>> -> memref<1x1x128xi32, #tpu.memory_space<vmem>>
    %dma_wait3A_273 = tpu.memref_squeeze %dma_wait3A_272 : memref<1x1x128xi32, #tpu.memory_space<vmem>> -> memref<128xi32, #tpu.memory_space<vmem>>
    %dma_wait3A_274 = arith.constant 0 : i32
    %dma_wait3A_275 = arith.constant 0 : i32
    %dma_wait3A_276 = tpu.memref_slice %arg9[%dma_wait3A_274, %dma_wait3A_275] : memref<50048x32xf32, #tpu.memory_space<vmem_shared>> -> memref<50048x32xf32, #tpu.memory_space<vmem_shared>>
    tpu.wait_indirect_dma semaphore(%arg12 : memref<!tpu.dma_semaphore, #tpu.memory_space<semaphore_mem>>) src(%dma_wait3A_270 : memref<128x32xf32, #tpu.memory_space<vmem>>) dst(%dma_wait3A_276 : memref<50048x32xf32, #tpu.memory_space<vmem_shared>>)
    %dma_wait3A_277 = arith.constant 0 : i32
    %dma_wait3A_278 = arith.constant 2 : i32
    %dma_wait3A_279 = arith.constant 0 : i32
    %dma_wait3A_280 = arith.constant 2 : i32
    %dma_wait3A_281 = arith.constant 0 : i32
    %dma_wait3A_282 = arith.constant 0 : i32
    %dma_wait3A_283 = tpu.memref_slice %arg8[%dma_wait3A_277, %dma_wait3A_278, %dma_wait3A_281, %dma_wait3A_282] : memref<2x3x128x32xf32, #tpu.memory_space<vmem>> -> memref<1x1x128x32xf32, #tpu.memory_space<vmem>>
    %dma_wait3A_284 = tpu.memref_squeeze %dma_wait3A_283 : memref<1x1x128x32xf32, #tpu.memory_space<vmem>> -> memref<128x32xf32, #tpu.memory_space<vmem>>
    %dma_wait3A_285 = arith.constant 0 : i32
    %dma_wait3A_286 = tpu.memref_slice %arg7[%dma_wait3A_279, %dma_wait3A_280, %dma_wait3A_285] : memref<2x3x128xi32, #tpu.memory_space<vmem>> -> memref<1x1x128xi32, #tpu.memory_space<vmem>>
    %dma_wait3A_287 = tpu.memref_squeeze %dma_wait3A_286 : memref<1x1x128xi32, #tpu.memory_space<vmem>> -> memref<128xi32, #tpu.memory_space<vmem>>
    %dma_wait3A_288 = arith.constant 0 : i32
    %dma_wait3A_289 = arith.constant 0 : i32
    %dma_wait3A_290 = tpu.memref_slice %arg9[%dma_wait3A_288, %dma_wait3A_289] : memref<50048x32xf32, #tpu.memory_space<vmem_shared>> -> memref<50048x32xf32, #tpu.memory_space<vmem_shared>>
    tpu.wait_indirect_dma semaphore(%arg12 : memref<!tpu.dma_semaphore, #tpu.memory_space<semaphore_mem>>) src(%dma_wait3A_284 : memref<128x32xf32, #tpu.memory_space<vmem>>) dst(%dma_wait3A_290 : memref<50048x32xf32, #tpu.memory_space<vmem_shared>>)
    %add3A_291 = arith.constant 192 : i32
    %add3A_292 = arith.addi %add3A_4, %add3A_291 : i32
    %dma_start3A_293 = arith.constant 0 : i32
    %dma_start3A_294 = arith.constant 0 : i32
    %dma_start3A_295 = arith.constant 0 : i32
    %dma_start3A_296 = arith.constant 0 : i32
    %dma_start3A_297 = tpu.memref_slice %arg6[%dma_start3A_294, %dma_start3A_295, %dma_start3A_296] : memref<2x3x128xi32, #tpu.memory_space<vmem>> -> memref<1x3x128xi32, #tpu.memory_space<vmem>>
    %dma_start3A_298 = tpu.memref_squeeze %dma_start3A_297 : memref<1x3x128xi32, #tpu.memory_space<vmem>> -> memref<3x128xi32, #tpu.memory_space<vmem>>
    %dma_start3A_299 = arith.constant 0 : i32
    %dma_start3A_300 = tpu.memref_slice %arg3[%dma_start3A_293, %add3A_292, %dma_start3A_299] : memref<2x6250x128xi32, #tpu.memory_space<hbm>> -> memref<1x3x128xi32, #tpu.memory_space<hbm>>
    %dma_start3A_301 = tpu.memref_squeeze %dma_start3A_300 : memref<1x3x128xi32, #tpu.memory_space<hbm>> -> memref<3x128xi32, #tpu.memory_space<hbm>>
    %dma_start3A_302 = arith.constant 0 : i32
    %dma_start3A_303 = arith.constant 0 : i32
    %dma_start3A_304 = tpu.memref_slice %arg6[%dma_start3A_294, %dma_start3A_302, %dma_start3A_303] : memref<2x3x128xi32, #tpu.memory_space<vmem>> -> memref<1x3x128xi32, #tpu.memory_space<vmem>>
    %dma_start3A_305 = tpu.memref_squeeze %dma_start3A_304 : memref<1x3x128xi32, #tpu.memory_space<vmem>> -> memref<3x128xi32, #tpu.memory_space<vmem>>
    %dma_start3A_306 = arith.constant 0 : i32
    %dma_start3A_307 = tpu.memref_slice %arg3[%dma_start3A_293, %add3A_292, %dma_start3A_306] : memref<2x6250x128xi32, #tpu.memory_space<hbm>> -> memref<1x3x128xi32, #tpu.memory_space<hbm>>
    %dma_start3A_308 = tpu.memref_squeeze %dma_start3A_307 : memref<1x3x128xi32, #tpu.memory_space<hbm>> -> memref<3x128xi32, #tpu.memory_space<hbm>>
    tpu.enqueue_dma source(%dma_start3A_308 : memref<3x128xi32, #tpu.memory_space<hbm>>) target(%dma_start3A_305 : memref<3x128xi32, #tpu.memory_space<vmem>>) target_semaphore(%arg10 : memref<!tpu.dma_semaphore, #tpu.memory_space<semaphore_mem>>)
    %dma_start3A_309 = arith.constant 1 : i32
    %dma_start3A_310 = arith.constant 0 : i32
    %dma_start3A_311 = arith.constant 0 : i32
    %dma_start3A_312 = arith.constant 0 : i32
    %dma_start3A_313 = tpu.memref_slice %arg7[%dma_start3A_310, %dma_start3A_311, %dma_start3A_312] : memref<2x3x128xi32, #tpu.memory_space<vmem>> -> memref<1x3x128xi32, #tpu.memory_space<vmem>>
    %dma_start3A_314 = tpu.memref_squeeze %dma_start3A_313 : memref<1x3x128xi32, #tpu.memory_space<vmem>> -> memref<3x128xi32, #tpu.memory_space<vmem>>
    %dma_start3A_315 = arith.constant 0 : i32
    %dma_start3A_316 = tpu.memref_slice %arg3[%dma_start3A_309, %add3A_292, %dma_start3A_315] : memref<2x6250x128xi32, #tpu.memory_space<hbm>> -> memref<1x3x128xi32, #tpu.memory_space<hbm>>
    %dma_start3A_317 = tpu.memref_squeeze %dma_start3A_316 : memref<1x3x128xi32, #tpu.memory_space<hbm>> -> memref<3x128xi32, #tpu.memory_space<hbm>>
    %dma_start3A_318 = arith.constant 0 : i32
    %dma_start3A_319 = arith.constant 0 : i32
    %dma_start3A_320 = tpu.memref_slice %arg7[%dma_start3A_310, %dma_start3A_318, %dma_start3A_319] : memref<2x3x128xi32, #tpu.memory_space<vmem>> -> memref<1x3x128xi32, #tpu.memory_space<vmem>>
    %dma_start3A_321 = tpu.memref_squeeze %dma_start3A_320 : memref<1x3x128xi32, #tpu.memory_space<vmem>> -> memref<3x128xi32, #tpu.memory_space<vmem>>
    %dma_start3A_322 = arith.constant 0 : i32
    %dma_start3A_323 = tpu.memref_slice %arg3[%dma_start3A_309, %add3A_292, %dma_start3A_322] : memref<2x6250x128xi32, #tpu.memory_space<hbm>> -> memref<1x3x128xi32, #tpu.memory_space<hbm>>
    %dma_start3A_324 = tpu.memref_squeeze %dma_start3A_323 : memref<1x3x128xi32, #tpu.memory_space<hbm>> -> memref<3x128xi32, #tpu.memory_space<hbm>>
    tpu.enqueue_dma source(%dma_start3A_324 : memref<3x128xi32, #tpu.memory_space<hbm>>) target(%dma_start3A_321 : memref<3x128xi32, #tpu.memory_space<vmem>>) target_semaphore(%arg10 : memref<!tpu.dma_semaphore, #tpu.memory_space<semaphore_mem>>)
    %dma_wait3A_325 = arith.constant 1 : i32
    %dma_wait3A_326 = arith.constant 0 : i32
    %dma_wait3A_327 = arith.constant 1 : i32
    %dma_wait3A_328 = arith.constant 0 : i32
    %dma_wait3A_329 = arith.constant 0 : i32
    %dma_wait3A_330 = arith.constant 0 : i32
    %dma_wait3A_331 = tpu.memref_slice %arg8[%dma_wait3A_327, %dma_wait3A_328, %dma_wait3A_329, %dma_wait3A_330] : memref<2x3x128x32xf32, #tpu.memory_space<vmem>> -> memref<1x1x128x32xf32, #tpu.memory_space<vmem>>
    %dma_wait3A_332 = tpu.memref_squeeze %dma_wait3A_331 : memref<1x1x128x32xf32, #tpu.memory_space<vmem>> -> memref<128x32xf32, #tpu.memory_space<vmem>>
    %dma_wait3A_333 = arith.constant 0 : i32
    %dma_wait3A_334 = tpu.memref_slice %arg6[%dma_wait3A_325, %dma_wait3A_326, %dma_wait3A_333] : memref<2x3x128xi32, #tpu.memory_space<vmem>> -> memref<1x1x128xi32, #tpu.memory_space<vmem>>
    %dma_wait3A_335 = tpu.memref_squeeze %dma_wait3A_334 : memref<1x1x128xi32, #tpu.memory_space<vmem>> -> memref<128xi32, #tpu.memory_space<vmem>>
    %dma_wait3A_336 = arith.constant 0 : i32
    %dma_wait3A_337 = arith.constant 0 : i32
    %dma_wait3A_338 = tpu.memref_slice %arg2[%dma_wait3A_336, %dma_wait3A_337] : memref<50048x32xf32, #tpu.memory_space<hbm>> -> memref<50048x32xf32, #tpu.memory_space<hbm>>
    tpu.wait_indirect_dma semaphore(%arg11 : memref<!tpu.dma_semaphore, #tpu.memory_space<semaphore_mem>>) src(%dma_wait3A_338 : memref<50048x32xf32, #tpu.memory_space<hbm>>) dst(%dma_wait3A_332 : memref<128x32xf32, #tpu.memory_space<vmem>>)
    %dma_wait3A_339 = arith.constant 1 : i32
    %dma_wait3A_340 = arith.constant 1 : i32
    %dma_wait3A_341 = arith.constant 1 : i32
    %dma_wait3A_342 = arith.constant 1 : i32
    %dma_wait3A_343 = arith.constant 0 : i32
    %dma_wait3A_344 = arith.constant 0 : i32
    %dma_wait3A_345 = tpu.memref_slice %arg8[%dma_wait3A_341, %dma_wait3A_342, %dma_wait3A_343, %dma_wait3A_344] : memref<2x3x128x32xf32, #tpu.memory_space<vmem>> -> memref<1x1x128x32xf32, #tpu.memory_space<vmem>>
    %dma_wait3A_346 = tpu.memref_squeeze %dma_wait3A_345 : memref<1x1x128x32xf32, #tpu.memory_space<vmem>> -> memref<128x32xf32, #tpu.memory_space<vmem>>
    %dma_wait3A_347 = arith.constant 0 : i32
    %dma_wait3A_348 = tpu.memref_slice %arg6[%dma_wait3A_339, %dma_wait3A_340, %dma_wait3A_347] : memref<2x3x128xi32, #tpu.memory_space<vmem>> -> memref<1x1x128xi32, #tpu.memory_space<vmem>>
    %dma_wait3A_349 = tpu.memref_squeeze %dma_wait3A_348 : memref<1x1x128xi32, #tpu.memory_space<vmem>> -> memref<128xi32, #tpu.memory_space<vmem>>
    %dma_wait3A_350 = arith.constant 0 : i32
    %dma_wait3A_351 = arith.constant 0 : i32
    %dma_wait3A_352 = tpu.memref_slice %arg2[%dma_wait3A_350, %dma_wait3A_351] : memref<50048x32xf32, #tpu.memory_space<hbm>> -> memref<50048x32xf32, #tpu.memory_space<hbm>>
    tpu.wait_indirect_dma semaphore(%arg11 : memref<!tpu.dma_semaphore, #tpu.memory_space<semaphore_mem>>) src(%dma_wait3A_352 : memref<50048x32xf32, #tpu.memory_space<hbm>>) dst(%dma_wait3A_346 : memref<128x32xf32, #tpu.memory_space<vmem>>)
    %dma_wait3A_353 = arith.constant 1 : i32
    %dma_wait3A_354 = arith.constant 2 : i32
    %dma_wait3A_355 = arith.constant 1 : i32
    %dma_wait3A_356 = arith.constant 2 : i32
    %dma_wait3A_357 = arith.constant 0 : i32
    %dma_wait3A_358 = arith.constant 0 : i32
    %dma_wait3A_359 = tpu.memref_slice %arg8[%dma_wait3A_355, %dma_wait3A_356, %dma_wait3A_357, %dma_wait3A_358] : memref<2x3x128x32xf32, #tpu.memory_space<vmem>> -> memref<1x1x128x32xf32, #tpu.memory_space<vmem>>
    %dma_wait3A_360 = tpu.memref_squeeze %dma_wait3A_359 : memref<1x1x128x32xf32, #tpu.memory_space<vmem>> -> memref<128x32xf32, #tpu.memory_space<vmem>>
    %dma_wait3A_361 = arith.constant 0 : i32
    %dma_wait3A_362 = tpu.memref_slice %arg6[%dma_wait3A_353, %dma_wait3A_354, %dma_wait3A_361] : memref<2x3x128xi32, #tpu.memory_space<vmem>> -> memref<1x1x128xi32, #tpu.memory_space<vmem>>
    %dma_wait3A_363 = tpu.memref_squeeze %dma_wait3A_362 : memref<1x1x128xi32, #tpu.memory_space<vmem>> -> memref<128xi32, #tpu.memory_space<vmem>>
    %dma_wait3A_364 = arith.constant 0 : i32
    %dma_wait3A_365 = arith.constant 0 : i32
    %dma_wait3A_366 = tpu.memref_slice %arg2[%dma_wait3A_364, %dma_wait3A_365] : memref<50048x32xf32, #tpu.memory_space<hbm>> -> memref<50048x32xf32, #tpu.memory_space<hbm>>
    tpu.wait_indirect_dma semaphore(%arg11 : memref<!tpu.dma_semaphore, #tpu.memory_space<semaphore_mem>>) src(%dma_wait3A_366 : memref<50048x32xf32, #tpu.memory_space<hbm>>) dst(%dma_wait3A_360 : memref<128x32xf32, #tpu.memory_space<vmem>>)
    %dma_start3A_367 = arith.constant 1 : i32
    %dma_start3A_368 = arith.constant 0 : i32
    %dma_start3A_369 = arith.constant 1 : i32
    %dma_start3A_370 = arith.constant 0 : i32
    %dma_start3A_371 = arith.constant 0 : i32
    %dma_start3A_372 = arith.constant 0 : i32
    %dma_start3A_373 = tpu.memref_slice %arg8[%dma_start3A_367, %dma_start3A_368, %dma_start3A_371, %dma_start3A_372] : memref<2x3x128x32xf32, #tpu.memory_space<vmem>> -> memref<1x1x128x32xf32, #tpu.memory_space<vmem>>
    %dma_start3A_374 = tpu.memref_squeeze %dma_start3A_373 : memref<1x1x128x32xf32, #tpu.memory_space<vmem>> -> memref<128x32xf32, #tpu.memory_space<vmem>>
    %dma_start3A_375 = arith.constant 0 : i32
    %dma_start3A_376 = tpu.memref_slice %arg7[%dma_start3A_369, %dma_start3A_370, %dma_start3A_375] : memref<2x3x128xi32, #tpu.memory_space<vmem>> -> memref<1x1x128xi32, #tpu.memory_space<vmem>>
    %dma_start3A_377 = tpu.memref_squeeze %dma_start3A_376 : memref<1x1x128xi32, #tpu.memory_space<vmem>> -> memref<128xi32, #tpu.memory_space<vmem>>
    %dma_start3A_378 = arith.constant 0 : i32
    %dma_start3A_379 = arith.constant 0 : i32
    %dma_start3A_380 = tpu.memref_slice %arg9[%dma_start3A_378, %dma_start3A_379] : memref<50048x32xf32, #tpu.memory_space<vmem_shared>> -> memref<50048x32xf32, #tpu.memory_space<vmem_shared>>
    tpu.enqueue_indirect_dma source(%dma_start3A_374 : memref<128x32xf32, #tpu.memory_space<vmem>>) target(%dma_start3A_380 : memref<50048x32xf32, #tpu.memory_space<vmem_shared>>) offsets(%dma_start3A_377 : memref<128xi32, #tpu.memory_space<vmem>>) semaphore(%arg12 : memref<!tpu.dma_semaphore, #tpu.memory_space<semaphore_mem>>) {add = true}
    %dma_start3A_381 = arith.constant 1 : i32
    %dma_start3A_382 = arith.constant 1 : i32
    %dma_start3A_383 = arith.constant 1 : i32
    %dma_start3A_384 = arith.constant 1 : i32
    %dma_start3A_385 = arith.constant 0 : i32
    %dma_start3A_386 = arith.constant 0 : i32
    %dma_start3A_387 = tpu.memref_slice %arg8[%dma_start3A_381, %dma_start3A_382, %dma_start3A_385, %dma_start3A_386] : memref<2x3x128x32xf32, #tpu.memory_space<vmem>> -> memref<1x1x128x32xf32, #tpu.memory_space<vmem>>
    %dma_start3A_388 = tpu.memref_squeeze %dma_start3A_387 : memref<1x1x128x32xf32, #tpu.memory_space<vmem>> -> memref<128x32xf32, #tpu.memory_space<vmem>>
    %dma_start3A_389 = arith.constant 0 : i32
    %dma_start3A_390 = tpu.memref_slice %arg7[%dma_start3A_383, %dma_start3A_384, %dma_start3A_389] : memref<2x3x128xi32, #tpu.memory_space<vmem>> -> memref<1x1x128xi32, #tpu.memory_space<vmem>>
    %dma_start3A_391 = tpu.memref_squeeze %dma_start3A_390 : memref<1x1x128xi32, #tpu.memory_space<vmem>> -> memref<128xi32, #tpu.memory_space<vmem>>
    %dma_start3A_392 = arith.constant 0 : i32
    %dma_start3A_393 = arith.constant 0 : i32
    %dma_start3A_394 = tpu.memref_slice %arg9[%dma_start3A_392, %dma_start3A_393] : memref<50048x32xf32, #tpu.memory_space<vmem_shared>> -> memref<50048x32xf32, #tpu.memory_space<vmem_shared>>
    tpu.enqueue_indirect_dma source(%dma_start3A_388 : memref<128x32xf32, #tpu.memory_space<vmem>>) target(%dma_start3A_394 : memref<50048x32xf32, #tpu.memory_space<vmem_shared>>) offsets(%dma_start3A_391 : memref<128xi32, #tpu.memory_space<vmem>>) semaphore(%arg12 : memref<!tpu.dma_semaphore, #tpu.memory_space<semaphore_mem>>) {add = true}
    %dma_start3A_395 = arith.constant 1 : i32
    %dma_start3A_396 = arith.constant 2 : i32
    %dma_start3A_397 = arith.constant 1 : i32
    %dma_start3A_398 = arith.constant 2 : i32
    %dma_start3A_399 = arith.constant 0 : i32
    %dma_start3A_400 = arith.constant 0 : i32
    %dma_start3A_401 = tpu.memref_slice %arg8[%dma_start3A_395, %dma_start3A_396, %dma_start3A_399, %dma_start3A_400] : memref<2x3x128x32xf32, #tpu.memory_space<vmem>> -> memref<1x1x128x32xf32, #tpu.memory_space<vmem>>
    %dma_start3A_402 = tpu.memref_squeeze %dma_start3A_401 : memref<1x1x128x32xf32, #tpu.memory_space<vmem>> -> memref<128x32xf32, #tpu.memory_space<vmem>>
    %dma_start3A_403 = arith.constant 0 : i32
    %dma_start3A_404 = tpu.memref_slice %arg7[%dma_start3A_397, %dma_start3A_398, %dma_start3A_403] : memref<2x3x128xi32, #tpu.memory_space<vmem>> -> memref<1x1x128xi32, #tpu.memory_space<vmem>>
    %dma_start3A_405 = tpu.memref_squeeze %dma_start3A_404 : memref<1x1x128xi32, #tpu.memory_space<vmem>> -> memref<128xi32, #tpu.memory_space<vmem>>
    %dma_start3A_406 = arith.constant 0 : i32
    %dma_start3A_407 = arith.constant 0 : i32
    %dma_start3A_408 = tpu.memref_slice %arg9[%dma_start3A_406, %dma_start3A_407] : memref<50048x32xf32, #tpu.memory_space<vmem_shared>> -> memref<50048x32xf32, #tpu.memory_space<vmem_shared>>
    tpu.enqueue_indirect_dma source(%dma_start3A_402 : memref<128x32xf32, #tpu.memory_space<vmem>>) target(%dma_start3A_408 : memref<50048x32xf32, #tpu.memory_space<vmem_shared>>) offsets(%dma_start3A_405 : memref<128xi32, #tpu.memory_space<vmem>>) semaphore(%arg12 : memref<!tpu.dma_semaphore, #tpu.memory_space<semaphore_mem>>) {add = true}
    %dma_wait3A_409 = arith.constant 0 : i32
    %dma_wait3A_410 = arith.constant 0 : i32
    %dma_wait3A_411 = arith.constant 0 : i32
    %dma_wait3A_412 = arith.constant 0 : i32
    %dma_wait3A_413 = tpu.memref_slice %arg6[%dma_wait3A_410, %dma_wait3A_411, %dma_wait3A_412] : memref<2x3x128xi32, #tpu.memory_space<vmem>> -> memref<1x3x128xi32, #tpu.memory_space<vmem>>
    %dma_wait3A_414 = tpu.memref_squeeze %dma_wait3A_413 : memref<1x3x128xi32, #tpu.memory_space<vmem>> -> memref<3x128xi32, #tpu.memory_space<vmem>>
    %dma_wait3A_415 = arith.constant 0 : i32
    %dma_wait3A_416 = tpu.memref_slice %arg3[%dma_wait3A_409, %add3A_4, %dma_wait3A_415] : memref<2x6250x128xi32, #tpu.memory_space<hbm>> -> memref<1x3x128xi32, #tpu.memory_space<hbm>>
    %dma_wait3A_417 = tpu.memref_squeeze %dma_wait3A_416 : memref<1x3x128xi32, #tpu.memory_space<hbm>> -> memref<3x128xi32, #tpu.memory_space<hbm>>
    %dma_wait3A_418 = arith.constant 0 : i32
    %dma_wait3A_419 = arith.constant 0 : i32
    %dma_wait3A_420 = tpu.memref_slice %arg6[%dma_wait3A_410, %dma_wait3A_418, %dma_wait3A_419] : memref<2x3x128xi32, #tpu.memory_space<vmem>> -> memref<1x3x128xi32, #tpu.memory_space<vmem>>
    %dma_wait3A_421 = tpu.memref_squeeze %dma_wait3A_420 : memref<1x3x128xi32, #tpu.memory_space<vmem>> -> memref<3x128xi32, #tpu.memory_space<vmem>>
    %dma_wait3A_422 = arith.constant 0 : i32
    %dma_wait3A_423 = tpu.memref_slice %arg3[%dma_wait3A_409, %add3A_4, %dma_wait3A_422] : memref<2x6250x128xi32, #tpu.memory_space<hbm>> -> memref<1x3x128xi32, #tpu.memory_space<hbm>>
    %dma_wait3A_424 = tpu.memref_squeeze %dma_wait3A_423 : memref<1x3x128xi32, #tpu.memory_space<hbm>> -> memref<3x128xi32, #tpu.memory_space<hbm>>
    tpu.wait_dma2 semaphore(%arg10 : memref<!tpu.dma_semaphore, #tpu.memory_space<semaphore_mem>>) src(%dma_wait3A_424 : memref<3x128xi32, #tpu.memory_space<hbm>>) dst(%dma_wait3A_421 : memref<3x128xi32, #tpu.memory_space<vmem>>)
    %dma_wait3A_425 = arith.constant 1 : i32
    %dma_wait3A_426 = arith.constant 0 : i32
    %dma_wait3A_427 = arith.constant 0 : i32
    %dma_wait3A_428 = arith.constant 0 : i32
    %dma_wait3A_429 = tpu.memref_slice %arg7[%dma_wait3A_426, %dma_wait3A_427, %dma_wait3A_428] : memref<2x3x128xi32, #tpu.memory_space<vmem>> -> memref<1x3x128xi32, #tpu.memory_space<vmem>>
    %dma_wait3A_430 = tpu.memref_squeeze %dma_wait3A_429 : memref<1x3x128xi32, #tpu.memory_space<vmem>> -> memref<3x128xi32, #tpu.memory_space<vmem>>
    %dma_wait3A_431 = arith.constant 0 : i32
    %dma_wait3A_432 = tpu.memref_slice %arg3[%dma_wait3A_425, %add3A_4, %dma_wait3A_431] : memref<2x6250x128xi32, #tpu.memory_space<hbm>> -> memref<1x3x128xi32, #tpu.memory_space<hbm>>
    %dma_wait3A_433 = tpu.memref_squeeze %dma_wait3A_432 : memref<1x3x128xi32, #tpu.memory_space<hbm>> -> memref<3x128xi32, #tpu.memory_space<hbm>>
    %dma_wait3A_434 = arith.constant 0 : i32
    %dma_wait3A_435 = arith.constant 0 : i32
    %dma_wait3A_436 = tpu.memref_slice %arg7[%dma_wait3A_426, %dma_wait3A_434, %dma_wait3A_435] : memref<2x3x128xi32, #tpu.memory_space<vmem>> -> memref<1x3x128xi32, #tpu.memory_space<vmem>>
    %dma_wait3A_437 = tpu.memref_squeeze %dma_wait3A_436 : memref<1x3x128xi32, #tpu.memory_space<vmem>> -> memref<3x128xi32, #tpu.memory_space<vmem>>
    %dma_wait3A_438 = arith.constant 0 : i32
    %dma_wait3A_439 = tpu.memref_slice %arg3[%dma_wait3A_425, %add3A_4, %dma_wait3A_438] : memref<2x6250x128xi32, #tpu.memory_space<hbm>> -> memref<1x3x128xi32, #tpu.memory_space<hbm>>
    %dma_wait3A_440 = tpu.memref_squeeze %dma_wait3A_439 : memref<1x3x128xi32, #tpu.memory_space<hbm>> -> memref<3x128xi32, #tpu.memory_space<hbm>>
    tpu.wait_dma2 semaphore(%arg10 : memref<!tpu.dma_semaphore, #tpu.memory_space<semaphore_mem>>) src(%dma_wait3A_440 : memref<3x128xi32, #tpu.memory_space<hbm>>) dst(%dma_wait3A_437 : memref<3x128xi32, #tpu.memory_space<vmem>>)
    %dma_start3A_441 = arith.constant 0 : i32
    %dma_start3A_442 = arith.constant 0 : i32
    %dma_start3A_443 = arith.constant 0 : i32
    %dma_start3A_444 = arith.constant 0 : i32
    %dma_start3A_445 = arith.constant 0 : i32
    %dma_start3A_446 = arith.constant 0 : i32
    %dma_start3A_447 = tpu.memref_slice %arg8[%dma_start3A_443, %dma_start3A_444, %dma_start3A_445, %dma_start3A_446] : memref<2x3x128x32xf32, #tpu.memory_space<vmem>> -> memref<1x1x128x32xf32, #tpu.memory_space<vmem>>
    %dma_start3A_448 = tpu.memref_squeeze %dma_start3A_447 : memref<1x1x128x32xf32, #tpu.memory_space<vmem>> -> memref<128x32xf32, #tpu.memory_space<vmem>>
    %dma_start3A_449 = arith.constant 0 : i32
    %dma_start3A_450 = tpu.memref_slice %arg6[%dma_start3A_441, %dma_start3A_442, %dma_start3A_449] : memref<2x3x128xi32, #tpu.memory_space<vmem>> -> memref<1x1x128xi32, #tpu.memory_space<vmem>>
    %dma_start3A_451 = tpu.memref_squeeze %dma_start3A_450 : memref<1x1x128xi32, #tpu.memory_space<vmem>> -> memref<128xi32, #tpu.memory_space<vmem>>
    %dma_start3A_452 = arith.constant 0 : i32
    %dma_start3A_453 = arith.constant 0 : i32
    %dma_start3A_454 = tpu.memref_slice %arg2[%dma_start3A_452, %dma_start3A_453] : memref<50048x32xf32, #tpu.memory_space<hbm>> -> memref<50048x32xf32, #tpu.memory_space<hbm>>
    tpu.enqueue_indirect_dma source(%dma_start3A_454 : memref<50048x32xf32, #tpu.memory_space<hbm>>) target(%dma_start3A_448 : memref<128x32xf32, #tpu.memory_space<vmem>>) offsets(%dma_start3A_451 : memref<128xi32, #tpu.memory_space<vmem>>) semaphore(%arg11 : memref<!tpu.dma_semaphore, #tpu.memory_space<semaphore_mem>>)
    %dma_start3A_455 = arith.constant 0 : i32
    %dma_start3A_456 = arith.constant 1 : i32
    %dma_start3A_457 = arith.constant 0 : i32
    %dma_start3A_458 = arith.constant 1 : i32
    %dma_start3A_459 = arith.constant 0 : i32
    %dma_start3A_460 = arith.constant 0 : i32
    %dma_start3A_461 = tpu.memref_slice %arg8[%dma_start3A_457, %dma_start3A_458, %dma_start3A_459, %dma_start3A_460] : memref<2x3x128x32xf32, #tpu.memory_space<vmem>> -> memref<1x1x128x32xf32, #tpu.memory_space<vmem>>
    %dma_start3A_462 = tpu.memref_squeeze %dma_start3A_461 : memref<1x1x128x32xf32, #tpu.memory_space<vmem>> -> memref<128x32xf32, #tpu.memory_space<vmem>>
    %dma_start3A_463 = arith.constant 0 : i32
    %dma_start3A_464 = tpu.memref_slice %arg6[%dma_start3A_455, %dma_start3A_456, %dma_start3A_463] : memref<2x3x128xi32, #tpu.memory_space<vmem>> -> memref<1x1x128xi32, #tpu.memory_space<vmem>>
    %dma_start3A_465 = tpu.memref_squeeze %dma_start3A_464 : memref<1x1x128xi32, #tpu.memory_space<vmem>> -> memref<128xi32, #tpu.memory_space<vmem>>
    %dma_start3A_466 = arith.constant 0 : i32
    %dma_start3A_467 = arith.constant 0 : i32
    %dma_start3A_468 = tpu.memref_slice %arg2[%dma_start3A_466, %dma_start3A_467] : memref<50048x32xf32, #tpu.memory_space<hbm>> -> memref<50048x32xf32, #tpu.memory_space<hbm>>
    tpu.enqueue_indirect_dma source(%dma_start3A_468 : memref<50048x32xf32, #tpu.memory_space<hbm>>) target(%dma_start3A_462 : memref<128x32xf32, #tpu.memory_space<vmem>>) offsets(%dma_start3A_465 : memref<128xi32, #tpu.memory_space<vmem>>) semaphore(%arg11 : memref<!tpu.dma_semaphore, #tpu.memory_space<semaphore_mem>>)
    %dma_start3A_469 = arith.constant 0 : i32
    %dma_start3A_470 = arith.constant 2 : i32
    %dma_start3A_471 = arith.constant 0 : i32
    %dma_start3A_472 = arith.constant 2 : i32
    %dma_start3A_473 = arith.constant 0 : i32
    %dma_start3A_474 = arith.constant 0 : i32
    %dma_start3A_475 = tpu.memref_slice %arg8[%dma_start3A_471, %dma_start3A_472, %dma_start3A_473, %dma_start3A_474] : memref<2x3x128x32xf32, #tpu.memory_space<vmem>> -> memref<1x1x128x32xf32, #tpu.memory_space<vmem>>
    %dma_start3A_476 = tpu.memref_squeeze %dma_start3A_475 : memref<1x1x128x32xf32, #tpu.memory_space<vmem>> -> memref<128x32xf32, #tpu.memory_space<vmem>>
    %dma_start3A_477 = arith.constant 0 : i32
    %dma_start3A_478 = tpu.memref_slice %arg6[%dma_start3A_469, %dma_start3A_470, %dma_start3A_477] : memref<2x3x128xi32, #tpu.memory_space<vmem>> -> memref<1x1x128xi32, #tpu.memory_space<vmem>>
    %dma_start3A_479 = tpu.memref_squeeze %dma_start3A_478 : memref<1x1x128xi32, #tpu.memory_space<vmem>> -> memref<128xi32, #tpu.memory_space<vmem>>
    %dma_start3A_480 = arith.constant 0 : i32
    %dma_start3A_481 = arith.constant 0 : i32
    %dma_start3A_482 = tpu.memref_slice %arg2[%dma_start3A_480, %dma_start3A_481] : memref<50048x32xf32, #tpu.memory_space<hbm>> -> memref<50048x32xf32, #tpu.memory_space<hbm>>
    tpu.enqueue_indirect_dma source(%dma_start3A_482 : memref<50048x32xf32, #tpu.memory_space<hbm>>) target(%dma_start3A_476 : memref<128x32xf32, #tpu.memory_space<vmem>>) offsets(%dma_start3A_479 : memref<128xi32, #tpu.memory_space<vmem>>) semaphore(%arg11 : memref<!tpu.dma_semaphore, #tpu.memory_space<semaphore_mem>>)
    %dma_wait3A_483 = arith.constant 1 : i32
    %dma_wait3A_484 = arith.constant 0 : i32
    %dma_wait3A_485 = arith.constant 1 : i32
    %dma_wait3A_486 = arith.constant 0 : i32
    %dma_wait3A_487 = arith.constant 0 : i32
    %dma_wait3A_488 = arith.constant 0 : i32
    %dma_wait3A_489 = tpu.memref_slice %arg8[%dma_wait3A_483, %dma_wait3A_484, %dma_wait3A_487, %dma_wait3A_488] : memref<2x3x128x32xf32, #tpu.memory_space<vmem>> -> memref<1x1x128x32xf32, #tpu.memory_space<vmem>>
    %dma_wait3A_490 = tpu.memref_squeeze %dma_wait3A_489 : memref<1x1x128x32xf32, #tpu.memory_space<vmem>> -> memref<128x32xf32, #tpu.memory_space<vmem>>
    %dma_wait3A_491 = arith.constant 0 : i32
    %dma_wait3A_492 = tpu.memref_slice %arg7[%dma_wait3A_485, %dma_wait3A_486, %dma_wait3A_491] : memref<2x3x128xi32, #tpu.memory_space<vmem>> -> memref<1x1x128xi32, #tpu.memory_space<vmem>>
    %dma_wait3A_493 = tpu.memref_squeeze %dma_wait3A_492 : memref<1x1x128xi32, #tpu.memory_space<vmem>> -> memref<128xi32, #tpu.memory_space<vmem>>
    %dma_wait3A_494 = arith.constant 0 : i32
    %dma_wait3A_495 = arith.constant 0 : i32
    %dma_wait3A_496 = tpu.memref_slice %arg9[%dma_wait3A_494, %dma_wait3A_495] : memref<50048x32xf32, #tpu.memory_space<vmem_shared>> -> memref<50048x32xf32, #tpu.memory_space<vmem_shared>>
    tpu.wait_indirect_dma semaphore(%arg12 : memref<!tpu.dma_semaphore, #tpu.memory_space<semaphore_mem>>) src(%dma_wait3A_490 : memref<128x32xf32, #tpu.memory_space<vmem>>) dst(%dma_wait3A_496 : memref<50048x32xf32, #tpu.memory_space<vmem_shared>>)
    %dma_wait3A_497 = arith.constant 1 : i32
    %dma_wait3A_498 = arith.constant 1 : i32
    %dma_wait3A_499 = arith.constant 1 : i32
    %dma_wait3A_500 = arith.constant 1 : i32
    %dma_wait3A_501 = arith.constant 0 : i32
    %dma_wait3A_502 = arith.constant 0 : i32
    %dma_wait3A_503 = tpu.memref_slice %arg8[%dma_wait3A_497, %dma_wait3A_498, %dma_wait3A_501, %dma_wait3A_502] : memref<2x3x128x32xf32, #tpu.memory_space<vmem>> -> memref<1x1x128x32xf32, #tpu.memory_space<vmem>>
    %dma_wait3A_504 = tpu.memref_squeeze %dma_wait3A_503 : memref<1x1x128x32xf32, #tpu.memory_space<vmem>> -> memref<128x32xf32, #tpu.memory_space<vmem>>
    %dma_wait3A_505 = arith.constant 0 : i32
    %dma_wait3A_506 = tpu.memref_slice %arg7[%dma_wait3A_499, %dma_wait3A_500, %dma_wait3A_505] : memref<2x3x128xi32, #tpu.memory_space<vmem>> -> memref<1x1x128xi32, #tpu.memory_space<vmem>>
    %dma_wait3A_507 = tpu.memref_squeeze %dma_wait3A_506 : memref<1x1x128xi32, #tpu.memory_space<vmem>> -> memref<128xi32, #tpu.memory_space<vmem>>
    %dma_wait3A_508 = arith.constant 0 : i32
    %dma_wait3A_509 = arith.constant 0 : i32
    %dma_wait3A_510 = tpu.memref_slice %arg9[%dma_wait3A_508, %dma_wait3A_509] : memref<50048x32xf32, #tpu.memory_space<vmem_shared>> -> memref<50048x32xf32, #tpu.memory_space<vmem_shared>>
    tpu.wait_indirect_dma semaphore(%arg12 : memref<!tpu.dma_semaphore, #tpu.memory_space<semaphore_mem>>) src(%dma_wait3A_504 : memref<128x32xf32, #tpu.memory_space<vmem>>) dst(%dma_wait3A_510 : memref<50048x32xf32, #tpu.memory_space<vmem_shared>>)
    %dma_wait3A_511 = arith.constant 1 : i32
    %dma_wait3A_512 = arith.constant 2 : i32
    %dma_wait3A_513 = arith.constant 1 : i32
    %dma_wait3A_514 = arith.constant 2 : i32
    %dma_wait3A_515 = arith.constant 0 : i32
    %dma_wait3A_516 = arith.constant 0 : i32
    %dma_wait3A_517 = tpu.memref_slice %arg8[%dma_wait3A_511, %dma_wait3A_512, %dma_wait3A_515, %dma_wait3A_516] : memref<2x3x128x32xf32, #tpu.memory_space<vmem>> -> memref<1x1x128x32xf32, #tpu.memory_space<vmem>>
    %dma_wait3A_518 = tpu.memref_squeeze %dma_wait3A_517 : memref<1x1x128x32xf32, #tpu.memory_space<vmem>> -> memref<128x32xf32, #tpu.memory_space<vmem>>
    %dma_wait3A_519 = arith.constant 0 : i32
    %dma_wait3A_520 = tpu.memref_slice %arg7[%dma_wait3A_513, %dma_wait3A_514, %dma_wait3A_519] : memref<2x3x128xi32, #tpu.memory_space<vmem>> -> memref<1x1x128xi32, #tpu.memory_space<vmem>>
    %dma_wait3A_521 = tpu.memref_squeeze %dma_wait3A_520 : memref<1x1x128xi32, #tpu.memory_space<vmem>> -> memref<128xi32, #tpu.memory_space<vmem>>
    %dma_wait3A_522 = arith.constant 0 : i32
    %dma_wait3A_523 = arith.constant 0 : i32
    %dma_wait3A_524 = tpu.memref_slice %arg9[%dma_wait3A_522, %dma_wait3A_523] : memref<50048x32xf32, #tpu.memory_space<vmem_shared>> -> memref<50048x32xf32, #tpu.memory_space<vmem_shared>>
    tpu.wait_indirect_dma semaphore(%arg12 : memref<!tpu.dma_semaphore, #tpu.memory_space<semaphore_mem>>) src(%dma_wait3A_518 : memref<128x32xf32, #tpu.memory_space<vmem>>) dst(%dma_wait3A_524 : memref<50048x32xf32, #tpu.memory_space<vmem_shared>>)
    %dma_wait3A_525 = arith.constant 0 : i32
    %dma_wait3A_526 = arith.constant 0 : i32
    %dma_wait3A_527 = arith.constant 0 : i32
    %dma_wait3A_528 = arith.constant 0 : i32
    %dma_wait3A_529 = arith.constant 0 : i32
    %dma_wait3A_530 = arith.constant 0 : i32
    %dma_wait3A_531 = tpu.memref_slice %arg8[%dma_wait3A_527, %dma_wait3A_528, %dma_wait3A_529, %dma_wait3A_530] : memref<2x3x128x32xf32, #tpu.memory_space<vmem>> -> memref<1x1x128x32xf32, #tpu.memory_space<vmem>>
    %dma_wait3A_532 = tpu.memref_squeeze %dma_wait3A_531 : memref<1x1x128x32xf32, #tpu.memory_space<vmem>> -> memref<128x32xf32, #tpu.memory_space<vmem>>
    %dma_wait3A_533 = arith.constant 0 : i32
    %dma_wait3A_534 = tpu.memref_slice %arg6[%dma_wait3A_525, %dma_wait3A_526, %dma_wait3A_533] : memref<2x3x128xi32, #tpu.memory_space<vmem>> -> memref<1x1x128xi32, #tpu.memory_space<vmem>>
    %dma_wait3A_535 = tpu.memref_squeeze %dma_wait3A_534 : memref<1x1x128xi32, #tpu.memory_space<vmem>> -> memref<128xi32, #tpu.memory_space<vmem>>
    %dma_wait3A_536 = arith.constant 0 : i32
    %dma_wait3A_537 = arith.constant 0 : i32
    %dma_wait3A_538 = tpu.memref_slice %arg2[%dma_wait3A_536, %dma_wait3A_537] : memref<50048x32xf32, #tpu.memory_space<hbm>> -> memref<50048x32xf32, #tpu.memory_space<hbm>>
    tpu.wait_indirect_dma semaphore(%arg11 : memref<!tpu.dma_semaphore, #tpu.memory_space<semaphore_mem>>) src(%dma_wait3A_538 : memref<50048x32xf32, #tpu.memory_space<hbm>>) dst(%dma_wait3A_532 : memref<128x32xf32, #tpu.memory_space<vmem>>)
    %dma_wait3A_539 = arith.constant 0 : i32
    %dma_wait3A_540 = arith.constant 1 : i32
    %dma_wait3A_541 = arith.constant 0 : i32
    %dma_wait3A_542 = arith.constant 1 : i32
    %dma_wait3A_543 = arith.constant 0 : i32
    %dma_wait3A_544 = arith.constant 0 : i32
    %dma_wait3A_545 = tpu.memref_slice %arg8[%dma_wait3A_541, %dma_wait3A_542, %dma_wait3A_543, %dma_wait3A_544] : memref<2x3x128x32xf32, #tpu.memory_space<vmem>> -> memref<1x1x128x32xf32, #tpu.memory_space<vmem>>
    %dma_wait3A_546 = tpu.memref_squeeze %dma_wait3A_545 : memref<1x1x128x32xf32, #tpu.memory_space<vmem>> -> memref<128x32xf32, #tpu.memory_space<vmem>>
    %dma_wait3A_547 = arith.constant 0 : i32
    %dma_wait3A_548 = tpu.memref_slice %arg6[%dma_wait3A_539, %dma_wait3A_540, %dma_wait3A_547] : memref<2x3x128xi32, #tpu.memory_space<vmem>> -> memref<1x1x128xi32, #tpu.memory_space<vmem>>
    %dma_wait3A_549 = tpu.memref_squeeze %dma_wait3A_548 : memref<1x1x128xi32, #tpu.memory_space<vmem>> -> memref<128xi32, #tpu.memory_space<vmem>>
    %dma_wait3A_550 = arith.constant 0 : i32
    %dma_wait3A_551 = arith.constant 0 : i32
    %dma_wait3A_552 = tpu.memref_slice %arg2[%dma_wait3A_550, %dma_wait3A_551] : memref<50048x32xf32, #tpu.memory_space<hbm>> -> memref<50048x32xf32, #tpu.memory_space<hbm>>
    tpu.wait_indirect_dma semaphore(%arg11 : memref<!tpu.dma_semaphore, #tpu.memory_space<semaphore_mem>>) src(%dma_wait3A_552 : memref<50048x32xf32, #tpu.memory_space<hbm>>) dst(%dma_wait3A_546 : memref<128x32xf32, #tpu.memory_space<vmem>>)
    %dma_wait3A_553 = arith.constant 0 : i32
    %dma_wait3A_554 = arith.constant 2 : i32
    %dma_wait3A_555 = arith.constant 0 : i32
    %dma_wait3A_556 = arith.constant 2 : i32
    %dma_wait3A_557 = arith.constant 0 : i32
    %dma_wait3A_558 = arith.constant 0 : i32
    %dma_wait3A_559 = tpu.memref_slice %arg8[%dma_wait3A_555, %dma_wait3A_556, %dma_wait3A_557, %dma_wait3A_558] : memref<2x3x128x32xf32, #tpu.memory_space<vmem>> -> memref<1x1x128x32xf32, #tpu.memory_space<vmem>>
    %dma_wait3A_560 = tpu.memref_squeeze %dma_wait3A_559 : memref<1x1x128x32xf32, #tpu.memory_space<vmem>> -> memref<128x32xf32, #tpu.memory_space<vmem>>
    %dma_wait3A_561 = arith.constant 0 : i32
    %dma_wait3A_562 = tpu.memref_slice %arg6[%dma_wait3A_553, %dma_wait3A_554, %dma_wait3A_561] : memref<2x3x128xi32, #tpu.memory_space<vmem>> -> memref<1x1x128xi32, #tpu.memory_space<vmem>>
    %dma_wait3A_563 = tpu.memref_squeeze %dma_wait3A_562 : memref<1x1x128xi32, #tpu.memory_space<vmem>> -> memref<128xi32, #tpu.memory_space<vmem>>
    %dma_wait3A_564 = arith.constant 0 : i32
    %dma_wait3A_565 = arith.constant 0 : i32
    %dma_wait3A_566 = tpu.memref_slice %arg2[%dma_wait3A_564, %dma_wait3A_565] : memref<50048x32xf32, #tpu.memory_space<hbm>> -> memref<50048x32xf32, #tpu.memory_space<hbm>>
    tpu.wait_indirect_dma semaphore(%arg11 : memref<!tpu.dma_semaphore, #tpu.memory_space<semaphore_mem>>) src(%dma_wait3A_566 : memref<50048x32xf32, #tpu.memory_space<hbm>>) dst(%dma_wait3A_560 : memref<128x32xf32, #tpu.memory_space<vmem>>)
    %dma_start3A_567 = arith.constant 0 : i32
    %dma_start3A_568 = arith.constant 0 : i32
    %dma_start3A_569 = arith.constant 0 : i32
    %dma_start3A_570 = arith.constant 0 : i32
    %dma_start3A_571 = arith.constant 0 : i32
    %dma_start3A_572 = arith.constant 0 : i32
    %dma_start3A_573 = tpu.memref_slice %arg8[%dma_start3A_567, %dma_start3A_568, %dma_start3A_571, %dma_start3A_572] : memref<2x3x128x32xf32, #tpu.memory_space<vmem>> -> memref<1x1x128x32xf32, #tpu.memory_space<vmem>>
    %dma_start3A_574 = tpu.memref_squeeze %dma_start3A_573 : memref<1x1x128x32xf32, #tpu.memory_space<vmem>> -> memref<128x32xf32, #tpu.memory_space<vmem>>
    %dma_start3A_575 = arith.constant 0 : i32
    %dma_start3A_576 = tpu.memref_slice %arg7[%dma_start3A_569, %dma_start3A_570, %dma_start3A_575] : memref<2x3x128xi32, #tpu.memory_space<vmem>> -> memref<1x1x128xi32, #tpu.memory_space<vmem>>
    %dma_start3A_577 = tpu.memref_squeeze %dma_start3A_576 : memref<1x1x128xi32, #tpu.memory_space<vmem>> -> memref<128xi32, #tpu.memory_space<vmem>>
    %dma_start3A_578 = arith.constant 0 : i32
    %dma_start3A_579 = arith.constant 0 : i32
    %dma_start3A_580 = tpu.memref_slice %arg9[%dma_start3A_578, %dma_start3A_579] : memref<50048x32xf32, #tpu.memory_space<vmem_shared>> -> memref<50048x32xf32, #tpu.memory_space<vmem_shared>>
    tpu.enqueue_indirect_dma source(%dma_start3A_574 : memref<128x32xf32, #tpu.memory_space<vmem>>) target(%dma_start3A_580 : memref<50048x32xf32, #tpu.memory_space<vmem_shared>>) offsets(%dma_start3A_577 : memref<128xi32, #tpu.memory_space<vmem>>) semaphore(%arg12 : memref<!tpu.dma_semaphore, #tpu.memory_space<semaphore_mem>>) {add = true}
    %dma_start3A_581 = arith.constant 0 : i32
    %dma_start3A_582 = arith.constant 1 : i32
    %dma_start3A_583 = arith.constant 0 : i32
    %dma_start3A_584 = arith.constant 1 : i32
    %dma_start3A_585 = arith.constant 0 : i32
    %dma_start3A_586 = arith.constant 0 : i32
    %dma_start3A_587 = tpu.memref_slice %arg8[%dma_start3A_581, %dma_start3A_582, %dma_start3A_585, %dma_start3A_586] : memref<2x3x128x32xf32, #tpu.memory_space<vmem>> -> memref<1x1x128x32xf32, #tpu.memory_space<vmem>>
    %dma_start3A_588 = tpu.memref_squeeze %dma_start3A_587 : memref<1x1x128x32xf32, #tpu.memory_space<vmem>> -> memref<128x32xf32, #tpu.memory_space<vmem>>
    %dma_start3A_589 = arith.constant 0 : i32
    %dma_start3A_590 = tpu.memref_slice %arg7[%dma_start3A_583, %dma_start3A_584, %dma_start3A_589] : memref<2x3x128xi32, #tpu.memory_space<vmem>> -> memref<1x1x128xi32, #tpu.memory_space<vmem>>
    %dma_start3A_591 = tpu.memref_squeeze %dma_start3A_590 : memref<1x1x128xi32, #tpu.memory_space<vmem>> -> memref<128xi32, #tpu.memory_space<vmem>>
    %dma_start3A_592 = arith.constant 0 : i32
    %dma_start3A_593 = arith.constant 0 : i32
    %dma_start3A_594 = tpu.memref_slice %arg9[%dma_start3A_592, %dma_start3A_593] : memref<50048x32xf32, #tpu.memory_space<vmem_shared>> -> memref<50048x32xf32, #tpu.memory_space<vmem_shared>>
    tpu.enqueue_indirect_dma source(%dma_start3A_588 : memref<128x32xf32, #tpu.memory_space<vmem>>) target(%dma_start3A_594 : memref<50048x32xf32, #tpu.memory_space<vmem_shared>>) offsets(%dma_start3A_591 : memref<128xi32, #tpu.memory_space<vmem>>) semaphore(%arg12 : memref<!tpu.dma_semaphore, #tpu.memory_space<semaphore_mem>>) {add = true}
    %dma_start3A_595 = arith.constant 0 : i32
    %dma_start3A_596 = arith.constant 2 : i32
    %dma_start3A_597 = arith.constant 0 : i32
    %dma_start3A_598 = arith.constant 2 : i32
    %dma_start3A_599 = arith.constant 0 : i32
    %dma_start3A_600 = arith.constant 0 : i32
    %dma_start3A_601 = tpu.memref_slice %arg8[%dma_start3A_595, %dma_start3A_596, %dma_start3A_599, %dma_start3A_600] : memref<2x3x128x32xf32, #tpu.memory_space<vmem>> -> memref<1x1x128x32xf32, #tpu.memory_space<vmem>>
    %dma_start3A_602 = tpu.memref_squeeze %dma_start3A_601 : memref<1x1x128x32xf32, #tpu.memory_space<vmem>> -> memref<128x32xf32, #tpu.memory_space<vmem>>
    %dma_start3A_603 = arith.constant 0 : i32
    %dma_start3A_604 = tpu.memref_slice %arg7[%dma_start3A_597, %dma_start3A_598, %dma_start3A_603] : memref<2x3x128xi32, #tpu.memory_space<vmem>> -> memref<1x1x128xi32, #tpu.memory_space<vmem>>
    %dma_start3A_605 = tpu.memref_squeeze %dma_start3A_604 : memref<1x1x128xi32, #tpu.memory_space<vmem>> -> memref<128xi32, #tpu.memory_space<vmem>>
    %dma_start3A_606 = arith.constant 0 : i32
    %dma_start3A_607 = arith.constant 0 : i32
    %dma_start3A_608 = tpu.memref_slice %arg9[%dma_start3A_606, %dma_start3A_607] : memref<50048x32xf32, #tpu.memory_space<vmem_shared>> -> memref<50048x32xf32, #tpu.memory_space<vmem_shared>>
    tpu.enqueue_indirect_dma source(%dma_start3A_602 : memref<128x32xf32, #tpu.memory_space<vmem>>) target(%dma_start3A_608 : memref<50048x32xf32, #tpu.memory_space<vmem_shared>>) offsets(%dma_start3A_605 : memref<128xi32, #tpu.memory_space<vmem>>) semaphore(%arg12 : memref<!tpu.dma_semaphore, #tpu.memory_space<semaphore_mem>>) {add = true}
    %dma_wait3A_609 = arith.constant 0 : i32
    %dma_wait3A_610 = arith.constant 0 : i32
    %dma_wait3A_611 = arith.constant 0 : i32
    %dma_wait3A_612 = arith.constant 0 : i32
    %dma_wait3A_613 = arith.constant 0 : i32
    %dma_wait3A_614 = arith.constant 0 : i32
    %dma_wait3A_615 = tpu.memref_slice %arg8[%dma_wait3A_609, %dma_wait3A_610, %dma_wait3A_613, %dma_wait3A_614] : memref<2x3x128x32xf32, #tpu.memory_space<vmem>> -> memref<1x1x128x32xf32, #tpu.memory_space<vmem>>
    %dma_wait3A_616 = tpu.memref_squeeze %dma_wait3A_615 : memref<1x1x128x32xf32, #tpu.memory_space<vmem>> -> memref<128x32xf32, #tpu.memory_space<vmem>>
    %dma_wait3A_617 = arith.constant 0 : i32
    %dma_wait3A_618 = tpu.memref_slice %arg7[%dma_wait3A_611, %dma_wait3A_612, %dma_wait3A_617] : memref<2x3x128xi32, #tpu.memory_space<vmem>> -> memref<1x1x128xi32, #tpu.memory_space<vmem>>
    %dma_wait3A_619 = tpu.memref_squeeze %dma_wait3A_618 : memref<1x1x128xi32, #tpu.memory_space<vmem>> -> memref<128xi32, #tpu.memory_space<vmem>>
    %dma_wait3A_620 = arith.constant 0 : i32
    %dma_wait3A_621 = arith.constant 0 : i32
    %dma_wait3A_622 = tpu.memref_slice %arg9[%dma_wait3A_620, %dma_wait3A_621] : memref<50048x32xf32, #tpu.memory_space<vmem_shared>> -> memref<50048x32xf32, #tpu.memory_space<vmem_shared>>
    tpu.wait_indirect_dma semaphore(%arg12 : memref<!tpu.dma_semaphore, #tpu.memory_space<semaphore_mem>>) src(%dma_wait3A_616 : memref<128x32xf32, #tpu.memory_space<vmem>>) dst(%dma_wait3A_622 : memref<50048x32xf32, #tpu.memory_space<vmem_shared>>)
    %dma_wait3A_623 = arith.constant 0 : i32
    %dma_wait3A_624 = arith.constant 1 : i32
    %dma_wait3A_625 = arith.constant 0 : i32
    %dma_wait3A_626 = arith.constant 1 : i32
    %dma_wait3A_627 = arith.constant 0 : i32
    %dma_wait3A_628 = arith.constant 0 : i32
    %dma_wait3A_629 = tpu.memref_slice %arg8[%dma_wait3A_623, %dma_wait3A_624, %dma_wait3A_627, %dma_wait3A_628] : memref<2x3x128x32xf32, #tpu.memory_space<vmem>> -> memref<1x1x128x32xf32, #tpu.memory_space<vmem>>
    %dma_wait3A_630 = tpu.memref_squeeze %dma_wait3A_629 : memref<1x1x128x32xf32, #tpu.memory_space<vmem>> -> memref<128x32xf32, #tpu.memory_space<vmem>>
    %dma_wait3A_631 = arith.constant 0 : i32
    %dma_wait3A_632 = tpu.memref_slice %arg7[%dma_wait3A_625, %dma_wait3A_626, %dma_wait3A_631] : memref<2x3x128xi32, #tpu.memory_space<vmem>> -> memref<1x1x128xi32, #tpu.memory_space<vmem>>
    %dma_wait3A_633 = tpu.memref_squeeze %dma_wait3A_632 : memref<1x1x128xi32, #tpu.memory_space<vmem>> -> memref<128xi32, #tpu.memory_space<vmem>>
    %dma_wait3A_634 = arith.constant 0 : i32
    %dma_wait3A_635 = arith.constant 0 : i32
    %dma_wait3A_636 = tpu.memref_slice %arg9[%dma_wait3A_634, %dma_wait3A_635] : memref<50048x32xf32, #tpu.memory_space<vmem_shared>> -> memref<50048x32xf32, #tpu.memory_space<vmem_shared>>
    tpu.wait_indirect_dma semaphore(%arg12 : memref<!tpu.dma_semaphore, #tpu.memory_space<semaphore_mem>>) src(%dma_wait3A_630 : memref<128x32xf32, #tpu.memory_space<vmem>>) dst(%dma_wait3A_636 : memref<50048x32xf32, #tpu.memory_space<vmem_shared>>)
    %dma_wait3A_637 = arith.constant 0 : i32
    %dma_wait3A_638 = arith.constant 2 : i32
    %dma_wait3A_639 = arith.constant 0 : i32
    %dma_wait3A_640 = arith.constant 2 : i32
    %dma_wait3A_641 = arith.constant 0 : i32
    %dma_wait3A_642 = arith.constant 0 : i32
    %dma_wait3A_643 = tpu.memref_slice %arg8[%dma_wait3A_637, %dma_wait3A_638, %dma_wait3A_641, %dma_wait3A_642] : memref<2x3x128x32xf32, #tpu.memory_space<vmem>> -> memref<1x1x128x32xf32, #tpu.memory_space<vmem>>
    %dma_wait3A_644 = tpu.memref_squeeze %dma_wait3A_643 : memref<1x1x128x32xf32, #tpu.memory_space<vmem>> -> memref<128x32xf32, #tpu.memory_space<vmem>>
    %dma_wait3A_645 = arith.constant 0 : i32
    %dma_wait3A_646 = tpu.memref_slice %arg7[%dma_wait3A_639, %dma_wait3A_640, %dma_wait3A_645] : memref<2x3x128xi32, #tpu.memory_space<vmem>> -> memref<1x1x128xi32, #tpu.memory_space<vmem>>
    %dma_wait3A_647 = tpu.memref_squeeze %dma_wait3A_646 : memref<1x1x128xi32, #tpu.memory_space<vmem>> -> memref<128xi32, #tpu.memory_space<vmem>>
    %dma_wait3A_648 = arith.constant 0 : i32
    %dma_wait3A_649 = arith.constant 0 : i32
    %dma_wait3A_650 = tpu.memref_slice %arg9[%dma_wait3A_648, %dma_wait3A_649] : memref<50048x32xf32, #tpu.memory_space<vmem_shared>> -> memref<50048x32xf32, #tpu.memory_space<vmem_shared>>
    tpu.wait_indirect_dma semaphore(%arg12 : memref<!tpu.dma_semaphore, #tpu.memory_space<semaphore_mem>>) src(%dma_wait3A_644 : memref<128x32xf32, #tpu.memory_space<vmem>>) dst(%dma_wait3A_650 : memref<50048x32xf32, #tpu.memory_space<vmem_shared>>)
    %lt3A = arith.constant 10 : i32
    %lt3A_651 = arith.cmpi slt, %add3A, %lt3A : i32
    %convert_element_type3A = arith.extui %lt3A_651 : i1 to i32
    %cond3A = arith.constant 0 : i32
    %cond3A_652 = arith.cmpi ne, %convert_element_type3A, %cond3A : i32
    scf.if %cond3A_652 {
      %add3A_658 = arith.constant 195 : i32
      %add3A_659 = arith.addi %add3A_4, %add3A_658 : i32
      %run_scoped3A_660 = arith.constant 0 : i32
      %run_scoped3A_661 = arith.constant 0 : i32
      "tpu.region"() ({
        %run_scoped3A_696 = tpu.sem_alloc : memref<!tpu.dma_semaphore, #tpu.memory_space<semaphore_mem>>
        %dma_start3A_697 = arith.constant 0 : i32
        %dma_start3A_698 = arith.constant 0 : i32
        %dma_start3A_699 = tpu.memref_slice %arg6[%run_scoped3A_661, %dma_start3A_697, %dma_start3A_698] : memref<2x3x128xi32, #tpu.memory_space<vmem>> -> memref<1x1x128xi32, #tpu.memory_space<vmem>>
        %dma_start3A_700 = tpu.memref_squeeze %dma_start3A_699 : memref<1x1x128xi32, #tpu.memory_space<vmem>> -> memref<1x128xi32, #tpu.memory_space<vmem>>
        %dma_start3A_701 = arith.constant 0 : i32
        %dma_start3A_702 = tpu.memref_slice %arg3[%run_scoped3A_660, %add3A_659, %dma_start3A_701] : memref<2x6250x128xi32, #tpu.memory_space<hbm>> -> memref<1x1x128xi32, #tpu.memory_space<hbm>>
        %dma_start3A_703 = tpu.memref_squeeze %dma_start3A_702 : memref<1x1x128xi32, #tpu.memory_space<hbm>> -> memref<1x128xi32, #tpu.memory_space<hbm>>
        %dma_start3A_704 = arith.constant 0 : i32
        %dma_start3A_705 = arith.constant 0 : i32
        %dma_start3A_706 = tpu.memref_slice %arg6[%run_scoped3A_661, %dma_start3A_704, %dma_start3A_705] : memref<2x3x128xi32, #tpu.memory_space<vmem>> -> memref<1x1x128xi32, #tpu.memory_space<vmem>>
        %dma_start3A_707 = tpu.memref_squeeze %dma_start3A_706 : memref<1x1x128xi32, #tpu.memory_space<vmem>> -> memref<1x128xi32, #tpu.memory_space<vmem>>
        %dma_start3A_708 = arith.constant 0 : i32
        %dma_start3A_709 = tpu.memref_slice %arg3[%run_scoped3A_660, %add3A_659, %dma_start3A_708] : memref<2x6250x128xi32, #tpu.memory_space<hbm>> -> memref<1x1x128xi32, #tpu.memory_space<hbm>>
        %dma_start3A_710 = tpu.memref_squeeze %dma_start3A_709 : memref<1x1x128xi32, #tpu.memory_space<hbm>> -> memref<1x128xi32, #tpu.memory_space<hbm>>
        tpu.enqueue_dma source(%dma_start3A_710 : memref<1x128xi32, #tpu.memory_space<hbm>>) target(%dma_start3A_707 : memref<1x128xi32, #tpu.memory_space<vmem>>) target_semaphore(%run_scoped3A_696 : memref<!tpu.dma_semaphore, #tpu.memory_space<semaphore_mem>>)
        %dma_wait3A_711 = arith.constant 0 : i32
        %dma_wait3A_712 = arith.constant 0 : i32
        %dma_wait3A_713 = tpu.memref_slice %arg6[%run_scoped3A_661, %dma_wait3A_711, %dma_wait3A_712] : memref<2x3x128xi32, #tpu.memory_space<vmem>> -> memref<1x1x128xi32, #tpu.memory_space<vmem>>
        %dma_wait3A_714 = tpu.memref_squeeze %dma_wait3A_713 : memref<1x1x128xi32, #tpu.memory_space<vmem>> -> memref<1x128xi32, #tpu.memory_space<vmem>>
        %dma_wait3A_715 = arith.constant 0 : i32
        %dma_wait3A_716 = tpu.memref_slice %arg3[%run_scoped3A_660, %add3A_659, %dma_wait3A_715] : memref<2x6250x128xi32, #tpu.memory_space<hbm>> -> memref<1x1x128xi32, #tpu.memory_space<hbm>>
        %dma_wait3A_717 = tpu.memref_squeeze %dma_wait3A_716 : memref<1x1x128xi32, #tpu.memory_space<hbm>> -> memref<1x128xi32, #tpu.memory_space<hbm>>
        %dma_wait3A_718 = arith.constant 0 : i32
        %dma_wait3A_719 = arith.constant 0 : i32
        %dma_wait3A_720 = tpu.memref_slice %arg6[%run_scoped3A_661, %dma_wait3A_718, %dma_wait3A_719] : memref<2x3x128xi32, #tpu.memory_space<vmem>> -> memref<1x1x128xi32, #tpu.memory_space<vmem>>
        %dma_wait3A_721 = tpu.memref_squeeze %dma_wait3A_720 : memref<1x1x128xi32, #tpu.memory_space<vmem>> -> memref<1x128xi32, #tpu.memory_space<vmem>>
        %dma_wait3A_722 = arith.constant 0 : i32
        %dma_wait3A_723 = tpu.memref_slice %arg3[%run_scoped3A_660, %add3A_659, %dma_wait3A_722] : memref<2x6250x128xi32, #tpu.memory_space<hbm>> -> memref<1x1x128xi32, #tpu.memory_space<hbm>>
        %dma_wait3A_724 = tpu.memref_squeeze %dma_wait3A_723 : memref<1x1x128xi32, #tpu.memory_space<hbm>> -> memref<1x128xi32, #tpu.memory_space<hbm>>
        tpu.wait_dma2 semaphore(%run_scoped3A_696 : memref<!tpu.dma_semaphore, #tpu.memory_space<semaphore_mem>>) src(%dma_wait3A_724 : memref<1x128xi32, #tpu.memory_space<hbm>>) dst(%dma_wait3A_721 : memref<1x128xi32, #tpu.memory_space<vmem>>)
        tpu.yield
      }) : () -> ()
      %run_scoped3A_662 = arith.constant 1 : i32
      %run_scoped3A_663 = arith.constant 0 : i32
      "tpu.region"() ({
        %run_scoped3A_696 = tpu.sem_alloc : memref<!tpu.dma_semaphore, #tpu.memory_space<semaphore_mem>>
        %dma_start3A_697 = arith.constant 0 : i32
        %dma_start3A_698 = arith.constant 0 : i32
        %dma_start3A_699 = tpu.memref_slice %arg7[%run_scoped3A_663, %dma_start3A_697, %dma_start3A_698] : memref<2x3x128xi32, #tpu.memory_space<vmem>> -> memref<1x1x128xi32, #tpu.memory_space<vmem>>
        %dma_start3A_700 = tpu.memref_squeeze %dma_start3A_699 : memref<1x1x128xi32, #tpu.memory_space<vmem>> -> memref<1x128xi32, #tpu.memory_space<vmem>>
        %dma_start3A_701 = arith.constant 0 : i32
        %dma_start3A_702 = tpu.memref_slice %arg3[%run_scoped3A_662, %add3A_659, %dma_start3A_701] : memref<2x6250x128xi32, #tpu.memory_space<hbm>> -> memref<1x1x128xi32, #tpu.memory_space<hbm>>
        %dma_start3A_703 = tpu.memref_squeeze %dma_start3A_702 : memref<1x1x128xi32, #tpu.memory_space<hbm>> -> memref<1x128xi32, #tpu.memory_space<hbm>>
        %dma_start3A_704 = arith.constant 0 : i32
        %dma_start3A_705 = arith.constant 0 : i32
        %dma_start3A_706 = tpu.memref_slice %arg7[%run_scoped3A_663, %dma_start3A_704, %dma_start3A_705] : memref<2x3x128xi32, #tpu.memory_space<vmem>> -> memref<1x1x128xi32, #tpu.memory_space<vmem>>
        %dma_start3A_707 = tpu.memref_squeeze %dma_start3A_706 : memref<1x1x128xi32, #tpu.memory_space<vmem>> -> memref<1x128xi32, #tpu.memory_space<vmem>>
        %dma_start3A_708 = arith.constant 0 : i32
        %dma_start3A_709 = tpu.memref_slice %arg3[%run_scoped3A_662, %add3A_659, %dma_start3A_708] : memref<2x6250x128xi32, #tpu.memory_space<hbm>> -> memref<1x1x128xi32, #tpu.memory_space<hbm>>
        %dma_start3A_710 = tpu.memref_squeeze %dma_start3A_709 : memref<1x1x128xi32, #tpu.memory_space<hbm>> -> memref<1x128xi32, #tpu.memory_space<hbm>>
        tpu.enqueue_dma source(%dma_start3A_710 : memref<1x128xi32, #tpu.memory_space<hbm>>) target(%dma_start3A_707 : memref<1x128xi32, #tpu.memory_space<vmem>>) target_semaphore(%run_scoped3A_696 : memref<!tpu.dma_semaphore, #tpu.memory_space<semaphore_mem>>)
        %dma_wait3A_711 = arith.constant 0 : i32
        %dma_wait3A_712 = arith.constant 0 : i32
        %dma_wait3A_713 = tpu.memref_slice %arg7[%run_scoped3A_663, %dma_wait3A_711, %dma_wait3A_712] : memref<2x3x128xi32, #tpu.memory_space<vmem>> -> memref<1x1x128xi32, #tpu.memory_space<vmem>>
        %dma_wait3A_714 = tpu.memref_squeeze %dma_wait3A_713 : memref<1x1x128xi32, #tpu.memory_space<vmem>> -> memref<1x128xi32, #tpu.memory_space<vmem>>
        %dma_wait3A_715 = arith.constant 0 : i32
        %dma_wait3A_716 = tpu.memref_slice %arg3[%run_scoped3A_662, %add3A_659, %dma_wait3A_715] : memref<2x6250x128xi32, #tpu.memory_space<hbm>> -> memref<1x1x128xi32, #tpu.memory_space<hbm>>
        %dma_wait3A_717 = tpu.memref_squeeze %dma_wait3A_716 : memref<1x1x128xi32, #tpu.memory_space<hbm>> -> memref<1x128xi32, #tpu.memory_space<hbm>>
        %dma_wait3A_718 = arith.constant 0 : i32
        %dma_wait3A_719 = arith.constant 0 : i32
        %dma_wait3A_720 = tpu.memref_slice %arg7[%run_scoped3A_663, %dma_wait3A_718, %dma_wait3A_719] : memref<2x3x128xi32, #tpu.memory_space<vmem>> -> memref<1x1x128xi32, #tpu.memory_space<vmem>>
        %dma_wait3A_721 = tpu.memref_squeeze %dma_wait3A_720 : memref<1x1x128xi32, #tpu.memory_space<vmem>> -> memref<1x128xi32, #tpu.memory_space<vmem>>
        %dma_wait3A_722 = arith.constant 0 : i32
        %dma_wait3A_723 = tpu.memref_slice %arg3[%run_scoped3A_662, %add3A_659, %dma_wait3A_722] : memref<2x6250x128xi32, #tpu.memory_space<hbm>> -> memref<1x1x128xi32, #tpu.memory_space<hbm>>
        %dma_wait3A_724 = tpu.memref_squeeze %dma_wait3A_723 : memref<1x1x128xi32, #tpu.memory_space<hbm>> -> memref<1x128xi32, #tpu.memory_space<hbm>>
        tpu.wait_dma2 semaphore(%run_scoped3A_696 : memref<!tpu.dma_semaphore, #tpu.memory_space<semaphore_mem>>) src(%dma_wait3A_724 : memref<1x128xi32, #tpu.memory_space<hbm>>) dst(%dma_wait3A_721 : memref<1x128xi32, #tpu.memory_space<vmem>>)
        tpu.yield
      }) : () -> ()
      %dma_start3A_664 = arith.constant 0 : i32
      %dma_start3A_665 = arith.constant 0 : i32
      %dma_start3A_666 = arith.constant 0 : i32
      %dma_start3A_667 = arith.constant 0 : i32
      %dma_start3A_668 = arith.constant 0 : i32
      %dma_start3A_669 = arith.constant 0 : i32
      %dma_start3A_670 = tpu.memref_slice %arg8[%dma_start3A_666, %dma_start3A_667, %dma_start3A_668, %dma_start3A_669] : memref<2x3x128x32xf32, #tpu.memory_space<vmem>> -> memref<1x1x128x32xf32, #tpu.memory_space<vmem>>
      %dma_start3A_671 = tpu.memref_squeeze %dma_start3A_670 : memref<1x1x128x32xf32, #tpu.memory_space<vmem>> -> memref<128x32xf32, #tpu.memory_space<vmem>>
      %dma_start3A_672 = arith.constant 0 : i32
      %dma_start3A_673 = tpu.memref_slice %arg6[%dma_start3A_664, %dma_start3A_665, %dma_start3A_672] : memref<2x3x128xi32, #tpu.memory_space<vmem>> -> memref<1x1x128xi32, #tpu.memory_space<vmem>>
      %dma_start3A_674 = tpu.memref_squeeze %dma_start3A_673 : memref<1x1x128xi32, #tpu.memory_space<vmem>> -> memref<128xi32, #tpu.memory_space<vmem>>
      %dma_start3A_675 = arith.constant 0 : i32
      %dma_start3A_676 = arith.constant 0 : i32
      %dma_start3A_677 = tpu.memref_slice %arg2[%dma_start3A_675, %dma_start3A_676] : memref<50048x32xf32, #tpu.memory_space<hbm>> -> memref<50048x32xf32, #tpu.memory_space<hbm>>
      tpu.enqueue_indirect_dma source(%dma_start3A_677 : memref<50048x32xf32, #tpu.memory_space<hbm>>) target(%dma_start3A_671 : memref<128x32xf32, #tpu.memory_space<vmem>>) offsets(%dma_start3A_674 : memref<128xi32, #tpu.memory_space<vmem>>) semaphore(%arg11 : memref<!tpu.dma_semaphore, #tpu.memory_space<semaphore_mem>>)
      %dma_wait3A_678 = arith.constant 0 : i32
      %dma_wait3A_679 = arith.constant 0 : i32
      %dma_wait3A_680 = arith.constant 0 : i32
      %dma_wait3A_681 = arith.constant 0 : i32
      %dma_wait3A_682 = arith.constant 0 : i32
      %dma_wait3A_683 = arith.constant 0 : i32
      %dma_wait3A_684 = tpu.memref_slice %arg8[%dma_wait3A_680, %dma_wait3A_681, %dma_wait3A_682, %dma_wait3A_683] : memref<2x3x128x32xf32, #tpu.memory_space<vmem>> -> memref<1x1x128x32xf32, #tpu.memory_space<vmem>>
      %dma_wait3A_685 = tpu.memref_squeeze %dma_wait3A_684 : memref<1x1x128x32xf32, #tpu.memory_space<vmem>> -> memref<128x32xf32, #tpu.memory_space<vmem>>
      %dma_wait3A_686 = arith.constant 0 : i32
      %dma_wait3A_687 = tpu.memref_slice %arg6[%dma_wait3A_678, %dma_wait3A_679, %dma_wait3A_686] : memref<2x3x128xi32, #tpu.memory_space<vmem>> -> memref<1x1x128xi32, #tpu.memory_space<vmem>>
      %dma_wait3A_688 = tpu.memref_squeeze %dma_wait3A_687 : memref<1x1x128xi32, #tpu.memory_space<vmem>> -> memref<128xi32, #tpu.memory_space<vmem>>
      %dma_wait3A_689 = arith.constant 0 : i32
      %dma_wait3A_690 = arith.constant 0 : i32
      %dma_wait3A_691 = tpu.memref_slice %arg2[%dma_wait3A_689, %dma_wait3A_690] : memref<50048x32xf32, #tpu.memory_space<hbm>> -> memref<50048x32xf32, #tpu.memory_space<hbm>>
      tpu.wait_indirect_dma semaphore(%arg11 : memref<!tpu.dma_semaphore, #tpu.memory_space<semaphore_mem>>) src(%dma_wait3A_691 : memref<50048x32xf32, #tpu.memory_space<hbm>>) dst(%dma_wait3A_685 : memref<128x32xf32, #tpu.memory_space<vmem>>)
      %run_scoped3A_692 = arith.constant 0 : i32
      %run_scoped3A_693 = arith.constant 0 : i32
      %run_scoped3A_694 = arith.constant 0 : i32
      %run_scoped3A_695 = arith.constant 0 : i32
      "tpu.region"() ({
        %run_scoped3A_696 = tpu.sem_alloc : memref<!tpu.dma_semaphore, #tpu.memory_space<semaphore_mem>>
        %dma_start3A_697 = arith.constant 0 : i32
        %dma_start3A_698 = arith.constant 0 : i32
        %dma_start3A_699 = tpu.memref_slice %arg8[%run_scoped3A_692, %run_scoped3A_693, %dma_start3A_697, %dma_start3A_698] : memref<2x3x128x32xf32, #tpu.memory_space<vmem>> -> memref<1x1x128x32xf32, #tpu.memory_space<vmem>>
        %dma_start3A_700 = tpu.memref_squeeze %dma_start3A_699 : memref<1x1x128x32xf32, #tpu.memory_space<vmem>> -> memref<128x32xf32, #tpu.memory_space<vmem>>
        %dma_start3A_701 = arith.constant 0 : i32
        %dma_start3A_702 = tpu.memref_slice %arg7[%run_scoped3A_694, %run_scoped3A_695, %dma_start3A_701] : memref<2x3x128xi32, #tpu.memory_space<vmem>> -> memref<1x1x128xi32, #tpu.memory_space<vmem>>
        %dma_start3A_703 = tpu.memref_squeeze %dma_start3A_702 : memref<1x1x128xi32, #tpu.memory_space<vmem>> -> memref<128xi32, #tpu.memory_space<vmem>>
        %dma_start3A_704 = arith.constant 0 : i32
        %dma_start3A_705 = arith.constant 0 : i32
        %dma_start3A_706 = tpu.memref_slice %arg9[%dma_start3A_704, %dma_start3A_705] : memref<50048x32xf32, #tpu.memory_space<vmem_shared>> -> memref<50048x32xf32, #tpu.memory_space<vmem_shared>>
        tpu.enqueue_indirect_dma source(%dma_start3A_700 : memref<128x32xf32, #tpu.memory_space<vmem>>) target(%dma_start3A_706 : memref<50048x32xf32, #tpu.memory_space<vmem_shared>>) offsets(%dma_start3A_703 : memref<128xi32, #tpu.memory_space<vmem>>) semaphore(%run_scoped3A_696 : memref<!tpu.dma_semaphore, #tpu.memory_space<semaphore_mem>>) {add = true}
        %dma_wait3A_707 = arith.constant 0 : i32
        %dma_wait3A_708 = arith.constant 0 : i32
        %dma_wait3A_709 = tpu.memref_slice %arg8[%run_scoped3A_692, %run_scoped3A_693, %dma_wait3A_707, %dma_wait3A_708] : memref<2x3x128x32xf32, #tpu.memory_space<vmem>> -> memref<1x1x128x32xf32, #tpu.memory_space<vmem>>
        %dma_wait3A_710 = tpu.memref_squeeze %dma_wait3A_709 : memref<1x1x128x32xf32, #tpu.memory_space<vmem>> -> memref<128x32xf32, #tpu.memory_space<vmem>>
        %dma_wait3A_711 = arith.constant 0 : i32
        %dma_wait3A_712 = tpu.memref_slice %arg7[%run_scoped3A_694, %run_scoped3A_695, %dma_wait3A_711] : memref<2x3x128xi32, #tpu.memory_space<vmem>> -> memref<1x1x128xi32, #tpu.memory_space<vmem>>
        %dma_wait3A_713 = tpu.memref_squeeze %dma_wait3A_712 : memref<1x1x128xi32, #tpu.memory_space<vmem>> -> memref<128xi32, #tpu.memory_space<vmem>>
        %dma_wait3A_714 = arith.constant 0 : i32
        %dma_wait3A_715 = arith.constant 0 : i32
        %dma_wait3A_716 = tpu.memref_slice %arg9[%dma_wait3A_714, %dma_wait3A_715] : memref<50048x32xf32, #tpu.memory_space<vmem_shared>> -> memref<50048x32xf32, #tpu.memory_space<vmem_shared>>
        tpu.wait_indirect_dma semaphore(%run_scoped3A_696 : memref<!tpu.dma_semaphore, #tpu.memory_space<semaphore_mem>>) src(%dma_wait3A_710 : memref<128x32xf32, #tpu.memory_space<vmem>>) dst(%dma_wait3A_716 : memref<50048x32xf32, #tpu.memory_space<vmem_shared>>)
        tpu.yield
      }) : () -> ()
    } else {
    }
    %barrier3A_653 = arith.constant 0 : index
    tpu.barrier barrier_id(%barrier3A_653)
    %mul3A_654 = arith.constant 3128 : i32
    %mul3A_655 = arith.muli %arg1, %mul3A_654 : i32
    %mul3A_656 = arith.constant 3128 : i32
    %mul3A_657 = arith.muli %arg1, %mul3A_656 : i32
    "tpu.region"() ({
      %run_scoped3A_658 = tpu.sem_alloc : memref<!tpu.dma_semaphore, #tpu.memory_space<semaphore_mem>>
      %dma_start3A_659 = arith.constant 0 : i32
      %dma_start3A_660 = tpu.memref_slice %arg5[%arg0, %mul3A_657, %dma_start3A_659] : memref<2x50048x32xf32, #tpu.memory_space<hbm>> -> memref<1x3128x32xf32, #tpu.memory_space<hbm>>
      %dma_start3A_661 = tpu.memref_squeeze %dma_start3A_660 : memref<1x3128x32xf32, #tpu.memory_space<hbm>> -> memref<3128x32xf32, #tpu.memory_space<hbm>>
      %dma_start3A_662 = arith.constant 0 : i32
      %dma_start3A_663 = tpu.memref_slice %arg9[%mul3A_655, %dma_start3A_662] : memref<50048x32xf32, #tpu.memory_space<vmem_shared>> -> memref<3128x32xf32, #tpu.memory_space<vmem_shared>>
      tpu.enqueue_dma source(%dma_start3A_663 : memref<3128x32xf32, #tpu.memory_space<vmem_shared>>) target(%dma_start3A_661 : memref<3128x32xf32, #tpu.memory_space<hbm>>) target_semaphore(%run_scoped3A_658 : memref<!tpu.dma_semaphore, #tpu.memory_space<semaphore_mem>>)
      %dma_wait3A_664 = arith.constant 0 : i32
      %dma_wait3A_665 = tpu.memref_slice %arg5[%arg0, %mul3A_657, %dma_wait3A_664] : memref<2x50048x32xf32, #tpu.memory_space<hbm>> -> memref<1x3128x32xf32, #tpu.memory_space<hbm>>
      %dma_wait3A_666 = tpu.memref_squeeze %dma_wait3A_665 : memref<1x3128x32xf32, #tpu.memory_space<hbm>> -> memref<3128x32xf32, #tpu.memory_space<hbm>>
      %dma_wait3A_667 = arith.constant 0 : i32
      %dma_wait3A_668 = tpu.memref_slice %arg9[%mul3A_655, %dma_wait3A_667] : memref<50048x32xf32, #tpu.memory_space<vmem_shared>> -> memref<3128x32xf32, #tpu.memory_space<vmem_shared>>
      tpu.wait_dma2 semaphore(%run_scoped3A_658 : memref<!tpu.dma_semaphore, #tpu.memory_space<semaphore_mem>>) src(%dma_wait3A_668 : memref<3128x32xf32, #tpu.memory_space<vmem_shared>>) dst(%dma_wait3A_666 : memref<3128x32xf32, #tpu.memory_space<hbm>>)
      tpu.yield
    }) : () -> ()
    return
  }
}

#map = affine_map<(d0, d1) -> (0, 0)>
#map1 = affine_map<(d0, d1) -> (0, 0, 0)>
module attributes {stable_mosaic.version = 14 : i64} {
  func.func @deg_kernel(%arg0: i32, %arg1: i32, %arg2: memref<2x800000xi32, #tpu.memory_space<hbm>>, %arg3: memref<50048x8xf32, #tpu.memory_space<hbm>>, %arg4: memref<384x8xf32, #tpu.memory_space<hbm>>, %arg5: memref<2x50048x8xf32, #tpu.memory_space<hbm>>, %arg6: memref<6x384xi32, #tpu.memory_space<vmem>>, %arg7: memref<128xi32, #tpu.memory_space<vmem>>, %arg8: memref<384x8xf32, #tpu.memory_space<vmem>>, %arg9: memref<50048x8xf32, #tpu.memory_space<vmem_shared>>, %arg10: memref<!tpu.dma_semaphore, #tpu.memory_space<semaphore_mem>>, %arg11: memref<!tpu.dma_semaphore, #tpu.memory_space<semaphore_mem>>) attributes {dimension_semantics = [#tpu.dimension_semantics<core_parallel>, #tpu.dimension_semantics<subcore_parallel>], iteration_bounds = array<i64: 2, 16>, scalar_prefetch = 0 : i64, scratch_operands = 6 : i64, tpu.core_type = #tpu.core_type<sc_vector_subcore>, window_params = [{transform_indices = #map}, {transform_indices = #map}, {transform_indices = #map}, {transform_indices = #map1}]} {
    %mul3A = arith.constant 2 : i32
    %mul3A_0 = arith.muli %arg1, %mul3A : i32
    %add3A = arith.addi %mul3A_0, %arg0 : i32
    %mul3A_1 = arith.constant 195 : i32
    %mul3A_2 = arith.muli %add3A, %mul3A_1 : i32
    %min3A = arith.constant 10 : i32
    %min3A_3 = arith.minsi %add3A, %min3A : i32
    %add3A_4 = arith.addi %mul3A_2, %min3A_3 : i32
    %mul3A_5 = arith.constant 128 : i32
    %mul3A_6 = arith.muli %add3A_4, %mul3A_5 : i32
    "tpu.region"() ({
      %run_scoped3A = tpu.sem_alloc : memref<!tpu.dma_semaphore, #tpu.memory_space<semaphore_mem>>
      tpu.enqueue_dma source(%arg4 : memref<384x8xf32, #tpu.memory_space<hbm>>) target(%arg8 : memref<384x8xf32, #tpu.memory_space<vmem>>) target_semaphore(%run_scoped3A : memref<!tpu.dma_semaphore, #tpu.memory_space<semaphore_mem>>)
      tpu.wait_dma2 semaphore(%run_scoped3A : memref<!tpu.dma_semaphore, #tpu.memory_space<semaphore_mem>>) src(%arg4 : memref<384x8xf32, #tpu.memory_space<hbm>>) dst(%arg8 : memref<384x8xf32, #tpu.memory_space<vmem>>)
      tpu.yield
    }) : () -> ()
    %add3A_7 = arith.constant 0 : i32
    %add3A_8 = arith.addi %mul3A_6, %add3A_7 : i32
    %dma_start3A = arith.constant 1 : i32
    %dma_start3A_9 = arith.constant 0 : i32
    %dma_start3A_10 = arith.constant 0 : i32
    %dma_start3A_11 = tpu.memref_slice %arg6[%dma_start3A_9, %dma_start3A_10] : memref<6x384xi32, #tpu.memory_space<vmem>> -> memref<1x384xi32, #tpu.memory_space<vmem>>
    %dma_start3A_12 = tpu.memref_squeeze %dma_start3A_11 : memref<1x384xi32, #tpu.memory_space<vmem>> -> memref<384xi32, #tpu.memory_space<vmem>>
    %dma_start3A_13 = tpu.memref_slice %arg2[%dma_start3A, %add3A_8] : memref<2x800000xi32, #tpu.memory_space<hbm>> -> memref<1x384xi32, #tpu.memory_space<hbm>>
    %dma_start3A_14 = tpu.memref_squeeze %dma_start3A_13 : memref<1x384xi32, #tpu.memory_space<hbm>> -> memref<384xi32, #tpu.memory_space<hbm>>
    %dma_start3A_15 = arith.constant 0 : i32
    %dma_start3A_16 = tpu.memref_slice %arg6[%dma_start3A_9, %dma_start3A_15] : memref<6x384xi32, #tpu.memory_space<vmem>> -> memref<1x384xi32, #tpu.memory_space<vmem>>
    %dma_start3A_17 = tpu.memref_squeeze %dma_start3A_16 : memref<1x384xi32, #tpu.memory_space<vmem>> -> memref<384xi32, #tpu.memory_space<vmem>>
    %dma_start3A_18 = tpu.memref_slice %arg2[%dma_start3A, %add3A_8] : memref<2x800000xi32, #tpu.memory_space<hbm>> -> memref<1x384xi32, #tpu.memory_space<hbm>>
    %dma_start3A_19 = tpu.memref_squeeze %dma_start3A_18 : memref<1x384xi32, #tpu.memory_space<hbm>> -> memref<384xi32, #tpu.memory_space<hbm>>
    tpu.enqueue_dma source(%dma_start3A_19 : memref<384xi32, #tpu.memory_space<hbm>>) target(%dma_start3A_17 : memref<384xi32, #tpu.memory_space<vmem>>) target_semaphore(%arg10 : memref<!tpu.dma_semaphore, #tpu.memory_space<semaphore_mem>>)
    %mul3A_20 = arith.constant 3128 : i32
    %mul3A_21 = arith.muli %arg1, %mul3A_20 : i32
    %mul3A_22 = arith.constant 3128 : i32
    %mul3A_23 = arith.muli %arg1, %mul3A_22 : i32
    "tpu.region"() ({
      %run_scoped3A = tpu.sem_alloc : memref<!tpu.dma_semaphore, #tpu.memory_space<semaphore_mem>>
      %dma_start3A_84 = arith.constant 0 : i32
      %dma_start3A_85 = tpu.memref_slice %arg9[%mul3A_23, %dma_start3A_84] : memref<50048x8xf32, #tpu.memory_space<vmem_shared>> -> memref<3128x8xf32, #tpu.memory_space<vmem_shared>>
      %dma_start3A_86 = arith.constant 0 : i32
      %dma_start3A_87 = tpu.memref_slice %arg3[%mul3A_21, %dma_start3A_86] : memref<50048x8xf32, #tpu.memory_space<hbm>> -> memref<3128x8xf32, #tpu.memory_space<hbm>>
      tpu.enqueue_dma source(%dma_start3A_87 : memref<3128x8xf32, #tpu.memory_space<hbm>>) target(%dma_start3A_85 : memref<3128x8xf32, #tpu.memory_space<vmem_shared>>) target_semaphore(%run_scoped3A : memref<!tpu.dma_semaphore, #tpu.memory_space<semaphore_mem>>)
      %dma_wait3A_88 = arith.constant 0 : i32
      %dma_wait3A_89 = tpu.memref_slice %arg9[%mul3A_23, %dma_wait3A_88] : memref<50048x8xf32, #tpu.memory_space<vmem_shared>> -> memref<3128x8xf32, #tpu.memory_space<vmem_shared>>
      %dma_wait3A_90 = arith.constant 0 : i32
      %dma_wait3A_91 = tpu.memref_slice %arg3[%mul3A_21, %dma_wait3A_90] : memref<50048x8xf32, #tpu.memory_space<hbm>> -> memref<3128x8xf32, #tpu.memory_space<hbm>>
      tpu.wait_dma2 semaphore(%run_scoped3A : memref<!tpu.dma_semaphore, #tpu.memory_space<semaphore_mem>>) src(%dma_wait3A_91 : memref<3128x8xf32, #tpu.memory_space<hbm>>) dst(%dma_wait3A_89 : memref<3128x8xf32, #tpu.memory_space<vmem_shared>>)
      tpu.yield
    }) : () -> ()
    %barrier3A = arith.constant 0 : index
    tpu.barrier barrier_id(%barrier3A)
    %add3A_24 = arith.constant 384 : i32
    %add3A_25 = arith.addi %mul3A_6, %add3A_24 : i32
    %dma_start3A_26 = arith.constant 1 : i32
    %dma_start3A_27 = arith.constant 1 : i32
    %dma_start3A_28 = arith.constant 0 : i32
    %dma_start3A_29 = tpu.memref_slice %arg6[%dma_start3A_27, %dma_start3A_28] : memref<6x384xi32, #tpu.memory_space<vmem>> -> memref<1x384xi32, #tpu.memory_space<vmem>>
    %dma_start3A_30 = tpu.memref_squeeze %dma_start3A_29 : memref<1x384xi32, #tpu.memory_space<vmem>> -> memref<384xi32, #tpu.memory_space<vmem>>
    %dma_start3A_31 = tpu.memref_slice %arg2[%dma_start3A_26, %add3A_25] : memref<2x800000xi32, #tpu.memory_space<hbm>> -> memref<1x384xi32, #tpu.memory_space<hbm>>
    %dma_start3A_32 = tpu.memref_squeeze %dma_start3A_31 : memref<1x384xi32, #tpu.memory_space<hbm>> -> memref<384xi32, #tpu.memory_space<hbm>>
    %dma_start3A_33 = arith.constant 0 : i32
    %dma_start3A_34 = tpu.memref_slice %arg6[%dma_start3A_27, %dma_start3A_33] : memref<6x384xi32, #tpu.memory_space<vmem>> -> memref<1x384xi32, #tpu.memory_space<vmem>>
    %dma_start3A_35 = tpu.memref_squeeze %dma_start3A_34 : memref<1x384xi32, #tpu.memory_space<vmem>> -> memref<384xi32, #tpu.memory_space<vmem>>
    %dma_start3A_36 = tpu.memref_slice %arg2[%dma_start3A_26, %add3A_25] : memref<2x800000xi32, #tpu.memory_space<hbm>> -> memref<1x384xi32, #tpu.memory_space<hbm>>
    %dma_start3A_37 = tpu.memref_squeeze %dma_start3A_36 : memref<1x384xi32, #tpu.memory_space<hbm>> -> memref<384xi32, #tpu.memory_space<hbm>>
    tpu.enqueue_dma source(%dma_start3A_37 : memref<384xi32, #tpu.memory_space<hbm>>) target(%dma_start3A_35 : memref<384xi32, #tpu.memory_space<vmem>>) target_semaphore(%arg10 : memref<!tpu.dma_semaphore, #tpu.memory_space<semaphore_mem>>)
    %add3A_38 = arith.constant 768 : i32
    %add3A_39 = arith.addi %mul3A_6, %add3A_38 : i32
    %dma_start3A_40 = arith.constant 1 : i32
    %dma_start3A_41 = arith.constant 2 : i32
    %dma_start3A_42 = arith.constant 0 : i32
    %dma_start3A_43 = tpu.memref_slice %arg6[%dma_start3A_41, %dma_start3A_42] : memref<6x384xi32, #tpu.memory_space<vmem>> -> memref<1x384xi32, #tpu.memory_space<vmem>>
    %dma_start3A_44 = tpu.memref_squeeze %dma_start3A_43 : memref<1x384xi32, #tpu.memory_space<vmem>> -> memref<384xi32, #tpu.memory_space<vmem>>
    %dma_start3A_45 = tpu.memref_slice %arg2[%dma_start3A_40, %add3A_39] : memref<2x800000xi32, #tpu.memory_space<hbm>> -> memref<1x384xi32, #tpu.memory_space<hbm>>
    %dma_start3A_46 = tpu.memref_squeeze %dma_start3A_45 : memref<1x384xi32, #tpu.memory_space<hbm>> -> memref<384xi32, #tpu.memory_space<hbm>>
    %dma_start3A_47 = arith.constant 0 : i32
    %dma_start3A_48 = tpu.memref_slice %arg6[%dma_start3A_41, %dma_start3A_47] : memref<6x384xi32, #tpu.memory_space<vmem>> -> memref<1x384xi32, #tpu.memory_space<vmem>>
    %dma_start3A_49 = tpu.memref_squeeze %dma_start3A_48 : memref<1x384xi32, #tpu.memory_space<vmem>> -> memref<384xi32, #tpu.memory_space<vmem>>
    %dma_start3A_50 = tpu.memref_slice %arg2[%dma_start3A_40, %add3A_39] : memref<2x800000xi32, #tpu.memory_space<hbm>> -> memref<1x384xi32, #tpu.memory_space<hbm>>
    %dma_start3A_51 = tpu.memref_squeeze %dma_start3A_50 : memref<1x384xi32, #tpu.memory_space<hbm>> -> memref<384xi32, #tpu.memory_space<hbm>>
    tpu.enqueue_dma source(%dma_start3A_51 : memref<384xi32, #tpu.memory_space<hbm>>) target(%dma_start3A_49 : memref<384xi32, #tpu.memory_space<vmem>>) target_semaphore(%arg10 : memref<!tpu.dma_semaphore, #tpu.memory_space<semaphore_mem>>)
    %scan3A = arith.constant 0 : i32
    %scan3A_52 = arith.constant 0 : i32
    %scan3A_53 = arith.constant 65 : i32
    %scan3A_54 = arith.addi %scan3A_52, %scan3A_53 : i32
    %scan3A_55 = arith.constant 1 : i32
    scf.for %scan3A_84 = %scan3A_52 to %scan3A_54 step %scan3A_55  : i32 {
      %jit3A = arith.constant 6 : i32
      %eq3A = arith.constant 0 : i32
      %eq3A_85 = arith.cmpi eq, %jit3A, %eq3A : i32
      %jit3A_86 = arith.constant 1 : i32
      %select_n3A = arith.select %eq3A_85, %jit3A_86, %jit3A : i32
      %rem3A = arith.remsi %scan3A_84, %select_n3A : i32
      %ne3A = arith.constant 0 : i32
      %ne3A_87 = arith.cmpi ne, %rem3A, %ne3A : i32
      %lt3A_88 = arith.constant 0 : i32
      %lt3A_89 = arith.cmpi slt, %rem3A, %lt3A_88 : i32
      %lt3A_90 = arith.constant 0 : i32
      %lt3A_91 = arith.cmpi slt, %select_n3A, %lt3A_90 : i32
      %ne3A_92 = arith.xori %lt3A_89, %lt3A_91 : i1
      %and3A = arith.andi %ne3A_92, %ne3A_87 : i1
      %add3A_93 = arith.addi %rem3A, %select_n3A : i32
      %select_n3A_94 = arith.select %and3A, %add3A_93, %rem3A : i32
      %dma_wait3A_95 = arith.constant 1 : i32
      %dma_wait3A_96 = arith.constant 0 : i32
      %dma_wait3A_97 = tpu.memref_slice %arg6[%select_n3A_94, %dma_wait3A_96] : memref<6x384xi32, #tpu.memory_space<vmem>> -> memref<1x384xi32, #tpu.memory_space<vmem>>
      %dma_wait3A_98 = tpu.memref_squeeze %dma_wait3A_97 : memref<1x384xi32, #tpu.memory_space<vmem>> -> memref<384xi32, #tpu.memory_space<vmem>>
      %dma_wait3A_99 = tpu.memref_slice %arg2[%dma_wait3A_95, %mul3A_6] : memref<2x800000xi32, #tpu.memory_space<hbm>> -> memref<1x384xi32, #tpu.memory_space<hbm>>
      %dma_wait3A_100 = tpu.memref_squeeze %dma_wait3A_99 : memref<1x384xi32, #tpu.memory_space<hbm>> -> memref<384xi32, #tpu.memory_space<hbm>>
      %dma_wait3A_101 = arith.constant 0 : i32
      %dma_wait3A_102 = tpu.memref_slice %arg6[%select_n3A_94, %dma_wait3A_101] : memref<6x384xi32, #tpu.memory_space<vmem>> -> memref<1x384xi32, #tpu.memory_space<vmem>>
      %dma_wait3A_103 = tpu.memref_squeeze %dma_wait3A_102 : memref<1x384xi32, #tpu.memory_space<vmem>> -> memref<384xi32, #tpu.memory_space<vmem>>
      %dma_wait3A_104 = tpu.memref_slice %arg2[%dma_wait3A_95, %mul3A_6] : memref<2x800000xi32, #tpu.memory_space<hbm>> -> memref<1x384xi32, #tpu.memory_space<hbm>>
      %dma_wait3A_105 = tpu.memref_squeeze %dma_wait3A_104 : memref<1x384xi32, #tpu.memory_space<hbm>> -> memref<384xi32, #tpu.memory_space<hbm>>
      tpu.wait_dma2 semaphore(%arg10 : memref<!tpu.dma_semaphore, #tpu.memory_space<semaphore_mem>>) src(%dma_wait3A_105 : memref<384xi32, #tpu.memory_space<hbm>>) dst(%dma_wait3A_103 : memref<384xi32, #tpu.memory_space<vmem>>)
      %dma_start3A_106 = arith.constant 0 : i32
      %dma_start3A_107 = tpu.memref_slice %arg6[%select_n3A_94, %dma_start3A_106] : memref<6x384xi32, #tpu.memory_space<vmem>> -> memref<1x384xi32, #tpu.memory_space<vmem>>
      %dma_start3A_108 = tpu.memref_squeeze %dma_start3A_107 : memref<1x384xi32, #tpu.memory_space<vmem>> -> memref<384xi32, #tpu.memory_space<vmem>>
      %dma_start3A_109 = arith.constant 0 : i32
      %dma_start3A_110 = arith.constant 0 : i32
      %dma_start3A_111 = tpu.memref_slice %arg9[%dma_start3A_109, %dma_start3A_110] : memref<50048x8xf32, #tpu.memory_space<vmem_shared>> -> memref<50048x8xf32, #tpu.memory_space<vmem_shared>>
      tpu.enqueue_indirect_dma source(%arg8 : memref<384x8xf32, #tpu.memory_space<vmem>>) target(%dma_start3A_111 : memref<50048x8xf32, #tpu.memory_space<vmem_shared>>) offsets(%dma_start3A_108 : memref<384xi32, #tpu.memory_space<vmem>>) semaphore(%arg11 : memref<!tpu.dma_semaphore, #tpu.memory_space<semaphore_mem>>) {add = true}
      %add3A_112 = arith.constant 3 : i32
      %add3A_113 = arith.addi %scan3A_84, %add3A_112 : i32
      %lt3A_114 = arith.constant 65 : i32
      %lt3A_115 = arith.cmpi slt, %add3A_113, %lt3A_114 : i32
      %convert_element_type3A_116 = arith.extui %lt3A_115 : i1 to i32
      %cond3A_117 = arith.constant 0 : i32
      %cond3A_118 = arith.cmpi ne, %convert_element_type3A_116, %cond3A_117 : i32
      scf.if %cond3A_118 {
        %add3A_123 = arith.constant 3 : i32
        %add3A_124 = arith.addi %scan3A_84, %add3A_123 : i32
        %add3A_125 = arith.constant 3 : i32
        %add3A_126 = arith.addi %scan3A_84, %add3A_125 : i32
        %jit3A_127 = arith.constant 6 : i32
        %eq3A_128 = arith.constant 0 : i32
        %eq3A_129 = arith.cmpi eq, %jit3A_127, %eq3A_128 : i32
        %jit3A_130 = arith.constant 1 : i32
        %select_n3A_131 = arith.select %eq3A_129, %jit3A_130, %jit3A_127 : i32
        %rem3A_132 = arith.remsi %add3A_126, %select_n3A_131 : i32
        %ne3A_133 = arith.constant 0 : i32
        %ne3A_134 = arith.cmpi ne, %rem3A_132, %ne3A_133 : i32
        %lt3A_135 = arith.constant 0 : i32
        %lt3A_136 = arith.cmpi slt, %rem3A_132, %lt3A_135 : i32
        %lt3A_137 = arith.constant 0 : i32
        %lt3A_138 = arith.cmpi slt, %select_n3A_131, %lt3A_137 : i32
        %ne3A_139 = arith.xori %lt3A_136, %lt3A_138 : i1
        %and3A_140 = arith.andi %ne3A_139, %ne3A_134 : i1
        %add3A_141 = arith.addi %rem3A_132, %select_n3A_131 : i32
        %select_n3A_142 = arith.select %and3A_140, %add3A_141, %rem3A_132 : i32
        %mul3A_143 = arith.constant 384 : i32
        %mul3A_144 = arith.muli %add3A_124, %mul3A_143 : i32
        %add3A_145 = arith.addi %mul3A_6, %mul3A_144 : i32
        %dma_start3A_146 = arith.constant 1 : i32
        %dma_start3A_147 = arith.constant 0 : i32
        %dma_start3A_148 = tpu.memref_slice %arg6[%select_n3A_142, %dma_start3A_147] : memref<6x384xi32, #tpu.memory_space<vmem>> -> memref<1x384xi32, #tpu.memory_space<vmem>>
        %dma_start3A_149 = tpu.memref_squeeze %dma_start3A_148 : memref<1x384xi32, #tpu.memory_space<vmem>> -> memref<384xi32, #tpu.memory_space<vmem>>
        %dma_start3A_150 = tpu.memref_slice %arg2[%dma_start3A_146, %add3A_145] : memref<2x800000xi32, #tpu.memory_space<hbm>> -> memref<1x384xi32, #tpu.memory_space<hbm>>
        %dma_start3A_151 = tpu.memref_squeeze %dma_start3A_150 : memref<1x384xi32, #tpu.memory_space<hbm>> -> memref<384xi32, #tpu.memory_space<hbm>>
        %dma_start3A_152 = arith.constant 0 : i32
        %dma_start3A_153 = tpu.memref_slice %arg6[%select_n3A_142, %dma_start3A_152] : memref<6x384xi32, #tpu.memory_space<vmem>> -> memref<1x384xi32, #tpu.memory_space<vmem>>
        %dma_start3A_154 = tpu.memref_squeeze %dma_start3A_153 : memref<1x384xi32, #tpu.memory_space<vmem>> -> memref<384xi32, #tpu.memory_space<vmem>>
        %dma_start3A_155 = tpu.memref_slice %arg2[%dma_start3A_146, %add3A_145] : memref<2x800000xi32, #tpu.memory_space<hbm>> -> memref<1x384xi32, #tpu.memory_space<hbm>>
        %dma_start3A_156 = tpu.memref_squeeze %dma_start3A_155 : memref<1x384xi32, #tpu.memory_space<hbm>> -> memref<384xi32, #tpu.memory_space<hbm>>
        tpu.enqueue_dma source(%dma_start3A_156 : memref<384xi32, #tpu.memory_space<hbm>>) target(%dma_start3A_154 : memref<384xi32, #tpu.memory_space<vmem>>) target_semaphore(%arg10 : memref<!tpu.dma_semaphore, #tpu.memory_space<semaphore_mem>>)
      } else {
      }
      %ge3A = arith.constant 3 : i32
      %ge3A_119 = arith.cmpi sge, %scan3A_84, %ge3A : i32
      %convert_element_type3A_120 = arith.extui %ge3A_119 : i1 to i32
      %cond3A_121 = arith.constant 0 : i32
      %cond3A_122 = arith.cmpi ne, %convert_element_type3A_120, %cond3A_121 : i32
      scf.if %cond3A_122 {
        %dma_wait3A_123 = arith.constant 0 : i32
        %dma_wait3A_124 = arith.constant 0 : i32
        %dma_wait3A_125 = tpu.memref_slice %arg6[%dma_wait3A_123, %dma_wait3A_124] : memref<6x384xi32, #tpu.memory_space<vmem>> -> memref<1x384xi32, #tpu.memory_space<vmem>>
        %dma_wait3A_126 = tpu.memref_squeeze %dma_wait3A_125 : memref<1x384xi32, #tpu.memory_space<vmem>> -> memref<384xi32, #tpu.memory_space<vmem>>
        %dma_wait3A_127 = arith.constant 0 : i32
        %dma_wait3A_128 = arith.constant 0 : i32
        %dma_wait3A_129 = tpu.memref_slice %arg9[%dma_wait3A_127, %dma_wait3A_128] : memref<50048x8xf32, #tpu.memory_space<vmem_shared>> -> memref<50048x8xf32, #tpu.memory_space<vmem_shared>>
        tpu.wait_indirect_dma semaphore(%arg11 : memref<!tpu.dma_semaphore, #tpu.memory_space<semaphore_mem>>) src(%arg8 : memref<384x8xf32, #tpu.memory_space<vmem>>) dst(%dma_wait3A_129 : memref<50048x8xf32, #tpu.memory_space<vmem_shared>>)
      } else {
      }
    }
    %scan3A_56 = arith.constant 65 : i32
    %dma_wait3A = arith.constant 0 : i32
    %dma_wait3A_57 = arith.constant 0 : i32
    %dma_wait3A_58 = tpu.memref_slice %arg6[%dma_wait3A, %dma_wait3A_57] : memref<6x384xi32, #tpu.memory_space<vmem>> -> memref<1x384xi32, #tpu.memory_space<vmem>>
    %dma_wait3A_59 = tpu.memref_squeeze %dma_wait3A_58 : memref<1x384xi32, #tpu.memory_space<vmem>> -> memref<384xi32, #tpu.memory_space<vmem>>
    %dma_wait3A_60 = arith.constant 0 : i32
    %dma_wait3A_61 = arith.constant 0 : i32
    %dma_wait3A_62 = tpu.memref_slice %arg9[%dma_wait3A_60, %dma_wait3A_61] : memref<50048x8xf32, #tpu.memory_space<vmem_shared>> -> memref<50048x8xf32, #tpu.memory_space<vmem_shared>>
    tpu.wait_indirect_dma semaphore(%arg11 : memref<!tpu.dma_semaphore, #tpu.memory_space<semaphore_mem>>) src(%arg8 : memref<384x8xf32, #tpu.memory_space<vmem>>) dst(%dma_wait3A_62 : memref<50048x8xf32, #tpu.memory_space<vmem_shared>>)
    %dma_wait3A_63 = arith.constant 0 : i32
    %dma_wait3A_64 = arith.constant 0 : i32
    %dma_wait3A_65 = tpu.memref_slice %arg6[%dma_wait3A_63, %dma_wait3A_64] : memref<6x384xi32, #tpu.memory_space<vmem>> -> memref<1x384xi32, #tpu.memory_space<vmem>>
    %dma_wait3A_66 = tpu.memref_squeeze %dma_wait3A_65 : memref<1x384xi32, #tpu.memory_space<vmem>> -> memref<384xi32, #tpu.memory_space<vmem>>
    %dma_wait3A_67 = arith.constant 0 : i32
    %dma_wait3A_68 = arith.constant 0 : i32
    %dma_wait3A_69 = tpu.memref_slice %arg9[%dma_wait3A_67, %dma_wait3A_68] : memref<50048x8xf32, #tpu.memory_space<vmem_shared>> -> memref<50048x8xf32, #tpu.memory_space<vmem_shared>>
    tpu.wait_indirect_dma semaphore(%arg11 : memref<!tpu.dma_semaphore, #tpu.memory_space<semaphore_mem>>) src(%arg8 : memref<384x8xf32, #tpu.memory_space<vmem>>) dst(%dma_wait3A_69 : memref<50048x8xf32, #tpu.memory_space<vmem_shared>>)
    %dma_wait3A_70 = arith.constant 0 : i32
    %dma_wait3A_71 = arith.constant 0 : i32
    %dma_wait3A_72 = tpu.memref_slice %arg6[%dma_wait3A_70, %dma_wait3A_71] : memref<6x384xi32, #tpu.memory_space<vmem>> -> memref<1x384xi32, #tpu.memory_space<vmem>>
    %dma_wait3A_73 = tpu.memref_squeeze %dma_wait3A_72 : memref<1x384xi32, #tpu.memory_space<vmem>> -> memref<384xi32, #tpu.memory_space<vmem>>
    %dma_wait3A_74 = arith.constant 0 : i32
    %dma_wait3A_75 = arith.constant 0 : i32
    %dma_wait3A_76 = tpu.memref_slice %arg9[%dma_wait3A_74, %dma_wait3A_75] : memref<50048x8xf32, #tpu.memory_space<vmem_shared>> -> memref<50048x8xf32, #tpu.memory_space<vmem_shared>>
    tpu.wait_indirect_dma semaphore(%arg11 : memref<!tpu.dma_semaphore, #tpu.memory_space<semaphore_mem>>) src(%arg8 : memref<384x8xf32, #tpu.memory_space<vmem>>) dst(%dma_wait3A_76 : memref<50048x8xf32, #tpu.memory_space<vmem_shared>>)
    %lt3A = arith.constant 10 : i32
    %lt3A_77 = arith.cmpi slt, %add3A, %lt3A : i32
    %convert_element_type3A = arith.extui %lt3A_77 : i1 to i32
    %cond3A = arith.constant 0 : i32
    %cond3A_78 = arith.cmpi ne, %convert_element_type3A, %cond3A : i32
    scf.if %cond3A_78 {
      %add3A_84 = arith.constant 24960 : i32
      %add3A_85 = arith.addi %mul3A_6, %add3A_84 : i32
      %run_scoped3A = arith.constant 1 : i32
      "tpu.region"() ({
        %run_scoped3A_86 = tpu.sem_alloc : memref<!tpu.dma_semaphore, #tpu.memory_space<semaphore_mem>>
        %dma_start3A_87 = tpu.memref_slice %arg2[%run_scoped3A, %add3A_85] : memref<2x800000xi32, #tpu.memory_space<hbm>> -> memref<1x128xi32, #tpu.memory_space<hbm>>
        %dma_start3A_88 = tpu.memref_squeeze %dma_start3A_87 : memref<1x128xi32, #tpu.memory_space<hbm>> -> memref<128xi32, #tpu.memory_space<hbm>>
        %dma_start3A_89 = tpu.memref_slice %arg2[%run_scoped3A, %add3A_85] : memref<2x800000xi32, #tpu.memory_space<hbm>> -> memref<1x128xi32, #tpu.memory_space<hbm>>
        %dma_start3A_90 = tpu.memref_squeeze %dma_start3A_89 : memref<1x128xi32, #tpu.memory_space<hbm>> -> memref<128xi32, #tpu.memory_space<hbm>>
        tpu.enqueue_dma source(%dma_start3A_90 : memref<128xi32, #tpu.memory_space<hbm>>) target(%arg7 : memref<128xi32, #tpu.memory_space<vmem>>) target_semaphore(%run_scoped3A_86 : memref<!tpu.dma_semaphore, #tpu.memory_space<semaphore_mem>>)
        %dma_wait3A_91 = tpu.memref_slice %arg2[%run_scoped3A, %add3A_85] : memref<2x800000xi32, #tpu.memory_space<hbm>> -> memref<1x128xi32, #tpu.memory_space<hbm>>
        %dma_wait3A_92 = tpu.memref_squeeze %dma_wait3A_91 : memref<1x128xi32, #tpu.memory_space<hbm>> -> memref<128xi32, #tpu.memory_space<hbm>>
        %dma_wait3A_93 = tpu.memref_slice %arg2[%run_scoped3A, %add3A_85] : memref<2x800000xi32, #tpu.memory_space<hbm>> -> memref<1x128xi32, #tpu.memory_space<hbm>>
        %dma_wait3A_94 = tpu.memref_squeeze %dma_wait3A_93 : memref<1x128xi32, #tpu.memory_space<hbm>> -> memref<128xi32, #tpu.memory_space<hbm>>
        tpu.wait_dma2 semaphore(%run_scoped3A_86 : memref<!tpu.dma_semaphore, #tpu.memory_space<semaphore_mem>>) src(%dma_wait3A_94 : memref<128xi32, #tpu.memory_space<hbm>>) dst(%arg7 : memref<128xi32, #tpu.memory_space<vmem>>)
        tpu.yield
      }) : () -> ()
      "tpu.region"() ({
        %run_scoped3A_86 = tpu.sem_alloc : memref<!tpu.dma_semaphore, #tpu.memory_space<semaphore_mem>>
        %dma_start3A_87 = arith.constant 0 : i32
        %dma_start3A_88 = arith.constant 0 : i32
        %dma_start3A_89 = tpu.memref_slice %arg8[%dma_start3A_87, %dma_start3A_88] : memref<384x8xf32, #tpu.memory_space<vmem>> -> memref<128x8xf32, #tpu.memory_space<vmem>>
        %dma_start3A_90 = arith.constant 0 : i32
        %dma_start3A_91 = arith.constant 0 : i32
        %dma_start3A_92 = tpu.memref_slice %arg9[%dma_start3A_90, %dma_start3A_91] : memref<50048x8xf32, #tpu.memory_space<vmem_shared>> -> memref<50048x8xf32, #tpu.memory_space<vmem_shared>>
        tpu.enqueue_indirect_dma source(%dma_start3A_89 : memref<128x8xf32, #tpu.memory_space<vmem>>) target(%dma_start3A_92 : memref<50048x8xf32, #tpu.memory_space<vmem_shared>>) offsets(%arg7 : memref<128xi32, #tpu.memory_space<vmem>>) semaphore(%run_scoped3A_86 : memref<!tpu.dma_semaphore, #tpu.memory_space<semaphore_mem>>) {add = true}
        %dma_wait3A_93 = arith.constant 0 : i32
        %dma_wait3A_94 = arith.constant 0 : i32
        %dma_wait3A_95 = tpu.memref_slice %arg8[%dma_wait3A_93, %dma_wait3A_94] : memref<384x8xf32, #tpu.memory_space<vmem>> -> memref<128x8xf32, #tpu.memory_space<vmem>>
        %dma_wait3A_96 = arith.constant 0 : i32
        %dma_wait3A_97 = arith.constant 0 : i32
        %dma_wait3A_98 = tpu.memref_slice %arg9[%dma_wait3A_96, %dma_wait3A_97] : memref<50048x8xf32, #tpu.memory_space<vmem_shared>> -> memref<50048x8xf32, #tpu.memory_space<vmem_shared>>
        tpu.wait_indirect_dma semaphore(%run_scoped3A_86 : memref<!tpu.dma_semaphore, #tpu.memory_space<semaphore_mem>>) src(%dma_wait3A_95 : memref<128x8xf32, #tpu.memory_space<vmem>>) dst(%dma_wait3A_98 : memref<50048x8xf32, #tpu.memory_space<vmem_shared>>)
        tpu.yield
      }) : () -> ()
    } else {
    }
    %barrier3A_79 = arith.constant 0 : index
    tpu.barrier barrier_id(%barrier3A_79)
    %mul3A_80 = arith.constant 3128 : i32
    %mul3A_81 = arith.muli %arg1, %mul3A_80 : i32
    %mul3A_82 = arith.constant 3128 : i32
    %mul3A_83 = arith.muli %arg1, %mul3A_82 : i32
    "tpu.region"() ({
      %run_scoped3A = tpu.sem_alloc : memref<!tpu.dma_semaphore, #tpu.memory_space<semaphore_mem>>
      %dma_start3A_84 = arith.constant 0 : i32
      %dma_start3A_85 = tpu.memref_slice %arg5[%arg0, %mul3A_83, %dma_start3A_84] : memref<2x50048x8xf32, #tpu.memory_space<hbm>> -> memref<1x3128x8xf32, #tpu.memory_space<hbm>>
      %dma_start3A_86 = tpu.memref_squeeze %dma_start3A_85 : memref<1x3128x8xf32, #tpu.memory_space<hbm>> -> memref<3128x8xf32, #tpu.memory_space<hbm>>
      %dma_start3A_87 = arith.constant 0 : i32
      %dma_start3A_88 = tpu.memref_slice %arg9[%mul3A_81, %dma_start3A_87] : memref<50048x8xf32, #tpu.memory_space<vmem_shared>> -> memref<3128x8xf32, #tpu.memory_space<vmem_shared>>
      tpu.enqueue_dma source(%dma_start3A_88 : memref<3128x8xf32, #tpu.memory_space<vmem_shared>>) target(%dma_start3A_86 : memref<3128x8xf32, #tpu.memory_space<hbm>>) target_semaphore(%run_scoped3A : memref<!tpu.dma_semaphore, #tpu.memory_space<semaphore_mem>>)
      %dma_wait3A_89 = arith.constant 0 : i32
      %dma_wait3A_90 = tpu.memref_slice %arg5[%arg0, %mul3A_83, %dma_wait3A_89] : memref<2x50048x8xf32, #tpu.memory_space<hbm>> -> memref<1x3128x8xf32, #tpu.memory_space<hbm>>
      %dma_wait3A_91 = tpu.memref_squeeze %dma_wait3A_90 : memref<1x3128x8xf32, #tpu.memory_space<hbm>> -> memref<3128x8xf32, #tpu.memory_space<hbm>>
      %dma_wait3A_92 = arith.constant 0 : i32
      %dma_wait3A_93 = tpu.memref_slice %arg9[%mul3A_81, %dma_wait3A_92] : memref<50048x8xf32, #tpu.memory_space<vmem_shared>> -> memref<3128x8xf32, #tpu.memory_space<vmem_shared>>
      tpu.wait_dma2 semaphore(%run_scoped3A : memref<!tpu.dma_semaphore, #tpu.memory_space<semaphore_mem>>) src(%dma_wait3A_93 : memref<3128x8xf32, #tpu.memory_space<vmem_shared>>) dst(%dma_wait3A_91 : memref<3128x8xf32, #tpu.memory_space<hbm>>)
      tpu.yield
    }) : () -> ()
    return
  }
}

#map = affine_map<(d0, d1) -> (0, 0)>
#map1 = affine_map<(d0, d1) -> (0, 0, 0)>
module attributes {stable_mosaic.version = 14 : i64} {
  func.func @agg_kernel(%arg0: i32, %arg1: i32, %arg2: memref<50048x32xf32, #tpu.memory_space<hbm>>, %arg3: memref<2x6250x128xi32, #tpu.memory_space<hbm>>, %arg4: memref<50048x32xf32, #tpu.memory_space<hbm>>, %arg5: memref<2x50048x32xf32, #tpu.memory_space<hbm>>, %arg6: memref<2x3x128xi32, #tpu.memory_space<vmem>>, %arg7: memref<2x3x128xi32, #tpu.memory_space<vmem>>, %arg8: memref<2x3x128x32xf32, #tpu.memory_space<vmem>>, %arg9: memref<50048x32xf32, #tpu.memory_space<vmem_shared>>, %arg10: memref<!tpu.dma_semaphore, #tpu.memory_space<semaphore_mem>>, %arg11: memref<!tpu.dma_semaphore, #tpu.memory_space<semaphore_mem>>, %arg12: memref<!tpu.dma_semaphore, #tpu.memory_space<semaphore_mem>>) attributes {dimension_semantics = [#tpu.dimension_semantics<core_parallel>, #tpu.dimension_semantics<subcore_parallel>], iteration_bounds = array<i64: 2, 16>, scalar_prefetch = 0 : i64, scratch_operands = 7 : i64, tpu.core_type = #tpu.core_type<sc_vector_subcore>, window_params = [{transform_indices = #map}, {transform_indices = #map1}, {transform_indices = #map}, {transform_indices = #map1}]} {
    %mul3A = arith.constant 2 : i32
    %mul3A_0 = arith.muli %arg1, %mul3A : i32
    %add3A = arith.addi %mul3A_0, %arg0 : i32
    %mul3A_1 = arith.constant 195 : i32
    %mul3A_2 = arith.muli %add3A, %mul3A_1 : i32
    %min3A = arith.constant 10 : i32
    %min3A_3 = arith.minsi %add3A, %min3A : i32
    %add3A_4 = arith.addi %mul3A_2, %min3A_3 : i32
    %run_scoped3A = arith.constant 0 : i32
    %run_scoped3A_5 = arith.constant 0 : i32
    "tpu.region"() ({
      %run_scoped3A_658 = tpu.sem_alloc : memref<!tpu.dma_semaphore, #tpu.memory_space<semaphore_mem>>
      %dma_start3A_659 = arith.constant 0 : i32
      %dma_start3A_660 = arith.constant 0 : i32
      %dma_start3A_661 = tpu.memref_slice %arg6[%run_scoped3A_5, %dma_start3A_659, %dma_start3A_660] : memref<2x3x128xi32, #tpu.memory_space<vmem>> -> memref<1x3x128xi32, #tpu.memory_space<vmem>>
      %dma_start3A_662 = tpu.memref_squeeze %dma_start3A_661 : memref<1x3x128xi32, #tpu.memory_space<vmem>> -> memref<3x128xi32, #tpu.memory_space<vmem>>
      %dma_start3A_663 = arith.constant 0 : i32
      %dma_start3A_664 = tpu.memref_slice %arg3[%run_scoped3A, %add3A_4, %dma_start3A_663] : memref<2x6250x128xi32, #tpu.memory_space<hbm>> -> memref<1x3x128xi32, #tpu.memory_space<hbm>>
      %dma_start3A_665 = tpu.memref_squeeze %dma_start3A_664 : memref<1x3x128xi32, #tpu.memory_space<hbm>> -> memref<3x128xi32, #tpu.memory_space<hbm>>
      %dma_start3A_666 = arith.constant 0 : i32
      %dma_start3A_667 = arith.constant 0 : i32
      %dma_start3A_668 = tpu.memref_slice %arg6[%run_scoped3A_5, %dma_start3A_666, %dma_start3A_667] : memref<2x3x128xi32, #tpu.memory_space<vmem>> -> memref<1x3x128xi32, #tpu.memory_space<vmem>>
      %dma_start3A_669 = tpu.memref_squeeze %dma_start3A_668 : memref<1x3x128xi32, #tpu.memory_space<vmem>> -> memref<3x128xi32, #tpu.memory_space<vmem>>
      %dma_start3A_670 = arith.constant 0 : i32
      %dma_start3A_671 = tpu.memref_slice %arg3[%run_scoped3A, %add3A_4, %dma_start3A_670] : memref<2x6250x128xi32, #tpu.memory_space<hbm>> -> memref<1x3x128xi32, #tpu.memory_space<hbm>>
      %dma_start3A_672 = tpu.memref_squeeze %dma_start3A_671 : memref<1x3x128xi32, #tpu.memory_space<hbm>> -> memref<3x128xi32, #tpu.memory_space<hbm>>
      tpu.enqueue_dma source(%dma_start3A_672 : memref<3x128xi32, #tpu.memory_space<hbm>>) target(%dma_start3A_669 : memref<3x128xi32, #tpu.memory_space<vmem>>) target_semaphore(%run_scoped3A_658 : memref<!tpu.dma_semaphore, #tpu.memory_space<semaphore_mem>>)
      %dma_wait3A_673 = arith.constant 0 : i32
      %dma_wait3A_674 = arith.constant 0 : i32
      %dma_wait3A_675 = tpu.memref_slice %arg6[%run_scoped3A_5, %dma_wait3A_673, %dma_wait3A_674] : memref<2x3x128xi32, #tpu.memory_space<vmem>> -> memref<1x3x128xi32, #tpu.memory_space<vmem>>
      %dma_wait3A_676 = tpu.memref_squeeze %dma_wait3A_675 : memref<1x3x128xi32, #tpu.memory_space<vmem>> -> memref<3x128xi32, #tpu.memory_space<vmem>>
      %dma_wait3A_677 = arith.constant 0 : i32
      %dma_wait3A_678 = tpu.memref_slice %arg3[%run_scoped3A, %add3A_4, %dma_wait3A_677] : memref<2x6250x128xi32, #tpu.memory_space<hbm>> -> memref<1x3x128xi32, #tpu.memory_space<hbm>>
      %dma_wait3A_679 = tpu.memref_squeeze %dma_wait3A_678 : memref<1x3x128xi32, #tpu.memory_space<hbm>> -> memref<3x128xi32, #tpu.memory_space<hbm>>
      %dma_wait3A_680 = arith.constant 0 : i32
      %dma_wait3A_681 = arith.constant 0 : i32
      %dma_wait3A_682 = tpu.memref_slice %arg6[%run_scoped3A_5, %dma_wait3A_680, %dma_wait3A_681] : memref<2x3x128xi32, #tpu.memory_space<vmem>> -> memref<1x3x128xi32, #tpu.memory_space<vmem>>
      %dma_wait3A_683 = tpu.memref_squeeze %dma_wait3A_682 : memref<1x3x128xi32, #tpu.memory_space<vmem>> -> memref<3x128xi32, #tpu.memory_space<vmem>>
      %dma_wait3A_684 = arith.constant 0 : i32
      %dma_wait3A_685 = tpu.memref_slice %arg3[%run_scoped3A, %add3A_4, %dma_wait3A_684] : memref<2x6250x128xi32, #tpu.memory_space<hbm>> -> memref<1x3x128xi32, #tpu.memory_space<hbm>>
      %dma_wait3A_686 = tpu.memref_squeeze %dma_wait3A_685 : memref<1x3x128xi32, #tpu.memory_space<hbm>> -> memref<3x128xi32, #tpu.memory_space<hbm>>
      tpu.wait_dma2 semaphore(%run_scoped3A_658 : memref<!tpu.dma_semaphore, #tpu.memory_space<semaphore_mem>>) src(%dma_wait3A_686 : memref<3x128xi32, #tpu.memory_space<hbm>>) dst(%dma_wait3A_683 : memref<3x128xi32, #tpu.memory_space<vmem>>)
      tpu.yield
    }) : () -> ()
    %run_scoped3A_6 = arith.constant 1 : i32
    %run_scoped3A_7 = arith.constant 0 : i32
    "tpu.region"() ({
      %run_scoped3A_658 = tpu.sem_alloc : memref<!tpu.dma_semaphore, #tpu.memory_space<semaphore_mem>>
      %dma_start3A_659 = arith.constant 0 : i32
      %dma_start3A_660 = arith.constant 0 : i32
      %dma_start3A_661 = tpu.memref_slice %arg7[%run_scoped3A_7, %dma_start3A_659, %dma_start3A_660] : memref<2x3x128xi32, #tpu.memory_space<vmem>> -> memref<1x3x128xi32, #tpu.memory_space<vmem>>
      %dma_start3A_662 = tpu.memref_squeeze %dma_start3A_661 : memref<1x3x128xi32, #tpu.memory_space<vmem>> -> memref<3x128xi32, #tpu.memory_space<vmem>>
      %dma_start3A_663 = arith.constant 0 : i32
      %dma_start3A_664 = tpu.memref_slice %arg3[%run_scoped3A_6, %add3A_4, %dma_start3A_663] : memref<2x6250x128xi32, #tpu.memory_space<hbm>> -> memref<1x3x128xi32, #tpu.memory_space<hbm>>
      %dma_start3A_665 = tpu.memref_squeeze %dma_start3A_664 : memref<1x3x128xi32, #tpu.memory_space<hbm>> -> memref<3x128xi32, #tpu.memory_space<hbm>>
      %dma_start3A_666 = arith.constant 0 : i32
      %dma_start3A_667 = arith.constant 0 : i32
      %dma_start3A_668 = tpu.memref_slice %arg7[%run_scoped3A_7, %dma_start3A_666, %dma_start3A_667] : memref<2x3x128xi32, #tpu.memory_space<vmem>> -> memref<1x3x128xi32, #tpu.memory_space<vmem>>
      %dma_start3A_669 = tpu.memref_squeeze %dma_start3A_668 : memref<1x3x128xi32, #tpu.memory_space<vmem>> -> memref<3x128xi32, #tpu.memory_space<vmem>>
      %dma_start3A_670 = arith.constant 0 : i32
      %dma_start3A_671 = tpu.memref_slice %arg3[%run_scoped3A_6, %add3A_4, %dma_start3A_670] : memref<2x6250x128xi32, #tpu.memory_space<hbm>> -> memref<1x3x128xi32, #tpu.memory_space<hbm>>
      %dma_start3A_672 = tpu.memref_squeeze %dma_start3A_671 : memref<1x3x128xi32, #tpu.memory_space<hbm>> -> memref<3x128xi32, #tpu.memory_space<hbm>>
      tpu.enqueue_dma source(%dma_start3A_672 : memref<3x128xi32, #tpu.memory_space<hbm>>) target(%dma_start3A_669 : memref<3x128xi32, #tpu.memory_space<vmem>>) target_semaphore(%run_scoped3A_658 : memref<!tpu.dma_semaphore, #tpu.memory_space<semaphore_mem>>)
      %dma_wait3A_673 = arith.constant 0 : i32
      %dma_wait3A_674 = arith.constant 0 : i32
      %dma_wait3A_675 = tpu.memref_slice %arg7[%run_scoped3A_7, %dma_wait3A_673, %dma_wait3A_674] : memref<2x3x128xi32, #tpu.memory_space<vmem>> -> memref<1x3x128xi32, #tpu.memory_space<vmem>>
      %dma_wait3A_676 = tpu.memref_squeeze %dma_wait3A_675 : memref<1x3x128xi32, #tpu.memory_space<vmem>> -> memref<3x128xi32, #tpu.memory_space<vmem>>
      %dma_wait3A_677 = arith.constant 0 : i32
      %dma_wait3A_678 = tpu.memref_slice %arg3[%run_scoped3A_6, %add3A_4, %dma_wait3A_677] : memref<2x6250x128xi32, #tpu.memory_space<hbm>> -> memref<1x3x128xi32, #tpu.memory_space<hbm>>
      %dma_wait3A_679 = tpu.memref_squeeze %dma_wait3A_678 : memref<1x3x128xi32, #tpu.memory_space<hbm>> -> memref<3x128xi32, #tpu.memory_space<hbm>>
      %dma_wait3A_680 = arith.constant 0 : i32
      %dma_wait3A_681 = arith.constant 0 : i32
      %dma_wait3A_682 = tpu.memref_slice %arg7[%run_scoped3A_7, %dma_wait3A_680, %dma_wait3A_681] : memref<2x3x128xi32, #tpu.memory_space<vmem>> -> memref<1x3x128xi32, #tpu.memory_space<vmem>>
      %dma_wait3A_683 = tpu.memref_squeeze %dma_wait3A_682 : memref<1x3x128xi32, #tpu.memory_space<vmem>> -> memref<3x128xi32, #tpu.memory_space<vmem>>
      %dma_wait3A_684 = arith.constant 0 : i32
      %dma_wait3A_685 = tpu.memref_slice %arg3[%run_scoped3A_6, %add3A_4, %dma_wait3A_684] : memref<2x6250x128xi32, #tpu.memory_space<hbm>> -> memref<1x3x128xi32, #tpu.memory_space<hbm>>
      %dma_wait3A_686 = tpu.memref_squeeze %dma_wait3A_685 : memref<1x3x128xi32, #tpu.memory_space<hbm>> -> memref<3x128xi32, #tpu.memory_space<hbm>>
      tpu.wait_dma2 semaphore(%run_scoped3A_658 : memref<!tpu.dma_semaphore, #tpu.memory_space<semaphore_mem>>) src(%dma_wait3A_686 : memref<3x128xi32, #tpu.memory_space<hbm>>) dst(%dma_wait3A_683 : memref<3x128xi32, #tpu.memory_space<vmem>>)
      tpu.yield
    }) : () -> ()
    %dma_start3A = arith.constant 0 : i32
    %dma_start3A_8 = arith.constant 0 : i32
    %dma_start3A_9 = arith.constant 0 : i32
    %dma_start3A_10 = arith.constant 0 : i32
    %dma_start3A_11 = arith.constant 0 : i32
    %dma_start3A_12 = arith.constant 0 : i32
    %dma_start3A_13 = tpu.memref_slice %arg8[%dma_start3A_9, %dma_start3A_10, %dma_start3A_11, %dma_start3A_12] : memref<2x3x128x32xf32, #tpu.memory_space<vmem>> -> memref<1x1x128x32xf32, #tpu.memory_space<vmem>>
    %dma_start3A_14 = tpu.memref_squeeze %dma_start3A_13 : memref<1x1x128x32xf32, #tpu.memory_space<vmem>> -> memref<128x32xf32, #tpu.memory_space<vmem>>
    %dma_start3A_15 = arith.constant 0 : i32
    %dma_start3A_16 = tpu.memref_slice %arg6[%dma_start3A, %dma_start3A_8, %dma_start3A_15] : memref<2x3x128xi32, #tpu.memory_space<vmem>> -> memref<1x1x128xi32, #tpu.memory_space<vmem>>
    %dma_start3A_17 = tpu.memref_squeeze %dma_start3A_16 : memref<1x1x128xi32, #tpu.memory_space<vmem>> -> memref<128xi32, #tpu.memory_space<vmem>>
    %dma_start3A_18 = arith.constant 0 : i32
    %dma_start3A_19 = arith.constant 0 : i32
    %dma_start3A_20 = tpu.memref_slice %arg2[%dma_start3A_18, %dma_start3A_19] : memref<50048x32xf32, #tpu.memory_space<hbm>> -> memref<50048x32xf32, #tpu.memory_space<hbm>>
    tpu.enqueue_indirect_dma source(%dma_start3A_20 : memref<50048x32xf32, #tpu.memory_space<hbm>>) target(%dma_start3A_14 : memref<128x32xf32, #tpu.memory_space<vmem>>) offsets(%dma_start3A_17 : memref<128xi32, #tpu.memory_space<vmem>>) semaphore(%arg11 : memref<!tpu.dma_semaphore, #tpu.memory_space<semaphore_mem>>)
    %dma_start3A_21 = arith.constant 0 : i32
    %dma_start3A_22 = arith.constant 1 : i32
    %dma_start3A_23 = arith.constant 0 : i32
    %dma_start3A_24 = arith.constant 1 : i32
    %dma_start3A_25 = arith.constant 0 : i32
    %dma_start3A_26 = arith.constant 0 : i32
    %dma_start3A_27 = tpu.memref_slice %arg8[%dma_start3A_23, %dma_start3A_24, %dma_start3A_25, %dma_start3A_26] : memref<2x3x128x32xf32, #tpu.memory_space<vmem>> -> memref<1x1x128x32xf32, #tpu.memory_space<vmem>>
    %dma_start3A_28 = tpu.memref_squeeze %dma_start3A_27 : memref<1x1x128x32xf32, #tpu.memory_space<vmem>> -> memref<128x32xf32, #tpu.memory_space<vmem>>
    %dma_start3A_29 = arith.constant 0 : i32
    %dma_start3A_30 = tpu.memref_slice %arg6[%dma_start3A_21, %dma_start3A_22, %dma_start3A_29] : memref<2x3x128xi32, #tpu.memory_space<vmem>> -> memref<1x1x128xi32, #tpu.memory_space<vmem>>
    %dma_start3A_31 = tpu.memref_squeeze %dma_start3A_30 : memref<1x1x128xi32, #tpu.memory_space<vmem>> -> memref<128xi32, #tpu.memory_space<vmem>>
    %dma_start3A_32 = arith.constant 0 : i32
    %dma_start3A_33 = arith.constant 0 : i32
    %dma_start3A_34 = tpu.memref_slice %arg2[%dma_start3A_32, %dma_start3A_33] : memref<50048x32xf32, #tpu.memory_space<hbm>> -> memref<50048x32xf32, #tpu.memory_space<hbm>>
    tpu.enqueue_indirect_dma source(%dma_start3A_34 : memref<50048x32xf32, #tpu.memory_space<hbm>>) target(%dma_start3A_28 : memref<128x32xf32, #tpu.memory_space<vmem>>) offsets(%dma_start3A_31 : memref<128xi32, #tpu.memory_space<vmem>>) semaphore(%arg11 : memref<!tpu.dma_semaphore, #tpu.memory_space<semaphore_mem>>)
    %dma_start3A_35 = arith.constant 0 : i32
    %dma_start3A_36 = arith.constant 2 : i32
    %dma_start3A_37 = arith.constant 0 : i32
    %dma_start3A_38 = arith.constant 2 : i32
    %dma_start3A_39 = arith.constant 0 : i32
    %dma_start3A_40 = arith.constant 0 : i32
    %dma_start3A_41 = tpu.memref_slice %arg8[%dma_start3A_37, %dma_start3A_38, %dma_start3A_39, %dma_start3A_40] : memref<2x3x128x32xf32, #tpu.memory_space<vmem>> -> memref<1x1x128x32xf32, #tpu.memory_space<vmem>>
    %dma_start3A_42 = tpu.memref_squeeze %dma_start3A_41 : memref<1x1x128x32xf32, #tpu.memory_space<vmem>> -> memref<128x32xf32, #tpu.memory_space<vmem>>
    %dma_start3A_43 = arith.constant 0 : i32
    %dma_start3A_44 = tpu.memref_slice %arg6[%dma_start3A_35, %dma_start3A_36, %dma_start3A_43] : memref<2x3x128xi32, #tpu.memory_space<vmem>> -> memref<1x1x128xi32, #tpu.memory_space<vmem>>
    %dma_start3A_45 = tpu.memref_squeeze %dma_start3A_44 : memref<1x1x128xi32, #tpu.memory_space<vmem>> -> memref<128xi32, #tpu.memory_space<vmem>>
    %dma_start3A_46 = arith.constant 0 : i32
    %dma_start3A_47 = arith.constant 0 : i32
    %dma_start3A_48 = tpu.memref_slice %arg2[%dma_start3A_46, %dma_start3A_47] : memref<50048x32xf32, #tpu.memory_space<hbm>> -> memref<50048x32xf32, #tpu.memory_space<hbm>>
    tpu.enqueue_indirect_dma source(%dma_start3A_48 : memref<50048x32xf32, #tpu.memory_space<hbm>>) target(%dma_start3A_42 : memref<128x32xf32, #tpu.memory_space<vmem>>) offsets(%dma_start3A_45 : memref<128xi32, #tpu.memory_space<vmem>>) semaphore(%arg11 : memref<!tpu.dma_semaphore, #tpu.memory_space<semaphore_mem>>)
    %add3A_49 = arith.constant 3 : i32
    %add3A_50 = arith.addi %add3A_4, %add3A_49 : i32
    %dma_start3A_51 = arith.constant 0 : i32
    %dma_start3A_52 = arith.constant 1 : i32
    %dma_start3A_53 = arith.constant 0 : i32
    %dma_start3A_54 = arith.constant 0 : i32
    %dma_start3A_55 = tpu.memref_slice %arg6[%dma_start3A_52, %dma_start3A_53, %dma_start3A_54] : memref<2x3x128xi32, #tpu.memory_space<vmem>> -> memref<1x3x128xi32, #tpu.memory_space<vmem>>
    %dma_start3A_56 = tpu.memref_squeeze %dma_start3A_55 : memref<1x3x128xi32, #tpu.memory_space<vmem>> -> memref<3x128xi32, #tpu.memory_space<vmem>>
    %dma_start3A_57 = arith.constant 0 : i32
    %dma_start3A_58 = tpu.memref_slice %arg3[%dma_start3A_51, %add3A_50, %dma_start3A_57] : memref<2x6250x128xi32, #tpu.memory_space<hbm>> -> memref<1x3x128xi32, #tpu.memory_space<hbm>>
    %dma_start3A_59 = tpu.memref_squeeze %dma_start3A_58 : memref<1x3x128xi32, #tpu.memory_space<hbm>> -> memref<3x128xi32, #tpu.memory_space<hbm>>
    %dma_start3A_60 = arith.constant 0 : i32
    %dma_start3A_61 = arith.constant 0 : i32
    %dma_start3A_62 = tpu.memref_slice %arg6[%dma_start3A_52, %dma_start3A_60, %dma_start3A_61] : memref<2x3x128xi32, #tpu.memory_space<vmem>> -> memref<1x3x128xi32, #tpu.memory_space<vmem>>
    %dma_start3A_63 = tpu.memref_squeeze %dma_start3A_62 : memref<1x3x128xi32, #tpu.memory_space<vmem>> -> memref<3x128xi32, #tpu.memory_space<vmem>>
    %dma_start3A_64 = arith.constant 0 : i32
    %dma_start3A_65 = tpu.memref_slice %arg3[%dma_start3A_51, %add3A_50, %dma_start3A_64] : memref<2x6250x128xi32, #tpu.memory_space<hbm>> -> memref<1x3x128xi32, #tpu.memory_space<hbm>>
    %dma_start3A_66 = tpu.memref_squeeze %dma_start3A_65 : memref<1x3x128xi32, #tpu.memory_space<hbm>> -> memref<3x128xi32, #tpu.memory_space<hbm>>
    tpu.enqueue_dma source(%dma_start3A_66 : memref<3x128xi32, #tpu.memory_space<hbm>>) target(%dma_start3A_63 : memref<3x128xi32, #tpu.memory_space<vmem>>) target_semaphore(%arg10 : memref<!tpu.dma_semaphore, #tpu.memory_space<semaphore_mem>>)
    %dma_start3A_67 = arith.constant 1 : i32
    %dma_start3A_68 = arith.constant 1 : i32
    %dma_start3A_69 = arith.constant 0 : i32
    %dma_start3A_70 = arith.constant 0 : i32
    %dma_start3A_71 = tpu.memref_slice %arg7[%dma_start3A_68, %dma_start3A_69, %dma_start3A_70] : memref<2x3x128xi32, #tpu.memory_space<vmem>> -> memref<1x3x128xi32, #tpu.memory_space<vmem>>
    %dma_start3A_72 = tpu.memref_squeeze %dma_start3A_71 : memref<1x3x128xi32, #tpu.memory_space<vmem>> -> memref<3x128xi32, #tpu.memory_space<vmem>>
    %dma_start3A_73 = arith.constant 0 : i32
    %dma_start3A_74 = tpu.memref_slice %arg3[%dma_start3A_67, %add3A_50, %dma_start3A_73] : memref<2x6250x128xi32, #tpu.memory_space<hbm>> -> memref<1x3x128xi32, #tpu.memory_space<hbm>>
    %dma_start3A_75 = tpu.memref_squeeze %dma_start3A_74 : memref<1x3x128xi32, #tpu.memory_space<hbm>> -> memref<3x128xi32, #tpu.memory_space<hbm>>
    %dma_start3A_76 = arith.constant 0 : i32
    %dma_start3A_77 = arith.constant 0 : i32
    %dma_start3A_78 = tpu.memref_slice %arg7[%dma_start3A_68, %dma_start3A_76, %dma_start3A_77] : memref<2x3x128xi32, #tpu.memory_space<vmem>> -> memref<1x3x128xi32, #tpu.memory_space<vmem>>
    %dma_start3A_79 = tpu.memref_squeeze %dma_start3A_78 : memref<1x3x128xi32, #tpu.memory_space<vmem>> -> memref<3x128xi32, #tpu.memory_space<vmem>>
    %dma_start3A_80 = arith.constant 0 : i32
    %dma_start3A_81 = tpu.memref_slice %arg3[%dma_start3A_67, %add3A_50, %dma_start3A_80] : memref<2x6250x128xi32, #tpu.memory_space<hbm>> -> memref<1x3x128xi32, #tpu.memory_space<hbm>>
    %dma_start3A_82 = tpu.memref_squeeze %dma_start3A_81 : memref<1x3x128xi32, #tpu.memory_space<hbm>> -> memref<3x128xi32, #tpu.memory_space<hbm>>
    tpu.enqueue_dma source(%dma_start3A_82 : memref<3x128xi32, #tpu.memory_space<hbm>>) target(%dma_start3A_79 : memref<3x128xi32, #tpu.memory_space<vmem>>) target_semaphore(%arg10 : memref<!tpu.dma_semaphore, #tpu.memory_space<semaphore_mem>>)
    %mul3A_83 = arith.constant 3128 : i32
    %mul3A_84 = arith.muli %arg1, %mul3A_83 : i32
    %mul3A_85 = arith.constant 3128 : i32
    %mul3A_86 = arith.muli %arg1, %mul3A_85 : i32
    "tpu.region"() ({
      %run_scoped3A_658 = tpu.sem_alloc : memref<!tpu.dma_semaphore, #tpu.memory_space<semaphore_mem>>
      %dma_start3A_659 = arith.constant 0 : i32
      %dma_start3A_660 = tpu.memref_slice %arg9[%mul3A_86, %dma_start3A_659] : memref<50048x32xf32, #tpu.memory_space<vmem_shared>> -> memref<3128x32xf32, #tpu.memory_space<vmem_shared>>
      %dma_start3A_661 = arith.constant 0 : i32
      %dma_start3A_662 = tpu.memref_slice %arg4[%mul3A_84, %dma_start3A_661] : memref<50048x32xf32, #tpu.memory_space<hbm>> -> memref<3128x32xf32, #tpu.memory_space<hbm>>
      tpu.enqueue_dma source(%dma_start3A_662 : memref<3128x32xf32, #tpu.memory_space<hbm>>) target(%dma_start3A_660 : memref<3128x32xf32, #tpu.memory_space<vmem_shared>>) target_semaphore(%run_scoped3A_658 : memref<!tpu.dma_semaphore, #tpu.memory_space<semaphore_mem>>)
      %dma_wait3A_663 = arith.constant 0 : i32
      %dma_wait3A_664 = tpu.memref_slice %arg9[%mul3A_86, %dma_wait3A_663] : memref<50048x32xf32, #tpu.memory_space<vmem_shared>> -> memref<3128x32xf32, #tpu.memory_space<vmem_shared>>
      %dma_wait3A_665 = arith.constant 0 : i32
      %dma_wait3A_666 = tpu.memref_slice %arg4[%mul3A_84, %dma_wait3A_665] : memref<50048x32xf32, #tpu.memory_space<hbm>> -> memref<3128x32xf32, #tpu.memory_space<hbm>>
      tpu.wait_dma2 semaphore(%run_scoped3A_658 : memref<!tpu.dma_semaphore, #tpu.memory_space<semaphore_mem>>) src(%dma_wait3A_666 : memref<3128x32xf32, #tpu.memory_space<hbm>>) dst(%dma_wait3A_664 : memref<3128x32xf32, #tpu.memory_space<vmem_shared>>)
      tpu.yield
    }) : () -> ()
    %barrier3A = arith.constant 0 : index
    tpu.barrier barrier_id(%barrier3A)
    %dma_wait3A = arith.constant 0 : i32
    %dma_wait3A_87 = arith.constant 0 : i32
    %dma_wait3A_88 = arith.constant 0 : i32
    %dma_wait3A_89 = arith.constant 0 : i32
    %dma_wait3A_90 = arith.constant 0 : i32
    %dma_wait3A_91 = arith.constant 0 : i32
    %dma_wait3A_92 = tpu.memref_slice %arg8[%dma_wait3A_88, %dma_wait3A_89, %dma_wait3A_90, %dma_wait3A_91] : memref<2x3x128x32xf32, #tpu.memory_space<vmem>> -> memref<1x1x128x32xf32, #tpu.memory_space<vmem>>
    %dma_wait3A_93 = tpu.memref_squeeze %dma_wait3A_92 : memref<1x1x128x32xf32, #tpu.memory_space<vmem>> -> memref<128x32xf32, #tpu.memory_space<vmem>>
    %dma_wait3A_94 = arith.constant 0 : i32
    %dma_wait3A_95 = tpu.memref_slice %arg6[%dma_wait3A, %dma_wait3A_87, %dma_wait3A_94] : memref<2x3x128xi32, #tpu.memory_space<vmem>> -> memref<1x1x128xi32, #tpu.memory_space<vmem>>
    %dma_wait3A_96 = tpu.memref_squeeze %dma_wait3A_95 : memref<1x1x128xi32, #tpu.memory_space<vmem>> -> memref<128xi32, #tpu.memory_space<vmem>>
    %dma_wait3A_97 = arith.constant 0 : i32
    %dma_wait3A_98 = arith.constant 0 : i32
    %dma_wait3A_99 = tpu.memref_slice %arg2[%dma_wait3A_97, %dma_wait3A_98] : memref<50048x32xf32, #tpu.memory_space<hbm>> -> memref<50048x32xf32, #tpu.memory_space<hbm>>
    tpu.wait_indirect_dma semaphore(%arg11 : memref<!tpu.dma_semaphore, #tpu.memory_space<semaphore_mem>>) src(%dma_wait3A_99 : memref<50048x32xf32, #tpu.memory_space<hbm>>) dst(%dma_wait3A_93 : memref<128x32xf32, #tpu.memory_space<vmem>>)
    %dma_wait3A_100 = arith.constant 0 : i32
    %dma_wait3A_101 = arith.constant 1 : i32
    %dma_wait3A_102 = arith.constant 0 : i32
    %dma_wait3A_103 = arith.constant 1 : i32
    %dma_wait3A_104 = arith.constant 0 : i32
    %dma_wait3A_105 = arith.constant 0 : i32
    %dma_wait3A_106 = tpu.memref_slice %arg8[%dma_wait3A_102, %dma_wait3A_103, %dma_wait3A_104, %dma_wait3A_105] : memref<2x3x128x32xf32, #tpu.memory_space<vmem>> -> memref<1x1x128x32xf32, #tpu.memory_space<vmem>>
    %dma_wait3A_107 = tpu.memref_squeeze %dma_wait3A_106 : memref<1x1x128x32xf32, #tpu.memory_space<vmem>> -> memref<128x32xf32, #tpu.memory_space<vmem>>
    %dma_wait3A_108 = arith.constant 0 : i32
    %dma_wait3A_109 = tpu.memref_slice %arg6[%dma_wait3A_100, %dma_wait3A_101, %dma_wait3A_108] : memref<2x3x128xi32, #tpu.memory_space<vmem>> -> memref<1x1x128xi32, #tpu.memory_space<vmem>>
    %dma_wait3A_110 = tpu.memref_squeeze %dma_wait3A_109 : memref<1x1x128xi32, #tpu.memory_space<vmem>> -> memref<128xi32, #tpu.memory_space<vmem>>
    %dma_wait3A_111 = arith.constant 0 : i32
    %dma_wait3A_112 = arith.constant 0 : i32
    %dma_wait3A_113 = tpu.memref_slice %arg2[%dma_wait3A_111, %dma_wait3A_112] : memref<50048x32xf32, #tpu.memory_space<hbm>> -> memref<50048x32xf32, #tpu.memory_space<hbm>>
    tpu.wait_indirect_dma semaphore(%arg11 : memref<!tpu.dma_semaphore, #tpu.memory_space<semaphore_mem>>) src(%dma_wait3A_113 : memref<50048x32xf32, #tpu.memory_space<hbm>>) dst(%dma_wait3A_107 : memref<128x32xf32, #tpu.memory_space<vmem>>)
    %dma_wait3A_114 = arith.constant 0 : i32
    %dma_wait3A_115 = arith.constant 2 : i32
    %dma_wait3A_116 = arith.constant 0 : i32
    %dma_wait3A_117 = arith.constant 2 : i32
    %dma_wait3A_118 = arith.constant 0 : i32
    %dma_wait3A_119 = arith.constant 0 : i32
    %dma_wait3A_120 = tpu.memref_slice %arg8[%dma_wait3A_116, %dma_wait3A_117, %dma_wait3A_118, %dma_wait3A_119] : memref<2x3x128x32xf32, #tpu.memory_space<vmem>> -> memref<1x1x128x32xf32, #tpu.memory_space<vmem>>
    %dma_wait3A_121 = tpu.memref_squeeze %dma_wait3A_120 : memref<1x1x128x32xf32, #tpu.memory_space<vmem>> -> memref<128x32xf32, #tpu.memory_space<vmem>>
    %dma_wait3A_122 = arith.constant 0 : i32
    %dma_wait3A_123 = tpu.memref_slice %arg6[%dma_wait3A_114, %dma_wait3A_115, %dma_wait3A_122] : memref<2x3x128xi32, #tpu.memory_space<vmem>> -> memref<1x1x128xi32, #tpu.memory_space<vmem>>
    %dma_wait3A_124 = tpu.memref_squeeze %dma_wait3A_123 : memref<1x1x128xi32, #tpu.memory_space<vmem>> -> memref<128xi32, #tpu.memory_space<vmem>>
    %dma_wait3A_125 = arith.constant 0 : i32
    %dma_wait3A_126 = arith.constant 0 : i32
    %dma_wait3A_127 = tpu.memref_slice %arg2[%dma_wait3A_125, %dma_wait3A_126] : memref<50048x32xf32, #tpu.memory_space<hbm>> -> memref<50048x32xf32, #tpu.memory_space<hbm>>
    tpu.wait_indirect_dma semaphore(%arg11 : memref<!tpu.dma_semaphore, #tpu.memory_space<semaphore_mem>>) src(%dma_wait3A_127 : memref<50048x32xf32, #tpu.memory_space<hbm>>) dst(%dma_wait3A_121 : memref<128x32xf32, #tpu.memory_space<vmem>>)
    %dma_start3A_128 = arith.constant 0 : i32
    %dma_start3A_129 = arith.constant 0 : i32
    %dma_start3A_130 = arith.constant 0 : i32
    %dma_start3A_131 = arith.constant 0 : i32
    %dma_start3A_132 = arith.constant 0 : i32
    %dma_start3A_133 = arith.constant 0 : i32
    %dma_start3A_134 = tpu.memref_slice %arg8[%dma_start3A_128, %dma_start3A_129, %dma_start3A_132, %dma_start3A_133] : memref<2x3x128x32xf32, #tpu.memory_space<vmem>> -> memref<1x1x128x32xf32, #tpu.memory_space<vmem>>
    %dma_start3A_135 = tpu.memref_squeeze %dma_start3A_134 : memref<1x1x128x32xf32, #tpu.memory_space<vmem>> -> memref<128x32xf32, #tpu.memory_space<vmem>>
    %dma_start3A_136 = arith.constant 0 : i32
    %dma_start3A_137 = tpu.memref_slice %arg7[%dma_start3A_130, %dma_start3A_131, %dma_start3A_136] : memref<2x3x128xi32, #tpu.memory_space<vmem>> -> memref<1x1x128xi32, #tpu.memory_space<vmem>>
    %dma_start3A_138 = tpu.memref_squeeze %dma_start3A_137 : memref<1x1x128xi32, #tpu.memory_space<vmem>> -> memref<128xi32, #tpu.memory_space<vmem>>
    %dma_start3A_139 = arith.constant 0 : i32
    %dma_start3A_140 = arith.constant 0 : i32
    %dma_start3A_141 = tpu.memref_slice %arg9[%dma_start3A_139, %dma_start3A_140] : memref<50048x32xf32, #tpu.memory_space<vmem_shared>> -> memref<50048x32xf32, #tpu.memory_space<vmem_shared>>
    tpu.enqueue_indirect_dma source(%dma_start3A_135 : memref<128x32xf32, #tpu.memory_space<vmem>>) target(%dma_start3A_141 : memref<50048x32xf32, #tpu.memory_space<vmem_shared>>) offsets(%dma_start3A_138 : memref<128xi32, #tpu.memory_space<vmem>>) semaphore(%arg12 : memref<!tpu.dma_semaphore, #tpu.memory_space<semaphore_mem>>) {add = true}
    %dma_start3A_142 = arith.constant 0 : i32
    %dma_start3A_143 = arith.constant 1 : i32
    %dma_start3A_144 = arith.constant 0 : i32
    %dma_start3A_145 = arith.constant 1 : i32
    %dma_start3A_146 = arith.constant 0 : i32
    %dma_start3A_147 = arith.constant 0 : i32
    %dma_start3A_148 = tpu.memref_slice %arg8[%dma_start3A_142, %dma_start3A_143, %dma_start3A_146, %dma_start3A_147] : memref<2x3x128x32xf32, #tpu.memory_space<vmem>> -> memref<1x1x128x32xf32, #tpu.memory_space<vmem>>
    %dma_start3A_149 = tpu.memref_squeeze %dma_start3A_148 : memref<1x1x128x32xf32, #tpu.memory_space<vmem>> -> memref<128x32xf32, #tpu.memory_space<vmem>>
    %dma_start3A_150 = arith.constant 0 : i32
    %dma_start3A_151 = tpu.memref_slice %arg7[%dma_start3A_144, %dma_start3A_145, %dma_start3A_150] : memref<2x3x128xi32, #tpu.memory_space<vmem>> -> memref<1x1x128xi32, #tpu.memory_space<vmem>>
    %dma_start3A_152 = tpu.memref_squeeze %dma_start3A_151 : memref<1x1x128xi32, #tpu.memory_space<vmem>> -> memref<128xi32, #tpu.memory_space<vmem>>
    %dma_start3A_153 = arith.constant 0 : i32
    %dma_start3A_154 = arith.constant 0 : i32
    %dma_start3A_155 = tpu.memref_slice %arg9[%dma_start3A_153, %dma_start3A_154] : memref<50048x32xf32, #tpu.memory_space<vmem_shared>> -> memref<50048x32xf32, #tpu.memory_space<vmem_shared>>
    tpu.enqueue_indirect_dma source(%dma_start3A_149 : memref<128x32xf32, #tpu.memory_space<vmem>>) target(%dma_start3A_155 : memref<50048x32xf32, #tpu.memory_space<vmem_shared>>) offsets(%dma_start3A_152 : memref<128xi32, #tpu.memory_space<vmem>>) semaphore(%arg12 : memref<!tpu.dma_semaphore, #tpu.memory_space<semaphore_mem>>) {add = true}
    %dma_start3A_156 = arith.constant 0 : i32
    %dma_start3A_157 = arith.constant 2 : i32
    %dma_start3A_158 = arith.constant 0 : i32
    %dma_start3A_159 = arith.constant 2 : i32
    %dma_start3A_160 = arith.constant 0 : i32
    %dma_start3A_161 = arith.constant 0 : i32
    %dma_start3A_162 = tpu.memref_slice %arg8[%dma_start3A_156, %dma_start3A_157, %dma_start3A_160, %dma_start3A_161] : memref<2x3x128x32xf32, #tpu.memory_space<vmem>> -> memref<1x1x128x32xf32, #tpu.memory_space<vmem>>
    %dma_start3A_163 = tpu.memref_squeeze %dma_start3A_162 : memref<1x1x128x32xf32, #tpu.memory_space<vmem>> -> memref<128x32xf32, #tpu.memory_space<vmem>>
    %dma_start3A_164 = arith.constant 0 : i32
    %dma_start3A_165 = tpu.memref_slice %arg7[%dma_start3A_158, %dma_start3A_159, %dma_start3A_164] : memref<2x3x128xi32, #tpu.memory_space<vmem>> -> memref<1x1x128xi32, #tpu.memory_space<vmem>>
    %dma_start3A_166 = tpu.memref_squeeze %dma_start3A_165 : memref<1x1x128xi32, #tpu.memory_space<vmem>> -> memref<128xi32, #tpu.memory_space<vmem>>
    %dma_start3A_167 = arith.constant 0 : i32
    %dma_start3A_168 = arith.constant 0 : i32
    %dma_start3A_169 = tpu.memref_slice %arg9[%dma_start3A_167, %dma_start3A_168] : memref<50048x32xf32, #tpu.memory_space<vmem_shared>> -> memref<50048x32xf32, #tpu.memory_space<vmem_shared>>
    tpu.enqueue_indirect_dma source(%dma_start3A_163 : memref<128x32xf32, #tpu.memory_space<vmem>>) target(%dma_start3A_169 : memref<50048x32xf32, #tpu.memory_space<vmem_shared>>) offsets(%dma_start3A_166 : memref<128xi32, #tpu.memory_space<vmem>>) semaphore(%arg12 : memref<!tpu.dma_semaphore, #tpu.memory_space<semaphore_mem>>) {add = true}
    %dma_wait3A_170 = arith.constant 0 : i32
    %dma_wait3A_171 = arith.constant 1 : i32
    %dma_wait3A_172 = arith.constant 0 : i32
    %dma_wait3A_173 = arith.constant 0 : i32
    %dma_wait3A_174 = tpu.memref_slice %arg6[%dma_wait3A_171, %dma_wait3A_172, %dma_wait3A_173] : memref<2x3x128xi32, #tpu.memory_space<vmem>> -> memref<1x3x128xi32, #tpu.memory_space<vmem>>
    %dma_wait3A_175 = tpu.memref_squeeze %dma_wait3A_174 : memref<1x3x128xi32, #tpu.memory_space<vmem>> -> memref<3x128xi32, #tpu.memory_space<vmem>>
    %dma_wait3A_176 = arith.constant 0 : i32
    %dma_wait3A_177 = tpu.memref_slice %arg3[%dma_wait3A_170, %add3A_4, %dma_wait3A_176] : memref<2x6250x128xi32, #tpu.memory_space<hbm>> -> memref<1x3x128xi32, #tpu.memory_space<hbm>>
    %dma_wait3A_178 = tpu.memref_squeeze %dma_wait3A_177 : memref<1x3x128xi32, #tpu.memory_space<hbm>> -> memref<3x128xi32, #tpu.memory_space<hbm>>
    %dma_wait3A_179 = arith.constant 0 : i32
    %dma_wait3A_180 = arith.constant 0 : i32
    %dma_wait3A_181 = tpu.memref_slice %arg6[%dma_wait3A_171, %dma_wait3A_179, %dma_wait3A_180] : memref<2x3x128xi32, #tpu.memory_space<vmem>> -> memref<1x3x128xi32, #tpu.memory_space<vmem>>
    %dma_wait3A_182 = tpu.memref_squeeze %dma_wait3A_181 : memref<1x3x128xi32, #tpu.memory_space<vmem>> -> memref<3x128xi32, #tpu.memory_space<vmem>>
    %dma_wait3A_183 = arith.constant 0 : i32
    %dma_wait3A_184 = tpu.memref_slice %arg3[%dma_wait3A_170, %add3A_4, %dma_wait3A_183] : memref<2x6250x128xi32, #tpu.memory_space<hbm>> -> memref<1x3x128xi32, #tpu.memory_space<hbm>>
    %dma_wait3A_185 = tpu.memref_squeeze %dma_wait3A_184 : memref<1x3x128xi32, #tpu.memory_space<hbm>> -> memref<3x128xi32, #tpu.memory_space<hbm>>
    tpu.wait_dma2 semaphore(%arg10 : memref<!tpu.dma_semaphore, #tpu.memory_space<semaphore_mem>>) src(%dma_wait3A_185 : memref<3x128xi32, #tpu.memory_space<hbm>>) dst(%dma_wait3A_182 : memref<3x128xi32, #tpu.memory_space<vmem>>)
    %dma_wait3A_186 = arith.constant 1 : i32
    %dma_wait3A_187 = arith.constant 1 : i32
    %dma_wait3A_188 = arith.constant 0 : i32
    %dma_wait3A_189 = arith.constant 0 : i32
    %dma_wait3A_190 = tpu.memref_slice %arg7[%dma_wait3A_187, %dma_wait3A_188, %dma_wait3A_189] : memref<2x3x128xi32, #tpu.memory_space<vmem>> -> memref<1x3x128xi32, #tpu.memory_space<vmem>>
    %dma_wait3A_191 = tpu.memref_squeeze %dma_wait3A_190 : memref<1x3x128xi32, #tpu.memory_space<vmem>> -> memref<3x128xi32, #tpu.memory_space<vmem>>
    %dma_wait3A_192 = arith.constant 0 : i32
    %dma_wait3A_193 = tpu.memref_slice %arg3[%dma_wait3A_186, %add3A_4, %dma_wait3A_192] : memref<2x6250x128xi32, #tpu.memory_space<hbm>> -> memref<1x3x128xi32, #tpu.memory_space<hbm>>
    %dma_wait3A_194 = tpu.memref_squeeze %dma_wait3A_193 : memref<1x3x128xi32, #tpu.memory_space<hbm>> -> memref<3x128xi32, #tpu.memory_space<hbm>>
    %dma_wait3A_195 = arith.constant 0 : i32
    %dma_wait3A_196 = arith.constant 0 : i32
    %dma_wait3A_197 = tpu.memref_slice %arg7[%dma_wait3A_187, %dma_wait3A_195, %dma_wait3A_196] : memref<2x3x128xi32, #tpu.memory_space<vmem>> -> memref<1x3x128xi32, #tpu.memory_space<vmem>>
    %dma_wait3A_198 = tpu.memref_squeeze %dma_wait3A_197 : memref<1x3x128xi32, #tpu.memory_space<vmem>> -> memref<3x128xi32, #tpu.memory_space<vmem>>
    %dma_wait3A_199 = arith.constant 0 : i32
    %dma_wait3A_200 = tpu.memref_slice %arg3[%dma_wait3A_186, %add3A_4, %dma_wait3A_199] : memref<2x6250x128xi32, #tpu.memory_space<hbm>> -> memref<1x3x128xi32, #tpu.memory_space<hbm>>
    %dma_wait3A_201 = tpu.memref_squeeze %dma_wait3A_200 : memref<1x3x128xi32, #tpu.memory_space<hbm>> -> memref<3x128xi32, #tpu.memory_space<hbm>>
    tpu.wait_dma2 semaphore(%arg10 : memref<!tpu.dma_semaphore, #tpu.memory_space<semaphore_mem>>) src(%dma_wait3A_201 : memref<3x128xi32, #tpu.memory_space<hbm>>) dst(%dma_wait3A_198 : memref<3x128xi32, #tpu.memory_space<vmem>>)
    %dma_start3A_202 = arith.constant 1 : i32
    %dma_start3A_203 = arith.constant 0 : i32
    %dma_start3A_204 = arith.constant 1 : i32
    %dma_start3A_205 = arith.constant 0 : i32
    %dma_start3A_206 = arith.constant 0 : i32
    %dma_start3A_207 = arith.constant 0 : i32
    %dma_start3A_208 = tpu.memref_slice %arg8[%dma_start3A_204, %dma_start3A_205, %dma_start3A_206, %dma_start3A_207] : memref<2x3x128x32xf32, #tpu.memory_space<vmem>> -> memref<1x1x128x32xf32, #tpu.memory_space<vmem>>
    %dma_start3A_209 = tpu.memref_squeeze %dma_start3A_208 : memref<1x1x128x32xf32, #tpu.memory_space<vmem>> -> memref<128x32xf32, #tpu.memory_space<vmem>>
    %dma_start3A_210 = arith.constant 0 : i32
    %dma_start3A_211 = tpu.memref_slice %arg6[%dma_start3A_202, %dma_start3A_203, %dma_start3A_210] : memref<2x3x128xi32, #tpu.memory_space<vmem>> -> memref<1x1x128xi32, #tpu.memory_space<vmem>>
    %dma_start3A_212 = tpu.memref_squeeze %dma_start3A_211 : memref<1x1x128xi32, #tpu.memory_space<vmem>> -> memref<128xi32, #tpu.memory_space<vmem>>
    %dma_start3A_213 = arith.constant 0 : i32
    %dma_start3A_214 = arith.constant 0 : i32
    %dma_start3A_215 = tpu.memref_slice %arg2[%dma_start3A_213, %dma_start3A_214] : memref<50048x32xf32, #tpu.memory_space<hbm>> -> memref<50048x32xf32, #tpu.memory_space<hbm>>
    tpu.enqueue_indirect_dma source(%dma_start3A_215 : memref<50048x32xf32, #tpu.memory_space<hbm>>) target(%dma_start3A_209 : memref<128x32xf32, #tpu.memory_space<vmem>>) offsets(%dma_start3A_212 : memref<128xi32, #tpu.memory_space<vmem>>) semaphore(%arg11 : memref<!tpu.dma_semaphore, #tpu.memory_space<semaphore_mem>>)
    %dma_start3A_216 = arith.constant 1 : i32
    %dma_start3A_217 = arith.constant 1 : i32
    %dma_start3A_218 = arith.constant 1 : i32
    %dma_start3A_219 = arith.constant 1 : i32
    %dma_start3A_220 = arith.constant 0 : i32
    %dma_start3A_221 = arith.constant 0 : i32
    %dma_start3A_222 = tpu.memref_slice %arg8[%dma_start3A_218, %dma_start3A_219, %dma_start3A_220, %dma_start3A_221] : memref<2x3x128x32xf32, #tpu.memory_space<vmem>> -> memref<1x1x128x32xf32, #tpu.memory_space<vmem>>
    %dma_start3A_223 = tpu.memref_squeeze %dma_start3A_222 : memref<1x1x128x32xf32, #tpu.memory_space<vmem>> -> memref<128x32xf32, #tpu.memory_space<vmem>>
    %dma_start3A_224 = arith.constant 0 : i32
    %dma_start3A_225 = tpu.memref_slice %arg6[%dma_start3A_216, %dma_start3A_217, %dma_start3A_224] : memref<2x3x128xi32, #tpu.memory_space<vmem>> -> memref<1x1x128xi32, #tpu.memory_space<vmem>>
    %dma_start3A_226 = tpu.memref_squeeze %dma_start3A_225 : memref<1x1x128xi32, #tpu.memory_space<vmem>> -> memref<128xi32, #tpu.memory_space<vmem>>
    %dma_start3A_227 = arith.constant 0 : i32
    %dma_start3A_228 = arith.constant 0 : i32
    %dma_start3A_229 = tpu.memref_slice %arg2[%dma_start3A_227, %dma_start3A_228] : memref<50048x32xf32, #tpu.memory_space<hbm>> -> memref<50048x32xf32, #tpu.memory_space<hbm>>
    tpu.enqueue_indirect_dma source(%dma_start3A_229 : memref<50048x32xf32, #tpu.memory_space<hbm>>) target(%dma_start3A_223 : memref<128x32xf32, #tpu.memory_space<vmem>>) offsets(%dma_start3A_226 : memref<128xi32, #tpu.memory_space<vmem>>) semaphore(%arg11 : memref<!tpu.dma_semaphore, #tpu.memory_space<semaphore_mem>>)
    %dma_start3A_230 = arith.constant 1 : i32
    %dma_start3A_231 = arith.constant 2 : i32
    %dma_start3A_232 = arith.constant 1 : i32
    %dma_start3A_233 = arith.constant 2 : i32
    %dma_start3A_234 = arith.constant 0 : i32
    %dma_start3A_235 = arith.constant 0 : i32
    %dma_start3A_236 = tpu.memref_slice %arg8[%dma_start3A_232, %dma_start3A_233, %dma_start3A_234, %dma_start3A_235] : memref<2x3x128x32xf32, #tpu.memory_space<vmem>> -> memref<1x1x128x32xf32, #tpu.memory_space<vmem>>
    %dma_start3A_237 = tpu.memref_squeeze %dma_start3A_236 : memref<1x1x128x32xf32, #tpu.memory_space<vmem>> -> memref<128x32xf32, #tpu.memory_space<vmem>>
    %dma_start3A_238 = arith.constant 0 : i32
    %dma_start3A_239 = tpu.memref_slice %arg6[%dma_start3A_230, %dma_start3A_231, %dma_start3A_238] : memref<2x3x128xi32, #tpu.memory_space<vmem>> -> memref<1x1x128xi32, #tpu.memory_space<vmem>>
    %dma_start3A_240 = tpu.memref_squeeze %dma_start3A_239 : memref<1x1x128xi32, #tpu.memory_space<vmem>> -> memref<128xi32, #tpu.memory_space<vmem>>
    %dma_start3A_241 = arith.constant 0 : i32
    %dma_start3A_242 = arith.constant 0 : i32
    %dma_start3A_243 = tpu.memref_slice %arg2[%dma_start3A_241, %dma_start3A_242] : memref<50048x32xf32, #tpu.memory_space<hbm>> -> memref<50048x32xf32, #tpu.memory_space<hbm>>
    tpu.enqueue_indirect_dma source(%dma_start3A_243 : memref<50048x32xf32, #tpu.memory_space<hbm>>) target(%dma_start3A_237 : memref<128x32xf32, #tpu.memory_space<vmem>>) offsets(%dma_start3A_240 : memref<128xi32, #tpu.memory_space<vmem>>) semaphore(%arg11 : memref<!tpu.dma_semaphore, #tpu.memory_space<semaphore_mem>>)
    %scan3A = arith.constant 0 : i32
    %scan3A_244 = arith.constant 0 : i32
    %scan3A_245 = arith.constant 31 : i32
    %scan3A_246 = arith.addi %scan3A_244, %scan3A_245 : i32
    %scan3A_247 = arith.constant 1 : i32
    scf.for %scan3A_658 = %scan3A_244 to %scan3A_246 step %scan3A_247  : i32 {
      %mul3A_659 = arith.constant 2 : i32
      %mul3A_660 = arith.muli %mul3A_659, %scan3A_658 : i32
      %add3A_661 = arith.constant 1 : i32
      %add3A_662 = arith.addi %mul3A_660, %add3A_661 : i32
      %dma_wait3A_663 = arith.constant 0 : i32
      %dma_wait3A_664 = arith.constant 0 : i32
      %dma_wait3A_665 = arith.constant 0 : i32
      %dma_wait3A_666 = arith.constant 0 : i32
      %dma_wait3A_667 = arith.constant 0 : i32
      %dma_wait3A_668 = arith.constant 0 : i32
      %dma_wait3A_669 = tpu.memref_slice %arg8[%dma_wait3A_663, %dma_wait3A_664, %dma_wait3A_667, %dma_wait3A_668] : memref<2x3x128x32xf32, #tpu.memory_space<vmem>> -> memref<1x1x128x32xf32, #tpu.memory_space<vmem>>
      %dma_wait3A_670 = tpu.memref_squeeze %dma_wait3A_669 : memref<1x1x128x32xf32, #tpu.memory_space<vmem>> -> memref<128x32xf32, #tpu.memory_space<vmem>>
      %dma_wait3A_671 = arith.constant 0 : i32
      %dma_wait3A_672 = tpu.memref_slice %arg7[%dma_wait3A_665, %dma_wait3A_666, %dma_wait3A_671] : memref<2x3x128xi32, #tpu.memory_space<vmem>> -> memref<1x1x128xi32, #tpu.memory_space<vmem>>
      %dma_wait3A_673 = tpu.memref_squeeze %dma_wait3A_672 : memref<1x1x128xi32, #tpu.memory_space<vmem>> -> memref<128xi32, #tpu.memory_space<vmem>>
      %dma_wait3A_674 = arith.constant 0 : i32
      %dma_wait3A_675 = arith.constant 0 : i32
      %dma_wait3A_676 = tpu.memref_slice %arg9[%dma_wait3A_674, %dma_wait3A_675] : memref<50048x32xf32, #tpu.memory_space<vmem_shared>> -> memref<50048x32xf32, #tpu.memory_space<vmem_shared>>
      tpu.wait_indirect_dma semaphore(%arg12 : memref<!tpu.dma_semaphore, #tpu.memory_space<semaphore_mem>>) src(%dma_wait3A_670 : memref<128x32xf32, #tpu.memory_space<vmem>>) dst(%dma_wait3A_676 : memref<50048x32xf32, #tpu.memory_space<vmem_shared>>)
      %dma_wait3A_677 = arith.constant 0 : i32
      %dma_wait3A_678 = arith.constant 1 : i32
      %dma_wait3A_679 = arith.constant 0 : i32
      %dma_wait3A_680 = arith.constant 1 : i32
      %dma_wait3A_681 = arith.constant 0 : i32
      %dma_wait3A_682 = arith.constant 0 : i32
      %dma_wait3A_683 = tpu.memref_slice %arg8[%dma_wait3A_677, %dma_wait3A_678, %dma_wait3A_681, %dma_wait3A_682] : memref<2x3x128x32xf32, #tpu.memory_space<vmem>> -> memref<1x1x128x32xf32, #tpu.memory_space<vmem>>
      %dma_wait3A_684 = tpu.memref_squeeze %dma_wait3A_683 : memref<1x1x128x32xf32, #tpu.memory_space<vmem>> -> memref<128x32xf32, #tpu.memory_space<vmem>>
      %dma_wait3A_685 = arith.constant 0 : i32
      %dma_wait3A_686 = tpu.memref_slice %arg7[%dma_wait3A_679, %dma_wait3A_680, %dma_wait3A_685] : memref<2x3x128xi32, #tpu.memory_space<vmem>> -> memref<1x1x128xi32, #tpu.memory_space<vmem>>
      %dma_wait3A_687 = tpu.memref_squeeze %dma_wait3A_686 : memref<1x1x128xi32, #tpu.memory_space<vmem>> -> memref<128xi32, #tpu.memory_space<vmem>>
      %dma_wait3A_688 = arith.constant 0 : i32
      %dma_wait3A_689 = arith.constant 0 : i32
      %dma_wait3A_690 = tpu.memref_slice %arg9[%dma_wait3A_688, %dma_wait3A_689] : memref<50048x32xf32, #tpu.memory_space<vmem_shared>> -> memref<50048x32xf32, #tpu.memory_space<vmem_shared>>
      tpu.wait_indirect_dma semaphore(%arg12 : memref<!tpu.dma_semaphore, #tpu.memory_space<semaphore_mem>>) src(%dma_wait3A_684 : memref<128x32xf32, #tpu.memory_space<vmem>>) dst(%dma_wait3A_690 : memref<50048x32xf32, #tpu.memory_space<vmem_shared>>)
      %dma_wait3A_691 = arith.constant 0 : i32
      %dma_wait3A_692 = arith.constant 2 : i32
      %dma_wait3A_693 = arith.constant 0 : i32
      %dma_wait3A_694 = arith.constant 2 : i32
      %dma_wait3A_695 = arith.constant 0 : i32
      %dma_wait3A_696 = arith.constant 0 : i32
      %dma_wait3A_697 = tpu.memref_slice %arg8[%dma_wait3A_691, %dma_wait3A_692, %dma_wait3A_695, %dma_wait3A_696] : memref<2x3x128x32xf32, #tpu.memory_space<vmem>> -> memref<1x1x128x32xf32, #tpu.memory_space<vmem>>
      %dma_wait3A_698 = tpu.memref_squeeze %dma_wait3A_697 : memref<1x1x128x32xf32, #tpu.memory_space<vmem>> -> memref<128x32xf32, #tpu.memory_space<vmem>>
      %dma_wait3A_699 = arith.constant 0 : i32
      %dma_wait3A_700 = tpu.memref_slice %arg7[%dma_wait3A_693, %dma_wait3A_694, %dma_wait3A_699] : memref<2x3x128xi32, #tpu.memory_space<vmem>> -> memref<1x1x128xi32, #tpu.memory_space<vmem>>
      %dma_wait3A_701 = tpu.memref_squeeze %dma_wait3A_700 : memref<1x1x128xi32, #tpu.memory_space<vmem>> -> memref<128xi32, #tpu.memory_space<vmem>>
      %dma_wait3A_702 = arith.constant 0 : i32
      %dma_wait3A_703 = arith.constant 0 : i32
      %dma_wait3A_704 = tpu.memref_slice %arg9[%dma_wait3A_702, %dma_wait3A_703] : memref<50048x32xf32, #tpu.memory_space<vmem_shared>> -> memref<50048x32xf32, #tpu.memory_space<vmem_shared>>
      tpu.wait_indirect_dma semaphore(%arg12 : memref<!tpu.dma_semaphore, #tpu.memory_space<semaphore_mem>>) src(%dma_wait3A_698 : memref<128x32xf32, #tpu.memory_space<vmem>>) dst(%dma_wait3A_704 : memref<50048x32xf32, #tpu.memory_space<vmem_shared>>)
      %add3A_705 = arith.constant 1 : i32
      %add3A_706 = arith.addi %add3A_662, %add3A_705 : i32
      %mul3A_707 = arith.constant 3 : i32
      %mul3A_708 = arith.muli %add3A_706, %mul3A_707 : i32
      %add3A_709 = arith.addi %add3A_4, %mul3A_708 : i32
      %dma_start3A_710 = arith.constant 0 : i32
      %dma_start3A_711 = arith.constant 0 : i32
      %dma_start3A_712 = arith.constant 0 : i32
      %dma_start3A_713 = arith.constant 0 : i32
      %dma_start3A_714 = tpu.memref_slice %arg6[%dma_start3A_711, %dma_start3A_712, %dma_start3A_713] : memref<2x3x128xi32, #tpu.memory_space<vmem>> -> memref<1x3x128xi32, #tpu.memory_space<vmem>>
      %dma_start3A_715 = tpu.memref_squeeze %dma_start3A_714 : memref<1x3x128xi32, #tpu.memory_space<vmem>> -> memref<3x128xi32, #tpu.memory_space<vmem>>
      %dma_start3A_716 = arith.constant 0 : i32
      %dma_start3A_717 = tpu.memref_slice %arg3[%dma_start3A_710, %add3A_709, %dma_start3A_716] : memref<2x6250x128xi32, #tpu.memory_space<hbm>> -> memref<1x3x128xi32, #tpu.memory_space<hbm>>
      %dma_start3A_718 = tpu.memref_squeeze %dma_start3A_717 : memref<1x3x128xi32, #tpu.memory_space<hbm>> -> memref<3x128xi32, #tpu.memory_space<hbm>>
      %dma_start3A_719 = arith.constant 0 : i32
      %dma_start3A_720 = arith.constant 0 : i32
      %dma_start3A_721 = tpu.memref_slice %arg6[%dma_start3A_711, %dma_start3A_719, %dma_start3A_720] : memref<2x3x128xi32, #tpu.memory_space<vmem>> -> memref<1x3x128xi32, #tpu.memory_space<vmem>>
      %dma_start3A_722 = tpu.memref_squeeze %dma_start3A_721 : memref<1x3x128xi32, #tpu.memory_space<vmem>> -> memref<3x128xi32, #tpu.memory_space<vmem>>
      %dma_start3A_723 = arith.constant 0 : i32
      %dma_start3A_724 = tpu.memref_slice %arg3[%dma_start3A_710, %add3A_709, %dma_start3A_723] : memref<2x6250x128xi32, #tpu.memory_space<hbm>> -> memref<1x3x128xi32, #tpu.memory_space<hbm>>
      %dma_start3A_725 = tpu.memref_squeeze %dma_start3A_724 : memref<1x3x128xi32, #tpu.memory_space<hbm>> -> memref<3x128xi32, #tpu.memory_space<hbm>>
      tpu.enqueue_dma source(%dma_start3A_725 : memref<3x128xi32, #tpu.memory_space<hbm>>) target(%dma_start3A_722 : memref<3x128xi32, #tpu.memory_space<vmem>>) target_semaphore(%arg10 : memref<!tpu.dma_semaphore, #tpu.memory_space<semaphore_mem>>)
      %dma_start3A_726 = arith.constant 1 : i32
      %dma_start3A_727 = arith.constant 0 : i32
      %dma_start3A_728 = arith.constant 0 : i32
      %dma_start3A_729 = arith.constant 0 : i32
      %dma_start3A_730 = tpu.memref_slice %arg7[%dma_start3A_727, %dma_start3A_728, %dma_start3A_729] : memref<2x3x128xi32, #tpu.memory_space<vmem>> -> memref<1x3x128xi32, #tpu.memory_space<vmem>>
      %dma_start3A_731 = tpu.memref_squeeze %dma_start3A_730 : memref<1x3x128xi32, #tpu.memory_space<vmem>> -> memref<3x128xi32, #tpu.memory_space<vmem>>
      %dma_start3A_732 = arith.constant 0 : i32
      %dma_start3A_733 = tpu.memref_slice %arg3[%dma_start3A_726, %add3A_709, %dma_start3A_732] : memref<2x6250x128xi32, #tpu.memory_space<hbm>> -> memref<1x3x128xi32, #tpu.memory_space<hbm>>
      %dma_start3A_734 = tpu.memref_squeeze %dma_start3A_733 : memref<1x3x128xi32, #tpu.memory_space<hbm>> -> memref<3x128xi32, #tpu.memory_space<hbm>>
      %dma_start3A_735 = arith.constant 0 : i32
      %dma_start3A_736 = arith.constant 0 : i32
      %dma_start3A_737 = tpu.memref_slice %arg7[%dma_start3A_727, %dma_start3A_735, %dma_start3A_736] : memref<2x3x128xi32, #tpu.memory_space<vmem>> -> memref<1x3x128xi32, #tpu.memory_space<vmem>>
      %dma_start3A_738 = tpu.memref_squeeze %dma_start3A_737 : memref<1x3x128xi32, #tpu.memory_space<vmem>> -> memref<3x128xi32, #tpu.memory_space<vmem>>
      %dma_start3A_739 = arith.constant 0 : i32
      %dma_start3A_740 = tpu.memref_slice %arg3[%dma_start3A_726, %add3A_709, %dma_start3A_739] : memref<2x6250x128xi32, #tpu.memory_space<hbm>> -> memref<1x3x128xi32, #tpu.memory_space<hbm>>
      %dma_start3A_741 = tpu.memref_squeeze %dma_start3A_740 : memref<1x3x128xi32, #tpu.memory_space<hbm>> -> memref<3x128xi32, #tpu.memory_space<hbm>>
      tpu.enqueue_dma source(%dma_start3A_741 : memref<3x128xi32, #tpu.memory_space<hbm>>) target(%dma_start3A_738 : memref<3x128xi32, #tpu.memory_space<vmem>>) target_semaphore(%arg10 : memref<!tpu.dma_semaphore, #tpu.memory_space<semaphore_mem>>)
      %dma_wait3A_742 = arith.constant 1 : i32
      %dma_wait3A_743 = arith.constant 0 : i32
      %dma_wait3A_744 = arith.constant 1 : i32
      %dma_wait3A_745 = arith.constant 0 : i32
      %dma_wait3A_746 = arith.constant 0 : i32
      %dma_wait3A_747 = arith.constant 0 : i32
      %dma_wait3A_748 = tpu.memref_slice %arg8[%dma_wait3A_744, %dma_wait3A_745, %dma_wait3A_746, %dma_wait3A_747] : memref<2x3x128x32xf32, #tpu.memory_space<vmem>> -> memref<1x1x128x32xf32, #tpu.memory_space<vmem>>
      %dma_wait3A_749 = tpu.memref_squeeze %dma_wait3A_748 : memref<1x1x128x32xf32, #tpu.memory_space<vmem>> -> memref<128x32xf32, #tpu.memory_space<vmem>>
      %dma_wait3A_750 = arith.constant 0 : i32
      %dma_wait3A_751 = tpu.memref_slice %arg6[%dma_wait3A_742, %dma_wait3A_743, %dma_wait3A_750] : memref<2x3x128xi32, #tpu.memory_space<vmem>> -> memref<1x1x128xi32, #tpu.memory_space<vmem>>
      %dma_wait3A_752 = tpu.memref_squeeze %dma_wait3A_751 : memref<1x1x128xi32, #tpu.memory_space<vmem>> -> memref<128xi32, #tpu.memory_space<vmem>>
      %dma_wait3A_753 = arith.constant 0 : i32
      %dma_wait3A_754 = arith.constant 0 : i32
      %dma_wait3A_755 = tpu.memref_slice %arg2[%dma_wait3A_753, %dma_wait3A_754] : memref<50048x32xf32, #tpu.memory_space<hbm>> -> memref<50048x32xf32, #tpu.memory_space<hbm>>
      tpu.wait_indirect_dma semaphore(%arg11 : memref<!tpu.dma_semaphore, #tpu.memory_space<semaphore_mem>>) src(%dma_wait3A_755 : memref<50048x32xf32, #tpu.memory_space<hbm>>) dst(%dma_wait3A_749 : memref<128x32xf32, #tpu.memory_space<vmem>>)
      %dma_wait3A_756 = arith.constant 1 : i32
      %dma_wait3A_757 = arith.constant 1 : i32
      %dma_wait3A_758 = arith.constant 1 : i32
      %dma_wait3A_759 = arith.constant 1 : i32
      %dma_wait3A_760 = arith.constant 0 : i32
      %dma_wait3A_761 = arith.constant 0 : i32
      %dma_wait3A_762 = tpu.memref_slice %arg8[%dma_wait3A_758, %dma_wait3A_759, %dma_wait3A_760, %dma_wait3A_761] : memref<2x3x128x32xf32, #tpu.memory_space<vmem>> -> memref<1x1x128x32xf32, #tpu.memory_space<vmem>>
      %dma_wait3A_763 = tpu.memref_squeeze %dma_wait3A_762 : memref<1x1x128x32xf32, #tpu.memory_space<vmem>> -> memref<128x32xf32, #tpu.memory_space<vmem>>
      %dma_wait3A_764 = arith.constant 0 : i32
      %dma_wait3A_765 = tpu.memref_slice %arg6[%dma_wait3A_756, %dma_wait3A_757, %dma_wait3A_764] : memref<2x3x128xi32, #tpu.memory_space<vmem>> -> memref<1x1x128xi32, #tpu.memory_space<vmem>>
      %dma_wait3A_766 = tpu.memref_squeeze %dma_wait3A_765 : memref<1x1x128xi32, #tpu.memory_space<vmem>> -> memref<128xi32, #tpu.memory_space<vmem>>
      %dma_wait3A_767 = arith.constant 0 : i32
      %dma_wait3A_768 = arith.constant 0 : i32
      %dma_wait3A_769 = tpu.memref_slice %arg2[%dma_wait3A_767, %dma_wait3A_768] : memref<50048x32xf32, #tpu.memory_space<hbm>> -> memref<50048x32xf32, #tpu.memory_space<hbm>>
      tpu.wait_indirect_dma semaphore(%arg11 : memref<!tpu.dma_semaphore, #tpu.memory_space<semaphore_mem>>) src(%dma_wait3A_769 : memref<50048x32xf32, #tpu.memory_space<hbm>>) dst(%dma_wait3A_763 : memref<128x32xf32, #tpu.memory_space<vmem>>)
      %dma_wait3A_770 = arith.constant 1 : i32
      %dma_wait3A_771 = arith.constant 2 : i32
      %dma_wait3A_772 = arith.constant 1 : i32
      %dma_wait3A_773 = arith.constant 2 : i32
      %dma_wait3A_774 = arith.constant 0 : i32
      %dma_wait3A_775 = arith.constant 0 : i32
      %dma_wait3A_776 = tpu.memref_slice %arg8[%dma_wait3A_772, %dma_wait3A_773, %dma_wait3A_774, %dma_wait3A_775] : memref<2x3x128x32xf32, #tpu.memory_space<vmem>> -> memref<1x1x128x32xf32, #tpu.memory_space<vmem>>
      %dma_wait3A_777 = tpu.memref_squeeze %dma_wait3A_776 : memref<1x1x128x32xf32, #tpu.memory_space<vmem>> -> memref<128x32xf32, #tpu.memory_space<vmem>>
      %dma_wait3A_778 = arith.constant 0 : i32
      %dma_wait3A_779 = tpu.memref_slice %arg6[%dma_wait3A_770, %dma_wait3A_771, %dma_wait3A_778] : memref<2x3x128xi32, #tpu.memory_space<vmem>> -> memref<1x1x128xi32, #tpu.memory_space<vmem>>
      %dma_wait3A_780 = tpu.memref_squeeze %dma_wait3A_779 : memref<1x1x128xi32, #tpu.memory_space<vmem>> -> memref<128xi32, #tpu.memory_space<vmem>>
      %dma_wait3A_781 = arith.constant 0 : i32
      %dma_wait3A_782 = arith.constant 0 : i32
      %dma_wait3A_783 = tpu.memref_slice %arg2[%dma_wait3A_781, %dma_wait3A_782] : memref<50048x32xf32, #tpu.memory_space<hbm>> -> memref<50048x32xf32, #tpu.memory_space<hbm>>
      tpu.wait_indirect_dma semaphore(%arg11 : memref<!tpu.dma_semaphore, #tpu.memory_space<semaphore_mem>>) src(%dma_wait3A_783 : memref<50048x32xf32, #tpu.memory_space<hbm>>) dst(%dma_wait3A_777 : memref<128x32xf32, #tpu.memory_space<vmem>>)
      %dma_start3A_784 = arith.constant 1 : i32
      %dma_start3A_785 = arith.constant 0 : i32
      %dma_start3A_786 = arith.constant 1 : i32
      %dma_start3A_787 = arith.constant 0 : i32
      %dma_start3A_788 = arith.constant 0 : i32
      %dma_start3A_789 = arith.constant 0 : i32
      %dma_start3A_790 = tpu.memref_slice %arg8[%dma_start3A_784, %dma_start3A_785, %dma_start3A_788, %dma_start3A_789] : memref<2x3x128x32xf32, #tpu.memory_space<vmem>> -> memref<1x1x128x32xf32, #tpu.memory_space<vmem>>
      %dma_start3A_791 = tpu.memref_squeeze %dma_start3A_790 : memref<1x1x128x32xf32, #tpu.memory_space<vmem>> -> memref<128x32xf32, #tpu.memory_space<vmem>>
      %dma_start3A_792 = arith.constant 0 : i32
      %dma_start3A_793 = tpu.memref_slice %arg7[%dma_start3A_786, %dma_start3A_787, %dma_start3A_792] : memref<2x3x128xi32, #tpu.memory_space<vmem>> -> memref<1x1x128xi32, #tpu.memory_space<vmem>>
      %dma_start3A_794 = tpu.memref_squeeze %dma_start3A_793 : memref<1x1x128xi32, #tpu.memory_space<vmem>> -> memref<128xi32, #tpu.memory_space<vmem>>
      %dma_start3A_795 = arith.constant 0 : i32
      %dma_start3A_796 = arith.constant 0 : i32
      %dma_start3A_797 = tpu.memref_slice %arg9[%dma_start3A_795, %dma_start3A_796] : memref<50048x32xf32, #tpu.memory_space<vmem_shared>> -> memref<50048x32xf32, #tpu.memory_space<vmem_shared>>
      tpu.enqueue_indirect_dma source(%dma_start3A_791 : memref<128x32xf32, #tpu.memory_space<vmem>>) target(%dma_start3A_797 : memref<50048x32xf32, #tpu.memory_space<vmem_shared>>) offsets(%dma_start3A_794 : memref<128xi32, #tpu.memory_space<vmem>>) semaphore(%arg12 : memref<!tpu.dma_semaphore, #tpu.memory_space<semaphore_mem>>) {add = true}
      %dma_start3A_798 = arith.constant 1 : i32
      %dma_start3A_799 = arith.constant 1 : i32
      %dma_start3A_800 = arith.constant 1 : i32
      %dma_start3A_801 = arith.constant 1 : i32
      %dma_start3A_802 = arith.constant 0 : i32
      %dma_start3A_803 = arith.constant 0 : i32
      %dma_start3A_804 = tpu.memref_slice %arg8[%dma_start3A_798, %dma_start3A_799, %dma_start3A_802, %dma_start3A_803] : memref<2x3x128x32xf32, #tpu.memory_space<vmem>> -> memref<1x1x128x32xf32, #tpu.memory_space<vmem>>
      %dma_start3A_805 = tpu.memref_squeeze %dma_start3A_804 : memref<1x1x128x32xf32, #tpu.memory_space<vmem>> -> memref<128x32xf32, #tpu.memory_space<vmem>>
      %dma_start3A_806 = arith.constant 0 : i32
      %dma_start3A_807 = tpu.memref_slice %arg7[%dma_start3A_800, %dma_start3A_801, %dma_start3A_806] : memref<2x3x128xi32, #tpu.memory_space<vmem>> -> memref<1x1x128xi32, #tpu.memory_space<vmem>>
      %dma_start3A_808 = tpu.memref_squeeze %dma_start3A_807 : memref<1x1x128xi32, #tpu.memory_space<vmem>> -> memref<128xi32, #tpu.memory_space<vmem>>
      %dma_start3A_809 = arith.constant 0 : i32
      %dma_start3A_810 = arith.constant 0 : i32
      %dma_start3A_811 = tpu.memref_slice %arg9[%dma_start3A_809, %dma_start3A_810] : memref<50048x32xf32, #tpu.memory_space<vmem_shared>> -> memref<50048x32xf32, #tpu.memory_space<vmem_shared>>
      tpu.enqueue_indirect_dma source(%dma_start3A_805 : memref<128x32xf32, #tpu.memory_space<vmem>>) target(%dma_start3A_811 : memref<50048x32xf32, #tpu.memory_space<vmem_shared>>) offsets(%dma_start3A_808 : memref<128xi32, #tpu.memory_space<vmem>>) semaphore(%arg12 : memref<!tpu.dma_semaphore, #tpu.memory_space<semaphore_mem>>) {add = true}
      %dma_start3A_812 = arith.constant 1 : i32
      %dma_start3A_813 = arith.constant 2 : i32
      %dma_start3A_814 = arith.constant 1 : i32
      %dma_start3A_815 = arith.constant 2 : i32
      %dma_start3A_816 = arith.constant 0 : i32
      %dma_start3A_817 = arith.constant 0 : i32
      %dma_start3A_818 = tpu.memref_slice %arg8[%dma_start3A_812, %dma_start3A_813, %dma_start3A_816, %dma_start3A_817] : memref<2x3x128x32xf32, #tpu.memory_space<vmem>> -> memref<1x1x128x32xf32, #tpu.memory_space<vmem>>
      %dma_start3A_819 = tpu.memref_squeeze %dma_start3A_818 : memref<1x1x128x32xf32, #tpu.memory_space<vmem>> -> memref<128x32xf32, #tpu.memory_space<vmem>>
      %dma_start3A_820 = arith.constant 0 : i32
      %dma_start3A_821 = tpu.memref_slice %arg7[%dma_start3A_814, %dma_start3A_815, %dma_start3A_820] : memref<2x3x128xi32, #tpu.memory_space<vmem>> -> memref<1x1x128xi32, #tpu.memory_space<vmem>>
      %dma_start3A_822 = tpu.memref_squeeze %dma_start3A_821 : memref<1x1x128xi32, #tpu.memory_space<vmem>> -> memref<128xi32, #tpu.memory_space<vmem>>
      %dma_start3A_823 = arith.constant 0 : i32
      %dma_start3A_824 = arith.constant 0 : i32
      %dma_start3A_825 = tpu.memref_slice %arg9[%dma_start3A_823, %dma_start3A_824] : memref<50048x32xf32, #tpu.memory_space<vmem_shared>> -> memref<50048x32xf32, #tpu.memory_space<vmem_shared>>
      tpu.enqueue_indirect_dma source(%dma_start3A_819 : memref<128x32xf32, #tpu.memory_space<vmem>>) target(%dma_start3A_825 : memref<50048x32xf32, #tpu.memory_space<vmem_shared>>) offsets(%dma_start3A_822 : memref<128xi32, #tpu.memory_space<vmem>>) semaphore(%arg12 : memref<!tpu.dma_semaphore, #tpu.memory_space<semaphore_mem>>) {add = true}
      %dma_wait3A_826 = arith.constant 0 : i32
      %dma_wait3A_827 = arith.constant 0 : i32
      %dma_wait3A_828 = arith.constant 0 : i32
      %dma_wait3A_829 = arith.constant 0 : i32
      %dma_wait3A_830 = tpu.memref_slice %arg6[%dma_wait3A_827, %dma_wait3A_828, %dma_wait3A_829] : memref<2x3x128xi32, #tpu.memory_space<vmem>> -> memref<1x3x128xi32, #tpu.memory_space<vmem>>
      %dma_wait3A_831 = tpu.memref_squeeze %dma_wait3A_830 : memref<1x3x128xi32, #tpu.memory_space<vmem>> -> memref<3x128xi32, #tpu.memory_space<vmem>>
      %dma_wait3A_832 = arith.constant 0 : i32
      %dma_wait3A_833 = tpu.memref_slice %arg3[%dma_wait3A_826, %add3A_4, %dma_wait3A_832] : memref<2x6250x128xi32, #tpu.memory_space<hbm>> -> memref<1x3x128xi32, #tpu.memory_space<hbm>>
      %dma_wait3A_834 = tpu.memref_squeeze %dma_wait3A_833 : memref<1x3x128xi32, #tpu.memory_space<hbm>> -> memref<3x128xi32, #tpu.memory_space<hbm>>
      %dma_wait3A_835 = arith.constant 0 : i32
      %dma_wait3A_836 = arith.constant 0 : i32
      %dma_wait3A_837 = tpu.memref_slice %arg6[%dma_wait3A_827, %dma_wait3A_835, %dma_wait3A_836] : memref<2x3x128xi32, #tpu.memory_space<vmem>> -> memref<1x3x128xi32, #tpu.memory_space<vmem>>
      %dma_wait3A_838 = tpu.memref_squeeze %dma_wait3A_837 : memref<1x3x128xi32, #tpu.memory_space<vmem>> -> memref<3x128xi32, #tpu.memory_space<vmem>>
      %dma_wait3A_839 = arith.constant 0 : i32
      %dma_wait3A_840 = tpu.memref_slice %arg3[%dma_wait3A_826, %add3A_4, %dma_wait3A_839] : memref<2x6250x128xi32, #tpu.memory_space<hbm>> -> memref<1x3x128xi32, #tpu.memory_space<hbm>>
      %dma_wait3A_841 = tpu.memref_squeeze %dma_wait3A_840 : memref<1x3x128xi32, #tpu.memory_space<hbm>> -> memref<3x128xi32, #tpu.memory_space<hbm>>
      tpu.wait_dma2 semaphore(%arg10 : memref<!tpu.dma_semaphore, #tpu.memory_space<semaphore_mem>>) src(%dma_wait3A_841 : memref<3x128xi32, #tpu.memory_space<hbm>>) dst(%dma_wait3A_838 : memref<3x128xi32, #tpu.memory_space<vmem>>)
      %dma_wait3A_842 = arith.constant 1 : i32
      %dma_wait3A_843 = arith.constant 0 : i32
      %dma_wait3A_844 = arith.constant 0 : i32
      %dma_wait3A_845 = arith.constant 0 : i32
      %dma_wait3A_846 = tpu.memref_slice %arg7[%dma_wait3A_843, %dma_wait3A_844, %dma_wait3A_845] : memref<2x3x128xi32, #tpu.memory_space<vmem>> -> memref<1x3x128xi32, #tpu.memory_space<vmem>>
      %dma_wait3A_847 = tpu.memref_squeeze %dma_wait3A_846 : memref<1x3x128xi32, #tpu.memory_space<vmem>> -> memref<3x128xi32, #tpu.memory_space<vmem>>
      %dma_wait3A_848 = arith.constant 0 : i32
      %dma_wait3A_849 = tpu.memref_slice %arg3[%dma_wait3A_842, %add3A_4, %dma_wait3A_848] : memref<2x6250x128xi32, #tpu.memory_space<hbm>> -> memref<1x3x128xi32, #tpu.memory_space<hbm>>
      %dma_wait3A_850 = tpu.memref_squeeze %dma_wait3A_849 : memref<1x3x128xi32, #tpu.memory_space<hbm>> -> memref<3x128xi32, #tpu.memory_space<hbm>>
      %dma_wait3A_851 = arith.constant 0 : i32
      %dma_wait3A_852 = arith.constant 0 : i32
      %dma_wait3A_853 = tpu.memref_slice %arg7[%dma_wait3A_843, %dma_wait3A_851, %dma_wait3A_852] : memref<2x3x128xi32, #tpu.memory_space<vmem>> -> memref<1x3x128xi32, #tpu.memory_space<vmem>>
      %dma_wait3A_854 = tpu.memref_squeeze %dma_wait3A_853 : memref<1x3x128xi32, #tpu.memory_space<vmem>> -> memref<3x128xi32, #tpu.memory_space<vmem>>
      %dma_wait3A_855 = arith.constant 0 : i32
      %dma_wait3A_856 = tpu.memref_slice %arg3[%dma_wait3A_842, %add3A_4, %dma_wait3A_855] : memref<2x6250x128xi32, #tpu.memory_space<hbm>> -> memref<1x3x128xi32, #tpu.memory_space<hbm>>
      %dma_wait3A_857 = tpu.memref_squeeze %dma_wait3A_856 : memref<1x3x128xi32, #tpu.memory_space<hbm>> -> memref<3x128xi32, #tpu.memory_space<hbm>>
      tpu.wait_dma2 semaphore(%arg10 : memref<!tpu.dma_semaphore, #tpu.memory_space<semaphore_mem>>) src(%dma_wait3A_857 : memref<3x128xi32, #tpu.memory_space<hbm>>) dst(%dma_wait3A_854 : memref<3x128xi32, #tpu.memory_space<vmem>>)
      %dma_start3A_858 = arith.constant 0 : i32
      %dma_start3A_859 = arith.constant 0 : i32
      %dma_start3A_860 = arith.constant 0 : i32
      %dma_start3A_861 = arith.constant 0 : i32
      %dma_start3A_862 = arith.constant 0 : i32
      %dma_start3A_863 = arith.constant 0 : i32
      %dma_start3A_864 = tpu.memref_slice %arg8[%dma_start3A_860, %dma_start3A_861, %dma_start3A_862, %dma_start3A_863] : memref<2x3x128x32xf32, #tpu.memory_space<vmem>> -> memref<1x1x128x32xf32, #tpu.memory_space<vmem>>
      %dma_start3A_865 = tpu.memref_squeeze %dma_start3A_864 : memref<1x1x128x32xf32, #tpu.memory_space<vmem>> -> memref<128x32xf32, #tpu.memory_space<vmem>>
      %dma_start3A_866 = arith.constant 0 : i32
      %dma_start3A_867 = tpu.memref_slice %arg6[%dma_start3A_858, %dma_start3A_859, %dma_start3A_866] : memref<2x3x128xi32, #tpu.memory_space<vmem>> -> memref<1x1x128xi32, #tpu.memory_space<vmem>>
      %dma_start3A_868 = tpu.memref_squeeze %dma_start3A_867 : memref<1x1x128xi32, #tpu.memory_space<vmem>> -> memref<128xi32, #tpu.memory_space<vmem>>
      %dma_start3A_869 = arith.constant 0 : i32
      %dma_start3A_870 = arith.constant 0 : i32
      %dma_start3A_871 = tpu.memref_slice %arg2[%dma_start3A_869, %dma_start3A_870] : memref<50048x32xf32, #tpu.memory_space<hbm>> -> memref<50048x32xf32, #tpu.memory_space<hbm>>
      tpu.enqueue_indirect_dma source(%dma_start3A_871 : memref<50048x32xf32, #tpu.memory_space<hbm>>) target(%dma_start3A_865 : memref<128x32xf32, #tpu.memory_space<vmem>>) offsets(%dma_start3A_868 : memref<128xi32, #tpu.memory_space<vmem>>) semaphore(%arg11 : memref<!tpu.dma_semaphore, #tpu.memory_space<semaphore_mem>>)
      %dma_start3A_872 = arith.constant 0 : i32
      %dma_start3A_873 = arith.constant 1 : i32
      %dma_start3A_874 = arith.constant 0 : i32
      %dma_start3A_875 = arith.constant 1 : i32
      %dma_start3A_876 = arith.constant 0 : i32
      %dma_start3A_877 = arith.constant 0 : i32
      %dma_start3A_878 = tpu.memref_slice %arg8[%dma_start3A_874, %dma_start3A_875, %dma_start3A_876, %dma_start3A_877] : memref<2x3x128x32xf32, #tpu.memory_space<vmem>> -> memref<1x1x128x32xf32, #tpu.memory_space<vmem>>
      %dma_start3A_879 = tpu.memref_squeeze %dma_start3A_878 : memref<1x1x128x32xf32, #tpu.memory_space<vmem>> -> memref<128x32xf32, #tpu.memory_space<vmem>>
      %dma_start3A_880 = arith.constant 0 : i32
      %dma_start3A_881 = tpu.memref_slice %arg6[%dma_start3A_872, %dma_start3A_873, %dma_start3A_880] : memref<2x3x128xi32, #tpu.memory_space<vmem>> -> memref<1x1x128xi32, #tpu.memory_space<vmem>>
      %dma_start3A_882 = tpu.memref_squeeze %dma_start3A_881 : memref<1x1x128xi32, #tpu.memory_space<vmem>> -> memref<128xi32, #tpu.memory_space<vmem>>
      %dma_start3A_883 = arith.constant 0 : i32
      %dma_start3A_884 = arith.constant 0 : i32
      %dma_start3A_885 = tpu.memref_slice %arg2[%dma_start3A_883, %dma_start3A_884] : memref<50048x32xf32, #tpu.memory_space<hbm>> -> memref<50048x32xf32, #tpu.memory_space<hbm>>
      tpu.enqueue_indirect_dma source(%dma_start3A_885 : memref<50048x32xf32, #tpu.memory_space<hbm>>) target(%dma_start3A_879 : memref<128x32xf32, #tpu.memory_space<vmem>>) offsets(%dma_start3A_882 : memref<128xi32, #tpu.memory_space<vmem>>) semaphore(%arg11 : memref<!tpu.dma_semaphore, #tpu.memory_space<semaphore_mem>>)
      %dma_start3A_886 = arith.constant 0 : i32
      %dma_start3A_887 = arith.constant 2 : i32
      %dma_start3A_888 = arith.constant 0 : i32
      %dma_start3A_889 = arith.constant 2 : i32
      %dma_start3A_890 = arith.constant 0 : i32
      %dma_start3A_891 = arith.constant 0 : i32
      %dma_start3A_892 = tpu.memref_slice %arg8[%dma_start3A_888, %dma_start3A_889, %dma_start3A_890, %dma_start3A_891] : memref<2x3x128x32xf32, #tpu.memory_space<vmem>> -> memref<1x1x128x32xf32, #tpu.memory_space<vmem>>
      %dma_start3A_893 = tpu.memref_squeeze %dma_start3A_892 : memref<1x1x128x32xf32, #tpu.memory_space<vmem>> -> memref<128x32xf32, #tpu.memory_space<vmem>>
      %dma_start3A_894 = arith.constant 0 : i32
      %dma_start3A_895 = tpu.memref_slice %arg6[%dma_start3A_886, %dma_start3A_887, %dma_start3A_894] : memref<2x3x128xi32, #tpu.memory_space<vmem>> -> memref<1x1x128xi32, #tpu.memory_space<vmem>>
      %dma_start3A_896 = tpu.memref_squeeze %dma_start3A_895 : memref<1x1x128xi32, #tpu.memory_space<vmem>> -> memref<128xi32, #tpu.memory_space<vmem>>
      %dma_start3A_897 = arith.constant 0 : i32
      %dma_start3A_898 = arith.constant 0 : i32
      %dma_start3A_899 = tpu.memref_slice %arg2[%dma_start3A_897, %dma_start3A_898] : memref<50048x32xf32, #tpu.memory_space<hbm>> -> memref<50048x32xf32, #tpu.memory_space<hbm>>
      tpu.enqueue_indirect_dma source(%dma_start3A_899 : memref<50048x32xf32, #tpu.memory_space<hbm>>) target(%dma_start3A_893 : memref<128x32xf32, #tpu.memory_space<vmem>>) offsets(%dma_start3A_896 : memref<128xi32, #tpu.memory_space<vmem>>) semaphore(%arg11 : memref<!tpu.dma_semaphore, #tpu.memory_space<semaphore_mem>>)
      %dma_wait3A_900 = arith.constant 1 : i32
      %dma_wait3A_901 = arith.constant 0 : i32
      %dma_wait3A_902 = arith.constant 1 : i32
      %dma_wait3A_903 = arith.constant 0 : i32
      %dma_wait3A_904 = arith.constant 0 : i32
      %dma_wait3A_905 = arith.constant 0 : i32
      %dma_wait3A_906 = tpu.memref_slice %arg8[%dma_wait3A_900, %dma_wait3A_901, %dma_wait3A_904, %dma_wait3A_905] : memref<2x3x128x32xf32, #tpu.memory_space<vmem>> -> memref<1x1x128x32xf32, #tpu.memory_space<vmem>>
      %dma_wait3A_907 = tpu.memref_squeeze %dma_wait3A_906 : memref<1x1x128x32xf32, #tpu.memory_space<vmem>> -> memref<128x32xf32, #tpu.memory_space<vmem>>
      %dma_wait3A_908 = arith.constant 0 : i32
      %dma_wait3A_909 = tpu.memref_slice %arg7[%dma_wait3A_902, %dma_wait3A_903, %dma_wait3A_908] : memref<2x3x128xi32, #tpu.memory_space<vmem>> -> memref<1x1x128xi32, #tpu.memory_space<vmem>>
      %dma_wait3A_910 = tpu.memref_squeeze %dma_wait3A_909 : memref<1x1x128xi32, #tpu.memory_space<vmem>> -> memref<128xi32, #tpu.memory_space<vmem>>
      %dma_wait3A_911 = arith.constant 0 : i32
      %dma_wait3A_912 = arith.constant 0 : i32
      %dma_wait3A_913 = tpu.memref_slice %arg9[%dma_wait3A_911, %dma_wait3A_912] : memref<50048x32xf32, #tpu.memory_space<vmem_shared>> -> memref<50048x32xf32, #tpu.memory_space<vmem_shared>>
      tpu.wait_indirect_dma semaphore(%arg12 : memref<!tpu.dma_semaphore, #tpu.memory_space<semaphore_mem>>) src(%dma_wait3A_907 : memref<128x32xf32, #tpu.memory_space<vmem>>) dst(%dma_wait3A_913 : memref<50048x32xf32, #tpu.memory_space<vmem_shared>>)
      %dma_wait3A_914 = arith.constant 1 : i32
      %dma_wait3A_915 = arith.constant 1 : i32
      %dma_wait3A_916 = arith.constant 1 : i32
      %dma_wait3A_917 = arith.constant 1 : i32
      %dma_wait3A_918 = arith.constant 0 : i32
      %dma_wait3A_919 = arith.constant 0 : i32
      %dma_wait3A_920 = tpu.memref_slice %arg8[%dma_wait3A_914, %dma_wait3A_915, %dma_wait3A_918, %dma_wait3A_919] : memref<2x3x128x32xf32, #tpu.memory_space<vmem>> -> memref<1x1x128x32xf32, #tpu.memory_space<vmem>>
      %dma_wait3A_921 = tpu.memref_squeeze %dma_wait3A_920 : memref<1x1x128x32xf32, #tpu.memory_space<vmem>> -> memref<128x32xf32, #tpu.memory_space<vmem>>
      %dma_wait3A_922 = arith.constant 0 : i32
      %dma_wait3A_923 = tpu.memref_slice %arg7[%dma_wait3A_916, %dma_wait3A_917, %dma_wait3A_922] : memref<2x3x128xi32, #tpu.memory_space<vmem>> -> memref<1x1x128xi32, #tpu.memory_space<vmem>>
      %dma_wait3A_924 = tpu.memref_squeeze %dma_wait3A_923 : memref<1x1x128xi32, #tpu.memory_space<vmem>> -> memref<128xi32, #tpu.memory_space<vmem>>
      %dma_wait3A_925 = arith.constant 0 : i32
      %dma_wait3A_926 = arith.constant 0 : i32
      %dma_wait3A_927 = tpu.memref_slice %arg9[%dma_wait3A_925, %dma_wait3A_926] : memref<50048x32xf32, #tpu.memory_space<vmem_shared>> -> memref<50048x32xf32, #tpu.memory_space<vmem_shared>>
      tpu.wait_indirect_dma semaphore(%arg12 : memref<!tpu.dma_semaphore, #tpu.memory_space<semaphore_mem>>) src(%dma_wait3A_921 : memref<128x32xf32, #tpu.memory_space<vmem>>) dst(%dma_wait3A_927 : memref<50048x32xf32, #tpu.memory_space<vmem_shared>>)
      %dma_wait3A_928 = arith.constant 1 : i32
      %dma_wait3A_929 = arith.constant 2 : i32
      %dma_wait3A_930 = arith.constant 1 : i32
      %dma_wait3A_931 = arith.constant 2 : i32
      %dma_wait3A_932 = arith.constant 0 : i32
      %dma_wait3A_933 = arith.constant 0 : i32
      %dma_wait3A_934 = tpu.memref_slice %arg8[%dma_wait3A_928, %dma_wait3A_929, %dma_wait3A_932, %dma_wait3A_933] : memref<2x3x128x32xf32, #tpu.memory_space<vmem>> -> memref<1x1x128x32xf32, #tpu.memory_space<vmem>>
      %dma_wait3A_935 = tpu.memref_squeeze %dma_wait3A_934 : memref<1x1x128x32xf32, #tpu.memory_space<vmem>> -> memref<128x32xf32, #tpu.memory_space<vmem>>
      %dma_wait3A_936 = arith.constant 0 : i32
      %dma_wait3A_937 = tpu.memref_slice %arg7[%dma_wait3A_930, %dma_wait3A_931, %dma_wait3A_936] : memref<2x3x128xi32, #tpu.memory_space<vmem>> -> memref<1x1x128xi32, #tpu.memory_space<vmem>>
      %dma_wait3A_938 = tpu.memref_squeeze %dma_wait3A_937 : memref<1x1x128xi32, #tpu.memory_space<vmem>> -> memref<128xi32, #tpu.memory_space<vmem>>
      %dma_wait3A_939 = arith.constant 0 : i32
      %dma_wait3A_940 = arith.constant 0 : i32
      %dma_wait3A_941 = tpu.memref_slice %arg9[%dma_wait3A_939, %dma_wait3A_940] : memref<50048x32xf32, #tpu.memory_space<vmem_shared>> -> memref<50048x32xf32, #tpu.memory_space<vmem_shared>>
      tpu.wait_indirect_dma semaphore(%arg12 : memref<!tpu.dma_semaphore, #tpu.memory_space<semaphore_mem>>) src(%dma_wait3A_935 : memref<128x32xf32, #tpu.memory_space<vmem>>) dst(%dma_wait3A_941 : memref<50048x32xf32, #tpu.memory_space<vmem_shared>>)
      %add3A_942 = arith.constant 2 : i32
      %add3A_943 = arith.addi %add3A_662, %add3A_942 : i32
      %mul3A_944 = arith.constant 3 : i32
      %mul3A_945 = arith.muli %add3A_943, %mul3A_944 : i32
      %add3A_946 = arith.addi %add3A_4, %mul3A_945 : i32
      %dma_start3A_947 = arith.constant 0 : i32
      %dma_start3A_948 = arith.constant 1 : i32
      %dma_start3A_949 = arith.constant 0 : i32
      %dma_start3A_950 = arith.constant 0 : i32
      %dma_start3A_951 = tpu.memref_slice %arg6[%dma_start3A_948, %dma_start3A_949, %dma_start3A_950] : memref<2x3x128xi32, #tpu.memory_space<vmem>> -> memref<1x3x128xi32, #tpu.memory_space<vmem>>
      %dma_start3A_952 = tpu.memref_squeeze %dma_start3A_951 : memref<1x3x128xi32, #tpu.memory_space<vmem>> -> memref<3x128xi32, #tpu.memory_space<vmem>>
      %dma_start3A_953 = arith.constant 0 : i32
      %dma_start3A_954 = tpu.memref_slice %arg3[%dma_start3A_947, %add3A_946, %dma_start3A_953] : memref<2x6250x128xi32, #tpu.memory_space<hbm>> -> memref<1x3x128xi32, #tpu.memory_space<hbm>>
      %dma_start3A_955 = tpu.memref_squeeze %dma_start3A_954 : memref<1x3x128xi32, #tpu.memory_space<hbm>> -> memref<3x128xi32, #tpu.memory_space<hbm>>
      %dma_start3A_956 = arith.constant 0 : i32
      %dma_start3A_957 = arith.constant 0 : i32
      %dma_start3A_958 = tpu.memref_slice %arg6[%dma_start3A_948, %dma_start3A_956, %dma_start3A_957] : memref<2x3x128xi32, #tpu.memory_space<vmem>> -> memref<1x3x128xi32, #tpu.memory_space<vmem>>
      %dma_start3A_959 = tpu.memref_squeeze %dma_start3A_958 : memref<1x3x128xi32, #tpu.memory_space<vmem>> -> memref<3x128xi32, #tpu.memory_space<vmem>>
      %dma_start3A_960 = arith.constant 0 : i32
      %dma_start3A_961 = tpu.memref_slice %arg3[%dma_start3A_947, %add3A_946, %dma_start3A_960] : memref<2x6250x128xi32, #tpu.memory_space<hbm>> -> memref<1x3x128xi32, #tpu.memory_space<hbm>>
      %dma_start3A_962 = tpu.memref_squeeze %dma_start3A_961 : memref<1x3x128xi32, #tpu.memory_space<hbm>> -> memref<3x128xi32, #tpu.memory_space<hbm>>
      tpu.enqueue_dma source(%dma_start3A_962 : memref<3x128xi32, #tpu.memory_space<hbm>>) target(%dma_start3A_959 : memref<3x128xi32, #tpu.memory_space<vmem>>) target_semaphore(%arg10 : memref<!tpu.dma_semaphore, #tpu.memory_space<semaphore_mem>>)
      %dma_start3A_963 = arith.constant 1 : i32
      %dma_start3A_964 = arith.constant 1 : i32
      %dma_start3A_965 = arith.constant 0 : i32
      %dma_start3A_966 = arith.constant 0 : i32
      %dma_start3A_967 = tpu.memref_slice %arg7[%dma_start3A_964, %dma_start3A_965, %dma_start3A_966] : memref<2x3x128xi32, #tpu.memory_space<vmem>> -> memref<1x3x128xi32, #tpu.memory_space<vmem>>
      %dma_start3A_968 = tpu.memref_squeeze %dma_start3A_967 : memref<1x3x128xi32, #tpu.memory_space<vmem>> -> memref<3x128xi32, #tpu.memory_space<vmem>>
      %dma_start3A_969 = arith.constant 0 : i32
      %dma_start3A_970 = tpu.memref_slice %arg3[%dma_start3A_963, %add3A_946, %dma_start3A_969] : memref<2x6250x128xi32, #tpu.memory_space<hbm>> -> memref<1x3x128xi32, #tpu.memory_space<hbm>>
      %dma_start3A_971 = tpu.memref_squeeze %dma_start3A_970 : memref<1x3x128xi32, #tpu.memory_space<hbm>> -> memref<3x128xi32, #tpu.memory_space<hbm>>
      %dma_start3A_972 = arith.constant 0 : i32
      %dma_start3A_973 = arith.constant 0 : i32
      %dma_start3A_974 = tpu.memref_slice %arg7[%dma_start3A_964, %dma_start3A_972, %dma_start3A_973] : memref<2x3x128xi32, #tpu.memory_space<vmem>> -> memref<1x3x128xi32, #tpu.memory_space<vmem>>
      %dma_start3A_975 = tpu.memref_squeeze %dma_start3A_974 : memref<1x3x128xi32, #tpu.memory_space<vmem>> -> memref<3x128xi32, #tpu.memory_space<vmem>>
      %dma_start3A_976 = arith.constant 0 : i32
      %dma_start3A_977 = tpu.memref_slice %arg3[%dma_start3A_963, %add3A_946, %dma_start3A_976] : memref<2x6250x128xi32, #tpu.memory_space<hbm>> -> memref<1x3x128xi32, #tpu.memory_space<hbm>>
      %dma_start3A_978 = tpu.memref_squeeze %dma_start3A_977 : memref<1x3x128xi32, #tpu.memory_space<hbm>> -> memref<3x128xi32, #tpu.memory_space<hbm>>
      tpu.enqueue_dma source(%dma_start3A_978 : memref<3x128xi32, #tpu.memory_space<hbm>>) target(%dma_start3A_975 : memref<3x128xi32, #tpu.memory_space<vmem>>) target_semaphore(%arg10 : memref<!tpu.dma_semaphore, #tpu.memory_space<semaphore_mem>>)
      %dma_wait3A_979 = arith.constant 0 : i32
      %dma_wait3A_980 = arith.constant 0 : i32
      %dma_wait3A_981 = arith.constant 0 : i32
      %dma_wait3A_982 = arith.constant 0 : i32
      %dma_wait3A_983 = arith.constant 0 : i32
      %dma_wait3A_984 = arith.constant 0 : i32
      %dma_wait3A_985 = tpu.memref_slice %arg8[%dma_wait3A_981, %dma_wait3A_982, %dma_wait3A_983, %dma_wait3A_984] : memref<2x3x128x32xf32, #tpu.memory_space<vmem>> -> memref<1x1x128x32xf32, #tpu.memory_space<vmem>>
      %dma_wait3A_986 = tpu.memref_squeeze %dma_wait3A_985 : memref<1x1x128x32xf32, #tpu.memory_space<vmem>> -> memref<128x32xf32, #tpu.memory_space<vmem>>
      %dma_wait3A_987 = arith.constant 0 : i32
      %dma_wait3A_988 = tpu.memref_slice %arg6[%dma_wait3A_979, %dma_wait3A_980, %dma_wait3A_987] : memref<2x3x128xi32, #tpu.memory_space<vmem>> -> memref<1x1x128xi32, #tpu.memory_space<vmem>>
      %dma_wait3A_989 = tpu.memref_squeeze %dma_wait3A_988 : memref<1x1x128xi32, #tpu.memory_space<vmem>> -> memref<128xi32, #tpu.memory_space<vmem>>
      %dma_wait3A_990 = arith.constant 0 : i32
      %dma_wait3A_991 = arith.constant 0 : i32
      %dma_wait3A_992 = tpu.memref_slice %arg2[%dma_wait3A_990, %dma_wait3A_991] : memref<50048x32xf32, #tpu.memory_space<hbm>> -> memref<50048x32xf32, #tpu.memory_space<hbm>>
      tpu.wait_indirect_dma semaphore(%arg11 : memref<!tpu.dma_semaphore, #tpu.memory_space<semaphore_mem>>) src(%dma_wait3A_992 : memref<50048x32xf32, #tpu.memory_space<hbm>>) dst(%dma_wait3A_986 : memref<128x32xf32, #tpu.memory_space<vmem>>)
      %dma_wait3A_993 = arith.constant 0 : i32
      %dma_wait3A_994 = arith.constant 1 : i32
      %dma_wait3A_995 = arith.constant 0 : i32
      %dma_wait3A_996 = arith.constant 1 : i32
      %dma_wait3A_997 = arith.constant 0 : i32
      %dma_wait3A_998 = arith.constant 0 : i32
      %dma_wait3A_999 = tpu.memref_slice %arg8[%dma_wait3A_995, %dma_wait3A_996, %dma_wait3A_997, %dma_wait3A_998] : memref<2x3x128x32xf32, #tpu.memory_space<vmem>> -> memref<1x1x128x32xf32, #tpu.memory_space<vmem>>
      %dma_wait3A_1000 = tpu.memref_squeeze %dma_wait3A_999 : memref<1x1x128x32xf32, #tpu.memory_space<vmem>> -> memref<128x32xf32, #tpu.memory_space<vmem>>
      %dma_wait3A_1001 = arith.constant 0 : i32
      %dma_wait3A_1002 = tpu.memref_slice %arg6[%dma_wait3A_993, %dma_wait3A_994, %dma_wait3A_1001] : memref<2x3x128xi32, #tpu.memory_space<vmem>> -> memref<1x1x128xi32, #tpu.memory_space<vmem>>
      %dma_wait3A_1003 = tpu.memref_squeeze %dma_wait3A_1002 : memref<1x1x128xi32, #tpu.memory_space<vmem>> -> memref<128xi32, #tpu.memory_space<vmem>>
      %dma_wait3A_1004 = arith.constant 0 : i32
      %dma_wait3A_1005 = arith.constant 0 : i32
      %dma_wait3A_1006 = tpu.memref_slice %arg2[%dma_wait3A_1004, %dma_wait3A_1005] : memref<50048x32xf32, #tpu.memory_space<hbm>> -> memref<50048x32xf32, #tpu.memory_space<hbm>>
      tpu.wait_indirect_dma semaphore(%arg11 : memref<!tpu.dma_semaphore, #tpu.memory_space<semaphore_mem>>) src(%dma_wait3A_1006 : memref<50048x32xf32, #tpu.memory_space<hbm>>) dst(%dma_wait3A_1000 : memref<128x32xf32, #tpu.memory_space<vmem>>)
      %dma_wait3A_1007 = arith.constant 0 : i32
      %dma_wait3A_1008 = arith.constant 2 : i32
      %dma_wait3A_1009 = arith.constant 0 : i32
      %dma_wait3A_1010 = arith.constant 2 : i32
      %dma_wait3A_1011 = arith.constant 0 : i32
      %dma_wait3A_1012 = arith.constant 0 : i32
      %dma_wait3A_1013 = tpu.memref_slice %arg8[%dma_wait3A_1009, %dma_wait3A_1010, %dma_wait3A_1011, %dma_wait3A_1012] : memref<2x3x128x32xf32, #tpu.memory_space<vmem>> -> memref<1x1x128x32xf32, #tpu.memory_space<vmem>>
      %dma_wait3A_1014 = tpu.memref_squeeze %dma_wait3A_1013 : memref<1x1x128x32xf32, #tpu.memory_space<vmem>> -> memref<128x32xf32, #tpu.memory_space<vmem>>
      %dma_wait3A_1015 = arith.constant 0 : i32
      %dma_wait3A_1016 = tpu.memref_slice %arg6[%dma_wait3A_1007, %dma_wait3A_1008, %dma_wait3A_1015] : memref<2x3x128xi32, #tpu.memory_space<vmem>> -> memref<1x1x128xi32, #tpu.memory_space<vmem>>
      %dma_wait3A_1017 = tpu.memref_squeeze %dma_wait3A_1016 : memref<1x1x128xi32, #tpu.memory_space<vmem>> -> memref<128xi32, #tpu.memory_space<vmem>>
      %dma_wait3A_1018 = arith.constant 0 : i32
      %dma_wait3A_1019 = arith.constant 0 : i32
      %dma_wait3A_1020 = tpu.memref_slice %arg2[%dma_wait3A_1018, %dma_wait3A_1019] : memref<50048x32xf32, #tpu.memory_space<hbm>> -> memref<50048x32xf32, #tpu.memory_space<hbm>>
      tpu.wait_indirect_dma semaphore(%arg11 : memref<!tpu.dma_semaphore, #tpu.memory_space<semaphore_mem>>) src(%dma_wait3A_1020 : memref<50048x32xf32, #tpu.memory_space<hbm>>) dst(%dma_wait3A_1014 : memref<128x32xf32, #tpu.memory_space<vmem>>)
      %dma_start3A_1021 = arith.constant 0 : i32
      %dma_start3A_1022 = arith.constant 0 : i32
      %dma_start3A_1023 = arith.constant 0 : i32
      %dma_start3A_1024 = arith.constant 0 : i32
      %dma_start3A_1025 = arith.constant 0 : i32
      %dma_start3A_1026 = arith.constant 0 : i32
      %dma_start3A_1027 = tpu.memref_slice %arg8[%dma_start3A_1021, %dma_start3A_1022, %dma_start3A_1025, %dma_start3A_1026] : memref<2x3x128x32xf32, #tpu.memory_space<vmem>> -> memref<1x1x128x32xf32, #tpu.memory_space<vmem>>
      %dma_start3A_1028 = tpu.memref_squeeze %dma_start3A_1027 : memref<1x1x128x32xf32, #tpu.memory_space<vmem>> -> memref<128x32xf32, #tpu.memory_space<vmem>>
      %dma_start3A_1029 = arith.constant 0 : i32
      %dma_start3A_1030 = tpu.memref_slice %arg7[%dma_start3A_1023, %dma_start3A_1024, %dma_start3A_1029] : memref<2x3x128xi32, #tpu.memory_space<vmem>> -> memref<1x1x128xi32, #tpu.memory_space<vmem>>
      %dma_start3A_1031 = tpu.memref_squeeze %dma_start3A_1030 : memref<1x1x128xi32, #tpu.memory_space<vmem>> -> memref<128xi32, #tpu.memory_space<vmem>>
      %dma_start3A_1032 = arith.constant 0 : i32
      %dma_start3A_1033 = arith.constant 0 : i32
      %dma_start3A_1034 = tpu.memref_slice %arg9[%dma_start3A_1032, %dma_start3A_1033] : memref<50048x32xf32, #tpu.memory_space<vmem_shared>> -> memref<50048x32xf32, #tpu.memory_space<vmem_shared>>
      tpu.enqueue_indirect_dma source(%dma_start3A_1028 : memref<128x32xf32, #tpu.memory_space<vmem>>) target(%dma_start3A_1034 : memref<50048x32xf32, #tpu.memory_space<vmem_shared>>) offsets(%dma_start3A_1031 : memref<128xi32, #tpu.memory_space<vmem>>) semaphore(%arg12 : memref<!tpu.dma_semaphore, #tpu.memory_space<semaphore_mem>>) {add = true}
      %dma_start3A_1035 = arith.constant 0 : i32
      %dma_start3A_1036 = arith.constant 1 : i32
      %dma_start3A_1037 = arith.constant 0 : i32
      %dma_start3A_1038 = arith.constant 1 : i32
      %dma_start3A_1039 = arith.constant 0 : i32
      %dma_start3A_1040 = arith.constant 0 : i32
      %dma_start3A_1041 = tpu.memref_slice %arg8[%dma_start3A_1035, %dma_start3A_1036, %dma_start3A_1039, %dma_start3A_1040] : memref<2x3x128x32xf32, #tpu.memory_space<vmem>> -> memref<1x1x128x32xf32, #tpu.memory_space<vmem>>
      %dma_start3A_1042 = tpu.memref_squeeze %dma_start3A_1041 : memref<1x1x128x32xf32, #tpu.memory_space<vmem>> -> memref<128x32xf32, #tpu.memory_space<vmem>>
      %dma_start3A_1043 = arith.constant 0 : i32
      %dma_start3A_1044 = tpu.memref_slice %arg7[%dma_start3A_1037, %dma_start3A_1038, %dma_start3A_1043] : memref<2x3x128xi32, #tpu.memory_space<vmem>> -> memref<1x1x128xi32, #tpu.memory_space<vmem>>
      %dma_start3A_1045 = tpu.memref_squeeze %dma_start3A_1044 : memref<1x1x128xi32, #tpu.memory_space<vmem>> -> memref<128xi32, #tpu.memory_space<vmem>>
      %dma_start3A_1046 = arith.constant 0 : i32
      %dma_start3A_1047 = arith.constant 0 : i32
      %dma_start3A_1048 = tpu.memref_slice %arg9[%dma_start3A_1046, %dma_start3A_1047] : memref<50048x32xf32, #tpu.memory_space<vmem_shared>> -> memref<50048x32xf32, #tpu.memory_space<vmem_shared>>
      tpu.enqueue_indirect_dma source(%dma_start3A_1042 : memref<128x32xf32, #tpu.memory_space<vmem>>) target(%dma_start3A_1048 : memref<50048x32xf32, #tpu.memory_space<vmem_shared>>) offsets(%dma_start3A_1045 : memref<128xi32, #tpu.memory_space<vmem>>) semaphore(%arg12 : memref<!tpu.dma_semaphore, #tpu.memory_space<semaphore_mem>>) {add = true}
      %dma_start3A_1049 = arith.constant 0 : i32
      %dma_start3A_1050 = arith.constant 2 : i32
      %dma_start3A_1051 = arith.constant 0 : i32
      %dma_start3A_1052 = arith.constant 2 : i32
      %dma_start3A_1053 = arith.constant 0 : i32
      %dma_start3A_1054 = arith.constant 0 : i32
      %dma_start3A_1055 = tpu.memref_slice %arg8[%dma_start3A_1049, %dma_start3A_1050, %dma_start3A_1053, %dma_start3A_1054] : memref<2x3x128x32xf32, #tpu.memory_space<vmem>> -> memref<1x1x128x32xf32, #tpu.memory_space<vmem>>
      %dma_start3A_1056 = tpu.memref_squeeze %dma_start3A_1055 : memref<1x1x128x32xf32, #tpu.memory_space<vmem>> -> memref<128x32xf32, #tpu.memory_space<vmem>>
      %dma_start3A_1057 = arith.constant 0 : i32
      %dma_start3A_1058 = tpu.memref_slice %arg7[%dma_start3A_1051, %dma_start3A_1052, %dma_start3A_1057] : memref<2x3x128xi32, #tpu.memory_space<vmem>> -> memref<1x1x128xi32, #tpu.memory_space<vmem>>
      %dma_start3A_1059 = tpu.memref_squeeze %dma_start3A_1058 : memref<1x1x128xi32, #tpu.memory_space<vmem>> -> memref<128xi32, #tpu.memory_space<vmem>>
      %dma_start3A_1060 = arith.constant 0 : i32
      %dma_start3A_1061 = arith.constant 0 : i32
      %dma_start3A_1062 = tpu.memref_slice %arg9[%dma_start3A_1060, %dma_start3A_1061] : memref<50048x32xf32, #tpu.memory_space<vmem_shared>> -> memref<50048x32xf32, #tpu.memory_space<vmem_shared>>
      tpu.enqueue_indirect_dma source(%dma_start3A_1056 : memref<128x32xf32, #tpu.memory_space<vmem>>) target(%dma_start3A_1062 : memref<50048x32xf32, #tpu.memory_space<vmem_shared>>) offsets(%dma_start3A_1059 : memref<128xi32, #tpu.memory_space<vmem>>) semaphore(%arg12 : memref<!tpu.dma_semaphore, #tpu.memory_space<semaphore_mem>>) {add = true}
      %dma_wait3A_1063 = arith.constant 0 : i32
      %dma_wait3A_1064 = arith.constant 1 : i32
      %dma_wait3A_1065 = arith.constant 0 : i32
      %dma_wait3A_1066 = arith.constant 0 : i32
      %dma_wait3A_1067 = tpu.memref_slice %arg6[%dma_wait3A_1064, %dma_wait3A_1065, %dma_wait3A_1066] : memref<2x3x128xi32, #tpu.memory_space<vmem>> -> memref<1x3x128xi32, #tpu.memory_space<vmem>>
      %dma_wait3A_1068 = tpu.memref_squeeze %dma_wait3A_1067 : memref<1x3x128xi32, #tpu.memory_space<vmem>> -> memref<3x128xi32, #tpu.memory_space<vmem>>
      %dma_wait3A_1069 = arith.constant 0 : i32
      %dma_wait3A_1070 = tpu.memref_slice %arg3[%dma_wait3A_1063, %add3A_4, %dma_wait3A_1069] : memref<2x6250x128xi32, #tpu.memory_space<hbm>> -> memref<1x3x128xi32, #tpu.memory_space<hbm>>
      %dma_wait3A_1071 = tpu.memref_squeeze %dma_wait3A_1070 : memref<1x3x128xi32, #tpu.memory_space<hbm>> -> memref<3x128xi32, #tpu.memory_space<hbm>>
      %dma_wait3A_1072 = arith.constant 0 : i32
      %dma_wait3A_1073 = arith.constant 0 : i32
      %dma_wait3A_1074 = tpu.memref_slice %arg6[%dma_wait3A_1064, %dma_wait3A_1072, %dma_wait3A_1073] : memref<2x3x128xi32, #tpu.memory_space<vmem>> -> memref<1x3x128xi32, #tpu.memory_space<vmem>>
      %dma_wait3A_1075 = tpu.memref_squeeze %dma_wait3A_1074 : memref<1x3x128xi32, #tpu.memory_space<vmem>> -> memref<3x128xi32, #tpu.memory_space<vmem>>
      %dma_wait3A_1076 = arith.constant 0 : i32
      %dma_wait3A_1077 = tpu.memref_slice %arg3[%dma_wait3A_1063, %add3A_4, %dma_wait3A_1076] : memref<2x6250x128xi32, #tpu.memory_space<hbm>> -> memref<1x3x128xi32, #tpu.memory_space<hbm>>
      %dma_wait3A_1078 = tpu.memref_squeeze %dma_wait3A_1077 : memref<1x3x128xi32, #tpu.memory_space<hbm>> -> memref<3x128xi32, #tpu.memory_space<hbm>>
      tpu.wait_dma2 semaphore(%arg10 : memref<!tpu.dma_semaphore, #tpu.memory_space<semaphore_mem>>) src(%dma_wait3A_1078 : memref<3x128xi32, #tpu.memory_space<hbm>>) dst(%dma_wait3A_1075 : memref<3x128xi32, #tpu.memory_space<vmem>>)
      %dma_wait3A_1079 = arith.constant 1 : i32
      %dma_wait3A_1080 = arith.constant 1 : i32
      %dma_wait3A_1081 = arith.constant 0 : i32
      %dma_wait3A_1082 = arith.constant 0 : i32
      %dma_wait3A_1083 = tpu.memref_slice %arg7[%dma_wait3A_1080, %dma_wait3A_1081, %dma_wait3A_1082] : memref<2x3x128xi32, #tpu.memory_space<vmem>> -> memref<1x3x128xi32, #tpu.memory_space<vmem>>
      %dma_wait3A_1084 = tpu.memref_squeeze %dma_wait3A_1083 : memref<1x3x128xi32, #tpu.memory_space<vmem>> -> memref<3x128xi32, #tpu.memory_space<vmem>>
      %dma_wait3A_1085 = arith.constant 0 : i32
      %dma_wait3A_1086 = tpu.memref_slice %arg3[%dma_wait3A_1079, %add3A_4, %dma_wait3A_1085] : memref<2x6250x128xi32, #tpu.memory_space<hbm>> -> memref<1x3x128xi32, #tpu.memory_space<hbm>>
      %dma_wait3A_1087 = tpu.memref_squeeze %dma_wait3A_1086 : memref<1x3x128xi32, #tpu.memory_space<hbm>> -> memref<3x128xi32, #tpu.memory_space<hbm>>
      %dma_wait3A_1088 = arith.constant 0 : i32
      %dma_wait3A_1089 = arith.constant 0 : i32
      %dma_wait3A_1090 = tpu.memref_slice %arg7[%dma_wait3A_1080, %dma_wait3A_1088, %dma_wait3A_1089] : memref<2x3x128xi32, #tpu.memory_space<vmem>> -> memref<1x3x128xi32, #tpu.memory_space<vmem>>
      %dma_wait3A_1091 = tpu.memref_squeeze %dma_wait3A_1090 : memref<1x3x128xi32, #tpu.memory_space<vmem>> -> memref<3x128xi32, #tpu.memory_space<vmem>>
      %dma_wait3A_1092 = arith.constant 0 : i32
      %dma_wait3A_1093 = tpu.memref_slice %arg3[%dma_wait3A_1079, %add3A_4, %dma_wait3A_1092] : memref<2x6250x128xi32, #tpu.memory_space<hbm>> -> memref<1x3x128xi32, #tpu.memory_space<hbm>>
      %dma_wait3A_1094 = tpu.memref_squeeze %dma_wait3A_1093 : memref<1x3x128xi32, #tpu.memory_space<hbm>> -> memref<3x128xi32, #tpu.memory_space<hbm>>
      tpu.wait_dma2 semaphore(%arg10 : memref<!tpu.dma_semaphore, #tpu.memory_space<semaphore_mem>>) src(%dma_wait3A_1094 : memref<3x128xi32, #tpu.memory_space<hbm>>) dst(%dma_wait3A_1091 : memref<3x128xi32, #tpu.memory_space<vmem>>)
      %dma_start3A_1095 = arith.constant 1 : i32
      %dma_start3A_1096 = arith.constant 0 : i32
      %dma_start3A_1097 = arith.constant 1 : i32
      %dma_start3A_1098 = arith.constant 0 : i32
      %dma_start3A_1099 = arith.constant 0 : i32
      %dma_start3A_1100 = arith.constant 0 : i32
      %dma_start3A_1101 = tpu.memref_slice %arg8[%dma_start3A_1097, %dma_start3A_1098, %dma_start3A_1099, %dma_start3A_1100] : memref<2x3x128x32xf32, #tpu.memory_space<vmem>> -> memref<1x1x128x32xf32, #tpu.memory_space<vmem>>
      %dma_start3A_1102 = tpu.memref_squeeze %dma_start3A_1101 : memref<1x1x128x32xf32, #tpu.memory_space<vmem>> -> memref<128x32xf32, #tpu.memory_space<vmem>>
      %dma_start3A_1103 = arith.constant 0 : i32
      %dma_start3A_1104 = tpu.memref_slice %arg6[%dma_start3A_1095, %dma_start3A_1096, %dma_start3A_1103] : memref<2x3x128xi32, #tpu.memory_space<vmem>> -> memref<1x1x128xi32, #tpu.memory_space<vmem>>
      %dma_start3A_1105 = tpu.memref_squeeze %dma_start3A_1104 : memref<1x1x128xi32, #tpu.memory_space<vmem>> -> memref<128xi32, #tpu.memory_space<vmem>>
      %dma_start3A_1106 = arith.constant 0 : i32
      %dma_start3A_1107 = arith.constant 0 : i32
      %dma_start3A_1108 = tpu.memref_slice %arg2[%dma_start3A_1106, %dma_start3A_1107] : memref<50048x32xf32, #tpu.memory_space<hbm>> -> memref<50048x32xf32, #tpu.memory_space<hbm>>
      tpu.enqueue_indirect_dma source(%dma_start3A_1108 : memref<50048x32xf32, #tpu.memory_space<hbm>>) target(%dma_start3A_1102 : memref<128x32xf32, #tpu.memory_space<vmem>>) offsets(%dma_start3A_1105 : memref<128xi32, #tpu.memory_space<vmem>>) semaphore(%arg11 : memref<!tpu.dma_semaphore, #tpu.memory_space<semaphore_mem>>)
      %dma_start3A_1109 = arith.constant 1 : i32
      %dma_start3A_1110 = arith.constant 1 : i32
      %dma_start3A_1111 = arith.constant 1 : i32
      %dma_start3A_1112 = arith.constant 1 : i32
      %dma_start3A_1113 = arith.constant 0 : i32
      %dma_start3A_1114 = arith.constant 0 : i32
      %dma_start3A_1115 = tpu.memref_slice %arg8[%dma_start3A_1111, %dma_start3A_1112, %dma_start3A_1113, %dma_start3A_1114] : memref<2x3x128x32xf32, #tpu.memory_space<vmem>> -> memref<1x1x128x32xf32, #tpu.memory_space<vmem>>
      %dma_start3A_1116 = tpu.memref_squeeze %dma_start3A_1115 : memref<1x1x128x32xf32, #tpu.memory_space<vmem>> -> memref<128x32xf32, #tpu.memory_space<vmem>>
      %dma_start3A_1117 = arith.constant 0 : i32
      %dma_start3A_1118 = tpu.memref_slice %arg6[%dma_start3A_1109, %dma_start3A_1110, %dma_start3A_1117] : memref<2x3x128xi32, #tpu.memory_space<vmem>> -> memref<1x1x128xi32, #tpu.memory_space<vmem>>
      %dma_start3A_1119 = tpu.memref_squeeze %dma_start3A_1118 : memref<1x1x128xi32, #tpu.memory_space<vmem>> -> memref<128xi32, #tpu.memory_space<vmem>>
      %dma_start3A_1120 = arith.constant 0 : i32
      %dma_start3A_1121 = arith.constant 0 : i32
      %dma_start3A_1122 = tpu.memref_slice %arg2[%dma_start3A_1120, %dma_start3A_1121] : memref<50048x32xf32, #tpu.memory_space<hbm>> -> memref<50048x32xf32, #tpu.memory_space<hbm>>
      tpu.enqueue_indirect_dma source(%dma_start3A_1122 : memref<50048x32xf32, #tpu.memory_space<hbm>>) target(%dma_start3A_1116 : memref<128x32xf32, #tpu.memory_space<vmem>>) offsets(%dma_start3A_1119 : memref<128xi32, #tpu.memory_space<vmem>>) semaphore(%arg11 : memref<!tpu.dma_semaphore, #tpu.memory_space<semaphore_mem>>)
      %dma_start3A_1123 = arith.constant 1 : i32
      %dma_start3A_1124 = arith.constant 2 : i32
      %dma_start3A_1125 = arith.constant 1 : i32
      %dma_start3A_1126 = arith.constant 2 : i32
      %dma_start3A_1127 = arith.constant 0 : i32
      %dma_start3A_1128 = arith.constant 0 : i32
      %dma_start3A_1129 = tpu.memref_slice %arg8[%dma_start3A_1125, %dma_start3A_1126, %dma_start3A_1127, %dma_start3A_1128] : memref<2x3x128x32xf32, #tpu.memory_space<vmem>> -> memref<1x1x128x32xf32, #tpu.memory_space<vmem>>
      %dma_start3A_1130 = tpu.memref_squeeze %dma_start3A_1129 : memref<1x1x128x32xf32, #tpu.memory_space<vmem>> -> memref<128x32xf32, #tpu.memory_space<vmem>>
      %dma_start3A_1131 = arith.constant 0 : i32
      %dma_start3A_1132 = tpu.memref_slice %arg6[%dma_start3A_1123, %dma_start3A_1124, %dma_start3A_1131] : memref<2x3x128xi32, #tpu.memory_space<vmem>> -> memref<1x1x128xi32, #tpu.memory_space<vmem>>
      %dma_start3A_1133 = tpu.memref_squeeze %dma_start3A_1132 : memref<1x1x128xi32, #tpu.memory_space<vmem>> -> memref<128xi32, #tpu.memory_space<vmem>>
      %dma_start3A_1134 = arith.constant 0 : i32
      %dma_start3A_1135 = arith.constant 0 : i32
      %dma_start3A_1136 = tpu.memref_slice %arg2[%dma_start3A_1134, %dma_start3A_1135] : memref<50048x32xf32, #tpu.memory_space<hbm>> -> memref<50048x32xf32, #tpu.memory_space<hbm>>
      tpu.enqueue_indirect_dma source(%dma_start3A_1136 : memref<50048x32xf32, #tpu.memory_space<hbm>>) target(%dma_start3A_1130 : memref<128x32xf32, #tpu.memory_space<vmem>>) offsets(%dma_start3A_1133 : memref<128xi32, #tpu.memory_space<vmem>>) semaphore(%arg11 : memref<!tpu.dma_semaphore, #tpu.memory_space<semaphore_mem>>)
    }
    %scan3A_248 = arith.constant 31 : i32
    %dma_wait3A_249 = arith.constant 0 : i32
    %dma_wait3A_250 = arith.constant 0 : i32
    %dma_wait3A_251 = arith.constant 0 : i32
    %dma_wait3A_252 = arith.constant 0 : i32
    %dma_wait3A_253 = arith.constant 0 : i32
    %dma_wait3A_254 = arith.constant 0 : i32
    %dma_wait3A_255 = tpu.memref_slice %arg8[%dma_wait3A_249, %dma_wait3A_250, %dma_wait3A_253, %dma_wait3A_254] : memref<2x3x128x32xf32, #tpu.memory_space<vmem>> -> memref<1x1x128x32xf32, #tpu.memory_space<vmem>>
    %dma_wait3A_256 = tpu.memref_squeeze %dma_wait3A_255 : memref<1x1x128x32xf32, #tpu.memory_space<vmem>> -> memref<128x32xf32, #tpu.memory_space<vmem>>
    %dma_wait3A_257 = arith.constant 0 : i32
    %dma_wait3A_258 = tpu.memref_slice %arg7[%dma_wait3A_251, %dma_wait3A_252, %dma_wait3A_257] : memref<2x3x128xi32, #tpu.memory_space<vmem>> -> memref<1x1x128xi32, #tpu.memory_space<vmem>>
    %dma_wait3A_259 = tpu.memref_squeeze %dma_wait3A_258 : memref<1x1x128xi32, #tpu.memory_space<vmem>> -> memref<128xi32, #tpu.memory_space<vmem>>
    %dma_wait3A_260 = arith.constant 0 : i32
    %dma_wait3A_261 = arith.constant 0 : i32
    %dma_wait3A_262 = tpu.memref_slice %arg9[%dma_wait3A_260, %dma_wait3A_261] : memref<50048x32xf32, #tpu.memory_space<vmem_shared>> -> memref<50048x32xf32, #tpu.memory_space<vmem_shared>>
    tpu.wait_indirect_dma semaphore(%arg12 : memref<!tpu.dma_semaphore, #tpu.memory_space<semaphore_mem>>) src(%dma_wait3A_256 : memref<128x32xf32, #tpu.memory_space<vmem>>) dst(%dma_wait3A_262 : memref<50048x32xf32, #tpu.memory_space<vmem_shared>>)
    %dma_wait3A_263 = arith.constant 0 : i32
    %dma_wait3A_264 = arith.constant 1 : i32
    %dma_wait3A_265 = arith.constant 0 : i32
    %dma_wait3A_266 = arith.constant 1 : i32
    %dma_wait3A_267 = arith.constant 0 : i32
    %dma_wait3A_268 = arith.constant 0 : i32
    %dma_wait3A_269 = tpu.memref_slice %arg8[%dma_wait3A_263, %dma_wait3A_264, %dma_wait3A_267, %dma_wait3A_268] : memref<2x3x128x32xf32, #tpu.memory_space<vmem>> -> memref<1x1x128x32xf32, #tpu.memory_space<vmem>>
    %dma_wait3A_270 = tpu.memref_squeeze %dma_wait3A_269 : memref<1x1x128x32xf32, #tpu.memory_space<vmem>> -> memref<128x32xf32, #tpu.memory_space<vmem>>
    %dma_wait3A_271 = arith.constant 0 : i32
    %dma_wait3A_272 = tpu.memref_slice %arg7[%dma_wait3A_265, %dma_wait3A_266, %dma_wait3A_271] : memref<2x3x128xi32, #tpu.memory_space<vmem>> -> memref<1x1x128xi32, #tpu.memory_space<vmem>>
    %dma_wait3A_273 = tpu.memref_squeeze %dma_wait3A_272 : memref<1x1x128xi32, #tpu.memory_space<vmem>> -> memref<128xi32, #tpu.memory_space<vmem>>
    %dma_wait3A_274 = arith.constant 0 : i32
    %dma_wait3A_275 = arith.constant 0 : i32
    %dma_wait3A_276 = tpu.memref_slice %arg9[%dma_wait3A_274, %dma_wait3A_275] : memref<50048x32xf32, #tpu.memory_space<vmem_shared>> -> memref<50048x32xf32, #tpu.memory_space<vmem_shared>>
    tpu.wait_indirect_dma semaphore(%arg12 : memref<!tpu.dma_semaphore, #tpu.memory_space<semaphore_mem>>) src(%dma_wait3A_270 : memref<128x32xf32, #tpu.memory_space<vmem>>) dst(%dma_wait3A_276 : memref<50048x32xf32, #tpu.memory_space<vmem_shared>>)
    %dma_wait3A_277 = arith.constant 0 : i32
    %dma_wait3A_278 = arith.constant 2 : i32
    %dma_wait3A_279 = arith.constant 0 : i32
    %dma_wait3A_280 = arith.constant 2 : i32
    %dma_wait3A_281 = arith.constant 0 : i32
    %dma_wait3A_282 = arith.constant 0 : i32
    %dma_wait3A_283 = tpu.memref_slice %arg8[%dma_wait3A_277, %dma_wait3A_278, %dma_wait3A_281, %dma_wait3A_282] : memref<2x3x128x32xf32, #tpu.memory_space<vmem>> -> memref<1x1x128x32xf32, #tpu.memory_space<vmem>>
    %dma_wait3A_284 = tpu.memref_squeeze %dma_wait3A_283 : memref<1x1x128x32xf32, #tpu.memory_space<vmem>> -> memref<128x32xf32, #tpu.memory_space<vmem>>
    %dma_wait3A_285 = arith.constant 0 : i32
    %dma_wait3A_286 = tpu.memref_slice %arg7[%dma_wait3A_279, %dma_wait3A_280, %dma_wait3A_285] : memref<2x3x128xi32, #tpu.memory_space<vmem>> -> memref<1x1x128xi32, #tpu.memory_space<vmem>>
    %dma_wait3A_287 = tpu.memref_squeeze %dma_wait3A_286 : memref<1x1x128xi32, #tpu.memory_space<vmem>> -> memref<128xi32, #tpu.memory_space<vmem>>
    %dma_wait3A_288 = arith.constant 0 : i32
    %dma_wait3A_289 = arith.constant 0 : i32
    %dma_wait3A_290 = tpu.memref_slice %arg9[%dma_wait3A_288, %dma_wait3A_289] : memref<50048x32xf32, #tpu.memory_space<vmem_shared>> -> memref<50048x32xf32, #tpu.memory_space<vmem_shared>>
    tpu.wait_indirect_dma semaphore(%arg12 : memref<!tpu.dma_semaphore, #tpu.memory_space<semaphore_mem>>) src(%dma_wait3A_284 : memref<128x32xf32, #tpu.memory_space<vmem>>) dst(%dma_wait3A_290 : memref<50048x32xf32, #tpu.memory_space<vmem_shared>>)
    %add3A_291 = arith.constant 192 : i32
    %add3A_292 = arith.addi %add3A_4, %add3A_291 : i32
    %dma_start3A_293 = arith.constant 0 : i32
    %dma_start3A_294 = arith.constant 0 : i32
    %dma_start3A_295 = arith.constant 0 : i32
    %dma_start3A_296 = arith.constant 0 : i32
    %dma_start3A_297 = tpu.memref_slice %arg6[%dma_start3A_294, %dma_start3A_295, %dma_start3A_296] : memref<2x3x128xi32, #tpu.memory_space<vmem>> -> memref<1x3x128xi32, #tpu.memory_space<vmem>>
    %dma_start3A_298 = tpu.memref_squeeze %dma_start3A_297 : memref<1x3x128xi32, #tpu.memory_space<vmem>> -> memref<3x128xi32, #tpu.memory_space<vmem>>
    %dma_start3A_299 = arith.constant 0 : i32
    %dma_start3A_300 = tpu.memref_slice %arg3[%dma_start3A_293, %add3A_292, %dma_start3A_299] : memref<2x6250x128xi32, #tpu.memory_space<hbm>> -> memref<1x3x128xi32, #tpu.memory_space<hbm>>
    %dma_start3A_301 = tpu.memref_squeeze %dma_start3A_300 : memref<1x3x128xi32, #tpu.memory_space<hbm>> -> memref<3x128xi32, #tpu.memory_space<hbm>>
    %dma_start3A_302 = arith.constant 0 : i32
    %dma_start3A_303 = arith.constant 0 : i32
    %dma_start3A_304 = tpu.memref_slice %arg6[%dma_start3A_294, %dma_start3A_302, %dma_start3A_303] : memref<2x3x128xi32, #tpu.memory_space<vmem>> -> memref<1x3x128xi32, #tpu.memory_space<vmem>>
    %dma_start3A_305 = tpu.memref_squeeze %dma_start3A_304 : memref<1x3x128xi32, #tpu.memory_space<vmem>> -> memref<3x128xi32, #tpu.memory_space<vmem>>
    %dma_start3A_306 = arith.constant 0 : i32
    %dma_start3A_307 = tpu.memref_slice %arg3[%dma_start3A_293, %add3A_292, %dma_start3A_306] : memref<2x6250x128xi32, #tpu.memory_space<hbm>> -> memref<1x3x128xi32, #tpu.memory_space<hbm>>
    %dma_start3A_308 = tpu.memref_squeeze %dma_start3A_307 : memref<1x3x128xi32, #tpu.memory_space<hbm>> -> memref<3x128xi32, #tpu.memory_space<hbm>>
    tpu.enqueue_dma source(%dma_start3A_308 : memref<3x128xi32, #tpu.memory_space<hbm>>) target(%dma_start3A_305 : memref<3x128xi32, #tpu.memory_space<vmem>>) target_semaphore(%arg10 : memref<!tpu.dma_semaphore, #tpu.memory_space<semaphore_mem>>)
    %dma_start3A_309 = arith.constant 1 : i32
    %dma_start3A_310 = arith.constant 0 : i32
    %dma_start3A_311 = arith.constant 0 : i32
    %dma_start3A_312 = arith.constant 0 : i32
    %dma_start3A_313 = tpu.memref_slice %arg7[%dma_start3A_310, %dma_start3A_311, %dma_start3A_312] : memref<2x3x128xi32, #tpu.memory_space<vmem>> -> memref<1x3x128xi32, #tpu.memory_space<vmem>>
    %dma_start3A_314 = tpu.memref_squeeze %dma_start3A_313 : memref<1x3x128xi32, #tpu.memory_space<vmem>> -> memref<3x128xi32, #tpu.memory_space<vmem>>
    %dma_start3A_315 = arith.constant 0 : i32
    %dma_start3A_316 = tpu.memref_slice %arg3[%dma_start3A_309, %add3A_292, %dma_start3A_315] : memref<2x6250x128xi32, #tpu.memory_space<hbm>> -> memref<1x3x128xi32, #tpu.memory_space<hbm>>
    %dma_start3A_317 = tpu.memref_squeeze %dma_start3A_316 : memref<1x3x128xi32, #tpu.memory_space<hbm>> -> memref<3x128xi32, #tpu.memory_space<hbm>>
    %dma_start3A_318 = arith.constant 0 : i32
    %dma_start3A_319 = arith.constant 0 : i32
    %dma_start3A_320 = tpu.memref_slice %arg7[%dma_start3A_310, %dma_start3A_318, %dma_start3A_319] : memref<2x3x128xi32, #tpu.memory_space<vmem>> -> memref<1x3x128xi32, #tpu.memory_space<vmem>>
    %dma_start3A_321 = tpu.memref_squeeze %dma_start3A_320 : memref<1x3x128xi32, #tpu.memory_space<vmem>> -> memref<3x128xi32, #tpu.memory_space<vmem>>
    %dma_start3A_322 = arith.constant 0 : i32
    %dma_start3A_323 = tpu.memref_slice %arg3[%dma_start3A_309, %add3A_292, %dma_start3A_322] : memref<2x6250x128xi32, #tpu.memory_space<hbm>> -> memref<1x3x128xi32, #tpu.memory_space<hbm>>
    %dma_start3A_324 = tpu.memref_squeeze %dma_start3A_323 : memref<1x3x128xi32, #tpu.memory_space<hbm>> -> memref<3x128xi32, #tpu.memory_space<hbm>>
    tpu.enqueue_dma source(%dma_start3A_324 : memref<3x128xi32, #tpu.memory_space<hbm>>) target(%dma_start3A_321 : memref<3x128xi32, #tpu.memory_space<vmem>>) target_semaphore(%arg10 : memref<!tpu.dma_semaphore, #tpu.memory_space<semaphore_mem>>)
    %dma_wait3A_325 = arith.constant 1 : i32
    %dma_wait3A_326 = arith.constant 0 : i32
    %dma_wait3A_327 = arith.constant 1 : i32
    %dma_wait3A_328 = arith.constant 0 : i32
    %dma_wait3A_329 = arith.constant 0 : i32
    %dma_wait3A_330 = arith.constant 0 : i32
    %dma_wait3A_331 = tpu.memref_slice %arg8[%dma_wait3A_327, %dma_wait3A_328, %dma_wait3A_329, %dma_wait3A_330] : memref<2x3x128x32xf32, #tpu.memory_space<vmem>> -> memref<1x1x128x32xf32, #tpu.memory_space<vmem>>
    %dma_wait3A_332 = tpu.memref_squeeze %dma_wait3A_331 : memref<1x1x128x32xf32, #tpu.memory_space<vmem>> -> memref<128x32xf32, #tpu.memory_space<vmem>>
    %dma_wait3A_333 = arith.constant 0 : i32
    %dma_wait3A_334 = tpu.memref_slice %arg6[%dma_wait3A_325, %dma_wait3A_326, %dma_wait3A_333] : memref<2x3x128xi32, #tpu.memory_space<vmem>> -> memref<1x1x128xi32, #tpu.memory_space<vmem>>
    %dma_wait3A_335 = tpu.memref_squeeze %dma_wait3A_334 : memref<1x1x128xi32, #tpu.memory_space<vmem>> -> memref<128xi32, #tpu.memory_space<vmem>>
    %dma_wait3A_336 = arith.constant 0 : i32
    %dma_wait3A_337 = arith.constant 0 : i32
    %dma_wait3A_338 = tpu.memref_slice %arg2[%dma_wait3A_336, %dma_wait3A_337] : memref<50048x32xf32, #tpu.memory_space<hbm>> -> memref<50048x32xf32, #tpu.memory_space<hbm>>
    tpu.wait_indirect_dma semaphore(%arg11 : memref<!tpu.dma_semaphore, #tpu.memory_space<semaphore_mem>>) src(%dma_wait3A_338 : memref<50048x32xf32, #tpu.memory_space<hbm>>) dst(%dma_wait3A_332 : memref<128x32xf32, #tpu.memory_space<vmem>>)
    %dma_wait3A_339 = arith.constant 1 : i32
    %dma_wait3A_340 = arith.constant 1 : i32
    %dma_wait3A_341 = arith.constant 1 : i32
    %dma_wait3A_342 = arith.constant 1 : i32
    %dma_wait3A_343 = arith.constant 0 : i32
    %dma_wait3A_344 = arith.constant 0 : i32
    %dma_wait3A_345 = tpu.memref_slice %arg8[%dma_wait3A_341, %dma_wait3A_342, %dma_wait3A_343, %dma_wait3A_344] : memref<2x3x128x32xf32, #tpu.memory_space<vmem>> -> memref<1x1x128x32xf32, #tpu.memory_space<vmem>>
    %dma_wait3A_346 = tpu.memref_squeeze %dma_wait3A_345 : memref<1x1x128x32xf32, #tpu.memory_space<vmem>> -> memref<128x32xf32, #tpu.memory_space<vmem>>
    %dma_wait3A_347 = arith.constant 0 : i32
    %dma_wait3A_348 = tpu.memref_slice %arg6[%dma_wait3A_339, %dma_wait3A_340, %dma_wait3A_347] : memref<2x3x128xi32, #tpu.memory_space<vmem>> -> memref<1x1x128xi32, #tpu.memory_space<vmem>>
    %dma_wait3A_349 = tpu.memref_squeeze %dma_wait3A_348 : memref<1x1x128xi32, #tpu.memory_space<vmem>> -> memref<128xi32, #tpu.memory_space<vmem>>
    %dma_wait3A_350 = arith.constant 0 : i32
    %dma_wait3A_351 = arith.constant 0 : i32
    %dma_wait3A_352 = tpu.memref_slice %arg2[%dma_wait3A_350, %dma_wait3A_351] : memref<50048x32xf32, #tpu.memory_space<hbm>> -> memref<50048x32xf32, #tpu.memory_space<hbm>>
    tpu.wait_indirect_dma semaphore(%arg11 : memref<!tpu.dma_semaphore, #tpu.memory_space<semaphore_mem>>) src(%dma_wait3A_352 : memref<50048x32xf32, #tpu.memory_space<hbm>>) dst(%dma_wait3A_346 : memref<128x32xf32, #tpu.memory_space<vmem>>)
    %dma_wait3A_353 = arith.constant 1 : i32
    %dma_wait3A_354 = arith.constant 2 : i32
    %dma_wait3A_355 = arith.constant 1 : i32
    %dma_wait3A_356 = arith.constant 2 : i32
    %dma_wait3A_357 = arith.constant 0 : i32
    %dma_wait3A_358 = arith.constant 0 : i32
    %dma_wait3A_359 = tpu.memref_slice %arg8[%dma_wait3A_355, %dma_wait3A_356, %dma_wait3A_357, %dma_wait3A_358] : memref<2x3x128x32xf32, #tpu.memory_space<vmem>> -> memref<1x1x128x32xf32, #tpu.memory_space<vmem>>
    %dma_wait3A_360 = tpu.memref_squeeze %dma_wait3A_359 : memref<1x1x128x32xf32, #tpu.memory_space<vmem>> -> memref<128x32xf32, #tpu.memory_space<vmem>>
    %dma_wait3A_361 = arith.constant 0 : i32
    %dma_wait3A_362 = tpu.memref_slice %arg6[%dma_wait3A_353, %dma_wait3A_354, %dma_wait3A_361] : memref<2x3x128xi32, #tpu.memory_space<vmem>> -> memref<1x1x128xi32, #tpu.memory_space<vmem>>
    %dma_wait3A_363 = tpu.memref_squeeze %dma_wait3A_362 : memref<1x1x128xi32, #tpu.memory_space<vmem>> -> memref<128xi32, #tpu.memory_space<vmem>>
    %dma_wait3A_364 = arith.constant 0 : i32
    %dma_wait3A_365 = arith.constant 0 : i32
    %dma_wait3A_366 = tpu.memref_slice %arg2[%dma_wait3A_364, %dma_wait3A_365] : memref<50048x32xf32, #tpu.memory_space<hbm>> -> memref<50048x32xf32, #tpu.memory_space<hbm>>
    tpu.wait_indirect_dma semaphore(%arg11 : memref<!tpu.dma_semaphore, #tpu.memory_space<semaphore_mem>>) src(%dma_wait3A_366 : memref<50048x32xf32, #tpu.memory_space<hbm>>) dst(%dma_wait3A_360 : memref<128x32xf32, #tpu.memory_space<vmem>>)
    %dma_start3A_367 = arith.constant 1 : i32
    %dma_start3A_368 = arith.constant 0 : i32
    %dma_start3A_369 = arith.constant 1 : i32
    %dma_start3A_370 = arith.constant 0 : i32
    %dma_start3A_371 = arith.constant 0 : i32
    %dma_start3A_372 = arith.constant 0 : i32
    %dma_start3A_373 = tpu.memref_slice %arg8[%dma_start3A_367, %dma_start3A_368, %dma_start3A_371, %dma_start3A_372] : memref<2x3x128x32xf32, #tpu.memory_space<vmem>> -> memref<1x1x128x32xf32, #tpu.memory_space<vmem>>
    %dma_start3A_374 = tpu.memref_squeeze %dma_start3A_373 : memref<1x1x128x32xf32, #tpu.memory_space<vmem>> -> memref<128x32xf32, #tpu.memory_space<vmem>>
    %dma_start3A_375 = arith.constant 0 : i32
    %dma_start3A_376 = tpu.memref_slice %arg7[%dma_start3A_369, %dma_start3A_370, %dma_start3A_375] : memref<2x3x128xi32, #tpu.memory_space<vmem>> -> memref<1x1x128xi32, #tpu.memory_space<vmem>>
    %dma_start3A_377 = tpu.memref_squeeze %dma_start3A_376 : memref<1x1x128xi32, #tpu.memory_space<vmem>> -> memref<128xi32, #tpu.memory_space<vmem>>
    %dma_start3A_378 = arith.constant 0 : i32
    %dma_start3A_379 = arith.constant 0 : i32
    %dma_start3A_380 = tpu.memref_slice %arg9[%dma_start3A_378, %dma_start3A_379] : memref<50048x32xf32, #tpu.memory_space<vmem_shared>> -> memref<50048x32xf32, #tpu.memory_space<vmem_shared>>
    tpu.enqueue_indirect_dma source(%dma_start3A_374 : memref<128x32xf32, #tpu.memory_space<vmem>>) target(%dma_start3A_380 : memref<50048x32xf32, #tpu.memory_space<vmem_shared>>) offsets(%dma_start3A_377 : memref<128xi32, #tpu.memory_space<vmem>>) semaphore(%arg12 : memref<!tpu.dma_semaphore, #tpu.memory_space<semaphore_mem>>) {add = true}
    %dma_start3A_381 = arith.constant 1 : i32
    %dma_start3A_382 = arith.constant 1 : i32
    %dma_start3A_383 = arith.constant 1 : i32
    %dma_start3A_384 = arith.constant 1 : i32
    %dma_start3A_385 = arith.constant 0 : i32
    %dma_start3A_386 = arith.constant 0 : i32
    %dma_start3A_387 = tpu.memref_slice %arg8[%dma_start3A_381, %dma_start3A_382, %dma_start3A_385, %dma_start3A_386] : memref<2x3x128x32xf32, #tpu.memory_space<vmem>> -> memref<1x1x128x32xf32, #tpu.memory_space<vmem>>
    %dma_start3A_388 = tpu.memref_squeeze %dma_start3A_387 : memref<1x1x128x32xf32, #tpu.memory_space<vmem>> -> memref<128x32xf32, #tpu.memory_space<vmem>>
    %dma_start3A_389 = arith.constant 0 : i32
    %dma_start3A_390 = tpu.memref_slice %arg7[%dma_start3A_383, %dma_start3A_384, %dma_start3A_389] : memref<2x3x128xi32, #tpu.memory_space<vmem>> -> memref<1x1x128xi32, #tpu.memory_space<vmem>>
    %dma_start3A_391 = tpu.memref_squeeze %dma_start3A_390 : memref<1x1x128xi32, #tpu.memory_space<vmem>> -> memref<128xi32, #tpu.memory_space<vmem>>
    %dma_start3A_392 = arith.constant 0 : i32
    %dma_start3A_393 = arith.constant 0 : i32
    %dma_start3A_394 = tpu.memref_slice %arg9[%dma_start3A_392, %dma_start3A_393] : memref<50048x32xf32, #tpu.memory_space<vmem_shared>> -> memref<50048x32xf32, #tpu.memory_space<vmem_shared>>
    tpu.enqueue_indirect_dma source(%dma_start3A_388 : memref<128x32xf32, #tpu.memory_space<vmem>>) target(%dma_start3A_394 : memref<50048x32xf32, #tpu.memory_space<vmem_shared>>) offsets(%dma_start3A_391 : memref<128xi32, #tpu.memory_space<vmem>>) semaphore(%arg12 : memref<!tpu.dma_semaphore, #tpu.memory_space<semaphore_mem>>) {add = true}
    %dma_start3A_395 = arith.constant 1 : i32
    %dma_start3A_396 = arith.constant 2 : i32
    %dma_start3A_397 = arith.constant 1 : i32
    %dma_start3A_398 = arith.constant 2 : i32
    %dma_start3A_399 = arith.constant 0 : i32
    %dma_start3A_400 = arith.constant 0 : i32
    %dma_start3A_401 = tpu.memref_slice %arg8[%dma_start3A_395, %dma_start3A_396, %dma_start3A_399, %dma_start3A_400] : memref<2x3x128x32xf32, #tpu.memory_space<vmem>> -> memref<1x1x128x32xf32, #tpu.memory_space<vmem>>
    %dma_start3A_402 = tpu.memref_squeeze %dma_start3A_401 : memref<1x1x128x32xf32, #tpu.memory_space<vmem>> -> memref<128x32xf32, #tpu.memory_space<vmem>>
    %dma_start3A_403 = arith.constant 0 : i32
    %dma_start3A_404 = tpu.memref_slice %arg7[%dma_start3A_397, %dma_start3A_398, %dma_start3A_403] : memref<2x3x128xi32, #tpu.memory_space<vmem>> -> memref<1x1x128xi32, #tpu.memory_space<vmem>>
    %dma_start3A_405 = tpu.memref_squeeze %dma_start3A_404 : memref<1x1x128xi32, #tpu.memory_space<vmem>> -> memref<128xi32, #tpu.memory_space<vmem>>
    %dma_start3A_406 = arith.constant 0 : i32
    %dma_start3A_407 = arith.constant 0 : i32
    %dma_start3A_408 = tpu.memref_slice %arg9[%dma_start3A_406, %dma_start3A_407] : memref<50048x32xf32, #tpu.memory_space<vmem_shared>> -> memref<50048x32xf32, #tpu.memory_space<vmem_shared>>
    tpu.enqueue_indirect_dma source(%dma_start3A_402 : memref<128x32xf32, #tpu.memory_space<vmem>>) target(%dma_start3A_408 : memref<50048x32xf32, #tpu.memory_space<vmem_shared>>) offsets(%dma_start3A_405 : memref<128xi32, #tpu.memory_space<vmem>>) semaphore(%arg12 : memref<!tpu.dma_semaphore, #tpu.memory_space<semaphore_mem>>) {add = true}
    %dma_wait3A_409 = arith.constant 0 : i32
    %dma_wait3A_410 = arith.constant 0 : i32
    %dma_wait3A_411 = arith.constant 0 : i32
    %dma_wait3A_412 = arith.constant 0 : i32
    %dma_wait3A_413 = tpu.memref_slice %arg6[%dma_wait3A_410, %dma_wait3A_411, %dma_wait3A_412] : memref<2x3x128xi32, #tpu.memory_space<vmem>> -> memref<1x3x128xi32, #tpu.memory_space<vmem>>
    %dma_wait3A_414 = tpu.memref_squeeze %dma_wait3A_413 : memref<1x3x128xi32, #tpu.memory_space<vmem>> -> memref<3x128xi32, #tpu.memory_space<vmem>>
    %dma_wait3A_415 = arith.constant 0 : i32
    %dma_wait3A_416 = tpu.memref_slice %arg3[%dma_wait3A_409, %add3A_4, %dma_wait3A_415] : memref<2x6250x128xi32, #tpu.memory_space<hbm>> -> memref<1x3x128xi32, #tpu.memory_space<hbm>>
    %dma_wait3A_417 = tpu.memref_squeeze %dma_wait3A_416 : memref<1x3x128xi32, #tpu.memory_space<hbm>> -> memref<3x128xi32, #tpu.memory_space<hbm>>
    %dma_wait3A_418 = arith.constant 0 : i32
    %dma_wait3A_419 = arith.constant 0 : i32
    %dma_wait3A_420 = tpu.memref_slice %arg6[%dma_wait3A_410, %dma_wait3A_418, %dma_wait3A_419] : memref<2x3x128xi32, #tpu.memory_space<vmem>> -> memref<1x3x128xi32, #tpu.memory_space<vmem>>
    %dma_wait3A_421 = tpu.memref_squeeze %dma_wait3A_420 : memref<1x3x128xi32, #tpu.memory_space<vmem>> -> memref<3x128xi32, #tpu.memory_space<vmem>>
    %dma_wait3A_422 = arith.constant 0 : i32
    %dma_wait3A_423 = tpu.memref_slice %arg3[%dma_wait3A_409, %add3A_4, %dma_wait3A_422] : memref<2x6250x128xi32, #tpu.memory_space<hbm>> -> memref<1x3x128xi32, #tpu.memory_space<hbm>>
    %dma_wait3A_424 = tpu.memref_squeeze %dma_wait3A_423 : memref<1x3x128xi32, #tpu.memory_space<hbm>> -> memref<3x128xi32, #tpu.memory_space<hbm>>
    tpu.wait_dma2 semaphore(%arg10 : memref<!tpu.dma_semaphore, #tpu.memory_space<semaphore_mem>>) src(%dma_wait3A_424 : memref<3x128xi32, #tpu.memory_space<hbm>>) dst(%dma_wait3A_421 : memref<3x128xi32, #tpu.memory_space<vmem>>)
    %dma_wait3A_425 = arith.constant 1 : i32
    %dma_wait3A_426 = arith.constant 0 : i32
    %dma_wait3A_427 = arith.constant 0 : i32
    %dma_wait3A_428 = arith.constant 0 : i32
    %dma_wait3A_429 = tpu.memref_slice %arg7[%dma_wait3A_426, %dma_wait3A_427, %dma_wait3A_428] : memref<2x3x128xi32, #tpu.memory_space<vmem>> -> memref<1x3x128xi32, #tpu.memory_space<vmem>>
    %dma_wait3A_430 = tpu.memref_squeeze %dma_wait3A_429 : memref<1x3x128xi32, #tpu.memory_space<vmem>> -> memref<3x128xi32, #tpu.memory_space<vmem>>
    %dma_wait3A_431 = arith.constant 0 : i32
    %dma_wait3A_432 = tpu.memref_slice %arg3[%dma_wait3A_425, %add3A_4, %dma_wait3A_431] : memref<2x6250x128xi32, #tpu.memory_space<hbm>> -> memref<1x3x128xi32, #tpu.memory_space<hbm>>
    %dma_wait3A_433 = tpu.memref_squeeze %dma_wait3A_432 : memref<1x3x128xi32, #tpu.memory_space<hbm>> -> memref<3x128xi32, #tpu.memory_space<hbm>>
    %dma_wait3A_434 = arith.constant 0 : i32
    %dma_wait3A_435 = arith.constant 0 : i32
    %dma_wait3A_436 = tpu.memref_slice %arg7[%dma_wait3A_426, %dma_wait3A_434, %dma_wait3A_435] : memref<2x3x128xi32, #tpu.memory_space<vmem>> -> memref<1x3x128xi32, #tpu.memory_space<vmem>>
    %dma_wait3A_437 = tpu.memref_squeeze %dma_wait3A_436 : memref<1x3x128xi32, #tpu.memory_space<vmem>> -> memref<3x128xi32, #tpu.memory_space<vmem>>
    %dma_wait3A_438 = arith.constant 0 : i32
    %dma_wait3A_439 = tpu.memref_slice %arg3[%dma_wait3A_425, %add3A_4, %dma_wait3A_438] : memref<2x6250x128xi32, #tpu.memory_space<hbm>> -> memref<1x3x128xi32, #tpu.memory_space<hbm>>
    %dma_wait3A_440 = tpu.memref_squeeze %dma_wait3A_439 : memref<1x3x128xi32, #tpu.memory_space<hbm>> -> memref<3x128xi32, #tpu.memory_space<hbm>>
    tpu.wait_dma2 semaphore(%arg10 : memref<!tpu.dma_semaphore, #tpu.memory_space<semaphore_mem>>) src(%dma_wait3A_440 : memref<3x128xi32, #tpu.memory_space<hbm>>) dst(%dma_wait3A_437 : memref<3x128xi32, #tpu.memory_space<vmem>>)
    %dma_start3A_441 = arith.constant 0 : i32
    %dma_start3A_442 = arith.constant 0 : i32
    %dma_start3A_443 = arith.constant 0 : i32
    %dma_start3A_444 = arith.constant 0 : i32
    %dma_start3A_445 = arith.constant 0 : i32
    %dma_start3A_446 = arith.constant 0 : i32
    %dma_start3A_447 = tpu.memref_slice %arg8[%dma_start3A_443, %dma_start3A_444, %dma_start3A_445, %dma_start3A_446] : memref<2x3x128x32xf32, #tpu.memory_space<vmem>> -> memref<1x1x128x32xf32, #tpu.memory_space<vmem>>
    %dma_start3A_448 = tpu.memref_squeeze %dma_start3A_447 : memref<1x1x128x32xf32, #tpu.memory_space<vmem>> -> memref<128x32xf32, #tpu.memory_space<vmem>>
    %dma_start3A_449 = arith.constant 0 : i32
    %dma_start3A_450 = tpu.memref_slice %arg6[%dma_start3A_441, %dma_start3A_442, %dma_start3A_449] : memref<2x3x128xi32, #tpu.memory_space<vmem>> -> memref<1x1x128xi32, #tpu.memory_space<vmem>>
    %dma_start3A_451 = tpu.memref_squeeze %dma_start3A_450 : memref<1x1x128xi32, #tpu.memory_space<vmem>> -> memref<128xi32, #tpu.memory_space<vmem>>
    %dma_start3A_452 = arith.constant 0 : i32
    %dma_start3A_453 = arith.constant 0 : i32
    %dma_start3A_454 = tpu.memref_slice %arg2[%dma_start3A_452, %dma_start3A_453] : memref<50048x32xf32, #tpu.memory_space<hbm>> -> memref<50048x32xf32, #tpu.memory_space<hbm>>
    tpu.enqueue_indirect_dma source(%dma_start3A_454 : memref<50048x32xf32, #tpu.memory_space<hbm>>) target(%dma_start3A_448 : memref<128x32xf32, #tpu.memory_space<vmem>>) offsets(%dma_start3A_451 : memref<128xi32, #tpu.memory_space<vmem>>) semaphore(%arg11 : memref<!tpu.dma_semaphore, #tpu.memory_space<semaphore_mem>>)
    %dma_start3A_455 = arith.constant 0 : i32
    %dma_start3A_456 = arith.constant 1 : i32
    %dma_start3A_457 = arith.constant 0 : i32
    %dma_start3A_458 = arith.constant 1 : i32
    %dma_start3A_459 = arith.constant 0 : i32
    %dma_start3A_460 = arith.constant 0 : i32
    %dma_start3A_461 = tpu.memref_slice %arg8[%dma_start3A_457, %dma_start3A_458, %dma_start3A_459, %dma_start3A_460] : memref<2x3x128x32xf32, #tpu.memory_space<vmem>> -> memref<1x1x128x32xf32, #tpu.memory_space<vmem>>
    %dma_start3A_462 = tpu.memref_squeeze %dma_start3A_461 : memref<1x1x128x32xf32, #tpu.memory_space<vmem>> -> memref<128x32xf32, #tpu.memory_space<vmem>>
    %dma_start3A_463 = arith.constant 0 : i32
    %dma_start3A_464 = tpu.memref_slice %arg6[%dma_start3A_455, %dma_start3A_456, %dma_start3A_463] : memref<2x3x128xi32, #tpu.memory_space<vmem>> -> memref<1x1x128xi32, #tpu.memory_space<vmem>>
    %dma_start3A_465 = tpu.memref_squeeze %dma_start3A_464 : memref<1x1x128xi32, #tpu.memory_space<vmem>> -> memref<128xi32, #tpu.memory_space<vmem>>
    %dma_start3A_466 = arith.constant 0 : i32
    %dma_start3A_467 = arith.constant 0 : i32
    %dma_start3A_468 = tpu.memref_slice %arg2[%dma_start3A_466, %dma_start3A_467] : memref<50048x32xf32, #tpu.memory_space<hbm>> -> memref<50048x32xf32, #tpu.memory_space<hbm>>
    tpu.enqueue_indirect_dma source(%dma_start3A_468 : memref<50048x32xf32, #tpu.memory_space<hbm>>) target(%dma_start3A_462 : memref<128x32xf32, #tpu.memory_space<vmem>>) offsets(%dma_start3A_465 : memref<128xi32, #tpu.memory_space<vmem>>) semaphore(%arg11 : memref<!tpu.dma_semaphore, #tpu.memory_space<semaphore_mem>>)
    %dma_start3A_469 = arith.constant 0 : i32
    %dma_start3A_470 = arith.constant 2 : i32
    %dma_start3A_471 = arith.constant 0 : i32
    %dma_start3A_472 = arith.constant 2 : i32
    %dma_start3A_473 = arith.constant 0 : i32
    %dma_start3A_474 = arith.constant 0 : i32
    %dma_start3A_475 = tpu.memref_slice %arg8[%dma_start3A_471, %dma_start3A_472, %dma_start3A_473, %dma_start3A_474] : memref<2x3x128x32xf32, #tpu.memory_space<vmem>> -> memref<1x1x128x32xf32, #tpu.memory_space<vmem>>
    %dma_start3A_476 = tpu.memref_squeeze %dma_start3A_475 : memref<1x1x128x32xf32, #tpu.memory_space<vmem>> -> memref<128x32xf32, #tpu.memory_space<vmem>>
    %dma_start3A_477 = arith.constant 0 : i32
    %dma_start3A_478 = tpu.memref_slice %arg6[%dma_start3A_469, %dma_start3A_470, %dma_start3A_477] : memref<2x3x128xi32, #tpu.memory_space<vmem>> -> memref<1x1x128xi32, #tpu.memory_space<vmem>>
    %dma_start3A_479 = tpu.memref_squeeze %dma_start3A_478 : memref<1x1x128xi32, #tpu.memory_space<vmem>> -> memref<128xi32, #tpu.memory_space<vmem>>
    %dma_start3A_480 = arith.constant 0 : i32
    %dma_start3A_481 = arith.constant 0 : i32
    %dma_start3A_482 = tpu.memref_slice %arg2[%dma_start3A_480, %dma_start3A_481] : memref<50048x32xf32, #tpu.memory_space<hbm>> -> memref<50048x32xf32, #tpu.memory_space<hbm>>
    tpu.enqueue_indirect_dma source(%dma_start3A_482 : memref<50048x32xf32, #tpu.memory_space<hbm>>) target(%dma_start3A_476 : memref<128x32xf32, #tpu.memory_space<vmem>>) offsets(%dma_start3A_479 : memref<128xi32, #tpu.memory_space<vmem>>) semaphore(%arg11 : memref<!tpu.dma_semaphore, #tpu.memory_space<semaphore_mem>>)
    %dma_wait3A_483 = arith.constant 1 : i32
    %dma_wait3A_484 = arith.constant 0 : i32
    %dma_wait3A_485 = arith.constant 1 : i32
    %dma_wait3A_486 = arith.constant 0 : i32
    %dma_wait3A_487 = arith.constant 0 : i32
    %dma_wait3A_488 = arith.constant 0 : i32
    %dma_wait3A_489 = tpu.memref_slice %arg8[%dma_wait3A_483, %dma_wait3A_484, %dma_wait3A_487, %dma_wait3A_488] : memref<2x3x128x32xf32, #tpu.memory_space<vmem>> -> memref<1x1x128x32xf32, #tpu.memory_space<vmem>>
    %dma_wait3A_490 = tpu.memref_squeeze %dma_wait3A_489 : memref<1x1x128x32xf32, #tpu.memory_space<vmem>> -> memref<128x32xf32, #tpu.memory_space<vmem>>
    %dma_wait3A_491 = arith.constant 0 : i32
    %dma_wait3A_492 = tpu.memref_slice %arg7[%dma_wait3A_485, %dma_wait3A_486, %dma_wait3A_491] : memref<2x3x128xi32, #tpu.memory_space<vmem>> -> memref<1x1x128xi32, #tpu.memory_space<vmem>>
    %dma_wait3A_493 = tpu.memref_squeeze %dma_wait3A_492 : memref<1x1x128xi32, #tpu.memory_space<vmem>> -> memref<128xi32, #tpu.memory_space<vmem>>
    %dma_wait3A_494 = arith.constant 0 : i32
    %dma_wait3A_495 = arith.constant 0 : i32
    %dma_wait3A_496 = tpu.memref_slice %arg9[%dma_wait3A_494, %dma_wait3A_495] : memref<50048x32xf32, #tpu.memory_space<vmem_shared>> -> memref<50048x32xf32, #tpu.memory_space<vmem_shared>>
    tpu.wait_indirect_dma semaphore(%arg12 : memref<!tpu.dma_semaphore, #tpu.memory_space<semaphore_mem>>) src(%dma_wait3A_490 : memref<128x32xf32, #tpu.memory_space<vmem>>) dst(%dma_wait3A_496 : memref<50048x32xf32, #tpu.memory_space<vmem_shared>>)
    %dma_wait3A_497 = arith.constant 1 : i32
    %dma_wait3A_498 = arith.constant 1 : i32
    %dma_wait3A_499 = arith.constant 1 : i32
    %dma_wait3A_500 = arith.constant 1 : i32
    %dma_wait3A_501 = arith.constant 0 : i32
    %dma_wait3A_502 = arith.constant 0 : i32
    %dma_wait3A_503 = tpu.memref_slice %arg8[%dma_wait3A_497, %dma_wait3A_498, %dma_wait3A_501, %dma_wait3A_502] : memref<2x3x128x32xf32, #tpu.memory_space<vmem>> -> memref<1x1x128x32xf32, #tpu.memory_space<vmem>>
    %dma_wait3A_504 = tpu.memref_squeeze %dma_wait3A_503 : memref<1x1x128x32xf32, #tpu.memory_space<vmem>> -> memref<128x32xf32, #tpu.memory_space<vmem>>
    %dma_wait3A_505 = arith.constant 0 : i32
    %dma_wait3A_506 = tpu.memref_slice %arg7[%dma_wait3A_499, %dma_wait3A_500, %dma_wait3A_505] : memref<2x3x128xi32, #tpu.memory_space<vmem>> -> memref<1x1x128xi32, #tpu.memory_space<vmem>>
    %dma_wait3A_507 = tpu.memref_squeeze %dma_wait3A_506 : memref<1x1x128xi32, #tpu.memory_space<vmem>> -> memref<128xi32, #tpu.memory_space<vmem>>
    %dma_wait3A_508 = arith.constant 0 : i32
    %dma_wait3A_509 = arith.constant 0 : i32
    %dma_wait3A_510 = tpu.memref_slice %arg9[%dma_wait3A_508, %dma_wait3A_509] : memref<50048x32xf32, #tpu.memory_space<vmem_shared>> -> memref<50048x32xf32, #tpu.memory_space<vmem_shared>>
    tpu.wait_indirect_dma semaphore(%arg12 : memref<!tpu.dma_semaphore, #tpu.memory_space<semaphore_mem>>) src(%dma_wait3A_504 : memref<128x32xf32, #tpu.memory_space<vmem>>) dst(%dma_wait3A_510 : memref<50048x32xf32, #tpu.memory_space<vmem_shared>>)
    %dma_wait3A_511 = arith.constant 1 : i32
    %dma_wait3A_512 = arith.constant 2 : i32
    %dma_wait3A_513 = arith.constant 1 : i32
    %dma_wait3A_514 = arith.constant 2 : i32
    %dma_wait3A_515 = arith.constant 0 : i32
    %dma_wait3A_516 = arith.constant 0 : i32
    %dma_wait3A_517 = tpu.memref_slice %arg8[%dma_wait3A_511, %dma_wait3A_512, %dma_wait3A_515, %dma_wait3A_516] : memref<2x3x128x32xf32, #tpu.memory_space<vmem>> -> memref<1x1x128x32xf32, #tpu.memory_space<vmem>>
    %dma_wait3A_518 = tpu.memref_squeeze %dma_wait3A_517 : memref<1x1x128x32xf32, #tpu.memory_space<vmem>> -> memref<128x32xf32, #tpu.memory_space<vmem>>
    %dma_wait3A_519 = arith.constant 0 : i32
    %dma_wait3A_520 = tpu.memref_slice %arg7[%dma_wait3A_513, %dma_wait3A_514, %dma_wait3A_519] : memref<2x3x128xi32, #tpu.memory_space<vmem>> -> memref<1x1x128xi32, #tpu.memory_space<vmem>>
    %dma_wait3A_521 = tpu.memref_squeeze %dma_wait3A_520 : memref<1x1x128xi32, #tpu.memory_space<vmem>> -> memref<128xi32, #tpu.memory_space<vmem>>
    %dma_wait3A_522 = arith.constant 0 : i32
    %dma_wait3A_523 = arith.constant 0 : i32
    %dma_wait3A_524 = tpu.memref_slice %arg9[%dma_wait3A_522, %dma_wait3A_523] : memref<50048x32xf32, #tpu.memory_space<vmem_shared>> -> memref<50048x32xf32, #tpu.memory_space<vmem_shared>>
    tpu.wait_indirect_dma semaphore(%arg12 : memref<!tpu.dma_semaphore, #tpu.memory_space<semaphore_mem>>) src(%dma_wait3A_518 : memref<128x32xf32, #tpu.memory_space<vmem>>) dst(%dma_wait3A_524 : memref<50048x32xf32, #tpu.memory_space<vmem_shared>>)
    %dma_wait3A_525 = arith.constant 0 : i32
    %dma_wait3A_526 = arith.constant 0 : i32
    %dma_wait3A_527 = arith.constant 0 : i32
    %dma_wait3A_528 = arith.constant 0 : i32
    %dma_wait3A_529 = arith.constant 0 : i32
    %dma_wait3A_530 = arith.constant 0 : i32
    %dma_wait3A_531 = tpu.memref_slice %arg8[%dma_wait3A_527, %dma_wait3A_528, %dma_wait3A_529, %dma_wait3A_530] : memref<2x3x128x32xf32, #tpu.memory_space<vmem>> -> memref<1x1x128x32xf32, #tpu.memory_space<vmem>>
    %dma_wait3A_532 = tpu.memref_squeeze %dma_wait3A_531 : memref<1x1x128x32xf32, #tpu.memory_space<vmem>> -> memref<128x32xf32, #tpu.memory_space<vmem>>
    %dma_wait3A_533 = arith.constant 0 : i32
    %dma_wait3A_534 = tpu.memref_slice %arg6[%dma_wait3A_525, %dma_wait3A_526, %dma_wait3A_533] : memref<2x3x128xi32, #tpu.memory_space<vmem>> -> memref<1x1x128xi32, #tpu.memory_space<vmem>>
    %dma_wait3A_535 = tpu.memref_squeeze %dma_wait3A_534 : memref<1x1x128xi32, #tpu.memory_space<vmem>> -> memref<128xi32, #tpu.memory_space<vmem>>
    %dma_wait3A_536 = arith.constant 0 : i32
    %dma_wait3A_537 = arith.constant 0 : i32
    %dma_wait3A_538 = tpu.memref_slice %arg2[%dma_wait3A_536, %dma_wait3A_537] : memref<50048x32xf32, #tpu.memory_space<hbm>> -> memref<50048x32xf32, #tpu.memory_space<hbm>>
    tpu.wait_indirect_dma semaphore(%arg11 : memref<!tpu.dma_semaphore, #tpu.memory_space<semaphore_mem>>) src(%dma_wait3A_538 : memref<50048x32xf32, #tpu.memory_space<hbm>>) dst(%dma_wait3A_532 : memref<128x32xf32, #tpu.memory_space<vmem>>)
    %dma_wait3A_539 = arith.constant 0 : i32
    %dma_wait3A_540 = arith.constant 1 : i32
    %dma_wait3A_541 = arith.constant 0 : i32
    %dma_wait3A_542 = arith.constant 1 : i32
    %dma_wait3A_543 = arith.constant 0 : i32
    %dma_wait3A_544 = arith.constant 0 : i32
    %dma_wait3A_545 = tpu.memref_slice %arg8[%dma_wait3A_541, %dma_wait3A_542, %dma_wait3A_543, %dma_wait3A_544] : memref<2x3x128x32xf32, #tpu.memory_space<vmem>> -> memref<1x1x128x32xf32, #tpu.memory_space<vmem>>
    %dma_wait3A_546 = tpu.memref_squeeze %dma_wait3A_545 : memref<1x1x128x32xf32, #tpu.memory_space<vmem>> -> memref<128x32xf32, #tpu.memory_space<vmem>>
    %dma_wait3A_547 = arith.constant 0 : i32
    %dma_wait3A_548 = tpu.memref_slice %arg6[%dma_wait3A_539, %dma_wait3A_540, %dma_wait3A_547] : memref<2x3x128xi32, #tpu.memory_space<vmem>> -> memref<1x1x128xi32, #tpu.memory_space<vmem>>
    %dma_wait3A_549 = tpu.memref_squeeze %dma_wait3A_548 : memref<1x1x128xi32, #tpu.memory_space<vmem>> -> memref<128xi32, #tpu.memory_space<vmem>>
    %dma_wait3A_550 = arith.constant 0 : i32
    %dma_wait3A_551 = arith.constant 0 : i32
    %dma_wait3A_552 = tpu.memref_slice %arg2[%dma_wait3A_550, %dma_wait3A_551] : memref<50048x32xf32, #tpu.memory_space<hbm>> -> memref<50048x32xf32, #tpu.memory_space<hbm>>
    tpu.wait_indirect_dma semaphore(%arg11 : memref<!tpu.dma_semaphore, #tpu.memory_space<semaphore_mem>>) src(%dma_wait3A_552 : memref<50048x32xf32, #tpu.memory_space<hbm>>) dst(%dma_wait3A_546 : memref<128x32xf32, #tpu.memory_space<vmem>>)
    %dma_wait3A_553 = arith.constant 0 : i32
    %dma_wait3A_554 = arith.constant 2 : i32
    %dma_wait3A_555 = arith.constant 0 : i32
    %dma_wait3A_556 = arith.constant 2 : i32
    %dma_wait3A_557 = arith.constant 0 : i32
    %dma_wait3A_558 = arith.constant 0 : i32
    %dma_wait3A_559 = tpu.memref_slice %arg8[%dma_wait3A_555, %dma_wait3A_556, %dma_wait3A_557, %dma_wait3A_558] : memref<2x3x128x32xf32, #tpu.memory_space<vmem>> -> memref<1x1x128x32xf32, #tpu.memory_space<vmem>>
    %dma_wait3A_560 = tpu.memref_squeeze %dma_wait3A_559 : memref<1x1x128x32xf32, #tpu.memory_space<vmem>> -> memref<128x32xf32, #tpu.memory_space<vmem>>
    %dma_wait3A_561 = arith.constant 0 : i32
    %dma_wait3A_562 = tpu.memref_slice %arg6[%dma_wait3A_553, %dma_wait3A_554, %dma_wait3A_561] : memref<2x3x128xi32, #tpu.memory_space<vmem>> -> memref<1x1x128xi32, #tpu.memory_space<vmem>>
    %dma_wait3A_563 = tpu.memref_squeeze %dma_wait3A_562 : memref<1x1x128xi32, #tpu.memory_space<vmem>> -> memref<128xi32, #tpu.memory_space<vmem>>
    %dma_wait3A_564 = arith.constant 0 : i32
    %dma_wait3A_565 = arith.constant 0 : i32
    %dma_wait3A_566 = tpu.memref_slice %arg2[%dma_wait3A_564, %dma_wait3A_565] : memref<50048x32xf32, #tpu.memory_space<hbm>> -> memref<50048x32xf32, #tpu.memory_space<hbm>>
    tpu.wait_indirect_dma semaphore(%arg11 : memref<!tpu.dma_semaphore, #tpu.memory_space<semaphore_mem>>) src(%dma_wait3A_566 : memref<50048x32xf32, #tpu.memory_space<hbm>>) dst(%dma_wait3A_560 : memref<128x32xf32, #tpu.memory_space<vmem>>)
    %dma_start3A_567 = arith.constant 0 : i32
    %dma_start3A_568 = arith.constant 0 : i32
    %dma_start3A_569 = arith.constant 0 : i32
    %dma_start3A_570 = arith.constant 0 : i32
    %dma_start3A_571 = arith.constant 0 : i32
    %dma_start3A_572 = arith.constant 0 : i32
    %dma_start3A_573 = tpu.memref_slice %arg8[%dma_start3A_567, %dma_start3A_568, %dma_start3A_571, %dma_start3A_572] : memref<2x3x128x32xf32, #tpu.memory_space<vmem>> -> memref<1x1x128x32xf32, #tpu.memory_space<vmem>>
    %dma_start3A_574 = tpu.memref_squeeze %dma_start3A_573 : memref<1x1x128x32xf32, #tpu.memory_space<vmem>> -> memref<128x32xf32, #tpu.memory_space<vmem>>
    %dma_start3A_575 = arith.constant 0 : i32
    %dma_start3A_576 = tpu.memref_slice %arg7[%dma_start3A_569, %dma_start3A_570, %dma_start3A_575] : memref<2x3x128xi32, #tpu.memory_space<vmem>> -> memref<1x1x128xi32, #tpu.memory_space<vmem>>
    %dma_start3A_577 = tpu.memref_squeeze %dma_start3A_576 : memref<1x1x128xi32, #tpu.memory_space<vmem>> -> memref<128xi32, #tpu.memory_space<vmem>>
    %dma_start3A_578 = arith.constant 0 : i32
    %dma_start3A_579 = arith.constant 0 : i32
    %dma_start3A_580 = tpu.memref_slice %arg9[%dma_start3A_578, %dma_start3A_579] : memref<50048x32xf32, #tpu.memory_space<vmem_shared>> -> memref<50048x32xf32, #tpu.memory_space<vmem_shared>>
    tpu.enqueue_indirect_dma source(%dma_start3A_574 : memref<128x32xf32, #tpu.memory_space<vmem>>) target(%dma_start3A_580 : memref<50048x32xf32, #tpu.memory_space<vmem_shared>>) offsets(%dma_start3A_577 : memref<128xi32, #tpu.memory_space<vmem>>) semaphore(%arg12 : memref<!tpu.dma_semaphore, #tpu.memory_space<semaphore_mem>>) {add = true}
    %dma_start3A_581 = arith.constant 0 : i32
    %dma_start3A_582 = arith.constant 1 : i32
    %dma_start3A_583 = arith.constant 0 : i32
    %dma_start3A_584 = arith.constant 1 : i32
    %dma_start3A_585 = arith.constant 0 : i32
    %dma_start3A_586 = arith.constant 0 : i32
    %dma_start3A_587 = tpu.memref_slice %arg8[%dma_start3A_581, %dma_start3A_582, %dma_start3A_585, %dma_start3A_586] : memref<2x3x128x32xf32, #tpu.memory_space<vmem>> -> memref<1x1x128x32xf32, #tpu.memory_space<vmem>>
    %dma_start3A_588 = tpu.memref_squeeze %dma_start3A_587 : memref<1x1x128x32xf32, #tpu.memory_space<vmem>> -> memref<128x32xf32, #tpu.memory_space<vmem>>
    %dma_start3A_589 = arith.constant 0 : i32
    %dma_start3A_590 = tpu.memref_slice %arg7[%dma_start3A_583, %dma_start3A_584, %dma_start3A_589] : memref<2x3x128xi32, #tpu.memory_space<vmem>> -> memref<1x1x128xi32, #tpu.memory_space<vmem>>
    %dma_start3A_591 = tpu.memref_squeeze %dma_start3A_590 : memref<1x1x128xi32, #tpu.memory_space<vmem>> -> memref<128xi32, #tpu.memory_space<vmem>>
    %dma_start3A_592 = arith.constant 0 : i32
    %dma_start3A_593 = arith.constant 0 : i32
    %dma_start3A_594 = tpu.memref_slice %arg9[%dma_start3A_592, %dma_start3A_593] : memref<50048x32xf32, #tpu.memory_space<vmem_shared>> -> memref<50048x32xf32, #tpu.memory_space<vmem_shared>>
    tpu.enqueue_indirect_dma source(%dma_start3A_588 : memref<128x32xf32, #tpu.memory_space<vmem>>) target(%dma_start3A_594 : memref<50048x32xf32, #tpu.memory_space<vmem_shared>>) offsets(%dma_start3A_591 : memref<128xi32, #tpu.memory_space<vmem>>) semaphore(%arg12 : memref<!tpu.dma_semaphore, #tpu.memory_space<semaphore_mem>>) {add = true}
    %dma_start3A_595 = arith.constant 0 : i32
    %dma_start3A_596 = arith.constant 2 : i32
    %dma_start3A_597 = arith.constant 0 : i32
    %dma_start3A_598 = arith.constant 2 : i32
    %dma_start3A_599 = arith.constant 0 : i32
    %dma_start3A_600 = arith.constant 0 : i32
    %dma_start3A_601 = tpu.memref_slice %arg8[%dma_start3A_595, %dma_start3A_596, %dma_start3A_599, %dma_start3A_600] : memref<2x3x128x32xf32, #tpu.memory_space<vmem>> -> memref<1x1x128x32xf32, #tpu.memory_space<vmem>>
    %dma_start3A_602 = tpu.memref_squeeze %dma_start3A_601 : memref<1x1x128x32xf32, #tpu.memory_space<vmem>> -> memref<128x32xf32, #tpu.memory_space<vmem>>
    %dma_start3A_603 = arith.constant 0 : i32
    %dma_start3A_604 = tpu.memref_slice %arg7[%dma_start3A_597, %dma_start3A_598, %dma_start3A_603] : memref<2x3x128xi32, #tpu.memory_space<vmem>> -> memref<1x1x128xi32, #tpu.memory_space<vmem>>
    %dma_start3A_605 = tpu.memref_squeeze %dma_start3A_604 : memref<1x1x128xi32, #tpu.memory_space<vmem>> -> memref<128xi32, #tpu.memory_space<vmem>>
    %dma_start3A_606 = arith.constant 0 : i32
    %dma_start3A_607 = arith.constant 0 : i32
    %dma_start3A_608 = tpu.memref_slice %arg9[%dma_start3A_606, %dma_start3A_607] : memref<50048x32xf32, #tpu.memory_space<vmem_shared>> -> memref<50048x32xf32, #tpu.memory_space<vmem_shared>>
    tpu.enqueue_indirect_dma source(%dma_start3A_602 : memref<128x32xf32, #tpu.memory_space<vmem>>) target(%dma_start3A_608 : memref<50048x32xf32, #tpu.memory_space<vmem_shared>>) offsets(%dma_start3A_605 : memref<128xi32, #tpu.memory_space<vmem>>) semaphore(%arg12 : memref<!tpu.dma_semaphore, #tpu.memory_space<semaphore_mem>>) {add = true}
    %dma_wait3A_609 = arith.constant 0 : i32
    %dma_wait3A_610 = arith.constant 0 : i32
    %dma_wait3A_611 = arith.constant 0 : i32
    %dma_wait3A_612 = arith.constant 0 : i32
    %dma_wait3A_613 = arith.constant 0 : i32
    %dma_wait3A_614 = arith.constant 0 : i32
    %dma_wait3A_615 = tpu.memref_slice %arg8[%dma_wait3A_609, %dma_wait3A_610, %dma_wait3A_613, %dma_wait3A_614] : memref<2x3x128x32xf32, #tpu.memory_space<vmem>> -> memref<1x1x128x32xf32, #tpu.memory_space<vmem>>
    %dma_wait3A_616 = tpu.memref_squeeze %dma_wait3A_615 : memref<1x1x128x32xf32, #tpu.memory_space<vmem>> -> memref<128x32xf32, #tpu.memory_space<vmem>>
    %dma_wait3A_617 = arith.constant 0 : i32
    %dma_wait3A_618 = tpu.memref_slice %arg7[%dma_wait3A_611, %dma_wait3A_612, %dma_wait3A_617] : memref<2x3x128xi32, #tpu.memory_space<vmem>> -> memref<1x1x128xi32, #tpu.memory_space<vmem>>
    %dma_wait3A_619 = tpu.memref_squeeze %dma_wait3A_618 : memref<1x1x128xi32, #tpu.memory_space<vmem>> -> memref<128xi32, #tpu.memory_space<vmem>>
    %dma_wait3A_620 = arith.constant 0 : i32
    %dma_wait3A_621 = arith.constant 0 : i32
    %dma_wait3A_622 = tpu.memref_slice %arg9[%dma_wait3A_620, %dma_wait3A_621] : memref<50048x32xf32, #tpu.memory_space<vmem_shared>> -> memref<50048x32xf32, #tpu.memory_space<vmem_shared>>
    tpu.wait_indirect_dma semaphore(%arg12 : memref<!tpu.dma_semaphore, #tpu.memory_space<semaphore_mem>>) src(%dma_wait3A_616 : memref<128x32xf32, #tpu.memory_space<vmem>>) dst(%dma_wait3A_622 : memref<50048x32xf32, #tpu.memory_space<vmem_shared>>)
    %dma_wait3A_623 = arith.constant 0 : i32
    %dma_wait3A_624 = arith.constant 1 : i32
    %dma_wait3A_625 = arith.constant 0 : i32
    %dma_wait3A_626 = arith.constant 1 : i32
    %dma_wait3A_627 = arith.constant 0 : i32
    %dma_wait3A_628 = arith.constant 0 : i32
    %dma_wait3A_629 = tpu.memref_slice %arg8[%dma_wait3A_623, %dma_wait3A_624, %dma_wait3A_627, %dma_wait3A_628] : memref<2x3x128x32xf32, #tpu.memory_space<vmem>> -> memref<1x1x128x32xf32, #tpu.memory_space<vmem>>
    %dma_wait3A_630 = tpu.memref_squeeze %dma_wait3A_629 : memref<1x1x128x32xf32, #tpu.memory_space<vmem>> -> memref<128x32xf32, #tpu.memory_space<vmem>>
    %dma_wait3A_631 = arith.constant 0 : i32
    %dma_wait3A_632 = tpu.memref_slice %arg7[%dma_wait3A_625, %dma_wait3A_626, %dma_wait3A_631] : memref<2x3x128xi32, #tpu.memory_space<vmem>> -> memref<1x1x128xi32, #tpu.memory_space<vmem>>
    %dma_wait3A_633 = tpu.memref_squeeze %dma_wait3A_632 : memref<1x1x128xi32, #tpu.memory_space<vmem>> -> memref<128xi32, #tpu.memory_space<vmem>>
    %dma_wait3A_634 = arith.constant 0 : i32
    %dma_wait3A_635 = arith.constant 0 : i32
    %dma_wait3A_636 = tpu.memref_slice %arg9[%dma_wait3A_634, %dma_wait3A_635] : memref<50048x32xf32, #tpu.memory_space<vmem_shared>> -> memref<50048x32xf32, #tpu.memory_space<vmem_shared>>
    tpu.wait_indirect_dma semaphore(%arg12 : memref<!tpu.dma_semaphore, #tpu.memory_space<semaphore_mem>>) src(%dma_wait3A_630 : memref<128x32xf32, #tpu.memory_space<vmem>>) dst(%dma_wait3A_636 : memref<50048x32xf32, #tpu.memory_space<vmem_shared>>)
    %dma_wait3A_637 = arith.constant 0 : i32
    %dma_wait3A_638 = arith.constant 2 : i32
    %dma_wait3A_639 = arith.constant 0 : i32
    %dma_wait3A_640 = arith.constant 2 : i32
    %dma_wait3A_641 = arith.constant 0 : i32
    %dma_wait3A_642 = arith.constant 0 : i32
    %dma_wait3A_643 = tpu.memref_slice %arg8[%dma_wait3A_637, %dma_wait3A_638, %dma_wait3A_641, %dma_wait3A_642] : memref<2x3x128x32xf32, #tpu.memory_space<vmem>> -> memref<1x1x128x32xf32, #tpu.memory_space<vmem>>
    %dma_wait3A_644 = tpu.memref_squeeze %dma_wait3A_643 : memref<1x1x128x32xf32, #tpu.memory_space<vmem>> -> memref<128x32xf32, #tpu.memory_space<vmem>>
    %dma_wait3A_645 = arith.constant 0 : i32
    %dma_wait3A_646 = tpu.memref_slice %arg7[%dma_wait3A_639, %dma_wait3A_640, %dma_wait3A_645] : memref<2x3x128xi32, #tpu.memory_space<vmem>> -> memref<1x1x128xi32, #tpu.memory_space<vmem>>
    %dma_wait3A_647 = tpu.memref_squeeze %dma_wait3A_646 : memref<1x1x128xi32, #tpu.memory_space<vmem>> -> memref<128xi32, #tpu.memory_space<vmem>>
    %dma_wait3A_648 = arith.constant 0 : i32
    %dma_wait3A_649 = arith.constant 0 : i32
    %dma_wait3A_650 = tpu.memref_slice %arg9[%dma_wait3A_648, %dma_wait3A_649] : memref<50048x32xf32, #tpu.memory_space<vmem_shared>> -> memref<50048x32xf32, #tpu.memory_space<vmem_shared>>
    tpu.wait_indirect_dma semaphore(%arg12 : memref<!tpu.dma_semaphore, #tpu.memory_space<semaphore_mem>>) src(%dma_wait3A_644 : memref<128x32xf32, #tpu.memory_space<vmem>>) dst(%dma_wait3A_650 : memref<50048x32xf32, #tpu.memory_space<vmem_shared>>)
    %lt3A = arith.constant 10 : i32
    %lt3A_651 = arith.cmpi slt, %add3A, %lt3A : i32
    %convert_element_type3A = arith.extui %lt3A_651 : i1 to i32
    %cond3A = arith.constant 0 : i32
    %cond3A_652 = arith.cmpi ne, %convert_element_type3A, %cond3A : i32
    scf.if %cond3A_652 {
      %add3A_658 = arith.constant 195 : i32
      %add3A_659 = arith.addi %add3A_4, %add3A_658 : i32
      %run_scoped3A_660 = arith.constant 0 : i32
      %run_scoped3A_661 = arith.constant 0 : i32
      "tpu.region"() ({
        %run_scoped3A_696 = tpu.sem_alloc : memref<!tpu.dma_semaphore, #tpu.memory_space<semaphore_mem>>
        %dma_start3A_697 = arith.constant 0 : i32
        %dma_start3A_698 = arith.constant 0 : i32
        %dma_start3A_699 = tpu.memref_slice %arg6[%run_scoped3A_661, %dma_start3A_697, %dma_start3A_698] : memref<2x3x128xi32, #tpu.memory_space<vmem>> -> memref<1x1x128xi32, #tpu.memory_space<vmem>>
        %dma_start3A_700 = tpu.memref_squeeze %dma_start3A_699 : memref<1x1x128xi32, #tpu.memory_space<vmem>> -> memref<1x128xi32, #tpu.memory_space<vmem>>
        %dma_start3A_701 = arith.constant 0 : i32
        %dma_start3A_702 = tpu.memref_slice %arg3[%run_scoped3A_660, %add3A_659, %dma_start3A_701] : memref<2x6250x128xi32, #tpu.memory_space<hbm>> -> memref<1x1x128xi32, #tpu.memory_space<hbm>>
        %dma_start3A_703 = tpu.memref_squeeze %dma_start3A_702 : memref<1x1x128xi32, #tpu.memory_space<hbm>> -> memref<1x128xi32, #tpu.memory_space<hbm>>
        %dma_start3A_704 = arith.constant 0 : i32
        %dma_start3A_705 = arith.constant 0 : i32
        %dma_start3A_706 = tpu.memref_slice %arg6[%run_scoped3A_661, %dma_start3A_704, %dma_start3A_705] : memref<2x3x128xi32, #tpu.memory_space<vmem>> -> memref<1x1x128xi32, #tpu.memory_space<vmem>>
        %dma_start3A_707 = tpu.memref_squeeze %dma_start3A_706 : memref<1x1x128xi32, #tpu.memory_space<vmem>> -> memref<1x128xi32, #tpu.memory_space<vmem>>
        %dma_start3A_708 = arith.constant 0 : i32
        %dma_start3A_709 = tpu.memref_slice %arg3[%run_scoped3A_660, %add3A_659, %dma_start3A_708] : memref<2x6250x128xi32, #tpu.memory_space<hbm>> -> memref<1x1x128xi32, #tpu.memory_space<hbm>>
        %dma_start3A_710 = tpu.memref_squeeze %dma_start3A_709 : memref<1x1x128xi32, #tpu.memory_space<hbm>> -> memref<1x128xi32, #tpu.memory_space<hbm>>
        tpu.enqueue_dma source(%dma_start3A_710 : memref<1x128xi32, #tpu.memory_space<hbm>>) target(%dma_start3A_707 : memref<1x128xi32, #tpu.memory_space<vmem>>) target_semaphore(%run_scoped3A_696 : memref<!tpu.dma_semaphore, #tpu.memory_space<semaphore_mem>>)
        %dma_wait3A_711 = arith.constant 0 : i32
        %dma_wait3A_712 = arith.constant 0 : i32
        %dma_wait3A_713 = tpu.memref_slice %arg6[%run_scoped3A_661, %dma_wait3A_711, %dma_wait3A_712] : memref<2x3x128xi32, #tpu.memory_space<vmem>> -> memref<1x1x128xi32, #tpu.memory_space<vmem>>
        %dma_wait3A_714 = tpu.memref_squeeze %dma_wait3A_713 : memref<1x1x128xi32, #tpu.memory_space<vmem>> -> memref<1x128xi32, #tpu.memory_space<vmem>>
        %dma_wait3A_715 = arith.constant 0 : i32
        %dma_wait3A_716 = tpu.memref_slice %arg3[%run_scoped3A_660, %add3A_659, %dma_wait3A_715] : memref<2x6250x128xi32, #tpu.memory_space<hbm>> -> memref<1x1x128xi32, #tpu.memory_space<hbm>>
        %dma_wait3A_717 = tpu.memref_squeeze %dma_wait3A_716 : memref<1x1x128xi32, #tpu.memory_space<hbm>> -> memref<1x128xi32, #tpu.memory_space<hbm>>
        %dma_wait3A_718 = arith.constant 0 : i32
        %dma_wait3A_719 = arith.constant 0 : i32
        %dma_wait3A_720 = tpu.memref_slice %arg6[%run_scoped3A_661, %dma_wait3A_718, %dma_wait3A_719] : memref<2x3x128xi32, #tpu.memory_space<vmem>> -> memref<1x1x128xi32, #tpu.memory_space<vmem>>
        %dma_wait3A_721 = tpu.memref_squeeze %dma_wait3A_720 : memref<1x1x128xi32, #tpu.memory_space<vmem>> -> memref<1x128xi32, #tpu.memory_space<vmem>>
        %dma_wait3A_722 = arith.constant 0 : i32
        %dma_wait3A_723 = tpu.memref_slice %arg3[%run_scoped3A_660, %add3A_659, %dma_wait3A_722] : memref<2x6250x128xi32, #tpu.memory_space<hbm>> -> memref<1x1x128xi32, #tpu.memory_space<hbm>>
        %dma_wait3A_724 = tpu.memref_squeeze %dma_wait3A_723 : memref<1x1x128xi32, #tpu.memory_space<hbm>> -> memref<1x128xi32, #tpu.memory_space<hbm>>
        tpu.wait_dma2 semaphore(%run_scoped3A_696 : memref<!tpu.dma_semaphore, #tpu.memory_space<semaphore_mem>>) src(%dma_wait3A_724 : memref<1x128xi32, #tpu.memory_space<hbm>>) dst(%dma_wait3A_721 : memref<1x128xi32, #tpu.memory_space<vmem>>)
        tpu.yield
      }) : () -> ()
      %run_scoped3A_662 = arith.constant 1 : i32
      %run_scoped3A_663 = arith.constant 0 : i32
      "tpu.region"() ({
        %run_scoped3A_696 = tpu.sem_alloc : memref<!tpu.dma_semaphore, #tpu.memory_space<semaphore_mem>>
        %dma_start3A_697 = arith.constant 0 : i32
        %dma_start3A_698 = arith.constant 0 : i32
        %dma_start3A_699 = tpu.memref_slice %arg7[%run_scoped3A_663, %dma_start3A_697, %dma_start3A_698] : memref<2x3x128xi32, #tpu.memory_space<vmem>> -> memref<1x1x128xi32, #tpu.memory_space<vmem>>
        %dma_start3A_700 = tpu.memref_squeeze %dma_start3A_699 : memref<1x1x128xi32, #tpu.memory_space<vmem>> -> memref<1x128xi32, #tpu.memory_space<vmem>>
        %dma_start3A_701 = arith.constant 0 : i32
        %dma_start3A_702 = tpu.memref_slice %arg3[%run_scoped3A_662, %add3A_659, %dma_start3A_701] : memref<2x6250x128xi32, #tpu.memory_space<hbm>> -> memref<1x1x128xi32, #tpu.memory_space<hbm>>
        %dma_start3A_703 = tpu.memref_squeeze %dma_start3A_702 : memref<1x1x128xi32, #tpu.memory_space<hbm>> -> memref<1x128xi32, #tpu.memory_space<hbm>>
        %dma_start3A_704 = arith.constant 0 : i32
        %dma_start3A_705 = arith.constant 0 : i32
        %dma_start3A_706 = tpu.memref_slice %arg7[%run_scoped3A_663, %dma_start3A_704, %dma_start3A_705] : memref<2x3x128xi32, #tpu.memory_space<vmem>> -> memref<1x1x128xi32, #tpu.memory_space<vmem>>
        %dma_start3A_707 = tpu.memref_squeeze %dma_start3A_706 : memref<1x1x128xi32, #tpu.memory_space<vmem>> -> memref<1x128xi32, #tpu.memory_space<vmem>>
        %dma_start3A_708 = arith.constant 0 : i32
        %dma_start3A_709 = tpu.memref_slice %arg3[%run_scoped3A_662, %add3A_659, %dma_start3A_708] : memref<2x6250x128xi32, #tpu.memory_space<hbm>> -> memref<1x1x128xi32, #tpu.memory_space<hbm>>
        %dma_start3A_710 = tpu.memref_squeeze %dma_start3A_709 : memref<1x1x128xi32, #tpu.memory_space<hbm>> -> memref<1x128xi32, #tpu.memory_space<hbm>>
        tpu.enqueue_dma source(%dma_start3A_710 : memref<1x128xi32, #tpu.memory_space<hbm>>) target(%dma_start3A_707 : memref<1x128xi32, #tpu.memory_space<vmem>>) target_semaphore(%run_scoped3A_696 : memref<!tpu.dma_semaphore, #tpu.memory_space<semaphore_mem>>)
        %dma_wait3A_711 = arith.constant 0 : i32
        %dma_wait3A_712 = arith.constant 0 : i32
        %dma_wait3A_713 = tpu.memref_slice %arg7[%run_scoped3A_663, %dma_wait3A_711, %dma_wait3A_712] : memref<2x3x128xi32, #tpu.memory_space<vmem>> -> memref<1x1x128xi32, #tpu.memory_space<vmem>>
        %dma_wait3A_714 = tpu.memref_squeeze %dma_wait3A_713 : memref<1x1x128xi32, #tpu.memory_space<vmem>> -> memref<1x128xi32, #tpu.memory_space<vmem>>
        %dma_wait3A_715 = arith.constant 0 : i32
        %dma_wait3A_716 = tpu.memref_slice %arg3[%run_scoped3A_662, %add3A_659, %dma_wait3A_715] : memref<2x6250x128xi32, #tpu.memory_space<hbm>> -> memref<1x1x128xi32, #tpu.memory_space<hbm>>
        %dma_wait3A_717 = tpu.memref_squeeze %dma_wait3A_716 : memref<1x1x128xi32, #tpu.memory_space<hbm>> -> memref<1x128xi32, #tpu.memory_space<hbm>>
        %dma_wait3A_718 = arith.constant 0 : i32
        %dma_wait3A_719 = arith.constant 0 : i32
        %dma_wait3A_720 = tpu.memref_slice %arg7[%run_scoped3A_663, %dma_wait3A_718, %dma_wait3A_719] : memref<2x3x128xi32, #tpu.memory_space<vmem>> -> memref<1x1x128xi32, #tpu.memory_space<vmem>>
        %dma_wait3A_721 = tpu.memref_squeeze %dma_wait3A_720 : memref<1x1x128xi32, #tpu.memory_space<vmem>> -> memref<1x128xi32, #tpu.memory_space<vmem>>
        %dma_wait3A_722 = arith.constant 0 : i32
        %dma_wait3A_723 = tpu.memref_slice %arg3[%run_scoped3A_662, %add3A_659, %dma_wait3A_722] : memref<2x6250x128xi32, #tpu.memory_space<hbm>> -> memref<1x1x128xi32, #tpu.memory_space<hbm>>
        %dma_wait3A_724 = tpu.memref_squeeze %dma_wait3A_723 : memref<1x1x128xi32, #tpu.memory_space<hbm>> -> memref<1x128xi32, #tpu.memory_space<hbm>>
        tpu.wait_dma2 semaphore(%run_scoped3A_696 : memref<!tpu.dma_semaphore, #tpu.memory_space<semaphore_mem>>) src(%dma_wait3A_724 : memref<1x128xi32, #tpu.memory_space<hbm>>) dst(%dma_wait3A_721 : memref<1x128xi32, #tpu.memory_space<vmem>>)
        tpu.yield
      }) : () -> ()
      %dma_start3A_664 = arith.constant 0 : i32
      %dma_start3A_665 = arith.constant 0 : i32
      %dma_start3A_666 = arith.constant 0 : i32
      %dma_start3A_667 = arith.constant 0 : i32
      %dma_start3A_668 = arith.constant 0 : i32
      %dma_start3A_669 = arith.constant 0 : i32
      %dma_start3A_670 = tpu.memref_slice %arg8[%dma_start3A_666, %dma_start3A_667, %dma_start3A_668, %dma_start3A_669] : memref<2x3x128x32xf32, #tpu.memory_space<vmem>> -> memref<1x1x128x32xf32, #tpu.memory_space<vmem>>
      %dma_start3A_671 = tpu.memref_squeeze %dma_start3A_670 : memref<1x1x128x32xf32, #tpu.memory_space<vmem>> -> memref<128x32xf32, #tpu.memory_space<vmem>>
      %dma_start3A_672 = arith.constant 0 : i32
      %dma_start3A_673 = tpu.memref_slice %arg6[%dma_start3A_664, %dma_start3A_665, %dma_start3A_672] : memref<2x3x128xi32, #tpu.memory_space<vmem>> -> memref<1x1x128xi32, #tpu.memory_space<vmem>>
      %dma_start3A_674 = tpu.memref_squeeze %dma_start3A_673 : memref<1x1x128xi32, #tpu.memory_space<vmem>> -> memref<128xi32, #tpu.memory_space<vmem>>
      %dma_start3A_675 = arith.constant 0 : i32
      %dma_start3A_676 = arith.constant 0 : i32
      %dma_start3A_677 = tpu.memref_slice %arg2[%dma_start3A_675, %dma_start3A_676] : memref<50048x32xf32, #tpu.memory_space<hbm>> -> memref<50048x32xf32, #tpu.memory_space<hbm>>
      tpu.enqueue_indirect_dma source(%dma_start3A_677 : memref<50048x32xf32, #tpu.memory_space<hbm>>) target(%dma_start3A_671 : memref<128x32xf32, #tpu.memory_space<vmem>>) offsets(%dma_start3A_674 : memref<128xi32, #tpu.memory_space<vmem>>) semaphore(%arg11 : memref<!tpu.dma_semaphore, #tpu.memory_space<semaphore_mem>>)
      %dma_wait3A_678 = arith.constant 0 : i32
      %dma_wait3A_679 = arith.constant 0 : i32
      %dma_wait3A_680 = arith.constant 0 : i32
      %dma_wait3A_681 = arith.constant 0 : i32
      %dma_wait3A_682 = arith.constant 0 : i32
      %dma_wait3A_683 = arith.constant 0 : i32
      %dma_wait3A_684 = tpu.memref_slice %arg8[%dma_wait3A_680, %dma_wait3A_681, %dma_wait3A_682, %dma_wait3A_683] : memref<2x3x128x32xf32, #tpu.memory_space<vmem>> -> memref<1x1x128x32xf32, #tpu.memory_space<vmem>>
      %dma_wait3A_685 = tpu.memref_squeeze %dma_wait3A_684 : memref<1x1x128x32xf32, #tpu.memory_space<vmem>> -> memref<128x32xf32, #tpu.memory_space<vmem>>
      %dma_wait3A_686 = arith.constant 0 : i32
      %dma_wait3A_687 = tpu.memref_slice %arg6[%dma_wait3A_678, %dma_wait3A_679, %dma_wait3A_686] : memref<2x3x128xi32, #tpu.memory_space<vmem>> -> memref<1x1x128xi32, #tpu.memory_space<vmem>>
      %dma_wait3A_688 = tpu.memref_squeeze %dma_wait3A_687 : memref<1x1x128xi32, #tpu.memory_space<vmem>> -> memref<128xi32, #tpu.memory_space<vmem>>
      %dma_wait3A_689 = arith.constant 0 : i32
      %dma_wait3A_690 = arith.constant 0 : i32
      %dma_wait3A_691 = tpu.memref_slice %arg2[%dma_wait3A_689, %dma_wait3A_690] : memref<50048x32xf32, #tpu.memory_space<hbm>> -> memref<50048x32xf32, #tpu.memory_space<hbm>>
      tpu.wait_indirect_dma semaphore(%arg11 : memref<!tpu.dma_semaphore, #tpu.memory_space<semaphore_mem>>) src(%dma_wait3A_691 : memref<50048x32xf32, #tpu.memory_space<hbm>>) dst(%dma_wait3A_685 : memref<128x32xf32, #tpu.memory_space<vmem>>)
      %run_scoped3A_692 = arith.constant 0 : i32
      %run_scoped3A_693 = arith.constant 0 : i32
      %run_scoped3A_694 = arith.constant 0 : i32
      %run_scoped3A_695 = arith.constant 0 : i32
      "tpu.region"() ({
        %run_scoped3A_696 = tpu.sem_alloc : memref<!tpu.dma_semaphore, #tpu.memory_space<semaphore_mem>>
        %dma_start3A_697 = arith.constant 0 : i32
        %dma_start3A_698 = arith.constant 0 : i32
        %dma_start3A_699 = tpu.memref_slice %arg8[%run_scoped3A_692, %run_scoped3A_693, %dma_start3A_697, %dma_start3A_698] : memref<2x3x128x32xf32, #tpu.memory_space<vmem>> -> memref<1x1x128x32xf32, #tpu.memory_space<vmem>>
        %dma_start3A_700 = tpu.memref_squeeze %dma_start3A_699 : memref<1x1x128x32xf32, #tpu.memory_space<vmem>> -> memref<128x32xf32, #tpu.memory_space<vmem>>
        %dma_start3A_701 = arith.constant 0 : i32
        %dma_start3A_702 = tpu.memref_slice %arg7[%run_scoped3A_694, %run_scoped3A_695, %dma_start3A_701] : memref<2x3x128xi32, #tpu.memory_space<vmem>> -> memref<1x1x128xi32, #tpu.memory_space<vmem>>
        %dma_start3A_703 = tpu.memref_squeeze %dma_start3A_702 : memref<1x1x128xi32, #tpu.memory_space<vmem>> -> memref<128xi32, #tpu.memory_space<vmem>>
        %dma_start3A_704 = arith.constant 0 : i32
        %dma_start3A_705 = arith.constant 0 : i32
        %dma_start3A_706 = tpu.memref_slice %arg9[%dma_start3A_704, %dma_start3A_705] : memref<50048x32xf32, #tpu.memory_space<vmem_shared>> -> memref<50048x32xf32, #tpu.memory_space<vmem_shared>>
        tpu.enqueue_indirect_dma source(%dma_start3A_700 : memref<128x32xf32, #tpu.memory_space<vmem>>) target(%dma_start3A_706 : memref<50048x32xf32, #tpu.memory_space<vmem_shared>>) offsets(%dma_start3A_703 : memref<128xi32, #tpu.memory_space<vmem>>) semaphore(%run_scoped3A_696 : memref<!tpu.dma_semaphore, #tpu.memory_space<semaphore_mem>>) {add = true}
        %dma_wait3A_707 = arith.constant 0 : i32
        %dma_wait3A_708 = arith.constant 0 : i32
        %dma_wait3A_709 = tpu.memref_slice %arg8[%run_scoped3A_692, %run_scoped3A_693, %dma_wait3A_707, %dma_wait3A_708] : memref<2x3x128x32xf32, #tpu.memory_space<vmem>> -> memref<1x1x128x32xf32, #tpu.memory_space<vmem>>
        %dma_wait3A_710 = tpu.memref_squeeze %dma_wait3A_709 : memref<1x1x128x32xf32, #tpu.memory_space<vmem>> -> memref<128x32xf32, #tpu.memory_space<vmem>>
        %dma_wait3A_711 = arith.constant 0 : i32
        %dma_wait3A_712 = tpu.memref_slice %arg7[%run_scoped3A_694, %run_scoped3A_695, %dma_wait3A_711] : memref<2x3x128xi32, #tpu.memory_space<vmem>> -> memref<1x1x128xi32, #tpu.memory_space<vmem>>
        %dma_wait3A_713 = tpu.memref_squeeze %dma_wait3A_712 : memref<1x1x128xi32, #tpu.memory_space<vmem>> -> memref<128xi32, #tpu.memory_space<vmem>>
        %dma_wait3A_714 = arith.constant 0 : i32
        %dma_wait3A_715 = arith.constant 0 : i32
        %dma_wait3A_716 = tpu.memref_slice %arg9[%dma_wait3A_714, %dma_wait3A_715] : memref<50048x32xf32, #tpu.memory_space<vmem_shared>> -> memref<50048x32xf32, #tpu.memory_space<vmem_shared>>
        tpu.wait_indirect_dma semaphore(%run_scoped3A_696 : memref<!tpu.dma_semaphore, #tpu.memory_space<semaphore_mem>>) src(%dma_wait3A_710 : memref<128x32xf32, #tpu.memory_space<vmem>>) dst(%dma_wait3A_716 : memref<50048x32xf32, #tpu.memory_space<vmem_shared>>)
        tpu.yield
      }) : () -> ()
    } else {
    }
    %barrier3A_653 = arith.constant 0 : index
    tpu.barrier barrier_id(%barrier3A_653)
    %mul3A_654 = arith.constant 3128 : i32
    %mul3A_655 = arith.muli %arg1, %mul3A_654 : i32
    %mul3A_656 = arith.constant 3128 : i32
    %mul3A_657 = arith.muli %arg1, %mul3A_656 : i32
    "tpu.region"() ({
      %run_scoped3A_658 = tpu.sem_alloc : memref<!tpu.dma_semaphore, #tpu.memory_space<semaphore_mem>>
      %dma_start3A_659 = arith.constant 0 : i32
      %dma_start3A_660 = tpu.memref_slice %arg5[%arg0, %mul3A_657, %dma_start3A_659] : memref<2x50048x32xf32, #tpu.memory_space<hbm>> -> memref<1x3128x32xf32, #tpu.memory_space<hbm>>
      %dma_start3A_661 = tpu.memref_squeeze %dma_start3A_660 : memref<1x3128x32xf32, #tpu.memory_space<hbm>> -> memref<3128x32xf32, #tpu.memory_space<hbm>>
      %dma_start3A_662 = arith.constant 0 : i32
      %dma_start3A_663 = tpu.memref_slice %arg9[%mul3A_655, %dma_start3A_662] : memref<50048x32xf32, #tpu.memory_space<vmem_shared>> -> memref<3128x32xf32, #tpu.memory_space<vmem_shared>>
      tpu.enqueue_dma source(%dma_start3A_663 : memref<3128x32xf32, #tpu.memory_space<vmem_shared>>) target(%dma_start3A_661 : memref<3128x32xf32, #tpu.memory_space<hbm>>) target_semaphore(%run_scoped3A_658 : memref<!tpu.dma_semaphore, #tpu.memory_space<semaphore_mem>>)
      %dma_wait3A_664 = arith.constant 0 : i32
      %dma_wait3A_665 = tpu.memref_slice %arg5[%arg0, %mul3A_657, %dma_wait3A_664] : memref<2x50048x32xf32, #tpu.memory_space<hbm>> -> memref<1x3128x32xf32, #tpu.memory_space<hbm>>
      %dma_wait3A_666 = tpu.memref_squeeze %dma_wait3A_665 : memref<1x3128x32xf32, #tpu.memory_space<hbm>> -> memref<3128x32xf32, #tpu.memory_space<hbm>>
      %dma_wait3A_667 = arith.constant 0 : i32
      %dma_wait3A_668 = tpu.memref_slice %arg9[%mul3A_655, %dma_wait3A_667] : memref<50048x32xf32, #tpu.memory_space<vmem_shared>> -> memref<3128x32xf32, #tpu.memory_space<vmem_shared>>
      tpu.wait_dma2 semaphore(%run_scoped3A_658 : memref<!tpu.dma_semaphore, #tpu.memory_space<semaphore_mem>>) src(%dma_wait3A_668 : memref<3128x32xf32, #tpu.memory_space<vmem_shared>>) dst(%dma_wait3A_666 : memref<3128x32xf32, #tpu.memory_space<hbm>>)
      tpu.yield
    }) : () -> ()
    return
  }
}

module attributes {stable_mosaic.version = 14 : i64} {
  func.func @_init_body(%arg0: i32, %arg1: memref<2x3128x32xf32, #tpu.memory_space<vmem>>, %arg2: memref<3128x4xf32, #tpu.memory_space<vmem>>, %arg3: memref<8x128xf32, #tpu.memory_space<vmem>>, %arg4: memref<3128x128xf32, #tpu.memory_space<vmem>>, %arg5: memref<3128x128xf32, #tpu.memory_space<vmem>>) attributes {dimension_semantics = [#tpu.dimension_semantics<arbitrary>], iteration_bounds = array<i64: 4>, scalar_prefetch = 0 : i64, scratch_operands = 0 : i64, tpu.core_type = #tpu.core_type<tc>, window_params = [{transform_indices = @transform_0, window_bounds = array<i64: 2, 3128, 32>}, {transform_indices = @transform_1, window_bounds = array<i64: 3128, 4>}, {pipeline_mode = #tpu.pipeline_mode<synchronous>, transform_indices = @transform_2, window_bounds = array<i64: 8, 128>}, {transform_indices = @transform_3, window_bounds = array<i64: 3128, 128>}, {transform_indices = @transform_4, window_bounds = array<i64: 3128, 128>}]} {
    %iota3A = tpu.iota {dimensions = array<i32: 0>} : vector<32x4xi32>
    %iota3A_0 = tpu.iota {dimensions = array<i32: 1>} : vector<32x4xi32>
    %jit3A = arith.constant 8 : i32
    %div3A = vector.broadcast %jit3A : i32 to vector<32x4xi32>
    %div3A_1 = arith.divsi %iota3A, %div3A : vector<32x4xi32>
    %sign3A = arith.constant 0 : i32
    %sign3A_2 = vector.broadcast %sign3A : i32 to vector<32x4xi32>
    %sign3A_3 = arith.cmpi sgt, %iota3A, %sign3A_2 : vector<32x4xi32>
    %sign3A_4 = arith.extui %sign3A_3 : vector<32x4xi1> to vector<32x4xi32>
    %sign3A_5 = arith.constant 0 : i32
    %sign3A_6 = vector.broadcast %sign3A_5 : i32 to vector<32x4xi32>
    %sign3A_7 = arith.cmpi slt, %iota3A, %sign3A_6 : vector<32x4xi32>
    %sign3A_8 = arith.extui %sign3A_7 : vector<32x4xi1> to vector<32x4xi32>
    %sign3A_9 = arith.subi %sign3A_4, %sign3A_8 : vector<32x4xi32>
    %sign3A_10 = arith.constant 0 : i32
    %sign3A_11 = arith.cmpi sgt, %jit3A, %sign3A_10 : i32
    %sign3A_12 = arith.extui %sign3A_11 : i1 to i32
    %sign3A_13 = arith.constant 0 : i32
    %sign3A_14 = arith.cmpi slt, %jit3A, %sign3A_13 : i32
    %sign3A_15 = arith.extui %sign3A_14 : i1 to i32
    %sign3A_16 = arith.subi %sign3A_12, %sign3A_15 : i32
    %ne3A = vector.broadcast %sign3A_16 : i32 to vector<32x4xi32>
    %ne3A_17 = arith.cmpi ne, %sign3A_9, %ne3A : vector<32x4xi32>
    %rem3A = vector.broadcast %jit3A : i32 to vector<32x4xi32>
    %rem3A_18 = arith.remsi %iota3A, %rem3A : vector<32x4xi32>
    %ne3A_19 = arith.constant 0 : i32
    %ne3A_20 = vector.broadcast %ne3A_19 : i32 to vector<32x4xi32>
    %ne3A_21 = arith.cmpi ne, %rem3A_18, %ne3A_20 : vector<32x4xi32>
    %and3A = arith.andi %ne3A_17, %ne3A_21 : vector<32x4xi1>
    %sub3A = arith.constant 1 : i32
    %sub3A_22 = vector.broadcast %sub3A : i32 to vector<32x4xi32>
    %sub3A_23 = arith.subi %div3A_1, %sub3A_22 : vector<32x4xi32>
    %select_n3A = arith.select %and3A, %sub3A_23, %div3A_1 : vector<32x4xi1>, vector<32x4xi32>
    %eq3A = arith.cmpi eq, %select_n3A, %iota3A_0 : vector<32x4xi32>
    %jit3A_24 = arith.constant 8 : i32
    %eq3A_25 = arith.constant 0 : i32
    %eq3A_26 = arith.cmpi eq, %jit3A_24, %eq3A_25 : i32
    %jit3A_27 = arith.constant 1 : i32
    %select_n3A_28 = arith.select %eq3A_26, %jit3A_27, %jit3A_24 : i32
    %rem3A_29 = vector.broadcast %select_n3A_28 : i32 to vector<32x4xi32>
    %rem3A_30 = arith.remsi %iota3A, %rem3A_29 : vector<32x4xi32>
    %ne3A_31 = arith.constant 0 : i32
    %ne3A_32 = vector.broadcast %ne3A_31 : i32 to vector<32x4xi32>
    %ne3A_33 = arith.cmpi ne, %rem3A_30, %ne3A_32 : vector<32x4xi32>
    %lt3A = arith.constant 0 : i32
    %lt3A_34 = vector.broadcast %lt3A : i32 to vector<32x4xi32>
    %lt3A_35 = arith.cmpi slt, %rem3A_30, %lt3A_34 : vector<32x4xi32>
    %lt3A_36 = arith.constant 0 : i32
    %lt3A_37 = arith.cmpi slt, %select_n3A_28, %lt3A_36 : i32
    %ne3A_38 = vector.broadcast %lt3A_37 : i1 to vector<32x4xi1>
    %ne3A_39 = vector.broadcast %ne3A_38 : vector<32x4xi1> to vector<32x4xi1>
    %ne3A_40 = arith.xori %lt3A_35, %ne3A_39 : vector<32x4xi1>
    %and3A_41 = arith.andi %ne3A_40, %ne3A_33 : vector<32x4xi1>
    %add3A = vector.broadcast %select_n3A_28 : i32 to vector<32x4xi32>
    %add3A_42 = arith.addi %rem3A_30, %add3A : vector<32x4xi32>
    %select_n3A_43 = arith.select %and3A_41, %add3A_42, %rem3A_30 : vector<32x4xi1>, vector<32x4xi32>
    %eq3A_44 = arith.constant 0 : i32
    %eq3A_45 = vector.broadcast %eq3A_44 : i32 to vector<32x4xi32>
    %eq3A_46 = arith.cmpi eq, %select_n3A_43, %eq3A_45 : vector<32x4xi32>
    %and3A_47 = arith.andi %eq3A, %eq3A_46 : vector<32x4xi1>
    %convert_element_type3A = arith.extui %and3A_47 : vector<32x4xi1> to vector<32x4xi32>
    %convert_element_type3A_48 = arith.sitofp %convert_element_type3A : vector<32x4xi32> to vector<32x4xf32>
    %get3A = arith.constant 0 : index
    %get3A_49 = arith.constant 0 : index
    %get3A_50 = arith.constant 0 : index
    %get3A_51 = vector.load %arg1[%get3A, %get3A_49, %get3A_50] : memref<2x3128x32xf32, #tpu.memory_space<vmem>>, vector<1x3128x32xf32>
    %get3A_52 = vector.shape_cast %get3A_51 : vector<1x3128x32xf32> to vector<3128x32xf32>
    %get3A_53 = arith.constant 1 : index
    %get3A_54 = arith.constant 0 : index
    %get3A_55 = arith.constant 0 : index
    %get3A_56 = vector.load %arg1[%get3A_53, %get3A_54, %get3A_55] : memref<2x3128x32xf32, #tpu.memory_space<vmem>>, vector<1x3128x32xf32>
    %get3A_57 = vector.shape_cast %get3A_56 : vector<1x3128x32xf32> to vector<3128x32xf32>
    %add3A_58 = arith.addf %get3A_52, %get3A_57 : vector<3128x32xf32>
    %dot_general3A = arith.constant dense<0.000000e+00> : vector<3128x4xf32>
    %dot_general3A_59 = tpu.matmul %add3A_58, %convert_element_type3A_48, %dot_general3A {dimension_numbers = #tpu.dot_dimension_numbers<[1], [0], [0], [1], [0, 0, 1, 1], [], []>, transpose_lhs_hint = false} : vector<3128x32xf32>, vector<32x4xf32>, vector<3128x4xf32> -> vector<3128x4xf32>
    %add3A_60 = arith.constant 1.000000e+00 : f32
    %add3A_61 = vector.broadcast %add3A_60 : f32 to vector<3128x4xf32>
    %add3A_62 = arith.addf %dot_general3A_59, %add3A_61 : vector<3128x4xf32>
    %rsqrt3A = math.rsqrt %add3A_62 : vector<3128x4xf32>
    %iota3A_63 = tpu.iota {dimensions = array<i32: 0>} : vector<4x128xi32>
    %iota3A_64 = tpu.iota {dimensions = array<i32: 1>} : vector<4x128xi32>
    %jit3A_65 = arith.constant 32 : i32
    %div3A_66 = vector.broadcast %jit3A_65 : i32 to vector<4x128xi32>
    %div3A_67 = arith.divsi %iota3A_64, %div3A_66 : vector<4x128xi32>
    %sign3A_68 = arith.constant 0 : i32
    %sign3A_69 = vector.broadcast %sign3A_68 : i32 to vector<4x128xi32>
    %sign3A_70 = arith.cmpi sgt, %iota3A_64, %sign3A_69 : vector<4x128xi32>
    %sign3A_71 = arith.extui %sign3A_70 : vector<4x128xi1> to vector<4x128xi32>
    %sign3A_72 = arith.constant 0 : i32
    %sign3A_73 = vector.broadcast %sign3A_72 : i32 to vector<4x128xi32>
    %sign3A_74 = arith.cmpi slt, %iota3A_64, %sign3A_73 : vector<4x128xi32>
    %sign3A_75 = arith.extui %sign3A_74 : vector<4x128xi1> to vector<4x128xi32>
    %sign3A_76 = arith.subi %sign3A_71, %sign3A_75 : vector<4x128xi32>
    %sign3A_77 = arith.constant 0 : i32
    %sign3A_78 = arith.cmpi sgt, %jit3A_65, %sign3A_77 : i32
    %sign3A_79 = arith.extui %sign3A_78 : i1 to i32
    %sign3A_80 = arith.constant 0 : i32
    %sign3A_81 = arith.cmpi slt, %jit3A_65, %sign3A_80 : i32
    %sign3A_82 = arith.extui %sign3A_81 : i1 to i32
    %sign3A_83 = arith.subi %sign3A_79, %sign3A_82 : i32
    %ne3A_84 = vector.broadcast %sign3A_83 : i32 to vector<4x128xi32>
    %ne3A_85 = arith.cmpi ne, %sign3A_76, %ne3A_84 : vector<4x128xi32>
    %rem3A_86 = vector.broadcast %jit3A_65 : i32 to vector<4x128xi32>
    %rem3A_87 = arith.remsi %iota3A_64, %rem3A_86 : vector<4x128xi32>
    %ne3A_88 = arith.constant 0 : i32
    %ne3A_89 = vector.broadcast %ne3A_88 : i32 to vector<4x128xi32>
    %ne3A_90 = arith.cmpi ne, %rem3A_87, %ne3A_89 : vector<4x128xi32>
    %and3A_91 = arith.andi %ne3A_85, %ne3A_90 : vector<4x128xi1>
    %sub3A_92 = arith.constant 1 : i32
    %sub3A_93 = vector.broadcast %sub3A_92 : i32 to vector<4x128xi32>
    %sub3A_94 = arith.subi %div3A_67, %sub3A_93 : vector<4x128xi32>
    %select_n3A_95 = arith.select %and3A_91, %sub3A_94, %div3A_67 : vector<4x128xi1>, vector<4x128xi32>
    %eq3A_96 = arith.cmpi eq, %select_n3A_95, %iota3A_63 : vector<4x128xi32>
    %convert_element_type3A_97 = arith.extui %eq3A_96 : vector<4x128xi1> to vector<4x128xi32>
    %convert_element_type3A_98 = arith.sitofp %convert_element_type3A_97 : vector<4x128xi32> to vector<4x128xf32>
    %get3A_99 = arith.constant 0 : index
    %get3A_100 = arith.constant 0 : index
    %get3A_101 = vector.load %arg2[%get3A_99, %get3A_100] : memref<3128x4xf32, #tpu.memory_space<vmem>>, vector<3128x4xf32>
    %dot_general3A_102 = arith.constant dense<0.000000e+00> : vector<3128x128xf32>
    %dot_general3A_103 = tpu.matmul %get3A_101, %convert_element_type3A_98, %dot_general3A_102 {dimension_numbers = #tpu.dot_dimension_numbers<[1], [0], [0], [1], [0, 0, 1, 1], [], []>, transpose_lhs_hint = false} : vector<3128x4xf32>, vector<4x128xf32>, vector<3128x128xf32> -> vector<3128x128xf32>
    %dot_general3A_104 = arith.constant dense<0.000000e+00> : vector<3128x128xf32>
    %dot_general3A_105 = tpu.matmul %rsqrt3A, %convert_element_type3A_98, %dot_general3A_104 {dimension_numbers = #tpu.dot_dimension_numbers<[1], [0], [0], [1], [0, 0, 1, 1], [], []>, transpose_lhs_hint = false} : vector<3128x4xf32>, vector<4x128xf32>, vector<3128x128xf32> -> vector<3128x128xf32>
    %broadcast_in_dim3A = arith.constant 0.000000e+00 : f32
    %broadcast_in_dim3A_106 = vector.broadcast %broadcast_in_dim3A : f32 to vector<3128x128xf32>
    %eq3A_107 = arith.constant 0.000000e+00 : f32
    %eq3A_108 = vector.broadcast %eq3A_107 : f32 to vector<3128x128xf32>
    %eq3A_109 = arith.cmpf oeq, %dot_general3A_103, %eq3A_108 : vector<3128x128xf32>
    %get3A_110 = arith.constant 0 : index
    %get3A_111 = arith.constant 0 : index
    %get3A_112 = vector.load %arg3[%get3A_110, %get3A_111] : memref<8x128xf32, #tpu.memory_space<vmem>>, vector<1x128xf32>
    %jit3A_113 = arith.constant 0.000000e+00 : f32
    %broadcast_in_dim3A_114 = vector.shape_cast %get3A_112 : vector<1x128xf32> to vector<1x128xf32>
    %broadcast_in_dim3A_115 = vector.broadcast %broadcast_in_dim3A_114 : vector<1x128xf32> to vector<3128x128xf32>
    %broadcast_in_dim3A_116 = vector.broadcast %jit3A_113 : f32 to vector<3128x128xf32>
    %select_n3A_117 = arith.select %eq3A_109, %broadcast_in_dim3A_115, %broadcast_in_dim3A_116 : vector<3128x128xi1>, vector<3128x128xf32>
    %add3A_118 = arith.addf %broadcast_in_dim3A_106, %select_n3A_117 : vector<3128x128xf32>
    %eq3A_119 = arith.constant 1.000000e+00 : f32
    %eq3A_120 = vector.broadcast %eq3A_119 : f32 to vector<3128x128xf32>
    %eq3A_121 = arith.cmpf oeq, %dot_general3A_103, %eq3A_120 : vector<3128x128xf32>
    %get3A_122 = arith.constant 1 : index
    %get3A_123 = arith.constant 0 : index
    %get3A_124 = vector.load %arg3[%get3A_122, %get3A_123] : memref<8x128xf32, #tpu.memory_space<vmem>>, vector<1x128xf32>
    %jit3A_125 = arith.constant 0.000000e+00 : f32
    %broadcast_in_dim3A_126 = vector.shape_cast %get3A_124 : vector<1x128xf32> to vector<1x128xf32>
    %broadcast_in_dim3A_127 = vector.broadcast %broadcast_in_dim3A_126 : vector<1x128xf32> to vector<3128x128xf32>
    %broadcast_in_dim3A_128 = vector.broadcast %jit3A_125 : f32 to vector<3128x128xf32>
    %select_n3A_129 = arith.select %eq3A_121, %broadcast_in_dim3A_127, %broadcast_in_dim3A_128 : vector<3128x128xi1>, vector<3128x128xf32>
    %add3A_130 = arith.addf %add3A_118, %select_n3A_129 : vector<3128x128xf32>
    %eq3A_131 = arith.constant 2.000000e+00 : f32
    %eq3A_132 = vector.broadcast %eq3A_131 : f32 to vector<3128x128xf32>
    %eq3A_133 = arith.cmpf oeq, %dot_general3A_103, %eq3A_132 : vector<3128x128xf32>
    %get3A_134 = arith.constant 2 : index
    %get3A_135 = arith.constant 0 : index
    %get3A_136 = vector.load %arg3[%get3A_134, %get3A_135] : memref<8x128xf32, #tpu.memory_space<vmem>>, vector<1x128xf32>
    %jit3A_137 = arith.constant 0.000000e+00 : f32
    %broadcast_in_dim3A_138 = vector.shape_cast %get3A_136 : vector<1x128xf32> to vector<1x128xf32>
    %broadcast_in_dim3A_139 = vector.broadcast %broadcast_in_dim3A_138 : vector<1x128xf32> to vector<3128x128xf32>
    %broadcast_in_dim3A_140 = vector.broadcast %jit3A_137 : f32 to vector<3128x128xf32>
    %select_n3A_141 = arith.select %eq3A_133, %broadcast_in_dim3A_139, %broadcast_in_dim3A_140 : vector<3128x128xi1>, vector<3128x128xf32>
    %add3A_142 = arith.addf %add3A_130, %select_n3A_141 : vector<3128x128xf32>
    %eq3A_143 = arith.constant 3.000000e+00 : f32
    %eq3A_144 = vector.broadcast %eq3A_143 : f32 to vector<3128x128xf32>
    %eq3A_145 = arith.cmpf oeq, %dot_general3A_103, %eq3A_144 : vector<3128x128xf32>
    %get3A_146 = arith.constant 3 : index
    %get3A_147 = arith.constant 0 : index
    %get3A_148 = vector.load %arg3[%get3A_146, %get3A_147] : memref<8x128xf32, #tpu.memory_space<vmem>>, vector<1x128xf32>
    %jit3A_149 = arith.constant 0.000000e+00 : f32
    %broadcast_in_dim3A_150 = vector.shape_cast %get3A_148 : vector<1x128xf32> to vector<1x128xf32>
    %broadcast_in_dim3A_151 = vector.broadcast %broadcast_in_dim3A_150 : vector<1x128xf32> to vector<3128x128xf32>
    %broadcast_in_dim3A_152 = vector.broadcast %jit3A_149 : f32 to vector<3128x128xf32>
    %select_n3A_153 = arith.select %eq3A_145, %broadcast_in_dim3A_151, %broadcast_in_dim3A_152 : vector<3128x128xi1>, vector<3128x128xf32>
    %add3A_154 = arith.addf %add3A_142, %select_n3A_153 : vector<3128x128xf32>
    %eq3A_155 = arith.constant 4.000000e+00 : f32
    %eq3A_156 = vector.broadcast %eq3A_155 : f32 to vector<3128x128xf32>
    %eq3A_157 = arith.cmpf oeq, %dot_general3A_103, %eq3A_156 : vector<3128x128xf32>
    %get3A_158 = arith.constant 4 : index
    %get3A_159 = arith.constant 0 : index
    %get3A_160 = vector.load %arg3[%get3A_158, %get3A_159] : memref<8x128xf32, #tpu.memory_space<vmem>>, vector<1x128xf32>
    %jit3A_161 = arith.constant 0.000000e+00 : f32
    %broadcast_in_dim3A_162 = vector.shape_cast %get3A_160 : vector<1x128xf32> to vector<1x128xf32>
    %broadcast_in_dim3A_163 = vector.broadcast %broadcast_in_dim3A_162 : vector<1x128xf32> to vector<3128x128xf32>
    %broadcast_in_dim3A_164 = vector.broadcast %jit3A_161 : f32 to vector<3128x128xf32>
    %select_n3A_165 = arith.select %eq3A_157, %broadcast_in_dim3A_163, %broadcast_in_dim3A_164 : vector<3128x128xi1>, vector<3128x128xf32>
    %add3A_166 = arith.addf %add3A_154, %select_n3A_165 : vector<3128x128xf32>
    %eq3A_167 = arith.constant 5.000000e+00 : f32
    %eq3A_168 = vector.broadcast %eq3A_167 : f32 to vector<3128x128xf32>
    %eq3A_169 = arith.cmpf oeq, %dot_general3A_103, %eq3A_168 : vector<3128x128xf32>
    %get3A_170 = arith.constant 5 : index
    %get3A_171 = arith.constant 0 : index
    %get3A_172 = vector.load %arg3[%get3A_170, %get3A_171] : memref<8x128xf32, #tpu.memory_space<vmem>>, vector<1x128xf32>
    %jit3A_173 = arith.constant 0.000000e+00 : f32
    %broadcast_in_dim3A_174 = vector.shape_cast %get3A_172 : vector<1x128xf32> to vector<1x128xf32>
    %broadcast_in_dim3A_175 = vector.broadcast %broadcast_in_dim3A_174 : vector<1x128xf32> to vector<3128x128xf32>
    %broadcast_in_dim3A_176 = vector.broadcast %jit3A_173 : f32 to vector<3128x128xf32>
    %select_n3A_177 = arith.select %eq3A_169, %broadcast_in_dim3A_175, %broadcast_in_dim3A_176 : vector<3128x128xi1>, vector<3128x128xf32>
    %add3A_178 = arith.addf %add3A_166, %select_n3A_177 : vector<3128x128xf32>
    %eq3A_179 = arith.constant 6.000000e+00 : f32
    %eq3A_180 = vector.broadcast %eq3A_179 : f32 to vector<3128x128xf32>
    %eq3A_181 = arith.cmpf oeq, %dot_general3A_103, %eq3A_180 : vector<3128x128xf32>
    %get3A_182 = arith.constant 6 : index
    %get3A_183 = arith.constant 0 : index
    %get3A_184 = vector.load %arg3[%get3A_182, %get3A_183] : memref<8x128xf32, #tpu.memory_space<vmem>>, vector<1x128xf32>
    %jit3A_185 = arith.constant 0.000000e+00 : f32
    %broadcast_in_dim3A_186 = vector.shape_cast %get3A_184 : vector<1x128xf32> to vector<1x128xf32>
    %broadcast_in_dim3A_187 = vector.broadcast %broadcast_in_dim3A_186 : vector<1x128xf32> to vector<3128x128xf32>
    %broadcast_in_dim3A_188 = vector.broadcast %jit3A_185 : f32 to vector<3128x128xf32>
    %select_n3A_189 = arith.select %eq3A_181, %broadcast_in_dim3A_187, %broadcast_in_dim3A_188 : vector<3128x128xi1>, vector<3128x128xf32>
    %add3A_190 = arith.addf %add3A_178, %select_n3A_189 : vector<3128x128xf32>
    %eq3A_191 = arith.constant 7.000000e+00 : f32
    %eq3A_192 = vector.broadcast %eq3A_191 : f32 to vector<3128x128xf32>
    %eq3A_193 = arith.cmpf oeq, %dot_general3A_103, %eq3A_192 : vector<3128x128xf32>
    %get3A_194 = arith.constant 7 : index
    %get3A_195 = arith.constant 0 : index
    %get3A_196 = vector.load %arg3[%get3A_194, %get3A_195] : memref<8x128xf32, #tpu.memory_space<vmem>>, vector<1x128xf32>
    %jit3A_197 = arith.constant 0.000000e+00 : f32
    %broadcast_in_dim3A_198 = vector.shape_cast %get3A_196 : vector<1x128xf32> to vector<1x128xf32>
    %broadcast_in_dim3A_199 = vector.broadcast %broadcast_in_dim3A_198 : vector<1x128xf32> to vector<3128x128xf32>
    %broadcast_in_dim3A_200 = vector.broadcast %jit3A_197 : f32 to vector<3128x128xf32>
    %select_n3A_201 = arith.select %eq3A_193, %broadcast_in_dim3A_199, %broadcast_in_dim3A_200 : vector<3128x128xi1>, vector<3128x128xf32>
    %add3A_202 = arith.addf %add3A_190, %select_n3A_201 : vector<3128x128xf32>
    %swap3A = arith.constant 0 : index
    %swap3A_203 = arith.constant 0 : index
    %swap3A_204 = vector.load %arg4[%swap3A, %swap3A_203] : memref<3128x128xf32, #tpu.memory_space<vmem>>, vector<3128x128xf32>
    tpu.vector_store %arg4[%swap3A, %swap3A_203], %dot_general3A_105 {strides = array<i32>} : memref<3128x128xf32, #tpu.memory_space<vmem>>, vector<3128x128xf32>,
    %mul3A = arith.mulf %add3A_202, %dot_general3A_105 : vector<3128x128xf32>
    %swap3A_205 = arith.constant 0 : index
    %swap3A_206 = arith.constant 0 : index
    %swap3A_207 = vector.load %arg5[%swap3A_205, %swap3A_206] : memref<3128x128xf32, #tpu.memory_space<vmem>>, vector<3128x128xf32>
    tpu.vector_store %arg5[%swap3A_205, %swap3A_206], %mul3A {strides = array<i32>} : memref<3128x128xf32, #tpu.memory_space<vmem>>, vector<3128x128xf32>,
    return
  }
  func.func @transform_0(%arg0: i32) -> (i32, i32, i32) {
    %c0_i32 = arith.constant 0 : i32
    %c0_i32_0 = arith.constant 0 : i32
    %c0_i32_1 = arith.constant 0 : i32
    return %c0_i32, %arg0, %c0_i32_0 : i32, i32, i32
  }
  func.func @transform_1(%arg0: i32) -> (i32, i32) {
    %c0_i32 = arith.constant 0 : i32
    %c0_i32_0 = arith.constant 0 : i32
    return %arg0, %c0_i32 : i32, i32
  }
  func.func @transform_2(%arg0: i32) -> (i32, i32) {
    %c0_i32 = arith.constant 0 : i32
    %c0_i32_0 = arith.constant 0 : i32
    %c0_i32_1 = arith.constant 0 : i32
    return %c0_i32, %c0_i32_0 : i32, i32
  }
  func.func @transform_3(%arg0: i32) -> (i32, i32) {
    %c0_i32 = arith.constant 0 : i32
    %c0_i32_0 = arith.constant 0 : i32
    return %arg0, %c0_i32 : i32, i32
  }
  func.func @transform_4(%arg0: i32) -> (i32, i32) {
    %c0_i32 = arith.constant 0 : i32
    %c0_i32_0 = arith.constant 0 : i32
    return %arg0, %c0_i32 : i32, i32
  }
}

module attributes {stable_mosaic.version = 14 : i64} {
  func.func @_update_body(%arg0: i32, %arg1: memref<2x3128x128xf32, #tpu.memory_space<vmem>>, %arg2: memref<3128x128xf32, #tpu.memory_space<vmem>>, %arg3: memref<3128x128xf32, #tpu.memory_space<vmem>>, %arg4: memref<128x128xf32, #tpu.memory_space<vmem>>, %arg5: memref<1x128xf32, #tpu.memory_space<vmem>>, %arg6: memref<3128x128xf32, #tpu.memory_space<vmem>>) attributes {dimension_semantics = [#tpu.dimension_semantics<arbitrary>], iteration_bounds = array<i64: 4>, scalar_prefetch = 0 : i64, scratch_operands = 0 : i64, tpu.core_type = #tpu.core_type<tc>, window_params = [{transform_indices = @transform_0, window_bounds = array<i64: 2, 3128, 128>}, {transform_indices = @transform_1, window_bounds = array<i64: 3128, 128>}, {transform_indices = @transform_2, window_bounds = array<i64: 3128, 128>}, {pipeline_mode = #tpu.pipeline_mode<synchronous>, transform_indices = @transform_3, window_bounds = array<i64: 128, 128>}, {pipeline_mode = #tpu.pipeline_mode<synchronous>, transform_indices = @transform_4, window_bounds = array<i64: 1, 128>}, {transform_indices = @transform_5, window_bounds = array<i64: 3128, 128>}]} {
    %get3A = arith.constant 0 : index
    %get3A_0 = arith.constant 0 : index
    %get3A_1 = arith.constant 0 : index
    %get3A_2 = vector.load %arg1[%get3A, %get3A_0, %get3A_1] : memref<2x3128x128xf32, #tpu.memory_space<vmem>>, vector<1x3128x128xf32>
    %get3A_3 = vector.shape_cast %get3A_2 : vector<1x3128x128xf32> to vector<3128x128xf32>
    %get3A_4 = arith.constant 1 : index
    %get3A_5 = arith.constant 0 : index
    %get3A_6 = arith.constant 0 : index
    %get3A_7 = vector.load %arg1[%get3A_4, %get3A_5, %get3A_6] : memref<2x3128x128xf32, #tpu.memory_space<vmem>>, vector<1x3128x128xf32>
    %get3A_8 = vector.shape_cast %get3A_7 : vector<1x3128x128xf32> to vector<3128x128xf32>
    %add3A = arith.addf %get3A_3, %get3A_8 : vector<3128x128xf32>
    %get3A_9 = arith.constant 0 : index
    %get3A_10 = arith.constant 0 : index
    %get3A_11 = vector.load %arg2[%get3A_9, %get3A_10] : memref<3128x128xf32, #tpu.memory_space<vmem>>, vector<3128x128xf32>
    %add3A_12 = arith.addf %add3A, %get3A_11 : vector<3128x128xf32>
    %get3A_13 = arith.constant 0 : index
    %get3A_14 = arith.constant 0 : index
    %get3A_15 = vector.load %arg3[%get3A_13, %get3A_14] : memref<3128x128xf32, #tpu.memory_space<vmem>>, vector<3128x128xf32>
    %mul3A = arith.mulf %add3A_12, %get3A_15 : vector<3128x128xf32>
    %get3A_16 = arith.constant 0 : index
    %get3A_17 = arith.constant 0 : index
    %get3A_18 = vector.load %arg4[%get3A_16, %get3A_17] : memref<128x128xf32, #tpu.memory_space<vmem>>, vector<128x128xf32>
    %dot_general3A = arith.constant dense<0.000000e+00> : vector<3128x128xf32>
    %dot_general3A_19 = tpu.matmul %mul3A, %get3A_18, %dot_general3A {dimension_numbers = #tpu.dot_dimension_numbers<[1], [0], [0], [1], [0, 0, 1, 1], [], []>, transpose_lhs_hint = false} : vector<3128x128xf32>, vector<128x128xf32>, vector<3128x128xf32> -> vector<3128x128xf32>
    %get3A_20 = arith.constant 0 : index
    %get3A_21 = arith.constant 0 : index
    %get3A_22 = vector.load %arg5[%get3A_20, %get3A_21] : memref<1x128xf32, #tpu.memory_space<vmem>>, vector<1x128xf32>
    %add3A_23 = vector.broadcast %get3A_22 : vector<1x128xf32> to vector<3128x128xf32>
    %add3A_24 = arith.addf %dot_general3A_19, %add3A_23 : vector<3128x128xf32>
    %max3A = arith.constant 0.000000e+00 : f32
    %max3A_25 = vector.broadcast %max3A : f32 to vector<3128x128xf32>
    %max3A_26 = arith.maximumf %add3A_24, %max3A_25 : vector<3128x128xf32>
    %get3A_27 = arith.constant 0 : index
    %get3A_28 = arith.constant 0 : index
    %get3A_29 = vector.load %arg3[%get3A_27, %get3A_28] : memref<3128x128xf32, #tpu.memory_space<vmem>>, vector<3128x128xf32>
    %mul3A_30 = arith.mulf %max3A_26, %get3A_29 : vector<3128x128xf32>
    %swap3A = arith.constant 0 : index
    %swap3A_31 = arith.constant 0 : index
    %swap3A_32 = vector.load %arg6[%swap3A, %swap3A_31] : memref<3128x128xf32, #tpu.memory_space<vmem>>, vector<3128x128xf32>
    tpu.vector_store %arg6[%swap3A, %swap3A_31], %mul3A_30 {strides = array<i32>} : memref<3128x128xf32, #tpu.memory_space<vmem>>, vector<3128x128xf32>,
    return
  }
  func.func @transform_0(%arg0: i32) -> (i32, i32, i32) {
    %c0_i32 = arith.constant 0 : i32
    %c0_i32_0 = arith.constant 0 : i32
    %c0_i32_1 = arith.constant 0 : i32
    return %c0_i32, %arg0, %c0_i32_0 : i32, i32, i32
  }
  func.func @transform_1(%arg0: i32) -> (i32, i32) {
    %c0_i32 = arith.constant 0 : i32
    %c0_i32_0 = arith.constant 0 : i32
    return %arg0, %c0_i32 : i32, i32
  }
  func.func @transform_2(%arg0: i32) -> (i32, i32) {
    %c0_i32 = arith.constant 0 : i32
    %c0_i32_0 = arith.constant 0 : i32
    return %arg0, %c0_i32 : i32, i32
  }
  func.func @transform_3(%arg0: i32) -> (i32, i32) {
    %c0_i32 = arith.constant 0 : i32
    %c0_i32_0 = arith.constant 0 : i32
    %c0_i32_1 = arith.constant 0 : i32
    return %c0_i32, %c0_i32_0 : i32, i32
  }
  func.func @transform_4(%arg0: i32) -> (i32, i32) {
    %c0_i32 = arith.constant 0 : i32
    %c0_i32_0 = arith.constant 0 : i32
    %c0_i32_1 = arith.constant 0 : i32
    return %c0_i32, %c0_i32_0 : i32, i32
  }
  func.func @transform_5(%arg0: i32) -> (i32, i32) {
    %c0_i32 = arith.constant 0 : i32
    %c0_i32_0 = arith.constant 0 : i32
    return %arg0, %c0_i32 : i32, i32
  }
}

module attributes {stable_mosaic.version = 14 : i64} {
  func.func @_update_body(%arg0: i32, %arg1: memref<2x3128x128xf32, #tpu.memory_space<vmem>>, %arg2: memref<3128x128xf32, #tpu.memory_space<vmem>>, %arg3: memref<3128x128xf32, #tpu.memory_space<vmem>>, %arg4: memref<128x32xf32, #tpu.memory_space<vmem>>, %arg5: memref<1x32xf32, #tpu.memory_space<vmem>>, %arg6: memref<3128x32xf32, #tpu.memory_space<vmem>>) attributes {dimension_semantics = [#tpu.dimension_semantics<arbitrary>], iteration_bounds = array<i64: 4>, scalar_prefetch = 0 : i64, scratch_operands = 0 : i64, tpu.core_type = #tpu.core_type<tc>, window_params = [{transform_indices = @transform_0, window_bounds = array<i64: 2, 3128, 128>}, {transform_indices = @transform_1, window_bounds = array<i64: 3128, 128>}, {transform_indices = @transform_2, window_bounds = array<i64: 3128, 128>}, {pipeline_mode = #tpu.pipeline_mode<synchronous>, transform_indices = @transform_3, window_bounds = array<i64: 128, 32>}, {pipeline_mode = #tpu.pipeline_mode<synchronous>, transform_indices = @transform_4, window_bounds = array<i64: 1, 32>}, {transform_indices = @transform_5, window_bounds = array<i64: 3128, 32>}]} {
    %get3A = arith.constant 0 : index
    %get3A_0 = arith.constant 0 : index
    %get3A_1 = arith.constant 0 : index
    %get3A_2 = vector.load %arg1[%get3A, %get3A_0, %get3A_1] : memref<2x3128x128xf32, #tpu.memory_space<vmem>>, vector<1x3128x128xf32>
    %get3A_3 = vector.shape_cast %get3A_2 : vector<1x3128x128xf32> to vector<3128x128xf32>
    %get3A_4 = arith.constant 1 : index
    %get3A_5 = arith.constant 0 : index
    %get3A_6 = arith.constant 0 : index
    %get3A_7 = vector.load %arg1[%get3A_4, %get3A_5, %get3A_6] : memref<2x3128x128xf32, #tpu.memory_space<vmem>>, vector<1x3128x128xf32>
    %get3A_8 = vector.shape_cast %get3A_7 : vector<1x3128x128xf32> to vector<3128x128xf32>
    %add3A = arith.addf %get3A_3, %get3A_8 : vector<3128x128xf32>
    %get3A_9 = arith.constant 0 : index
    %get3A_10 = arith.constant 0 : index
    %get3A_11 = vector.load %arg2[%get3A_9, %get3A_10] : memref<3128x128xf32, #tpu.memory_space<vmem>>, vector<3128x128xf32>
    %add3A_12 = arith.addf %add3A, %get3A_11 : vector<3128x128xf32>
    %get3A_13 = arith.constant 0 : index
    %get3A_14 = arith.constant 0 : index
    %get3A_15 = vector.load %arg3[%get3A_13, %get3A_14] : memref<3128x128xf32, #tpu.memory_space<vmem>>, vector<3128x128xf32>
    %mul3A = arith.mulf %add3A_12, %get3A_15 : vector<3128x128xf32>
    %get3A_16 = arith.constant 0 : index
    %get3A_17 = arith.constant 0 : index
    %get3A_18 = vector.load %arg4[%get3A_16, %get3A_17] : memref<128x32xf32, #tpu.memory_space<vmem>>, vector<128x32xf32>
    %dot_general3A = arith.constant dense<0.000000e+00> : vector<3128x32xf32>
    %dot_general3A_19 = tpu.matmul %mul3A, %get3A_18, %dot_general3A {dimension_numbers = #tpu.dot_dimension_numbers<[1], [0], [0], [1], [0, 0, 1, 1], [], []>, transpose_lhs_hint = false} : vector<3128x128xf32>, vector<128x32xf32>, vector<3128x32xf32> -> vector<3128x32xf32>
    %get3A_20 = arith.constant 0 : index
    %get3A_21 = arith.constant 0 : index
    %get3A_22 = vector.load %arg5[%get3A_20, %get3A_21] : memref<1x32xf32, #tpu.memory_space<vmem>>, vector<1x32xf32>
    %add3A_23 = vector.broadcast %get3A_22 : vector<1x32xf32> to vector<3128x32xf32>
    %add3A_24 = arith.addf %dot_general3A_19, %add3A_23 : vector<3128x32xf32>
    %swap3A = arith.constant 0 : index
    %swap3A_25 = arith.constant 0 : index
    %swap3A_26 = vector.load %arg6[%swap3A, %swap3A_25] : memref<3128x32xf32, #tpu.memory_space<vmem>>, vector<3128x32xf32>
    tpu.vector_store %arg6[%swap3A, %swap3A_25], %add3A_24 {strides = array<i32>} : memref<3128x32xf32, #tpu.memory_space<vmem>>, vector<3128x32xf32>,
    return
  }
  func.func @transform_0(%arg0: i32) -> (i32, i32, i32) {
    %c0_i32 = arith.constant 0 : i32
    %c0_i32_0 = arith.constant 0 : i32
    %c0_i32_1 = arith.constant 0 : i32
    return %c0_i32, %arg0, %c0_i32_0 : i32, i32, i32
  }
  func.func @transform_1(%arg0: i32) -> (i32, i32) {
    %c0_i32 = arith.constant 0 : i32
    %c0_i32_0 = arith.constant 0 : i32
    return %arg0, %c0_i32 : i32, i32
  }
  func.func @transform_2(%arg0: i32) -> (i32, i32) {
    %c0_i32 = arith.constant 0 : i32
    %c0_i32_0 = arith.constant 0 : i32
    return %arg0, %c0_i32 : i32, i32
  }
  func.func @transform_3(%arg0: i32) -> (i32, i32) {
    %c0_i32 = arith.constant 0 : i32
    %c0_i32_0 = arith.constant 0 : i32
    %c0_i32_1 = arith.constant 0 : i32
    return %c0_i32, %c0_i32_0 : i32, i32
  }
  func.func @transform_4(%arg0: i32) -> (i32, i32) {
    %c0_i32 = arith.constant 0 : i32
    %c0_i32_0 = arith.constant 0 : i32
    %c0_i32_1 = arith.constant 0 : i32
    return %c0_i32, %c0_i32_0 : i32, i32
  }
  func.func @transform_5(%arg0: i32) -> (i32, i32) {
    %c0_i32 = arith.constant 0 : i32
    %c0_i32_0 = arith.constant 0 : i32
    return %arg0, %c0_i32 : i32, i32
  }
}

</mosaic_0001>

<sc_bundles>
// kernel: body.12.cloned.1.call-start
scs
__scs_entry_jumppad:
0x0: {  	(pc) =	sbr.rel $0x88, $3  }
0x1: {  	(tag) =	ssettag $0x0;
	lr =	simm.s32 $0x1  }
0x2: {  	[smem:$0x3F99] =	sst lr;
	_ =	strace $0xD0000000  }
0x3: {  	_ = 	snop  }
0x4: {  	_ = 	snop  }
0x5: {  	_ = 	snop  }
0x6: {  	_ = 	snop  }
0x7: {  	_ = 	snop  }
__scs_overlays_trampoline_lowered:
0x8: {  	[smem:$0x3FA8] =	sst s0  }
0x9: {  	[smem:$0x3FA9] =	sst s1  }
0xa: {  	[smem:$0x3FAA] =	sst s2  }
0xb: {  	[smem:$0x3FAB] =	sst s3  }
0xc: {  	[smem:$0x3FAC] =	sst s4  }
0xd: {  	[smem:$0x3FAD] =	sst s5  }
0xe: {  	[smem:$0x3FAE] =	sst s6  }
0xf: {  	[smem:$0x3FAF] =	sst s7  }
0x10: {  	[smem:$0x3FB0] =	sst s8  }
0x11: {  	[smem:$0x3FB1] =	sst s9;
	s0 =	simm.s32 @!p0 $0x0  }
0x12: {  	s1 =	sld [smem:$0x3F97];
	s0 =	simm.s32 @p0 $0x1  }
0x13: {  	[smem:$0x3FB2] =	sst s0;
	s0 =	simm.s32 @!p1 $0x0  }
0x14: {  	s2 =	sld [smem:$0x3F96];
	s0 =	simm.s32 @p1 $0x1  }
0x15: {  	[smem:$0x3FB3] =	sst s0;
	s0 =	simm.s32 @!p2 $0x0  }
0x16: {  	s3 =	sld [smem:$0x3FDB];
	s0 =	simm.s32 @p2 $0x1  }
0x17: {  	s4 =	simm.s32 $0x1BF5;
	[smem:$0x3FB5] =	sst s0  }
0x18: {  	s0 =	sld [smem:$0x3F98];
	_ =	swait.ge [sflag:s4], $0x0  }
0x19: {  	s7 =	sld [smem:$0x3F99]  }
0x1a: {  	s8 =	sadd.s32 $0xFFFFE003, lr  }
0x1b: {  	s9 =	sadd.s32 $0xFFFFFEF7, lr;
	s5 =	simm.s32 $0xFFFFFFFF;
	p2 =	slt.u32 s8, $0xFFFFF086  }
0x1c: {  	p1 =	slt.u32 s9, $0xF7A;
	s5 =	simm.s32 @!p2 $0x0  }
0x1d: {  	s5 =	simm.s32 @p1 $0x1;
	p0 =	seq.s32 s7, s2  }
0x1e: {  	s7 =	smul.u32 @!p0 $0xF7A, s2;
	p2 =	seq.s32 @!p0 s5, $0x0  }
0x1f: {  	s9 =	smul.u32 $0xF7A, s1;
	s8 =	simm.s32 @!p0 $0x1BF5;
	p2 =	por !p2, p0  }
0x20: {  	[sflag:s8] =	ssyncset.s32 @!p0 $0xFFFFF086;
	s6 =	sadd.s32 @!p0 s3, s7;
	s7 =	simm.s32 @!p0 $0x108  }
0x21: {  	s3 =	sadd.s32 s3, s9;
	s6 =	sadd.s32 @!p0 $0x88, s6;
	s7 =	simm.s32 @p2 $0x1082  }
0x22: {  	[simem:s7], [sflag:s8] =	dma.local @!p0 [hbm:s6], $0xF7A  }
0x23: {  	s9 =	sor.u32 $0xD0000000, s2;
	s6 =	simm.s32 $0x108;
	_ =	swait.ge @!p0 [sflag:s8], $0x0  }
0x24: {  	s3 =	sadd.s32 $0x88, s3;
	s6 =	simm.s32 @!p1 $0x1082;
	[sflag:s4] =	ssyncset.s32 $0xFFFFF086  }
0x25: {  	[simem:s6], [sflag:s4] =	dma.local [hbm:s3], $0xF7A  }
0x26: {  	[smem:$0x3F99] =	sst s1;
	(tag) =	ssettag s2;
	_ =	strace s9  }
0x27: {  	s1 =	sld [smem:$0x3FA9]  }
0x28: {  	s2 =	sld [smem:$0x3FAA]  }
0x29: {  	s4 =	sld [smem:$0x3FAC]  }
0x2a: {  	p0 =	seq.s32 s5, $0x0;
	s5 =	sld [smem:$0x3FAD]  }
0x2b: {  	s6 =	sld [smem:$0x3FAE]  }
0x2c: {  	s7 =	sld [smem:$0x3FAF]  }
0x2d: {  	s3 =	simm.s32 $0x108;
	s8 =	sld [smem:$0x3FB0]  }
0x2e: {  	s3 =	simm.s32 @!p0 $0x1082;
	s9 =	sld [smem:$0x3FB1]  }
0x2f: {  	lr =	sadd.s32 s0, s3;
	s0 =	sld [smem:$0x3FA8]  }
0x30: {  	s3 =	sld [smem:$0x3FAB]  }
0x31: {  	[smem:$0x3FB4] =	sst s10  }
0x32: {  	s10 =	sld [smem:$0x3FB2];
	_ =	sdelay $0x3  }
0x33: {  	p0 =	seq.s32 s10, $0x1;
	s10 =	sld [smem:$0x3FB4];
	_ =	sdelay $0x3  }
0x34: {  	[smem:$0x3FB4] =	sst s10  }
0x35: {  	s10 =	sld [smem:$0x3FB3];
	_ =	sdelay $0x3  }
0x36: {  	p1 =	seq.s32 s10, $0x1;
	s10 =	sld [smem:$0x3FB4];
	_ =	sdelay $0x3  }
0x37: {  	[smem:$0x3FB4] =	sst s10  }
0x38: {  	s10 =	sld [smem:$0x3FB5]  }
0x39: {  	_ = 	snop;
	(pc) =	sbr.ind lr, $3  }
0x3a: {  	_ = 	snop  }
0x3b: {  	_ = 	snop  }
0x3c: {  	p2 =	seq.s32 s10, $0x1;
	s10 =	sld [smem:$0x3FB4]  }
0x3d: {  	_ =	shalt  }
0x3e: {  	_ =	shalt  }
0x3f: {  	_ =	shalt  }
0x40: {  	_ =	shalt  }
0x41: {  	_ =	shalt  }
0x42: {  	_ =	shalt  }
0x43: {  	_ =	shalt  }
0x44: {  	_ =	shalt  }
0x45: {  	_ =	shalt  }
0x46: {  	_ =	shalt  }
0x47: {  	_ =	shalt  }
0x48: {  	_ =	shalt  }
0x49: {  	_ =	shalt  }
0x4a: {  	_ =	shalt  }
0x4b: {  	_ =	shalt  }
0x4c: {  	_ =	shalt  }
0x4d: {  	_ =	shalt  }
0x4e: {  	_ =	shalt  }
0x4f: {  	_ =	shalt  }
0x50: {  	_ =	shalt  }
0x51: {  	_ =	shalt  }
0x52: {  	_ =	shalt  }
0x53: {  	_ =	shalt  }
0x54: {  	_ =	shalt  }
0x55: {  	_ =	shalt  }
0x56: {  	_ =	shalt  }
0x57: {  	_ =	shalt  }
0x58: {  	_ =	shalt  }
0x59: {  	_ =	shalt  }
0x5a: {  	_ =	shalt  }
0x5b: {  	_ =	shalt  }
0x5c: {  	_ =	shalt  }
0x5d: {  	_ =	shalt  }
0x5e: {  	_ =	shalt  }
0x5f: {  	_ =	shalt  }
0x60: {  	_ =	shalt  }
0x61: {  	_ =	shalt  }
0x62: {  	_ =	shalt  }
0x63: {  	_ =	shalt  }
0x64: {  	_ =	shalt  }
0x65: {  	_ =	shalt  }
0x66: {  	_ =	shalt  }
0x67: {  	_ =	shalt  }
0x68: {  	_ =	shalt  }
0x69: {  	_ =	shalt  }
0x6a: {  	_ =	shalt  }
0x6b: {  	_ =	shalt  }
0x6c: {  	_ =	shalt  }
0x6d: {  	_ =	shalt  }
0x6e: {  	_ =	shalt  }
0x6f: {  	_ =	shalt  }
0x70: {  	_ =	shalt  }
0x71: {  	_ =	shalt  }
0x72: {  	_ =	shalt  }
0x73: {  	_ =	shalt  }
0x74: {  	_ =	shalt  }
0x75: {  	_ =	shalt  }
0x76: {  	_ =	shalt  }
0x77: {  	_ =	shalt  }
0x78: {  	_ =	shalt  }
0x79: {  	_ =	shalt  }
0x7a: {  	_ =	shalt  }
0x7b: {  	_ =	shalt  }
0x7c: {  	_ =	shalt  }
0x7d: {  	_ =	shalt  }
0x7e: {  	_ =	shalt  }
0x7f: {  	_ =	shalt  }
0x80: {  	_ =	shalt  }
0x81: {  	_ =	shalt  }
0x82: {  	_ =	shalt  }
0x83: {  	_ =	shalt  }
0x84: {  	_ =	shalt  }
0x85: {  	_ =	shalt  }
0x86: {  	_ =	shalt  }
0x87: {  	_ =	shalt  }
.Lfunc_end0:
.L_simem_size_0:
called_computation_lowered:
.L_overlay_start_0:
0x88: {  	s2 =	sld [smem:$0x3FD9]  }
0x89: {  	s3 =	sld [smem:$0x3FFE];
	_ =	sdelay $0x1  }
0x8a: {  	s1 =	srdreg.scid  }
0x8b: {  	s0 =	sand.u32 $0x1, s1  }
0x8c: {  	s16 =	sshll.u32 s0, $0xA;
	s2 =	sadd.s32 s3, s2  }
0x8d: {  	s2 =	sadd.s32 s2, s16  }
0x8e: {  	[smem:$0x3FC0] =	sst s2  }
0x8f: {  	_ = 	snop  }
0x90: {  	(tm) =	ssettm $0x1  }
0x91: {  	s17 =	sld [smem:$0x3FFB];
	_ =	sdelay $0x3  }
0x92: {  	_ =	strace s17  }
0x93: {  	s2 =	sld [smem:$0x3FFC];
	_ =	sdelay $0x3  }
0x94: {  	_ =	strace s2  }
0x95: {  	s2 =	sld [smem:$0x3FFD];
	_ =	sdelay $0x3  }
0x96: {  	_ =	strace s2  }
0x97: {  	_ =	strace $0x8FFFFFFF  }
0x98: {  	s18 =	sld [smem:$0x3FDB];
	_ =	sdelay $0x1  }
0x99: {  	s19 =	simm.s32 $_scs_section_size  }
0x9a: {  	s4 =	simm.s32 $_size__tile_overlayer_lowered;
	s5 =	simm.s32 $_tile_overlayer_lowered  }
0x9b: {  	s22 =	simm.s32 $0x1BFF;
	s21 =	sshll.u32 s5, $0x1;
	s2 =	sadd.s32 s19, s18  }
0x9c: {  	s6 =	simm.s32 $0x0;
	s20 =	sshll.u32 s4, $0x1;
	s4 =	sadd.s32 s21, s2  }
0x9d: {  	[timem:s6], [sflag:s22] =	dma.local [hbm:s4], s20  }
0x9e: {  	_ =	swait.ge [sflag:s22], s20  }
0x9f: {  	s3 =	ssub.s32 $0x0, s20;
	[sflag:s22] =	ssyncset.done $0x0  }
0xa0: {  	[sflag:s22] =	ssyncadd.s32 s3;
	_ =	sdelay $0x1  }
0xa1: {  	s23 =	simm.s32 $0x1B8B  }
0xa2: {  	_ =	swait.ge [sflag:s23], $0x1  }
0xa3: {  	[sflag:s23] =	ssyncset.done $0x0  }
0xa4: {  	s25 =	simm.s32 $0x1B8E;
	s24 =	sld [smem:$0x3FFE];
	[sflag:s23] =	ssyncadd.s32 $0xFFFFFFFF  }
0xa5: {  	s26 =	simm.s32 $execute0_lowered;
	[smem:$0x3FD2] =	sst s25  }
0xa6: {  	s4 =	sshll.u32 s26, $0x1;
	_ =	strace $0x8000004C;
	[dreg:$0x1] =	wrdreg $0xFFFFFFFF  }
0xa7: {  	s28 =	simm.s32 $_size_execute0_lowered;
	s2 =	sadd.s32 s2, s4;
	[dreg:$0x0] =	wrdreg $0x0  }
0xa8: {  	s4 =	sshll.u32 s28, $0x1;
	[dreg:$0x2] =	wrdreg s2  }
0xa9: {  	[dreg:$0x3] =	wrdreg s4  }
0xaa: {  	[dreg:$0x4] =	wrdreg $0xC0  }
0xab: {  	_ =	task [dreg:s6], $0x5FFFF  }
0xac: {  	[dreg:$0x1] =	wrdreg $0xFFFFFFFF  }
0xad: {  	[dreg:$0x0] =	wrdreg $0x60  }
0xae: {  	[dreg:$0x2] =	wrdreg s24  }
0xaf: {  	[dreg:$0x3] =	wrdreg $0x66000  }
0xb0: {  	[dreg:$0x4] =	wrdreg $0x9  }
0xb1: {  	_ =	task.clear_ibuf [dreg:s6], $0x5FFFF;
	_ =	strace $0x9000004C  }
0xb2: {  	s29 =	simm.s32 $0x9;
	_ =	strace $0x8000004E  }
0xb3: {  	_ =	swait.ge [sflag:s29], $0x1  }
0xb4: {  	[sflag:s29] =	ssyncadd.s32 $0xFFFFFFFF  }
0xb5: {  	_ =	strace $0x9000004E  }
0xb6: {  	_ =	sfence  }
0xb7: {  	s30 =	sld [smem:$0x0];
	_ =	sdelay $0x2  }
0xb8: {  	s31 =	sshll.u32 s1, $0xD;
	s1 =	sshrl.u32 s1, $0x2  }
0xb9: {  	s3 =	sand.u32 $0x4000, s31;
	s1 =	sadd.s32 s1, s30  }
0xba: {  	s0 =	sor.u32 s3, s0;
	s1 =	sshll.u32 s1, $0x11  }
0xbb: {  	s0 =	sor.u32 s1, s0  }
0xbc: {  	s0 =	sadd.s32 $0x8F2B, s0  }
0xbd: {  	[sflag:s0] =	ssyncadd.remote.s32 $0x1  }
0xbe: {  	_ =	sfence.sel $0xFFFF  }
0xbf: {  	[dreg:$0x0] =	wrdreg $0xFFFFFFFF;
	(pc) =	sbr.abs _section_cstart, $3  }
0xc0: {  	[dreg:$0x1] =	wrdreg $0xFFFFFFFF  }
0xc1: {  	_ =	task.clear_ibuf [dreg:s6], $0x2FFFF;
	_ =	strace $0x9FFFFFFF  }
0xc2: {  	(tm) =	ssettm $0x7FFFFFFF  }
0xc3: {  	_ =	shalt  }
tec
execute0_lowered:
.L_overlay_start_1:
0x0: {  	(tag) =	ssettag $0x1  }
0x1: {  	s0 =	rddreg [dreg:$0x0]  }
0x2: {  	s2 =	rddreg [dreg:$0x1]  }
0x3: {  	s13 =	stileid.u32;
	s1 =	srdreg.scid  }
0x4: {  	s3 =	simm.s32 $0x0;
	s28 =	simm.s32 $0x2;
	s29 =	simm.s32 $0x380  }
0x5: {  	s30 =	simm.s32 $0x400;
	s31 =	simm.s32 $0x1;
	s1 =	sand.u32 $0x1, s1  }
0x6: {  	s4 =	sshll.u32 s13, $0x1;
	[smem:$0x7FF] =	sst s3;
	s6 =	smul.u32 $0x18700, s13  }
0x7: {  	s11 =	sadd.s32 $0xAFA00, s0;
	s21 =	smul.u32 $0x1860, s13;
	p0 =	sgt.u32 s13, $0x4  }
0x8: {  	s5 =	sor.u32 s1, s4;
	_ =	strace $0x8000004D;
	s9 =	smul.u32 $0x187000, s1  }
0x9: {  	s4 =	sadd.s32 $0xE0800, s0;
	s14 =	ssub.s32 $0x2, s1;
	s1 =	smul.u32 $0xC30, s1  }
0xa: {  	s7 =	smul.u32 $0xC3, s5;
	s8 =	sshrl.u32 s6, $0x3;
	s10 =	smin.u32 s5, $0xA  }
0xb: {  	s24 =	sadd.s32 s21, s11;
	s21 =	simm.s32 $0x600;
	s8 =	sadd.s32 s8, s0  }
0xc: {  	s12 =	sadd.s32 s6, s9;
	s6 =	sadd.s32 s6, s2;
	s26 =	sshll.u32 s10, $0x4  }
0xd: {  	s9 =	simm.s32 $0x3;
	s5 =	sadd.s32 s10, s7;
	s7 =	sshrl.u32 s12, $0x3  }
0xe: {  	s12 =	sshrl.u32 s14, $0x1;
	[dreg:$0x7] =	wrdreg s6;
	s19 =	sadd.s32 $0x111600, s8  }
0xf: {  	s6 =	simm.s32 $0x4600;
	s8 =	simm.s32 $0x5600;
	s5 =	sshll.u32 s5, $0x4  }
0x10: {  	s0 =	sadd.s32 s7, s0;
	[dreg:$0x8] =	wrdreg s19;
	s5 =	sadd.s32 s11, s5  }
0x11: {  	s15 =	ssub.s32 s14, s12;
	s0 =	sadd.s32 $0x142400, s0;
	[dreg:$0x3] =	wrdreg s5  }
0x12: {  	s10 =	simm.s32 $0x500;
	s25 =	smax.u32 s15, $0x1;
	[dreg:$0xd] =	wrdreg s0  }
0x13: {  	s19 =	simm.s32 $0x300;
	s16 =	sadd.s32 $0x186A0, s5;
	[dreg:$0xe] =	wrdreg s25  }
0x14: {  	s7 =	simm.s32 $0x280;
	s17 =	sadd.s32 $0x30, s5;
	[dreg:$0x4] =	wrdreg s16  }
0x15: {  	s12 =	simm.s32 $0x0;
	s18 =	sadd.s32 $0x186D0, s5;
	[dreg:$0x5] =	wrdreg s17  }
0x16: {  	s11 =	simm.s32 $0x580;
	s20 =	sadd.s32 $0xC00, s5;
	[dreg:$0x6] =	wrdreg s18  }
0x17: {  	s22 =	sadd.s32 $0x192A0, s5;
	s23 =	sadd.s32 $0xC30, s5;
	[dreg:$0x9] =	wrdreg s20  }
0x18: {  	s5 =	sadd.s32 $0x192D0, s5;
	s0 =	sadd.s32 s1, s24;
	[dreg:$0xa] =	wrdreg s22  }
0x19: {  	s24 =	simm.s32 $0x2600;
	s25 =	simm.s32 $0x180;
	[dreg:$0xb] =	wrdreg s23  }
0x1a: {  	s1 =	simm.s32 $0x200;
	[dreg:$0xc] =	wrdreg s5;
	s17 =	sadd.s32 s26, s0  }
0x1b: {  	s18 =	simm.s32 $0x4;
	s20 =	simm.s32 $0x80;
	s22 =	simm.s32 $0x1600  }
0x1c: {  	s23 =	simm.s32 $0x100;
	s26 =	simm.s32 $0x480;
	s0 =	simm.s32 $0x3600  }
.LBB2_1:
0x1d: {  	s5 =	rddreg [dreg:$0x3]  }
0x1e: {  	[tilespmem:s3], [sflag:$0x4] =	stream.linear.gather [hbm4b:s5+s3], $0x180, $0x38;
	[tilespmem:$0x1ED00] =	vst v63  }
0x1f: {  	_ =	swait.ge [sflag:s18], $0x180  }
0x20: {  	[sflag:s18] =	ssyncset.done $0x0  }
0x21: {  	s15 =	rddreg [dreg:$0x4];
	[sflag:s18] =	ssyncadd.s32 $0xFFFFFE80  }
0x22: {  	[tilespmem:s19], [sflag:$0x4] =	stream.linear.gather [hbm4b:s15+s3], $0x180, $0x38;
	[tilespmem:$0x1ED00] =	vst v63  }
0x23: {  	_ =	swait.ge [sflag:s18], $0x180  }
0x24: {  	[sflag:s18] =	ssyncset.done $0x0  }
0x25: {  	[sflag:s18] =	ssyncadd.s32 $0xFFFFFE80  }
0x26: {  	[tilespmem:s21], [sflag:$0x2] =	stream.indirect.gather [hbm4b:s4+s20], $0x20, s3, s20, $0xb8;
	[tilespmem:$0x1ED00] =	vst v63  }
0x27: {  	_ = 	snop  }
0x28: {  	[tilespmem:s22], [sflag:$0x2] =	stream.indirect.gather [hbm4b:s4+s20], $0x20, s20, s20, $0xb8;
	[tilespmem:$0x1ED00] =	vst v63  }
0x29: {  	s16 =	rddreg [dreg:$0x5]  }
0x2a: {  	[tilespmem:s24], [sflag:$0x2] =	stream.indirect.gather [hbm4b:s4+s20], $0x20, s23, s20, $0xb8;
	[tilespmem:$0x1ED00] =	vst v63  }
0x2b: {  	s13 =	rddreg [dreg:$0x6]  }
0x2c: {  	[tilespmem:s25], [sflag:$0x1] =	stream.linear.gather [hbm4b:s16+s3], $0x180, $0x38;
	[tilespmem:$0x1ED00] =	vst v63  }
0x2d: {  	s14 =	stileid.u32;
	s15 =	rddreg [dreg:$0x7]  }
0x2e: {  	[tilespmem:s26], [sflag:$0x1] =	stream.linear.gather [hbm4b:s13+s3], $0x180, $0x38;
	[tilespmem:$0x1ED00] =	vst v63  }
0x2f: {  	s16 =	rddreg [dreg:$0x8];
	s13 =	sshll.u32 s14, $0x6;
	s14 =	sshrl.u32 s15, $0x3  }
0x30: {  	s13 =	sor.u32 $0x1C04, s13;
	[dreg:$0x10] =	wrdreg s14  }
0x31: {  	[dreg:$0xf] =	wrdreg s13  }
0x32: {  	[spmem:s14], [sflag:s13] =	dma.local [hbm:s16], $0x30E0  }
0x33: {  	_ =	swait.ge [sflag:s18], $0x30E0  }
0x34: {  	[sflag:s18] =	ssyncset.done $0x0  }
0x35: {  	[sflag:s18] =	ssyncadd.s32 $0xFFFFCF20  }
0x36: {  	[bflag:$0x0] =	sbarrier.arrive $0xFFFF  }
0x37: {  	_ =	swait.ge [sflag:s28], $0x1000  }
0x38: {  	[sflag:s28] =	ssyncset.done $0x0  }
0x39: {  	[sflag:s28] =	ssyncadd.s32 $0xFFFFF000  }
0x3a: {  	_ =	swait.ge [sflag:s28], $0x1000  }
0x3b: {  	[sflag:s28] =	ssyncset.done $0x0  }
0x3c: {  	[sflag:s28] =	ssyncadd.s32 $0xFFFFF000  }
0x3d: {  	_ =	swait.ge [sflag:s28], $0x1000  }
0x3e: {  	[sflag:s28] =	ssyncset.done $0x0  }
0x3f: {  	[sflag:s28] =	ssyncadd.s32 $0xFFFFF000  }
0x40: {  	[spmem:s2] =	stream.indirect.scatter.add.f32 [tilespmem:s21], [sflag:$0x3], $0x20, s19, s20, $0xb8;
	[tilespmem:$0x1ED00] =	vst v63  }
0x41: {  	_ = 	snop  }
0x42: {  	[spmem:s2] =	stream.indirect.scatter.add.f32 [tilespmem:s22], [sflag:$0x3], $0x20, s29, s20, $0xb8;
	[tilespmem:$0x1ED00] =	vst v63  }
0x43: {  	_ = 	snop  }
0x44: {  	[spmem:s2] =	stream.indirect.scatter.add.f32 [tilespmem:s24], [sflag:$0x3], $0x20, s30, s20, $0xb8;
	[tilespmem:$0x1ED00] =	vst v63  }
0x45: {  	_ =	swait.ge [sflag:s31], $0x180  }
0x46: {  	[sflag:s31] =	ssyncset.done $0x0  }
0x47: {  	[sflag:s31] =	ssyncadd.s32 $0xFFFFFE80  }
0x48: {  	_ =	swait.ge [sflag:s31], $0x180  }
0x49: {  	[sflag:s31] =	ssyncset.done $0x0  }
0x4a: {  	[sflag:s31] =	ssyncadd.s32 $0xFFFFFE80  }
0x4b: {  	[tilespmem:s0], [sflag:$0x2] =	stream.indirect.gather [hbm4b:s4+s20], $0x20, s25, s20, $0xb8;
	[tilespmem:$0x1ED00] =	vst v63  }
0x4c: {  	_ = 	snop  }
0x4d: {  	[tilespmem:s6], [sflag:$0x2] =	stream.indirect.gather [hbm4b:s4+s20], $0x20, s1, s20, $0xb8;
	[tilespmem:$0x1ED00] =	vst v63  }
0x4e: {  	_ = 	snop  }
0x4f: {  	[tilespmem:s8], [sflag:$0x2] =	stream.indirect.gather [hbm4b:s4+s20], $0x20, s7, s20, $0xb8;
	[tilespmem:$0x1ED00] =	vst v63  }
0x50: {  	_ =	swait.ge [sflag:s9], $0x1000  }
0x51: {  	[sflag:s9] =	ssyncset.done $0x0  }
0x52: {  	[sflag:s9] =	ssyncadd.s32 $0xFFFFF000  }
0x53: {  	_ =	swait.ge [sflag:s9], $0x1000  }
0x54: {  	[sflag:s9] =	ssyncset.done $0x0  }
0x55: {  	[sflag:s9] =	ssyncadd.s32 $0xFFFFF000  }
0x56: {  	_ =	swait.ge [sflag:s9], $0x1000  }
0x57: {  	s15 =	sadd.s32 $0x0, s17;
	[sflag:s9] =	ssyncset.done $0x0  }
0x58: {  	s16 =	sadd.s32 $0x60, s15;
	[sflag:s9] =	ssyncadd.s32 $0xFFFFF000  }
0x59: {  	[tilespmem:s3], [sflag:$0x1] =	stream.linear.gather [hbm4b:s16+s3], $0x180, $0x38;
	[tilespmem:$0x1ED00] =	vst v63  }
0x5a: {  	s13 =	sadd.s32 $0x18700, s15  }
0x5b: {  	[tilespmem:s19], [sflag:$0x1] =	stream.linear.gather [hbm4b:s13+s3], $0x180, $0x38;
	[tilespmem:$0x1ED00] =	vst v63  }
0x5c: {  	_ =	swait.ge [sflag:s28], $0x1000  }
0x5d: {  	[sflag:s28] =	ssyncset.done $0x0  }
0x5e: {  	[sflag:s28] =	ssyncadd.s32 $0xFFFFF000  }
0x5f: {  	_ =	swait.ge [sflag:s28], $0x1000  }
0x60: {  	[sflag:s28] =	ssyncset.done $0x0  }
0x61: {  	[sflag:s28] =	ssyncadd.s32 $0xFFFFF000  }
0x62: {  	_ =	swait.ge [sflag:s28], $0x1000  }
0x63: {  	[sflag:s28] =	ssyncset.done $0x0  }
0x64: {  	[sflag:s28] =	ssyncadd.s32 $0xFFFFF000  }
0x65: {  	[spmem:s2] =	stream.indirect.scatter.add.f32 [tilespmem:s0], [sflag:$0x3], $0x20, s26, s20, $0xb8;
	[tilespmem:$0x1ED00] =	vst v63  }
0x66: {  	_ = 	snop  }
0x67: {  	[spmem:s2] =	stream.indirect.scatter.add.f32 [tilespmem:s6], [sflag:$0x3], $0x20, s10, s20, $0xb8;
	[tilespmem:$0x1ED00] =	vst v63  }
0x68: {  	_ = 	snop  }
0x69: {  	[spmem:s2] =	stream.indirect.scatter.add.f32 [tilespmem:s8], [sflag:$0x3], $0x20, s11, s20, $0xb8;
	[tilespmem:$0x1ED00] =	vst v63  }
0x6a: {  	_ =	swait.ge [sflag:s31], $0x180  }
0x6b: {  	[sflag:s31] =	ssyncset.done $0x0  }
0x6c: {  	[sflag:s31] =	ssyncadd.s32 $0xFFFFFE80  }
0x6d: {  	_ =	swait.ge [sflag:s31], $0x180  }
0x6e: {  	[sflag:s31] =	ssyncset.done $0x0  }
0x6f: {  	[sflag:s31] =	ssyncadd.s32 $0xFFFFFE80  }
0x70: {  	[tilespmem:s21], [sflag:$0x2] =	stream.indirect.gather [hbm4b:s4+s20], $0x20, s3, s20, $0xb8;
	[tilespmem:$0x1ED00] =	vst v63  }
0x71: {  	_ = 	snop  }
0x72: {  	[tilespmem:s22], [sflag:$0x2] =	stream.indirect.gather [hbm4b:s4+s20], $0x20, s20, s20, $0xb8;
	[tilespmem:$0x1ED00] =	vst v63  }
0x73: {  	_ = 	snop  }
0x74: {  	[tilespmem:s24], [sflag:$0x2] =	stream.indirect.gather [hbm4b:s4+s20], $0x20, s23, s20, $0xb8;
	[tilespmem:$0x1ED00] =	vst v63  }
0x75: {  	_ =	swait.ge [sflag:s9], $0x1000  }
0x76: {  	[sflag:s9] =	ssyncset.done $0x0  }
0x77: {  	[sflag:s9] =	ssyncadd.s32 $0xFFFFF000  }
0x78: {  	_ =	swait.ge [sflag:s9], $0x1000  }
0x79: {  	[sflag:s9] =	ssyncset.done $0x0  }
0x7a: {  	[sflag:s9] =	ssyncadd.s32 $0xFFFFF000  }
0x7b: {  	_ =	swait.ge [sflag:s9], $0x1000  }
0x7c: {  	[sflag:s9] =	ssyncset.done $0x0  }
0x7d: {  	s14 =	sadd.s32 $0x90, s15;
	[sflag:s9] =	ssyncadd.s32 $0xFFFFF000  }
0x7e: {  	[tilespmem:s25], [sflag:$0x1] =	stream.linear.gather [hbm4b:s14+s3], $0x180, $0x38;
	[tilespmem:$0x1ED00] =	vst v63  }
0x7f: {  	s15 =	sadd.s32 $0x18730, s15  }
0x80: {  	[tilespmem:s26], [sflag:$0x1] =	stream.linear.gather [hbm4b:s15+s3], $0x180, $0x38;
	[tilespmem:$0x1ED00] =	vst v63  }
0x81: {  	_ =	swait.ge [sflag:s28], $0x1000  }
0x82: {  	[sflag:s28] =	ssyncset.done $0x0  }
0x83: {  	[sflag:s28] =	ssyncadd.s32 $0xFFFFF000  }
0x84: {  	_ =	swait.ge [sflag:s28], $0x1000  }
0x85: {  	[sflag:s28] =	ssyncset.done $0x0  }
0x86: {  	[sflag:s28] =	ssyncadd.s32 $0xFFFFF000  }
0x87: {  	_ =	swait.ge [sflag:s28], $0x1000  }
0x88: {  	[sflag:s28] =	ssyncset.done $0x0  }
0x89: {  	[sflag:s28] =	ssyncadd.s32 $0xFFFFF000  }
0x8a: {  	[spmem:s2] =	stream.indirect.scatter.add.f32 [tilespmem:s21], [sflag:$0x3], $0x20, s19, s20, $0xb8;
	[tilespmem:$0x1ED00] =	vst v63  }
0x8b: {  	_ = 	snop  }
0x8c: {  	[spmem:s2] =	stream.indirect.scatter.add.f32 [tilespmem:s22], [sflag:$0x3], $0x20, s29, s20, $0xb8;
	[tilespmem:$0x1ED00] =	vst v63  }
0x8d: {  	_ = 	snop  }
0x8e: {  	[spmem:s2] =	stream.indirect.scatter.add.f32 [tilespmem:s24], [sflag:$0x3], $0x20, s30, s20, $0xb8;
	[tilespmem:$0x1ED00] =	vst v63  }
0x8f: {  	_ =	swait.ge [sflag:s31], $0x180  }
0x90: {  	[sflag:s31] =	ssyncset.done $0x0  }
0x91: {  	[sflag:s31] =	ssyncadd.s32 $0xFFFFFE80  }
0x92: {  	_ =	swait.ge [sflag:s31], $0x180  }
0x93: {  	[sflag:s31] =	ssyncset.done $0x0  }
0x94: {  	[sflag:s31] =	ssyncadd.s32 $0xFFFFFE80  }
0x95: {  	[tilespmem:s0], [sflag:$0x2] =	stream.indirect.gather [hbm4b:s4+s20], $0x20, s25, s20, $0xb8;
	[tilespmem:$0x1ED00] =	vst v63  }
0x96: {  	s15 =	simm.s32 $0x60  }
0x97: {  	[tilespmem:s6], [sflag:$0x2] =	stream.indirect.gather [hbm4b:s4+s20], $0x20, s1, s20, $0xb8;
	[tilespmem:$0x1ED00] =	vst v63  }
.LBB2_2:
0x98: {  	[tilespmem:s8], [sflag:$0x2] =	stream.indirect.gather [hbm4b:s4+s20], $0x20, s7, s20, $0xb8;
	[tilespmem:$0x1ED00] =	vst v63  }
0x99: {  	s16 =	smov.u32 s15  }
0x9a: {  	p1 =	sne.s32 s15, $0xB40;
	s15 =	sadd.s32 $0x60, s15;
	_ =	swait.ge [sflag:s9], $0x1000  }
0x9b: {  	[sflag:s9] =	ssyncset.done $0x0  }
0x9c: {  	[sflag:s9] =	ssyncadd.s32 $0xFFFFF000  }
0x9d: {  	_ =	swait.ge [sflag:s9], $0x1000  }
0x9e: {  	[sflag:s9] =	ssyncset.done $0x0  }
0x9f: {  	[sflag:s9] =	ssyncadd.s32 $0xFFFFF000  }
0xa0: {  	_ =	swait.ge [sflag:s9], $0x1000  }
0xa1: {  	s16 =	sadd.s32 s16, s17;
	[sflag:s9] =	ssyncset.done $0x0  }
0xa2: {  	s5 =	sadd.s32 $0x60, s16;
	[sflag:s9] =	ssyncadd.s32 $0xFFFFF000  }
0xa3: {  	[tilespmem:s3], [sflag:$0x1] =	stream.linear.gather [hbm4b:s5+s3], $0x180, $0x38;
	[tilespmem:$0x1ED00] =	vst v63  }
0xa4: {  	s5 =	sadd.s32 $0x18700, s16  }
0xa5: {  	[tilespmem:s19], [sflag:$0x1] =	stream.linear.gather [hbm4b:s5+s3], $0x180, $0x38;
	[tilespmem:$0x1ED00] =	vst v63  }
0xa6: {  	_ =	swait.ge [sflag:s28], $0x1000  }
0xa7: {  	[sflag:s28] =	ssyncset.done $0x0  }
0xa8: {  	[sflag:s28] =	ssyncadd.s32 $0xFFFFF000  }
0xa9: {  	_ =	swait.ge [sflag:s28], $0x1000  }
0xaa: {  	[sflag:s28] =	ssyncset.done $0x0  }
0xab: {  	[sflag:s28] =	ssyncadd.s32 $0xFFFFF000  }
0xac: {  	_ =	swait.ge [sflag:s28], $0x1000  }
0xad: {  	[sflag:s28] =	ssyncset.done $0x0  }
0xae: {  	[sflag:s28] =	ssyncadd.s32 $0xFFFFF000  }
0xaf: {  	[spmem:s2] =	stream.indirect.scatter.add.f32 [tilespmem:s0], [sflag:$0x3], $0x20, s26, s20, $0xb8;
	[tilespmem:$0x1ED00] =	vst v63  }
0xb0: {  	_ = 	snop  }
0xb1: {  	[spmem:s2] =	stream.indirect.scatter.add.f32 [tilespmem:s6], [sflag:$0x3], $0x20, s10, s20, $0xb8;
	[tilespmem:$0x1ED00] =	vst v63  }
0xb2: {  	_ = 	snop  }
0xb3: {  	[spmem:s2] =	stream.indirect.scatter.add.f32 [tilespmem:s8], [sflag:$0x3], $0x20, s11, s20, $0xb8;
	[tilespmem:$0x1ED00] =	vst v63  }
0xb4: {  	_ =	swait.ge [sflag:s31], $0x180  }
0xb5: {  	[sflag:s31] =	ssyncset.done $0x0  }
0xb6: {  	[sflag:s31] =	ssyncadd.s32 $0xFFFFFE80  }
0xb7: {  	_ =	swait.ge [sflag:s31], $0x180  }
0xb8: {  	[sflag:s31] =	ssyncset.done $0x0  }
0xb9: {  	[sflag:s31] =	ssyncadd.s32 $0xFFFFFE80  }
0xba: {  	[tilespmem:s21], [sflag:$0x2] =	stream.indirect.gather [hbm4b:s4+s20], $0x20, s3, s20, $0xb8;
	[tilespmem:$0x1ED00] =	vst v63  }
0xbb: {  	_ = 	snop  }
0xbc: {  	[tilespmem:s22], [sflag:$0x2] =	stream.indirect.gather [hbm4b:s4+s20], $0x20, s20, s20, $0xb8;
	[tilespmem:$0x1ED00] =	vst v63  }
0xbd: {  	_ = 	snop  }
0xbe: {  	[tilespmem:s24], [sflag:$0x2] =	stream.indirect.gather [hbm4b:s4+s20], $0x20, s23, s20, $0xb8;
	[tilespmem:$0x1ED00] =	vst v63  }
0xbf: {  	_ =	swait.ge [sflag:s9], $0x1000  }
0xc0: {  	[sflag:s9] =	ssyncset.done $0x0  }
0xc1: {  	[sflag:s9] =	ssyncadd.s32 $0xFFFFF000  }
0xc2: {  	_ =	swait.ge [sflag:s9], $0x1000  }
0xc3: {  	[sflag:s9] =	ssyncset.done $0x0  }
0xc4: {  	[sflag:s9] =	ssyncadd.s32 $0xFFFFF000  }
0xc5: {  	_ =	swait.ge [sflag:s9], $0x1000  }
0xc6: {  	[sflag:s9] =	ssyncset.done $0x0  }
0xc7: {  	s5 =	sadd.s32 $0x90, s16;
	[sflag:s9] =	ssyncadd.s32 $0xFFFFF000  }
0xc8: {  	[tilespmem:s25], [sflag:$0x1] =	stream.linear.gather [hbm4b:s5+s3], $0x180, $0x38;
	[tilespmem:$0x1ED00] =	vst v63  }
0xc9: {  	s5 =	sadd.s32 $0x18730, s16  }
0xca: {  	[tilespmem:s26], [sflag:$0x1] =	stream.linear.gather [hbm4b:s5+s3], $0x180, $0x38;
	[tilespmem:$0x1ED00] =	vst v63  }
0xcb: {  	_ =	swait.ge [sflag:s28], $0x1000  }
0xcc: {  	[sflag:s28] =	ssyncset.done $0x0  }
0xcd: {  	[sflag:s28] =	ssyncadd.s32 $0xFFFFF000  }
0xce: {  	_ =	swait.ge [sflag:s28], $0x1000  }
0xcf: {  	[sflag:s28] =	ssyncset.done $0x0  }
0xd0: {  	[sflag:s28] =	ssyncadd.s32 $0xFFFFF000  }
0xd1: {  	_ =	swait.ge [sflag:s28], $0x1000  }
0xd2: {  	[sflag:s28] =	ssyncset.done $0x0  }
0xd3: {  	[sflag:s28] =	ssyncadd.s32 $0xFFFFF000  }
0xd4: {  	[spmem:s2] =	stream.indirect.scatter.add.f32 [tilespmem:s21], [sflag:$0x3], $0x20, s19, s20, $0xb8;
	[tilespmem:$0x1ED00] =	vst v63  }
0xd5: {  	_ = 	snop  }
0xd6: {  	[spmem:s2] =	stream.indirect.scatter.add.f32 [tilespmem:s22], [sflag:$0x3], $0x20, s29, s20, $0xb8;
	[tilespmem:$0x1ED00] =	vst v63  }
0xd7: {  	_ = 	snop  }
0xd8: {  	[spmem:s2] =	stream.indirect.scatter.add.f32 [tilespmem:s24], [sflag:$0x3], $0x20, s30, s20, $0xb8;
	[tilespmem:$0x1ED00] =	vst v63  }
0xd9: {  	_ =	swait.ge [sflag:s31], $0x180  }
0xda: {  	[sflag:s31] =	ssyncset.done $0x0  }
0xdb: {  	[sflag:s31] =	ssyncadd.s32 $0xFFFFFE80  }
0xdc: {  	_ =	swait.ge [sflag:s31], $0x180  }
.Ltmp0:
0xdd: {  	[sflag:s31] =	ssyncset.done $0x0;
	(pc) =	sbr.rel @p1 .LBB2_2-.Ltmp0, $4  }
0xde: {  	[sflag:s31] =	ssyncadd.s32 $0xFFFFFE80  }
0xdf: {  	[tilespmem:s0], [sflag:$0x2] =	stream.indirect.gather [hbm4b:s4+s20], $0x20, s25, s20, $0xb8;
	[tilespmem:$0x1ED00] =	vst v63  }
0xe0: {  	_ = 	snop  }
0xe1: {  	[tilespmem:s6], [sflag:$0x2] =	stream.indirect.gather [hbm4b:s4+s20], $0x20, s1, s20, $0xb8;
	[tilespmem:$0x1ED00] =	vst v63  }
0xe2: {  	[tilespmem:s8], [sflag:$0x2] =	stream.indirect.gather [hbm4b:s4+s20], $0x20, s7, s20, $0xb8;
	[tilespmem:$0x1ED00] =	vst v63  }
0xe3: {  	_ =	swait.ge [sflag:s9], $0x1000  }
0xe4: {  	[sflag:s9] =	ssyncset.done $0x0  }
0xe5: {  	[sflag:s9] =	ssyncadd.s32 $0xFFFFF000  }
0xe6: {  	_ =	swait.ge [sflag:s9], $0x1000  }
0xe7: {  	[sflag:s9] =	ssyncset.done $0x0  }
0xe8: {  	[sflag:s9] =	ssyncadd.s32 $0xFFFFF000  }
0xe9: {  	_ =	swait.ge [sflag:s9], $0x1000  }
0xea: {  	[sflag:s9] =	ssyncset.done $0x0  }
0xeb: {  	s5 =	rddreg [dreg:$0x9];
	[sflag:s9] =	ssyncadd.s32 $0xFFFFF000  }
0xec: {  	[tilespmem:s3], [sflag:$0x1] =	stream.linear.gather [hbm4b:s5+s3], $0x180, $0x38;
	[tilespmem:$0x1ED00] =	vst v63  }
0xed: {  	s16 =	rddreg [dreg:$0xa]  }
0xee: {  	[tilespmem:s19], [sflag:$0x1] =	stream.linear.gather [hbm4b:s16+s3], $0x180, $0x38;
	[tilespmem:$0x1ED00] =	vst v63  }
0xef: {  	_ =	swait.ge [sflag:s28], $0x1000  }
0xf0: {  	[sflag:s28] =	ssyncset.done $0x0  }
0xf1: {  	[sflag:s28] =	ssyncadd.s32 $0xFFFFF000  }
0xf2: {  	_ =	swait.ge [sflag:s28], $0x1000  }
0xf3: {  	[sflag:s28] =	ssyncset.done $0x0  }
0xf4: {  	[sflag:s28] =	ssyncadd.s32 $0xFFFFF000  }
0xf5: {  	_ =	swait.ge [sflag:s28], $0x1000  }
0xf6: {  	[sflag:s28] =	ssyncset.done $0x0  }
0xf7: {  	[sflag:s28] =	ssyncadd.s32 $0xFFFFF000  }
0xf8: {  	[spmem:s2] =	stream.indirect.scatter.add.f32 [tilespmem:s0], [sflag:$0x3], $0x20, s26, s20, $0xb8;
	[tilespmem:$0x1ED00] =	vst v63  }
0xf9: {  	_ = 	snop  }
0xfa: {  	[spmem:s2] =	stream.indirect.scatter.add.f32 [tilespmem:s6], [sflag:$0x3], $0x20, s10, s20, $0xb8;
	[tilespmem:$0x1ED00] =	vst v63  }
0xfb: {  	_ = 	snop  }
0xfc: {  	[spmem:s2] =	stream.indirect.scatter.add.f32 [tilespmem:s8], [sflag:$0x3], $0x20, s11, s20, $0xb8;
	[tilespmem:$0x1ED00] =	vst v63  }
0xfd: {  	_ =	swait.ge [sflag:s31], $0x180  }
0xfe: {  	[sflag:s31] =	ssyncset.done $0x0  }
0xff: {  	[sflag:s31] =	ssyncadd.s32 $0xFFFFFE80  }
0x100: {  	_ =	swait.ge [sflag:s31], $0x180  }
0x101: {  	[sflag:s31] =	ssyncset.done $0x0  }
0x102: {  	[sflag:s31] =	ssyncadd.s32 $0xFFFFFE80  }
0x103: {  	[tilespmem:s21], [sflag:$0x2] =	stream.indirect.gather [hbm4b:s4+s20], $0x20, s3, s20, $0xb8;
	[tilespmem:$0x1ED00] =	vst v63  }
0x104: {  	_ = 	snop  }
0x105: {  	[tilespmem:s22], [sflag:$0x2] =	stream.indirect.gather [hbm4b:s4+s20], $0x20, s20, s20, $0xb8;
	[tilespmem:$0x1ED00] =	vst v63  }
0x106: {  	_ = 	snop  }
0x107: {  	[tilespmem:s24], [sflag:$0x2] =	stream.indirect.gather [hbm4b:s4+s20], $0x20, s23, s20, $0xb8;
	[tilespmem:$0x1ED00] =	vst v63  }
0x108: {  	_ =	swait.ge [sflag:s9], $0x1000  }
0x109: {  	[sflag:s9] =	ssyncset.done $0x0  }
0x10a: {  	[sflag:s9] =	ssyncadd.s32 $0xFFFFF000  }
0x10b: {  	_ =	swait.ge [sflag:s9], $0x1000  }
0x10c: {  	[sflag:s9] =	ssyncset.done $0x0  }
0x10d: {  	[sflag:s9] =	ssyncadd.s32 $0xFFFFF000  }
0x10e: {  	_ =	swait.ge [sflag:s9], $0x1000  }
0x10f: {  	[sflag:s9] =	ssyncset.done $0x0  }
0x110: {  	[sflag:s9] =	ssyncadd.s32 $0xFFFFF000  }
0x111: {  	_ =	swait.ge [sflag:s28], $0x1000  }
0x112: {  	[sflag:s28] =	ssyncset.done $0x0  }
0x113: {  	[sflag:s28] =	ssyncadd.s32 $0xFFFFF000  }
0x114: {  	_ =	swait.ge [sflag:s28], $0x1000  }
0x115: {  	[sflag:s28] =	ssyncset.done $0x0  }
0x116: {  	[sflag:s28] =	ssyncadd.s32 $0xFFFFF000  }
0x117: {  	_ =	swait.ge [sflag:s28], $0x1000  }
0x118: {  	[sflag:s28] =	ssyncset.done $0x0  }
0x119: {  	[sflag:s28] =	ssyncadd.s32 $0xFFFFF000  }
0x11a: {  	[spmem:s2] =	stream.indirect.scatter.add.f32 [tilespmem:s21], [sflag:$0x3], $0x20, s19, s20, $0xb8;
	[tilespmem:$0x1ED00] =	vst v63  }
0x11b: {  	_ = 	snop  }
0x11c: {  	[spmem:s2] =	stream.indirect.scatter.add.f32 [tilespmem:s22], [sflag:$0x3], $0x20, s29, s20, $0xb8;
	[tilespmem:$0x1ED00] =	vst v63  }
0x11d: {  	_ = 	snop  }
0x11e: {  	[spmem:s2] =	stream.indirect.scatter.add.f32 [tilespmem:s24], [sflag:$0x3], $0x20, s30, s20, $0xb8;
	[tilespmem:$0x1ED00] =	vst v63  }
0x11f: {  	_ =	swait.ge [sflag:s9], $0x1000  }
0x120: {  	[sflag:s9] =	ssyncset.done $0x0  }
0x121: {  	[sflag:s9] =	ssyncadd.s32 $0xFFFFF000  }
0x122: {  	_ =	swait.ge [sflag:s9], $0x1000  }
0x123: {  	[sflag:s9] =	ssyncset.done $0x0  }
0x124: {  	[sflag:s9] =	ssyncadd.s32 $0xFFFFF000  }
0x125: {  	_ =	swait.ge [sflag:s9], $0x1000  }
0x126: {  	s15 =	simm.s32 @!p0 $0x4;
	[sflag:s9] =	ssyncset.done $0x0  }
0x127: {  	s5 =	simm.s32 @!p0 $0x0;
	s13 =	rddreg [dreg:$0xb];
	[sflag:s9] =	ssyncadd.s32 $0xFFFFF000  }
0x128: {  	[tilespmem:s5], [sflag:$0x4] =	stream.linear.gather @!p0 [hbm4b:s13+s5], $0x80, $0x38;
	[tilespmem:$0x1ED00] =	vst v63  }
0x129: {  	_ =	swait.ge @!p0 [sflag:s15], $0x80  }
0x12a: {  	[sflag:s15] =	ssyncset.done @!p0 $0x0  }
0x12b: {  	s16 =	simm.s32 @!p0 $0x300;
	s13 =	rddreg [dreg:$0xc];
	[sflag:s15] =	ssyncadd.s32 @!p0 $0xFFFFFF80  }
0x12c: {  	[tilespmem:s16], [sflag:$0x4] =	stream.linear.gather @!p0 [hbm4b:s13+s5], $0x80, $0x38;
	[tilespmem:$0x1ED00] =	vst v63  }
0x12d: {  	_ =	swait.ge @!p0 [sflag:s15], $0x80  }
0x12e: {  	[sflag:s15] =	ssyncset.done @!p0 $0x0  }
0x12f: {  	s14 =	simm.s32 @!p0 $0x600;
	s13 =	simm.s32 @!p0 $0x80;
	[sflag:s15] =	ssyncadd.s32 @!p0 $0xFFFFFF80  }
0x130: {  	[tilespmem:s14], [sflag:$0x2] =	stream.indirect.gather @!p0 [hbm4b:s4+s13], $0x20, s5, s13, $0xb8;
	[tilespmem:$0x1ED00] =	vst v63  }
0x131: {  	s5 =	simm.s32 @!p0 $0x2  }
0x132: {  	_ =	swait.ge @!p0 [sflag:s5], $0x1000  }
0x133: {  	[sflag:s5] =	ssyncset.done @!p0 $0x0  }
0x134: {  	[sflag:s5] =	ssyncadd.s32 @!p0 $0xFFFFF000  }
0x135: {  	[spmem:s2] =	stream.indirect.scatter.add.f32 @!p0 [tilespmem:s14], [sflag:$0x4], $0x20, s16, s13, $0xb8;
	[tilespmem:$0x1ED00] =	vst v63  }
0x136: {  	_ =	swait.ge @!p0 [sflag:s15], $0x1000  }
0x137: {  	[sflag:s15] =	ssyncset.done @!p0 $0x0  }
0x138: {  	[sflag:s15] =	ssyncadd.s32 @!p0 $0xFFFFF000  }
0x139: {  	[bflag:$0x0] =	sbarrier.arrive $0xFFFF  }
0x13a: {  	s13 =	rddreg [dreg:$0xd]  }
0x13b: {  	s14 =	rddreg [dreg:$0xf]  }
0x13c: {  	s15 =	rddreg [dreg:$0x10]  }
0x13d: {  	[hbm:s13], [sflag:s14] =	dma.local [spmem:s15], $0x30E0  }
0x13e: {  	_ =	swait.ge [sflag:s18], $0x30E0  }
0x13f: {  	s12 =	sadd.s32 $0x1, s12;
	s16 =	rddreg [dreg:$0xe]  }
0x140: {  	p1 =	sne.s32 s12, s16  }
.Ltmp1:
0x141: {  	_ = 	snop;
	(pc) =	sbr.rel @p1 .LBB2_1-.Ltmp1, $3  }
0x142: {  	_ =	sdelay $0x1  }
0x143: {  	[sflag:s18] =	ssyncset.done $0x0  }
0x144: {  	[sflag:s18] =	ssyncadd.s32 $0xFFFFCF20  }
0x145: {  	_ =	sfence.sel $0x180000  }
0x146: {  	[bflag:$0x0] =	sbarrier.arrive $0xFFFF  }
0x147: {  	_ =	strace $0x9000004D  }
0x148: {  	s0 =	stileid.u32;
	[bflag:$0x2] =	sbarrier.arrive $0xFFFF  }
0x149: {  	p0 =	sne.s32 s0, $0x0;
	s0 =	rddreg [dreg:$0x2]  }
0x14a: {  	s0 =	sadd.s32 @!p0 $0x100000, s0  }
0x14b: {  	[sflag:s0] =	ssyncadd.tile.s32 @!p0 $0x1;
	_ =	shalt  }
.Lfunc_end2:
_tile_overlayer_lowered:
.L_overlay_start_2:
0x14c: {  	(tag) =	ssettag $0x2  }
0x14d: {  	s0 =	rddreg [dreg:$0x0];
	s2 =	stileid.u32  }
0x14e: {  	s1 =	rddreg [dreg:$0x1];
	p0 =	sne.s32 s2, $0x0  }
0x14f: {  	s3 =	rddreg [dreg:$0x2];
	[bflag:$0x3] =	sbarrier.arrive $0xFFFF;
	s2 =	simm.s32 @!p0 $0x1C04  }
0x150: {  	[timem:s3], [sflag:s2] =	dma.local @!p0 [hbm:s0], s1  }
0x151: {  	s0 =	simm.s32 @!p0 $0x4  }
0x152: {  	_ =	swait.ge @!p0 [sflag:s0], s1  }
0x153: {  	s1 =	ssub.s32 @!p0 $0x0, s1;
	[sflag:s0] =	ssyncset.done @!p0 $0x0  }
0x154: {  	[sflag:s0] =	ssyncadd.s32 @!p0 s1  }
0x155: {  	[bflag:$0x3] =	sbarrier.arrive $0xFFFF  }
0x156: {  	_ =	shalt  }

// kernel: kernel.6.cloned.1.call-start
scs
__scs_entry_jumppad:
0x0: {  	(pc) =	sbr.rel $0x88, $3  }
0x1: {  	(tag) =	ssettag $0x0;
	lr =	simm.s32 $0x1  }
0x2: {  	[smem:$0x3F99] =	sst lr;
	_ =	strace $0xD0000000  }
0x3: {  	_ = 	snop  }
0x4: {  	_ = 	snop  }
0x5: {  	_ = 	snop  }
0x6: {  	_ = 	snop  }
0x7: {  	_ = 	snop  }
__scs_overlays_trampoline_lowered:
0x8: {  	[smem:$0x3FA8] =	sst s0  }
0x9: {  	[smem:$0x3FA9] =	sst s1  }
0xa: {  	[smem:$0x3FAA] =	sst s2  }
0xb: {  	[smem:$0x3FAB] =	sst s3  }
0xc: {  	[smem:$0x3FAC] =	sst s4  }
0xd: {  	[smem:$0x3FAD] =	sst s5  }
0xe: {  	[smem:$0x3FAE] =	sst s6  }
0xf: {  	[smem:$0x3FAF] =	sst s7  }
0x10: {  	[smem:$0x3FB0] =	sst s8  }
0x11: {  	[smem:$0x3FB1] =	sst s9;
	s0 =	simm.s32 @!p0 $0x0  }
0x12: {  	s1 =	sld [smem:$0x3F97];
	s0 =	simm.s32 @p0 $0x1  }
0x13: {  	[smem:$0x3FB2] =	sst s0;
	s0 =	simm.s32 @!p1 $0x0  }
0x14: {  	s2 =	sld [smem:$0x3F96];
	s0 =	simm.s32 @p1 $0x1  }
0x15: {  	[smem:$0x3FB3] =	sst s0;
	s0 =	simm.s32 @!p2 $0x0  }
0x16: {  	s3 =	sld [smem:$0x3FDB];
	s0 =	simm.s32 @p2 $0x1  }
0x17: {  	s4 =	simm.s32 $0x1BF5;
	[smem:$0x3FB5] =	sst s0  }
0x18: {  	s0 =	sld [smem:$0x3F98];
	_ =	swait.ge [sflag:s4], $0x0  }
0x19: {  	s7 =	sld [smem:$0x3F99]  }
0x1a: {  	s8 =	sadd.s32 $0xFFFFE003, lr  }
0x1b: {  	s9 =	sadd.s32 $0xFFFFFEF7, lr;
	s5 =	simm.s32 $0xFFFFFFFF;
	p2 =	slt.u32 s8, $0xFFFFF086  }
0x1c: {  	p1 =	slt.u32 s9, $0xF7A;
	s5 =	simm.s32 @!p2 $0x0  }
0x1d: {  	s5 =	simm.s32 @p1 $0x1;
	p0 =	seq.s32 s7, s2  }
0x1e: {  	s7 =	smul.u32 @!p0 $0xF7A, s2;
	p2 =	seq.s32 @!p0 s5, $0x0  }
0x1f: {  	s9 =	smul.u32 $0xF7A, s1;
	s8 =	simm.s32 @!p0 $0x1BF5;
	p2 =	por !p2, p0  }
0x20: {  	[sflag:s8] =	ssyncset.s32 @!p0 $0xFFFFF086;
	s6 =	sadd.s32 @!p0 s3, s7;
	s7 =	simm.s32 @!p0 $0x108  }
0x21: {  	s3 =	sadd.s32 s3, s9;
	s6 =	sadd.s32 @!p0 $0x88, s6;
	s7 =	simm.s32 @p2 $0x1082  }
0x22: {  	[simem:s7], [sflag:s8] =	dma.local @!p0 [hbm:s6], $0xF7A  }
0x23: {  	s9 =	sor.u32 $0xD0000000, s2;
	s6 =	simm.s32 $0x108;
	_ =	swait.ge @!p0 [sflag:s8], $0x0  }
0x24: {  	s3 =	sadd.s32 $0x88, s3;
	s6 =	simm.s32 @!p1 $0x1082;
	[sflag:s4] =	ssyncset.s32 $0xFFFFF086  }
0x25: {  	[simem:s6], [sflag:s4] =	dma.local [hbm:s3], $0xF7A  }
0x26: {  	[smem:$0x3F99] =	sst s1;
	(tag) =	ssettag s2;
	_ =	strace s9  }
0x27: {  	s1 =	sld [smem:$0x3FA9]  }
0x28: {  	s2 =	sld [smem:$0x3FAA]  }
0x29: {  	s4 =	sld [smem:$0x3FAC]  }
0x2a: {  	p0 =	seq.s32 s5, $0x0;
	s5 =	sld [smem:$0x3FAD]  }
0x2b: {  	s6 =	sld [smem:$0x3FAE]  }
0x2c: {  	s7 =	sld [smem:$0x3FAF]  }
0x2d: {  	s3 =	simm.s32 $0x108;
	s8 =	sld [smem:$0x3FB0]  }
0x2e: {  	s3 =	simm.s32 @!p0 $0x1082;
	s9 =	sld [smem:$0x3FB1]  }
0x2f: {  	lr =	sadd.s32 s0, s3;
	s0 =	sld [smem:$0x3FA8]  }
0x30: {  	s3 =	sld [smem:$0x3FAB]  }
0x31: {  	[smem:$0x3FB4] =	sst s10  }
0x32: {  	s10 =	sld [smem:$0x3FB2];
	_ =	sdelay $0x3  }
0x33: {  	p0 =	seq.s32 s10, $0x1;
	s10 =	sld [smem:$0x3FB4];
	_ =	sdelay $0x3  }
0x34: {  	[smem:$0x3FB4] =	sst s10  }
0x35: {  	s10 =	sld [smem:$0x3FB3];
	_ =	sdelay $0x3  }
0x36: {  	p1 =	seq.s32 s10, $0x1;
	s10 =	sld [smem:$0x3FB4];
	_ =	sdelay $0x3  }
0x37: {  	[smem:$0x3FB4] =	sst s10  }
0x38: {  	s10 =	sld [smem:$0x3FB5]  }
0x39: {  	_ = 	snop;
	(pc) =	sbr.ind lr, $3  }
0x3a: {  	_ = 	snop  }
0x3b: {  	_ = 	snop  }
0x3c: {  	p2 =	seq.s32 s10, $0x1;
	s10 =	sld [smem:$0x3FB4]  }
0x3d: {  	_ =	shalt  }
0x3e: {  	_ =	shalt  }
0x3f: {  	_ =	shalt  }
0x40: {  	_ =	shalt  }
0x41: {  	_ =	shalt  }
0x42: {  	_ =	shalt  }
0x43: {  	_ =	shalt  }
0x44: {  	_ =	shalt  }
0x45: {  	_ =	shalt  }
0x46: {  	_ =	shalt  }
0x47: {  	_ =	shalt  }
0x48: {  	_ =	shalt  }
0x49: {  	_ =	shalt  }
0x4a: {  	_ =	shalt  }
0x4b: {  	_ =	shalt  }
0x4c: {  	_ =	shalt  }
0x4d: {  	_ =	shalt  }
0x4e: {  	_ =	shalt  }
0x4f: {  	_ =	shalt  }
0x50: {  	_ =	shalt  }
0x51: {  	_ =	shalt  }
0x52: {  	_ =	shalt  }
0x53: {  	_ =	shalt  }
0x54: {  	_ =	shalt  }
0x55: {  	_ =	shalt  }
0x56: {  	_ =	shalt  }
0x57: {  	_ =	shalt  }
0x58: {  	_ =	shalt  }
0x59: {  	_ =	shalt  }
0x5a: {  	_ =	shalt  }
0x5b: {  	_ =	shalt  }
0x5c: {  	_ =	shalt  }
0x5d: {  	_ =	shalt  }
0x5e: {  	_ =	shalt  }
0x5f: {  	_ =	shalt  }
0x60: {  	_ =	shalt  }
0x61: {  	_ =	shalt  }
0x62: {  	_ =	shalt  }
0x63: {  	_ =	shalt  }
0x64: {  	_ =	shalt  }
0x65: {  	_ =	shalt  }
0x66: {  	_ =	shalt  }
0x67: {  	_ =	shalt  }
0x68: {  	_ =	shalt  }
0x69: {  	_ =	shalt  }
0x6a: {  	_ =	shalt  }
0x6b: {  	_ =	shalt  }
0x6c: {  	_ =	shalt  }
0x6d: {  	_ =	shalt  }
0x6e: {  	_ =	shalt  }
0x6f: {  	_ =	shalt  }
0x70: {  	_ =	shalt  }
0x71: {  	_ =	shalt  }
0x72: {  	_ =	shalt  }
0x73: {  	_ =	shalt  }
0x74: {  	_ =	shalt  }
0x75: {  	_ =	shalt  }
0x76: {  	_ =	shalt  }
0x77: {  	_ =	shalt  }
0x78: {  	_ =	shalt  }
0x79: {  	_ =	shalt  }
0x7a: {  	_ =	shalt  }
0x7b: {  	_ =	shalt  }
0x7c: {  	_ =	shalt  }
0x7d: {  	_ =	shalt  }
0x7e: {  	_ =	shalt  }
0x7f: {  	_ =	shalt  }
0x80: {  	_ =	shalt  }
0x81: {  	_ =	shalt  }
0x82: {  	_ =	shalt  }
0x83: {  	_ =	shalt  }
0x84: {  	_ =	shalt  }
0x85: {  	_ =	shalt  }
0x86: {  	_ =	shalt  }
0x87: {  	_ =	shalt  }
.Lfunc_end0:
.L_simem_size_0:
called_computation.1_lowered:
.L_overlay_start_0:
0x88: {  	s2 =	sld [smem:$0x3FD9]  }
0x89: {  	s3 =	sld [smem:$0x3FFE];
	_ =	sdelay $0x1  }
0x8a: {  	s1 =	srdreg.scid  }
0x8b: {  	s0 =	sand.u32 $0x1, s1  }
0x8c: {  	s17 =	sshll.u32 s0, $0xA;
	s2 =	sadd.s32 s3, s2  }
0x8d: {  	s2 =	sadd.s32 s2, s17  }
0x8e: {  	[smem:$0x3FC0] =	sst s2  }
0x8f: {  	_ = 	snop  }
0x90: {  	s2 =	sld [smem:$0x3FD0];
	(tm) =	ssettm $0x1  }
0x91: {  	s18 =	sld [smem:$0x3FFB];
	_ =	sdelay $0x3  }
0x92: {  	_ =	strace s18  }
0x93: {  	s3 =	sld [smem:$0x3FFC];
	_ =	sdelay $0x3  }
0x94: {  	_ =	strace s3  }
0x95: {  	s3 =	sld [smem:$0x3FFD];
	_ =	sdelay $0x3  }
0x96: {  	_ =	strace s3  }
0x97: {  	_ =	strace $0x8FFFFFFF  }
0x98: {  	s19 =	sld [smem:$0x3FDB];
	_ =	sdelay $0x1  }
0x99: {  	s4 =	simm.s32 $_scs_section_size  }
0x9a: {  	s5 =	simm.s32 $_size__tile_overlayer_lowered;
	s6 =	simm.s32 $_tile_overlayer_lowered  }
0x9b: {  	s22 =	simm.s32 $0x1BFF;
	s21 =	sshll.u32 s6, $0x1;
	s3 =	sadd.s32 s4, s19  }
0x9c: {  	s7 =	simm.s32 $0x0;
	s20 =	sshll.u32 s5, $0x1;
	s5 =	sadd.s32 s21, s3  }
0x9d: {  	[timem:s7], [sflag:s22] =	dma.local [hbm:s5], s20  }
0x9e: {  	_ =	swait.ge [sflag:s22], s20  }
0x9f: {  	s4 =	ssub.s32 $0x0, s20;
	[sflag:s22] =	ssyncset.done $0x0  }
0xa0: {  	[sflag:s22] =	ssyncadd.s32 s4;
	_ =	sdelay $0x1  }
0xa1: {  	s23 =	simm.s32 $0x1B8B  }
0xa2: {  	_ =	swait.ge [sflag:s23], $0x1  }
0xa3: {  	[sflag:s23] =	ssyncset.done $0x0  }
0xa4: {  	s25 =	simm.s32 $0x1B8E;
	s24 =	sld [smem:$0x3FFE];
	[sflag:s23] =	ssyncadd.s32 $0xFFFFFFFF  }
0xa5: {  	s26 =	simm.s32 $execute0_lowered;
	[smem:$0x3FD2] =	sst s25  }
0xa6: {  	s5 =	sshll.u32 s26, $0x1;
	_ =	strace $0x80000046;
	[dreg:$0x1] =	wrdreg $0xFFFFFFFF  }
0xa7: {  	s28 =	simm.s32 $_size_execute0_lowered;
	s3 =	sadd.s32 s3, s5;
	[dreg:$0x0] =	wrdreg $0x0  }
0xa8: {  	s5 =	sshll.u32 s28, $0x1;
	[dreg:$0x2] =	wrdreg s3  }
0xa9: {  	[dreg:$0x3] =	wrdreg s5  }
0xaa: {  	[dreg:$0x4] =	wrdreg $0xC0  }
0xab: {  	_ =	task [dreg:s7], $0x5FFFF  }
0xac: {  	[dreg:$0x1] =	wrdreg $0xFFFFFFFF  }
0xad: {  	[dreg:$0x0] =	wrdreg $0x60  }
0xae: {  	[dreg:$0x2] =	wrdreg s24  }
0xaf: {  	[dreg:$0x3] =	wrdreg s2  }
0xb0: {  	[dreg:$0x4] =	wrdreg $0x15800  }
0xb1: {  	[dreg:$0x5] =	wrdreg $0x9  }
0xb2: {  	_ =	task.clear_ibuf [dreg:s7], $0x6FFFF;
	_ =	strace $0x90000046  }
0xb3: {  	s29 =	simm.s32 $0x9;
	_ =	strace $0x80000048  }
0xb4: {  	_ =	swait.ge [sflag:s29], $0x1  }
0xb5: {  	[sflag:s29] =	ssyncadd.s32 $0xFFFFFFFF  }
0xb6: {  	_ =	strace $0x90000048  }
0xb7: {  	_ =	sfence  }
0xb8: {  	s30 =	sld [smem:$0x0];
	_ =	sdelay $0x2  }
0xb9: {  	s31 =	sshll.u32 s1, $0xD;
	s1 =	sshrl.u32 s1, $0x2  }
0xba: {  	s3 =	sand.u32 $0x4000, s31;
	s1 =	sadd.s32 s1, s30  }
0xbb: {  	s0 =	sor.u32 s3, s0;
	s1 =	sshll.u32 s1, $0x11  }
0xbc: {  	s0 =	sor.u32 s1, s0  }
0xbd: {  	s0 =	sadd.s32 $0x8F2B, s0  }
0xbe: {  	[sflag:s0] =	ssyncadd.remote.s32 $0x1  }
0xbf: {  	_ =	sfence.sel $0xFFFF  }
0xc0: {  	[dreg:$0x0] =	wrdreg $0xFFFFFFFF;
	(pc) =	sbr.abs _section_cstart, $3  }
0xc1: {  	[dreg:$0x1] =	wrdreg $0xFFFFFFFF  }
0xc2: {  	_ =	task.clear_ibuf [dreg:s7], $0x2FFFF;
	_ =	strace $0x9FFFFFFF  }
0xc3: {  	(tm) =	ssettm $0x7FFFFFFF  }
tec
execute0_lowered:
.L_overlay_start_1:
0x0: {  	(tag) =	ssettag $0x1  }
0x1: {  	s5 =	rddreg [dreg:$0x0]  }
0x2: {  	s6 =	rddreg [dreg:$0x1]  }
0x3: {  	s2 =	rddreg [dreg:$0x2]  }
0x4: {  	s0 =	rddreg [dreg:$0x3];
	s3 =	simm.s32 $0x0;
	s4 =	srdreg.scid  }
0x5: {  	s1 =	stileid.u32;
	s17 =	simm.s32 $0x300;
	s18 =	simm.s32 $0x1  }
0x6: {  	s19 =	simm.s32 $0x2;
	s20 =	simm.s32 $0x3;
	s21 =	simm.s32 $0x0  }
0x7: {  	s7 =	sand.u32 $0x1, s4;
	s8 =	smul.u32 $0x61C0, s1;
	s22 =	sshll.u32 s1, $0x1  }
0x8: {  	[smem:$0x7FF] =	sst s3;
	s12 =	sadd.s32 $0x4400, s5;
	s14 =	smul.u32 $0x186, s1  }
0x9: {  	s31 =	sshll.u32 s1, $0x6;
	p0 =	sgt.u32 s1, $0x4;
	s9 =	smul.u32 $0x61C00, s7  }
0xa: {  	s4 =	sor.u32 s7, s22;
	_ =	strace $0x80000047;
	s26 =	smul.u32 $0xC3, s7  }
0xb: {  	s23 =	ssub.s32 $0x2, s7;
	s10 =	smul.u32 $0xC3, s4;
	s11 =	smin.u32 s4, $0xA  }
0xc: {  	s4 =	sadd.s32 $0x35200, s5;
	s25 =	sshrl.u32 s23, $0x1;
	s16 =	sadd.s32 s8, s2  }
0xd: {  	s28 =	sshrl.u32 s8, $0x3;
	s9 =	sadd.s32 s8, s9;
	s15 =	ssub.s32 s23, s25  }
0xe: {  	s29 =	sadd.s32 s14, s11;
	s6 =	sadd.s32 s6, s28;
	s14 =	sor.u32 $0x1C03, s31  }
0xf: {  	s9 =	sshrl.u32 s9, $0x3;
	s10 =	sadd.s32 s11, s10;
	s11 =	smax.u32 s15, $0x1  }
0x10: {  	s15 =	sshrl.u32 s16, $0x3;
	s16 =	simm.s32 $0x180;
	s24 =	sshll.u32 s10, $0x4  }
0x11: {  	s13 =	sadd.s32 s9, s5;
	s10 =	sadd.s32 s26, s29;
	s9 =	sadd.s32 s12, s24  }
0x12: {  	s30 =	sshll.u32 s10, $0x4;
	s10 =	sadd.s32 $0x35400, s13;
	s13 =	simm.s32 $0x980  }
0x13: {  	s5 =	sadd.s32 $0x186A0, s9;
	s7 =	sadd.s32 $0x186D0, s9;
	s12 =	sadd.s32 s30, s12  }
0x14: {  	s8 =	sadd.s32 $0x18700, s9;
	s9 =	sadd.s32 $0x192D0, s9;
	s12 =	sadd.s32 $0x18730, s12  }
.LBB2_1:
0x15: {  	[tilespmem:s13], [sflag:$0x3] =	stream.linear.gather [hbm4b:s4+s3], $0xC00, $0x38;
	[tilespmem:$0x7740] =	vst v63  }
0x16: {  	_ =	swait.ge [sflag:s20], $0xC00  }
0x17: {  	[sflag:s20] =	ssyncset.done $0x0  }
0x18: {  	[sflag:s20] =	ssyncadd.s32 $0xFFFFF400  }
0x19: {  	[tilespmem:s3], [sflag:$0x1] =	stream.linear.gather [hbm4b:s5+s3], $0x180, $0x38;
	[tilespmem:$0x7740] =	vst v63  }
0x1a: {  	[spmem:s15], [sflag:s14] =	dma.local [hbm:s6], $0xC38  }
0x1b: {  	_ =	swait.ge [sflag:s20], $0xC38  }
0x1c: {  	[sflag:s20] =	ssyncset.done $0x0  }
0x1d: {  	[sflag:s20] =	ssyncadd.s32 $0xFFFFF3C8  }
0x1e: {  	[bflag:$0x0] =	sbarrier.arrive $0xFFFF  }
0x1f: {  	[tilespmem:s16], [sflag:$0x1] =	stream.linear.gather [hbm4b:s7+s3], $0x180, $0x38;
	[tilespmem:$0x7740] =	vst v63  }
0x20: {  	s22 =	smov.u32 s12;
	s23 =	simm.s32 $0x3  }
0x21: {  	[tilespmem:s17], [sflag:$0x1] =	stream.linear.gather [hbm4b:s8+s3], $0x180, $0x38;
	[tilespmem:$0x7740] =	vst v63  }
.LBB2_2:
0x22: {  	s24 =	sadd.s32 $0xFFFFFFFD, s23  }
0x23: {  	s25 =	smul.u32 $0xAB, s24  }
0x24: {  	p1 =	sgt.u32 s24, $0x3D  }
0x25: {  	s26 =	smul.u32 @!p1 $0xAB, s23;
	s25 =	sshrl.u32 s25, $0xA  }
0x26: {  	s25 =	sand.u32 $0x3F, s25  }
0x27: {  	s26 =	sshrl.u32 @!p1 s26, $0xA;
	s25 =	smul.u32 $0x6, s25  }
0x28: {  	s26 =	sand.u32 @!p1 $0x3F, s26  }
0x29: {  	s26 =	smul.u32 @!p1 $0x6, s26;
	s25 =	ssub.s32 s24, s25  }
0x2a: {  	s25 =	sand.u32 $0xFF, s25  }
0x2b: {  	_ =	swait.ge [sflag:s18], $0x180;
	s26 =	ssub.s32 @!p1 s23, s26;
	s25 =	smul.u32 $0x600, s25  }
0x2c: {  	[sflag:s18] =	ssyncset.done $0x0;
	s26 =	sand.u32 @!p1 $0xFF, s26  }
0x2d: {  	[sflag:s18] =	ssyncadd.s32 $0xFFFFFE80;
	s26 =	smul.u32 @!p1 $0x600, s26;
	s25 =	sshrl.u32 s25, $0x2  }
0x2e: {  	[spmem:s2] =	stream.indirect.scatter.add.f32 [tilespmem:s13], [sflag:$0x2], $0x8, s25, s16, $0xb8;
	[tilespmem:$0x7740] =	vst v63  }
0x2f: {  	p2 =	slt.u32 @!p1 s24, $0x3;
	s25 =	sshrl.u32 @!p1 s26, $0x2;
	s26 =	simm.s32 @!p1 $0x0  }
0x30: {  	[tilespmem:s25], [sflag:$0x1] =	stream.linear.gather @!p1 [hbm4b:s22+s26], $0x180, $0x38;
	[tilespmem:$0x7740] =	vst v63  }
0x31: {  	p1 =	por p1, !p2  }
0x32: {  	_ =	swait.ge @p1 [sflag:s19], $0xC00  }
0x33: {  	s23 =	sadd.s32 $0x1, s23;
	[sflag:s19] =	ssyncset.done @p1 $0x0  }
0x34: {  	[sflag:s19] =	ssyncadd.s32 @p1 $0xFFFFF400;
	p1 =	sne.s32 s23, $0x44  }
.Ltmp0:
0x35: {  	_ = 	snop;
	(pc) =	sbr.rel @p1 .LBB2_2-.Ltmp0, $2  }
0x36: {  	_ =	sdelay $0x2  }
0x37: {  	s22 =	sadd.s32 $0x30, s22  }
0x38: {  	_ =	swait.ge [sflag:s19], $0xC00  }
0x39: {  	[sflag:s19] =	ssyncset.done $0x0  }
0x3a: {  	[sflag:s19] =	ssyncadd.s32 $0xFFFFF400  }
0x3b: {  	_ =	swait.ge [sflag:s19], $0xC00  }
0x3c: {  	[sflag:s19] =	ssyncset.done $0x0  }
0x3d: {  	[sflag:s19] =	ssyncadd.s32 $0xFFFFF400  }
0x3e: {  	_ =	swait.ge [sflag:s19], $0xC00  }
0x3f: {  	[sflag:s19] =	ssyncset.done $0x0  }
0x40: {  	s22 =	simm.s32 @!p0 $0x0;
	s23 =	simm.s32 @!p0 $0x900;
	[sflag:s19] =	ssyncadd.s32 $0xFFFFF400  }
0x41: {  	[tilespmem:s23], [sflag:$0x3] =	stream.linear.gather @!p0 [hbm4b:s9+s22], $0x80, $0x38;
	[tilespmem:$0x7740] =	vst v63  }
0x42: {  	s22 =	simm.s32 @!p0 $0x3  }
0x43: {  	_ =	swait.ge @!p0 [sflag:s22], $0x80  }
0x44: {  	[sflag:s22] =	ssyncset.done @!p0 $0x0  }
0x45: {  	s24 =	simm.s32 @!p0 $0x80;
	s25 =	simm.s32 @!p0 $0x980;
	[sflag:s22] =	ssyncadd.s32 @!p0 $0xFFFFFF80  }
0x46: {  	[spmem:s2] =	stream.indirect.scatter.add.f32 @!p0 [tilespmem:s25], [sflag:$0x3], $0x8, s23, s24, $0xb8;
	[tilespmem:$0x7740] =	vst v63  }
0x47: {  	_ =	swait.ge @!p0 [sflag:s22], $0x400  }
0x48: {  	s21 =	sadd.s32 $0x1, s21;
	[sflag:s22] =	ssyncset.done @!p0 $0x0  }
0x49: {  	p1 =	sne.s32 s21, s11;
	[sflag:s22] =	ssyncadd.s32 @!p0 $0xFFFFFC00  }
.Ltmp1:
0x4a: {  	[bflag:$0x0] =	sbarrier.arrive $0xFFFF;
	(pc) =	sbr.rel @p1 .LBB2_1-.Ltmp1, $4  }
0x4b: {  	[hbm:s10], [sflag:s14] =	dma.local [spmem:s15], $0xC38  }
0x4c: {  	_ =	swait.ge [sflag:s20], $0xC38  }
0x4d: {  	[sflag:s20] =	ssyncset.done $0x0  }
0x4e: {  	[sflag:s20] =	ssyncadd.s32 $0xFFFFF3C8  }
0x4f: {  	_ =	sfence.sel $0x180000  }
0x50: {  	[bflag:$0x0] =	sbarrier.arrive $0xFFFF  }
0x51: {  	p0 =	sne.s32 s1, $0x0;
	_ =	strace $0x90000047  }
0x52: {  	s0 =	sadd.s32 @!p0 $0x100000, s0;
	[bflag:$0x2] =	sbarrier.arrive $0xFFFF  }
0x53: {  	[sflag:s0] =	ssyncadd.tile.s32 @!p0 $0x1;
	_ =	shalt  }
.Lfunc_end2:
_tile_overlayer_lowered:
.L_overlay_start_2:
0x54: {  	(tag) =	ssettag $0x2  }
0x55: {  	s0 =	rddreg [dreg:$0x0];
	s2 =	stileid.u32  }
0x56: {  	s1 =	rddreg [dreg:$0x1];
	p0 =	sne.s32 s2, $0x0  }
0x57: {  	s3 =	rddreg [dreg:$0x2];
	[bflag:$0x3] =	sbarrier.arrive $0xFFFF;
	s2 =	simm.s32 @!p0 $0x1C03  }
0x58: {  	[timem:s3], [sflag:s2] =	dma.local @!p0 [hbm:s0], s1  }
0x59: {  	s0 =	simm.s32 @!p0 $0x3  }
0x5a: {  	_ =	swait.ge @!p0 [sflag:s0], s1  }
0x5b: {  	s1 =	ssub.s32 @!p0 $0x0, s1;
	[sflag:s0] =	ssyncset.done @!p0 $0x0  }
0x5c: {  	[sflag:s0] =	ssyncadd.s32 @!p0 s1  }
0x5d: {  	[bflag:$0x3] =	sbarrier.arrive $0xFFFF  }
0x5e: {  	_ =	shalt  }

// kernel: kernel.9.cloned.1.call-start
scs
__scs_entry_jumppad:
0x0: {  	(pc) =	sbr.rel $0x88, $3  }
0x1: {  	(tag) =	ssettag $0x0;
	lr =	simm.s32 $0x1  }
0x2: {  	[smem:$0x3F99] =	sst lr;
	_ =	strace $0xD0000000  }
0x3: {  	_ = 	snop  }
0x4: {  	_ = 	snop  }
0x5: {  	_ = 	snop  }
0x6: {  	_ = 	snop  }
0x7: {  	_ = 	snop  }
__scs_overlays_trampoline_lowered:
0x8: {  	[smem:$0x3FA8] =	sst s0  }
0x9: {  	[smem:$0x3FA9] =	sst s1  }
0xa: {  	[smem:$0x3FAA] =	sst s2  }
0xb: {  	[smem:$0x3FAB] =	sst s3  }
0xc: {  	[smem:$0x3FAC] =	sst s4  }
0xd: {  	[smem:$0x3FAD] =	sst s5  }
0xe: {  	[smem:$0x3FAE] =	sst s6  }
0xf: {  	[smem:$0x3FAF] =	sst s7  }
0x10: {  	[smem:$0x3FB0] =	sst s8  }
0x11: {  	[smem:$0x3FB1] =	sst s9;
	s0 =	simm.s32 @!p0 $0x0  }
0x12: {  	s1 =	sld [smem:$0x3F97];
	s0 =	simm.s32 @p0 $0x1  }
0x13: {  	[smem:$0x3FB2] =	sst s0;
	s0 =	simm.s32 @!p1 $0x0  }
0x14: {  	s2 =	sld [smem:$0x3F96];
	s0 =	simm.s32 @p1 $0x1  }
0x15: {  	[smem:$0x3FB3] =	sst s0;
	s0 =	simm.s32 @!p2 $0x0  }
0x16: {  	s3 =	sld [smem:$0x3FDB];
	s0 =	simm.s32 @p2 $0x1  }
0x17: {  	s4 =	simm.s32 $0x1BF5;
	[smem:$0x3FB5] =	sst s0  }
0x18: {  	s0 =	sld [smem:$0x3F98];
	_ =	swait.ge [sflag:s4], $0x0  }
0x19: {  	s7 =	sld [smem:$0x3F99]  }
0x1a: {  	s8 =	sadd.s32 $0xFFFFE003, lr  }
0x1b: {  	s9 =	sadd.s32 $0xFFFFFEF7, lr;
	s5 =	simm.s32 $0xFFFFFFFF;
	p2 =	slt.u32 s8, $0xFFFFF086  }
0x1c: {  	p1 =	slt.u32 s9, $0xF7A;
	s5 =	simm.s32 @!p2 $0x0  }
0x1d: {  	s5 =	simm.s32 @p1 $0x1;
	p0 =	seq.s32 s7, s2  }
0x1e: {  	s7 =	smul.u32 @!p0 $0xF7A, s2;
	p2 =	seq.s32 @!p0 s5, $0x0  }
0x1f: {  	s9 =	smul.u32 $0xF7A, s1;
	s8 =	simm.s32 @!p0 $0x1BF5;
	p2 =	por !p2, p0  }
0x20: {  	[sflag:s8] =	ssyncset.s32 @!p0 $0xFFFFF086;
	s6 =	sadd.s32 @!p0 s3, s7;
	s7 =	simm.s32 @!p0 $0x108  }
0x21: {  	s3 =	sadd.s32 s3, s9;
	s6 =	sadd.s32 @!p0 $0x88, s6;
	s7 =	simm.s32 @p2 $0x1082  }
0x22: {  	[simem:s7], [sflag:s8] =	dma.local @!p0 [hbm:s6], $0xF7A  }
0x23: {  	s9 =	sor.u32 $0xD0000000, s2;
	s6 =	simm.s32 $0x108;
	_ =	swait.ge @!p0 [sflag:s8], $0x0  }
0x24: {  	s3 =	sadd.s32 $0x88, s3;
	s6 =	simm.s32 @!p1 $0x1082;
	[sflag:s4] =	ssyncset.s32 $0xFFFFF086  }
0x25: {  	[simem:s6], [sflag:s4] =	dma.local [hbm:s3], $0xF7A  }
0x26: {  	[smem:$0x3F99] =	sst s1;
	(tag) =	ssettag s2;
	_ =	strace s9  }
0x27: {  	s1 =	sld [smem:$0x3FA9]  }
0x28: {  	s2 =	sld [smem:$0x3FAA]  }
0x29: {  	s4 =	sld [smem:$0x3FAC]  }
0x2a: {  	p0 =	seq.s32 s5, $0x0;
	s5 =	sld [smem:$0x3FAD]  }
0x2b: {  	s6 =	sld [smem:$0x3FAE]  }
0x2c: {  	s7 =	sld [smem:$0x3FAF]  }
0x2d: {  	s3 =	simm.s32 $0x108;
	s8 =	sld [smem:$0x3FB0]  }
0x2e: {  	s3 =	simm.s32 @!p0 $0x1082;
	s9 =	sld [smem:$0x3FB1]  }
0x2f: {  	lr =	sadd.s32 s0, s3;
	s0 =	sld [smem:$0x3FA8]  }
0x30: {  	s3 =	sld [smem:$0x3FAB]  }
0x31: {  	[smem:$0x3FB4] =	sst s10  }
0x32: {  	s10 =	sld [smem:$0x3FB2];
	_ =	sdelay $0x3  }
0x33: {  	p0 =	seq.s32 s10, $0x1;
	s10 =	sld [smem:$0x3FB4];
	_ =	sdelay $0x3  }
0x34: {  	[smem:$0x3FB4] =	sst s10  }
0x35: {  	s10 =	sld [smem:$0x3FB3];
	_ =	sdelay $0x3  }
0x36: {  	p1 =	seq.s32 s10, $0x1;
	s10 =	sld [smem:$0x3FB4];
	_ =	sdelay $0x3  }
0x37: {  	[smem:$0x3FB4] =	sst s10  }
0x38: {  	s10 =	sld [smem:$0x3FB5]  }
0x39: {  	_ = 	snop;
	(pc) =	sbr.ind lr, $3  }
0x3a: {  	_ = 	snop  }
0x3b: {  	_ = 	snop  }
0x3c: {  	p2 =	seq.s32 s10, $0x1;
	s10 =	sld [smem:$0x3FB4]  }
0x3d: {  	_ =	shalt  }
0x3e: {  	_ =	shalt  }
0x3f: {  	_ =	shalt  }
0x40: {  	_ =	shalt  }
0x41: {  	_ =	shalt  }
0x42: {  	_ =	shalt  }
0x43: {  	_ =	shalt  }
0x44: {  	_ =	shalt  }
0x45: {  	_ =	shalt  }
0x46: {  	_ =	shalt  }
0x47: {  	_ =	shalt  }
0x48: {  	_ =	shalt  }
0x49: {  	_ =	shalt  }
0x4a: {  	_ =	shalt  }
0x4b: {  	_ =	shalt  }
0x4c: {  	_ =	shalt  }
0x4d: {  	_ =	shalt  }
0x4e: {  	_ =	shalt  }
0x4f: {  	_ =	shalt  }
0x50: {  	_ =	shalt  }
0x51: {  	_ =	shalt  }
0x52: {  	_ =	shalt  }
0x53: {  	_ =	shalt  }
0x54: {  	_ =	shalt  }
0x55: {  	_ =	shalt  }
0x56: {  	_ =	shalt  }
0x57: {  	_ =	shalt  }
0x58: {  	_ =	shalt  }
0x59: {  	_ =	shalt  }
0x5a: {  	_ =	shalt  }
0x5b: {  	_ =	shalt  }
0x5c: {  	_ =	shalt  }
0x5d: {  	_ =	shalt  }
0x5e: {  	_ =	shalt  }
0x5f: {  	_ =	shalt  }
0x60: {  	_ =	shalt  }
0x61: {  	_ =	shalt  }
0x62: {  	_ =	shalt  }
0x63: {  	_ =	shalt  }
0x64: {  	_ =	shalt  }
0x65: {  	_ =	shalt  }
0x66: {  	_ =	shalt  }
0x67: {  	_ =	shalt  }
0x68: {  	_ =	shalt  }
0x69: {  	_ =	shalt  }
0x6a: {  	_ =	shalt  }
0x6b: {  	_ =	shalt  }
0x6c: {  	_ =	shalt  }
0x6d: {  	_ =	shalt  }
0x6e: {  	_ =	shalt  }
0x6f: {  	_ =	shalt  }
0x70: {  	_ =	shalt  }
0x71: {  	_ =	shalt  }
0x72: {  	_ =	shalt  }
0x73: {  	_ =	shalt  }
0x74: {  	_ =	shalt  }
0x75: {  	_ =	shalt  }
0x76: {  	_ =	shalt  }
0x77: {  	_ =	shalt  }
0x78: {  	_ =	shalt  }
0x79: {  	_ =	shalt  }
0x7a: {  	_ =	shalt  }
0x7b: {  	_ =	shalt  }
0x7c: {  	_ =	shalt  }
0x7d: {  	_ =	shalt  }
0x7e: {  	_ =	shalt  }
0x7f: {  	_ =	shalt  }
0x80: {  	_ =	shalt  }
0x81: {  	_ =	shalt  }
0x82: {  	_ =	shalt  }
0x83: {  	_ =	shalt  }
0x84: {  	_ =	shalt  }
0x85: {  	_ =	shalt  }
0x86: {  	_ =	shalt  }
0x87: {  	_ =	shalt  }
.Lfunc_end0:
.L_simem_size_0:
called_computation.2_lowered:
.L_overlay_start_0:
0x88: {  	s2 =	sld [smem:$0x3FD9]  }
0x89: {  	s3 =	sld [smem:$0x3FFE];
	_ =	sdelay $0x1  }
0x8a: {  	s1 =	srdreg.scid  }
0x8b: {  	s0 =	sand.u32 $0x1, s1  }
0x8c: {  	s16 =	sshll.u32 s0, $0xA;
	s2 =	sadd.s32 s3, s2  }
0x8d: {  	s2 =	sadd.s32 s2, s16  }
0x8e: {  	[smem:$0x3FC0] =	sst s2  }
0x8f: {  	_ = 	snop  }
0x90: {  	(tm) =	ssettm $0x1  }
0x91: {  	s17 =	sld [smem:$0x3FFB];
	_ =	sdelay $0x3  }
0x92: {  	_ =	strace s17  }
0x93: {  	s2 =	sld [smem:$0x3FFC];
	_ =	sdelay $0x3  }
0x94: {  	_ =	strace s2  }
0x95: {  	s2 =	sld [smem:$0x3FFD];
	_ =	sdelay $0x3  }
0x96: {  	_ =	strace s2  }
0x97: {  	_ =	strace $0x8FFFFFFF  }
0x98: {  	s18 =	sld [smem:$0x3FDB];
	_ =	sdelay $0x1  }
0x99: {  	s19 =	simm.s32 $_scs_section_size  }
0x9a: {  	s4 =	simm.s32 $_size__tile_overlayer_lowered;
	s5 =	simm.s32 $_tile_overlayer_lowered  }
0x9b: {  	s22 =	simm.s32 $0x1BFF;
	s21 =	sshll.u32 s5, $0x1;
	s2 =	sadd.s32 s19, s18  }
0x9c: {  	s6 =	simm.s32 $0x0;
	s20 =	sshll.u32 s4, $0x1;
	s4 =	sadd.s32 s21, s2  }
0x9d: {  	[timem:s6], [sflag:s22] =	dma.local [hbm:s4], s20  }
0x9e: {  	_ =	swait.ge [sflag:s22], s20  }
0x9f: {  	s3 =	ssub.s32 $0x0, s20;
	[sflag:s22] =	ssyncset.done $0x0  }
0xa0: {  	[sflag:s22] =	ssyncadd.s32 s3;
	_ =	sdelay $0x1  }
0xa1: {  	s23 =	simm.s32 $0x1B8B  }
0xa2: {  	_ =	swait.ge [sflag:s23], $0x1  }
0xa3: {  	[sflag:s23] =	ssyncset.done $0x0  }
0xa4: {  	s25 =	simm.s32 $0x1B8E;
	s24 =	sld [smem:$0x3FFE];
	[sflag:s23] =	ssyncadd.s32 $0xFFFFFFFF  }
0xa5: {  	s26 =	simm.s32 $execute0_lowered;
	[smem:$0x3FD2] =	sst s25  }
0xa6: {  	s4 =	sshll.u32 s26, $0x1;
	_ =	strace $0x80000049;
	[dreg:$0x1] =	wrdreg $0xFFFFFFFF  }
0xa7: {  	s28 =	simm.s32 $_size_execute0_lowered;
	s2 =	sadd.s32 s2, s4;
	[dreg:$0x0] =	wrdreg $0x0  }
0xa8: {  	s4 =	sshll.u32 s28, $0x1;
	[dreg:$0x2] =	wrdreg s2  }
0xa9: {  	[dreg:$0x3] =	wrdreg s4  }
0xaa: {  	[dreg:$0x4] =	wrdreg $0xC0  }
0xab: {  	_ =	task [dreg:s6], $0x5FFFF  }
0xac: {  	[dreg:$0x1] =	wrdreg $0xFFFFFFFF  }
0xad: {  	[dreg:$0x0] =	wrdreg $0x60  }
0xae: {  	[dreg:$0x2] =	wrdreg s24  }
0xaf: {  	[dreg:$0x3] =	wrdreg $0x66000  }
0xb0: {  	[dreg:$0x4] =	wrdreg $0x9  }
0xb1: {  	_ =	task.clear_ibuf [dreg:s6], $0x5FFFF;
	_ =	strace $0x90000049  }
0xb2: {  	s29 =	simm.s32 $0x9;
	_ =	strace $0x8000004B  }
0xb3: {  	_ =	swait.ge [sflag:s29], $0x1  }
0xb4: {  	[sflag:s29] =	ssyncadd.s32 $0xFFFFFFFF  }
0xb5: {  	_ =	strace $0x9000004B  }
0xb6: {  	_ =	sfence  }
0xb7: {  	s30 =	sld [smem:$0x0];
	_ =	sdelay $0x2  }
0xb8: {  	s31 =	sshll.u32 s1, $0xD;
	s1 =	sshrl.u32 s1, $0x2  }
0xb9: {  	s3 =	sand.u32 $0x4000, s31;
	s1 =	sadd.s32 s1, s30  }
0xba: {  	s0 =	sor.u32 s3, s0;
	s1 =	sshll.u32 s1, $0x11  }
0xbb: {  	s0 =	sor.u32 s1, s0  }
0xbc: {  	s0 =	sadd.s32 $0x8F2B, s0  }
0xbd: {  	[sflag:s0] =	ssyncadd.remote.s32 $0x1  }
0xbe: {  	_ =	sfence.sel $0xFFFF  }
0xbf: {  	[dreg:$0x0] =	wrdreg $0xFFFFFFFF;
	(pc) =	sbr.abs _section_cstart, $3  }
0xc0: {  	[dreg:$0x1] =	wrdreg $0xFFFFFFFF  }
0xc1: {  	_ =	task.clear_ibuf [dreg:s6], $0x2FFFF;
	_ =	strace $0x9FFFFFFF  }
0xc2: {  	(tm) =	ssettm $0x7FFFFFFF  }
0xc3: {  	_ =	shalt  }
tec
execute0_lowered:
.L_overlay_start_1:
0x0: {  	(tag) =	ssettag $0x1  }
0x1: {  	s0 =	rddreg [dreg:$0x0]  }
0x2: {  	s2 =	rddreg [dreg:$0x1]  }
0x3: {  	s13 =	stileid.u32;
	s1 =	srdreg.scid  }
0x4: {  	s3 =	simm.s32 $0x0;
	s28 =	simm.s32 $0x2;
	s29 =	simm.s32 $0x380  }
0x5: {  	s30 =	simm.s32 $0x400;
	s31 =	simm.s32 $0x1;
	s1 =	sand.u32 $0x1, s1  }
0x6: {  	s4 =	sshll.u32 s13, $0x1;
	[smem:$0x7FF] =	sst s3;
	s6 =	smul.u32 $0x18700, s13  }
0x7: {  	s11 =	sadd.s32 $0x4400, s0;
	s21 =	smul.u32 $0x1860, s13;
	p0 =	sgt.u32 s13, $0x4  }
0x8: {  	s5 =	sor.u32 s1, s4;
	_ =	strace $0x8000004A;
	s9 =	smul.u32 $0x187000, s1  }
0x9: {  	s4 =	sadd.s32 $0x35200, s0;
	s14 =	ssub.s32 $0x2, s1;
	s1 =	smul.u32 $0xC30, s1  }
0xa: {  	s7 =	smul.u32 $0xC3, s5;
	s8 =	sshrl.u32 s6, $0x3;
	s10 =	smin.u32 s5, $0xA  }
0xb: {  	s24 =	sadd.s32 s21, s11;
	s21 =	simm.s32 $0x600;
	s8 =	sadd.s32 s8, s0  }
0xc: {  	s12 =	sadd.s32 s6, s9;
	s6 =	sadd.s32 s6, s2;
	s26 =	sshll.u32 s10, $0x4  }
0xd: {  	s9 =	simm.s32 $0x3;
	s5 =	sadd.s32 s10, s7;
	s7 =	sshrl.u32 s12, $0x3  }
0xe: {  	s12 =	sshrl.u32 s14, $0x1;
	[dreg:$0x7] =	wrdreg s6;
	s19 =	sadd.s32 $0xAFA00, s8  }
0xf: {  	s6 =	simm.s32 $0x4600;
	s8 =	simm.s32 $0x5600;
	s5 =	sshll.u32 s5, $0x4  }
0x10: {  	s0 =	sadd.s32 s7, s0;
	[dreg:$0x8] =	wrdreg s19;
	s5 =	sadd.s32 s11, s5  }
0x11: {  	s15 =	ssub.s32 s14, s12;
	s0 =	sadd.s32 $0xE0800, s0;
	[dreg:$0x3] =	wrdreg s5  }
0x12: {  	s10 =	simm.s32 $0x500;
	s25 =	smax.u32 s15, $0x1;
	[dreg:$0xd] =	wrdreg s0  }
0x13: {  	s19 =	simm.s32 $0x300;
	s16 =	sadd.s32 $0x186A0, s5;
	[dreg:$0xe] =	wrdreg s25  }
0x14: {  	s7 =	simm.s32 $0x280;
	s17 =	sadd.s32 $0x30, s5;
	[dreg:$0x4] =	wrdreg s16  }
0x15: {  	s12 =	simm.s32 $0x0;
	s18 =	sadd.s32 $0x186D0, s5;
	[dreg:$0x5] =	wrdreg s17  }
0x16: {  	s11 =	simm.s32 $0x580;
	s20 =	sadd.s32 $0xC00, s5;
	[dreg:$0x6] =	wrdreg s18  }
0x17: {  	s22 =	sadd.s32 $0x192A0, s5;
	s23 =	sadd.s32 $0xC30, s5;
	[dreg:$0x9] =	wrdreg s20  }
0x18: {  	s5 =	sadd.s32 $0x192D0, s5;
	s0 =	sadd.s32 s1, s24;
	[dreg:$0xa] =	wrdreg s22  }
0x19: {  	s24 =	simm.s32 $0x2600;
	s25 =	simm.s32 $0x180;
	[dreg:$0xb] =	wrdreg s23  }
0x1a: {  	s1 =	simm.s32 $0x200;
	[dreg:$0xc] =	wrdreg s5;
	s17 =	sadd.s32 s26, s0  }
0x1b: {  	s18 =	simm.s32 $0x4;
	s20 =	simm.s32 $0x80;
	s22 =	simm.s32 $0x1600  }
0x1c: {  	s23 =	simm.s32 $0x100;
	s26 =	simm.s32 $0x480;
	s0 =	simm.s32 $0x3600  }
.LBB2_1:
0x1d: {  	s5 =	rddreg [dreg:$0x3]  }
0x1e: {  	[tilespmem:s3], [sflag:$0x4] =	stream.linear.gather [hbm4b:s5+s3], $0x180, $0x38;
	[tilespmem:$0x1ED00] =	vst v63  }
0x1f: {  	_ =	swait.ge [sflag:s18], $0x180  }
0x20: {  	[sflag:s18] =	ssyncset.done $0x0  }
0x21: {  	s15 =	rddreg [dreg:$0x4];
	[sflag:s18] =	ssyncadd.s32 $0xFFFFFE80  }
0x22: {  	[tilespmem:s19], [sflag:$0x4] =	stream.linear.gather [hbm4b:s15+s3], $0x180, $0x38;
	[tilespmem:$0x1ED00] =	vst v63  }
0x23: {  	_ =	swait.ge [sflag:s18], $0x180  }
0x24: {  	[sflag:s18] =	ssyncset.done $0x0  }
0x25: {  	[sflag:s18] =	ssyncadd.s32 $0xFFFFFE80  }
0x26: {  	[tilespmem:s21], [sflag:$0x2] =	stream.indirect.gather [hbm4b:s4+s20], $0x20, s3, s20, $0xb8;
	[tilespmem:$0x1ED00] =	vst v63  }
0x27: {  	_ = 	snop  }
0x28: {  	[tilespmem:s22], [sflag:$0x2] =	stream.indirect.gather [hbm4b:s4+s20], $0x20, s20, s20, $0xb8;
	[tilespmem:$0x1ED00] =	vst v63  }
0x29: {  	s16 =	rddreg [dreg:$0x5]  }
0x2a: {  	[tilespmem:s24], [sflag:$0x2] =	stream.indirect.gather [hbm4b:s4+s20], $0x20, s23, s20, $0xb8;
	[tilespmem:$0x1ED00] =	vst v63  }
0x2b: {  	s13 =	rddreg [dreg:$0x6]  }
0x2c: {  	[tilespmem:s25], [sflag:$0x1] =	stream.linear.gather [hbm4b:s16+s3], $0x180, $0x38;
	[tilespmem:$0x1ED00] =	vst v63  }
0x2d: {  	s14 =	stileid.u32;
	s15 =	rddreg [dreg:$0x7]  }
0x2e: {  	[tilespmem:s26], [sflag:$0x1] =	stream.linear.gather [hbm4b:s13+s3], $0x180, $0x38;
	[tilespmem:$0x1ED00] =	vst v63  }
0x2f: {  	s16 =	rddreg [dreg:$0x8];
	s13 =	sshll.u32 s14, $0x6;
	s14 =	sshrl.u32 s15, $0x3  }
0x30: {  	s13 =	sor.u32 $0x1C04, s13;
	[dreg:$0x10] =	wrdreg s14  }
0x31: {  	[dreg:$0xf] =	wrdreg s13  }
0x32: {  	[spmem:s14], [sflag:s13] =	dma.local [hbm:s16], $0x30E0  }
0x33: {  	_ =	swait.ge [sflag:s18], $0x30E0  }
0x34: {  	[sflag:s18] =	ssyncset.done $0x0  }
0x35: {  	[sflag:s18] =	ssyncadd.s32 $0xFFFFCF20  }
0x36: {  	[bflag:$0x0] =	sbarrier.arrive $0xFFFF  }
0x37: {  	_ =	swait.ge [sflag:s28], $0x1000  }
0x38: {  	[sflag:s28] =	ssyncset.done $0x0  }
0x39: {  	[sflag:s28] =	ssyncadd.s32 $0xFFFFF000  }
0x3a: {  	_ =	swait.ge [sflag:s28], $0x1000  }
0x3b: {  	[sflag:s28] =	ssyncset.done $0x0  }
0x3c: {  	[sflag:s28] =	ssyncadd.s32 $0xFFFFF000  }
0x3d: {  	_ =	swait.ge [sflag:s28], $0x1000  }
0x3e: {  	[sflag:s28] =	ssyncset.done $0x0  }
0x3f: {  	[sflag:s28] =	ssyncadd.s32 $0xFFFFF000  }
0x40: {  	[spmem:s2] =	stream.indirect.scatter.add.f32 [tilespmem:s21], [sflag:$0x3], $0x20, s19, s20, $0xb8;
	[tilespmem:$0x1ED00] =	vst v63  }
0x41: {  	_ = 	snop  }
0x42: {  	[spmem:s2] =	stream.indirect.scatter.add.f32 [tilespmem:s22], [sflag:$0x3], $0x20, s29, s20, $0xb8;
	[tilespmem:$0x1ED00] =	vst v63  }
0x43: {  	_ = 	snop  }
0x44: {  	[spmem:s2] =	stream.indirect.scatter.add.f32 [tilespmem:s24], [sflag:$0x3], $0x20, s30, s20, $0xb8;
	[tilespmem:$0x1ED00] =	vst v63  }
0x45: {  	_ =	swait.ge [sflag:s31], $0x180  }
0x46: {  	[sflag:s31] =	ssyncset.done $0x0  }
0x47: {  	[sflag:s31] =	ssyncadd.s32 $0xFFFFFE80  }
0x48: {  	_ =	swait.ge [sflag:s31], $0x180  }
0x49: {  	[sflag:s31] =	ssyncset.done $0x0  }
0x4a: {  	[sflag:s31] =	ssyncadd.s32 $0xFFFFFE80  }
0x4b: {  	[tilespmem:s0], [sflag:$0x2] =	stream.indirect.gather [hbm4b:s4+s20], $0x20, s25, s20, $0xb8;
	[tilespmem:$0x1ED00] =	vst v63  }
0x4c: {  	_ = 	snop  }
0x4d: {  	[tilespmem:s6], [sflag:$0x2] =	stream.indirect.gather [hbm4b:s4+s20], $0x20, s1, s20, $0xb8;
	[tilespmem:$0x1ED00] =	vst v63  }
0x4e: {  	_ = 	snop  }
0x4f: {  	[tilespmem:s8], [sflag:$0x2] =	stream.indirect.gather [hbm4b:s4+s20], $0x20, s7, s20, $0xb8;
	[tilespmem:$0x1ED00] =	vst v63  }
0x50: {  	_ =	swait.ge [sflag:s9], $0x1000  }
0x51: {  	[sflag:s9] =	ssyncset.done $0x0  }
0x52: {  	[sflag:s9] =	ssyncadd.s32 $0xFFFFF000  }
0x53: {  	_ =	swait.ge [sflag:s9], $0x1000  }
0x54: {  	[sflag:s9] =	ssyncset.done $0x0  }
0x55: {  	[sflag:s9] =	ssyncadd.s32 $0xFFFFF000  }
0x56: {  	_ =	swait.ge [sflag:s9], $0x1000  }
0x57: {  	s15 =	sadd.s32 $0x0, s17;
	[sflag:s9] =	ssyncset.done $0x0  }
0x58: {  	s16 =	sadd.s32 $0x60, s15;
	[sflag:s9] =	ssyncadd.s32 $0xFFFFF000  }
0x59: {  	[tilespmem:s3], [sflag:$0x1] =	stream.linear.gather [hbm4b:s16+s3], $0x180, $0x38;
	[tilespmem:$0x1ED00] =	vst v63  }
0x5a: {  	s13 =	sadd.s32 $0x18700, s15  }
0x5b: {  	[tilespmem:s19], [sflag:$0x1] =	stream.linear.gather [hbm4b:s13+s3], $0x180, $0x38;
	[tilespmem:$0x1ED00] =	vst v63  }
0x5c: {  	_ =	swait.ge [sflag:s28], $0x1000  }
0x5d: {  	[sflag:s28] =	ssyncset.done $0x0  }
0x5e: {  	[sflag:s28] =	ssyncadd.s32 $0xFFFFF000  }
0x5f: {  	_ =	swait.ge [sflag:s28], $0x1000  }
0x60: {  	[sflag:s28] =	ssyncset.done $0x0  }
0x61: {  	[sflag:s28] =	ssyncadd.s32 $0xFFFFF000  }
0x62: {  	_ =	swait.ge [sflag:s28], $0x1000  }
0x63: {  	[sflag:s28] =	ssyncset.done $0x0  }
0x64: {  	[sflag:s28] =	ssyncadd.s32 $0xFFFFF000  }
0x65: {  	[spmem:s2] =	stream.indirect.scatter.add.f32 [tilespmem:s0], [sflag:$0x3], $0x20, s26, s20, $0xb8;
	[tilespmem:$0x1ED00] =	vst v63  }
0x66: {  	_ = 	snop  }
0x67: {  	[spmem:s2] =	stream.indirect.scatter.add.f32 [tilespmem:s6], [sflag:$0x3], $0x20, s10, s20, $0xb8;
	[tilespmem:$0x1ED00] =	vst v63  }
0x68: {  	_ = 	snop  }
0x69: {  	[spmem:s2] =	stream.indirect.scatter.add.f32 [tilespmem:s8], [sflag:$0x3], $0x20, s11, s20, $0xb8;
	[tilespmem:$0x1ED00] =	vst v63  }
0x6a: {  	_ =	swait.ge [sflag:s31], $0x180  }
0x6b: {  	[sflag:s31] =	ssyncset.done $0x0  }
0x6c: {  	[sflag:s31] =	ssyncadd.s32 $0xFFFFFE80  }
0x6d: {  	_ =	swait.ge [sflag:s31], $0x180  }
0x6e: {  	[sflag:s31] =	ssyncset.done $0x0  }
0x6f: {  	[sflag:s31] =	ssyncadd.s32 $0xFFFFFE80  }
0x70: {  	[tilespmem:s21], [sflag:$0x2] =	stream.indirect.gather [hbm4b:s4+s20], $0x20, s3, s20, $0xb8;
	[tilespmem:$0x1ED00] =	vst v63  }
0x71: {  	_ = 	snop  }
0x72: {  	[tilespmem:s22], [sflag:$0x2] =	stream.indirect.gather [hbm4b:s4+s20], $0x20, s20, s20, $0xb8;
	[tilespmem:$0x1ED00] =	vst v63  }
0x73: {  	_ = 	snop  }
0x74: {  	[tilespmem:s24], [sflag:$0x2] =	stream.indirect.gather [hbm4b:s4+s20], $0x20, s23, s20, $0xb8;
	[tilespmem:$0x1ED00] =	vst v63  }
0x75: {  	_ =	swait.ge [sflag:s9], $0x1000  }
0x76: {  	[sflag:s9] =	ssyncset.done $0x0  }
0x77: {  	[sflag:s9] =	ssyncadd.s32 $0xFFFFF000  }
0x78: {  	_ =	swait.ge [sflag:s9], $0x1000  }
0x79: {  	[sflag:s9] =	ssyncset.done $0x0  }
0x7a: {  	[sflag:s9] =	ssyncadd.s32 $0xFFFFF000  }
0x7b: {  	_ =	swait.ge [sflag:s9], $0x1000  }
0x7c: {  	[sflag:s9] =	ssyncset.done $0x0  }
0x7d: {  	s14 =	sadd.s32 $0x90, s15;
	[sflag:s9] =	ssyncadd.s32 $0xFFFFF000  }
0x7e: {  	[tilespmem:s25], [sflag:$0x1] =	stream.linear.gather [hbm4b:s14+s3], $0x180, $0x38;
	[tilespmem:$0x1ED00] =	vst v63  }
0x7f: {  	s15 =	sadd.s32 $0x18730, s15  }
0x80: {  	[tilespmem:s26], [sflag:$0x1] =	stream.linear.gather [hbm4b:s15+s3], $0x180, $0x38;
	[tilespmem:$0x1ED00] =	vst v63  }
0x81: {  	_ =	swait.ge [sflag:s28], $0x1000  }
0x82: {  	[sflag:s28] =	ssyncset.done $0x0  }
0x83: {  	[sflag:s28] =	ssyncadd.s32 $0xFFFFF000  }
0x84: {  	_ =	swait.ge [sflag:s28], $0x1000  }
0x85: {  	[sflag:s28] =	ssyncset.done $0x0  }
0x86: {  	[sflag:s28] =	ssyncadd.s32 $0xFFFFF000  }
0x87: {  	_ =	swait.ge [sflag:s28], $0x1000  }
0x88: {  	[sflag:s28] =	ssyncset.done $0x0  }
0x89: {  	[sflag:s28] =	ssyncadd.s32 $0xFFFFF000  }
0x8a: {  	[spmem:s2] =	stream.indirect.scatter.add.f32 [tilespmem:s21], [sflag:$0x3], $0x20, s19, s20, $0xb8;
	[tilespmem:$0x1ED00] =	vst v63  }
0x8b: {  	_ = 	snop  }
0x8c: {  	[spmem:s2] =	stream.indirect.scatter.add.f32 [tilespmem:s22], [sflag:$0x3], $0x20, s29, s20, $0xb8;
	[tilespmem:$0x1ED00] =	vst v63  }
0x8d: {  	_ = 	snop  }
0x8e: {  	[spmem:s2] =	stream.indirect.scatter.add.f32 [tilespmem:s24], [sflag:$0x3], $0x20, s30, s20, $0xb8;
	[tilespmem:$0x1ED00] =	vst v63  }
0x8f: {  	_ =	swait.ge [sflag:s31], $0x180  }
0x90: {  	[sflag:s31] =	ssyncset.done $0x0  }
0x91: {  	[sflag:s31] =	ssyncadd.s32 $0xFFFFFE80  }
0x92: {  	_ =	swait.ge [sflag:s31], $0x180  }
0x93: {  	[sflag:s31] =	ssyncset.done $0x0  }
0x94: {  	[sflag:s31] =	ssyncadd.s32 $0xFFFFFE80  }
0x95: {  	[tilespmem:s0], [sflag:$0x2] =	stream.indirect.gather [hbm4b:s4+s20], $0x20, s25, s20, $0xb8;
	[tilespmem:$0x1ED00] =	vst v63  }
0x96: {  	s15 =	simm.s32 $0x60  }
0x97: {  	[tilespmem:s6], [sflag:$0x2] =	stream.indirect.gather [hbm4b:s4+s20], $0x20, s1, s20, $0xb8;
	[tilespmem:$0x1ED00] =	vst v63  }
.LBB2_2:
0x98: {  	[tilespmem:s8], [sflag:$0x2] =	stream.indirect.gather [hbm4b:s4+s20], $0x20, s7, s20, $0xb8;
	[tilespmem:$0x1ED00] =	vst v63  }
0x99: {  	s16 =	smov.u32 s15  }
0x9a: {  	p1 =	sne.s32 s15, $0xB40;
	s15 =	sadd.s32 $0x60, s15;
	_ =	swait.ge [sflag:s9], $0x1000  }
0x9b: {  	[sflag:s9] =	ssyncset.done $0x0  }
0x9c: {  	[sflag:s9] =	ssyncadd.s32 $0xFFFFF000  }
0x9d: {  	_ =	swait.ge [sflag:s9], $0x1000  }
0x9e: {  	[sflag:s9] =	ssyncset.done $0x0  }
0x9f: {  	[sflag:s9] =	ssyncadd.s32 $0xFFFFF000  }
0xa0: {  	_ =	swait.ge [sflag:s9], $0x1000  }
0xa1: {  	s16 =	sadd.s32 s16, s17;
	[sflag:s9] =	ssyncset.done $0x0  }
0xa2: {  	s5 =	sadd.s32 $0x60, s16;
	[sflag:s9] =	ssyncadd.s32 $0xFFFFF000  }
0xa3: {  	[tilespmem:s3], [sflag:$0x1] =	stream.linear.gather [hbm4b:s5+s3], $0x180, $0x38;
	[tilespmem:$0x1ED00] =	vst v63  }
0xa4: {  	s5 =	sadd.s32 $0x18700, s16  }
0xa5: {  	[tilespmem:s19], [sflag:$0x1] =	stream.linear.gather [hbm4b:s5+s3], $0x180, $0x38;
	[tilespmem:$0x1ED00] =	vst v63  }
0xa6: {  	_ =	swait.ge [sflag:s28], $0x1000  }
0xa7: {  	[sflag:s28] =	ssyncset.done $0x0  }
0xa8: {  	[sflag:s28] =	ssyncadd.s32 $0xFFFFF000  }
0xa9: {  	_ =	swait.ge [sflag:s28], $0x1000  }
0xaa: {  	[sflag:s28] =	ssyncset.done $0x0  }
0xab: {  	[sflag:s28] =	ssyncadd.s32 $0xFFFFF000  }
0xac: {  	_ =	swait.ge [sflag:s28], $0x1000  }
0xad: {  	[sflag:s28] =	ssyncset.done $0x0  }
0xae: {  	[sflag:s28] =	ssyncadd.s32 $0xFFFFF000  }
0xaf: {  	[spmem:s2] =	stream.indirect.scatter.add.f32 [tilespmem:s0], [sflag:$0x3], $0x20, s26, s20, $0xb8;
	[tilespmem:$0x1ED00] =	vst v63  }
0xb0: {  	_ = 	snop  }
0xb1: {  	[spmem:s2] =	stream.indirect.scatter.add.f32 [tilespmem:s6], [sflag:$0x3], $0x20, s10, s20, $0xb8;
	[tilespmem:$0x1ED00] =	vst v63  }
0xb2: {  	_ = 	snop  }
0xb3: {  	[spmem:s2] =	stream.indirect.scatter.add.f32 [tilespmem:s8], [sflag:$0x3], $0x20, s11, s20, $0xb8;
	[tilespmem:$0x1ED00] =	vst v63  }
0xb4: {  	_ =	swait.ge [sflag:s31], $0x180  }
0xb5: {  	[sflag:s31] =	ssyncset.done $0x0  }
0xb6: {  	[sflag:s31] =	ssyncadd.s32 $0xFFFFFE80  }
0xb7: {  	_ =	swait.ge [sflag:s31], $0x180  }
0xb8: {  	[sflag:s31] =	ssyncset.done $0x0  }
0xb9: {  	[sflag:s31] =	ssyncadd.s32 $0xFFFFFE80  }
0xba: {  	[tilespmem:s21], [sflag:$0x2] =	stream.indirect.gather [hbm4b:s4+s20], $0x20, s3, s20, $0xb8;
	[tilespmem:$0x1ED00] =	vst v63  }
0xbb: {  	_ = 	snop  }
0xbc: {  	[tilespmem:s22], [sflag:$0x2] =	stream.indirect.gather [hbm4b:s4+s20], $0x20, s20, s20, $0xb8;
	[tilespmem:$0x1ED00] =	vst v63  }
0xbd: {  	_ = 	snop  }
0xbe: {  	[tilespmem:s24], [sflag:$0x2] =	stream.indirect.gather [hbm4b:s4+s20], $0x20, s23, s20, $0xb8;
	[tilespmem:$0x1ED00] =	vst v63  }
0xbf: {  	_ =	swait.ge [sflag:s9], $0x1000  }
0xc0: {  	[sflag:s9] =	ssyncset.done $0x0  }
0xc1: {  	[sflag:s9] =	ssyncadd.s32 $0xFFFFF000  }
0xc2: {  	_ =	swait.ge [sflag:s9], $0x1000  }
0xc3: {  	[sflag:s9] =	ssyncset.done $0x0  }
0xc4: {  	[sflag:s9] =	ssyncadd.s32 $0xFFFFF000  }
0xc5: {  	_ =	swait.ge [sflag:s9], $0x1000  }
0xc6: {  	[sflag:s9] =	ssyncset.done $0x0  }
0xc7: {  	s5 =	sadd.s32 $0x90, s16;
	[sflag:s9] =	ssyncadd.s32 $0xFFFFF000  }
0xc8: {  	[tilespmem:s25], [sflag:$0x1] =	stream.linear.gather [hbm4b:s5+s3], $0x180, $0x38;
	[tilespmem:$0x1ED00] =	vst v63  }
0xc9: {  	s5 =	sadd.s32 $0x18730, s16  }
0xca: {  	[tilespmem:s26], [sflag:$0x1] =	stream.linear.gather [hbm4b:s5+s3], $0x180, $0x38;
	[tilespmem:$0x1ED00] =	vst v63  }
0xcb: {  	_ =	swait.ge [sflag:s28], $0x1000  }
0xcc: {  	[sflag:s28] =	ssyncset.done $0x0  }
0xcd: {  	[sflag:s28] =	ssyncadd.s32 $0xFFFFF000  }
0xce: {  	_ =	swait.ge [sflag:s28], $0x1000  }
0xcf: {  	[sflag:s28] =	ssyncset.done $0x0  }
0xd0: {  	[sflag:s28] =	ssyncadd.s32 $0xFFFFF000  }
0xd1: {  	_ =	swait.ge [sflag:s28], $0x1000  }
0xd2: {  	[sflag:s28] =	ssyncset.done $0x0  }
0xd3: {  	[sflag:s28] =	ssyncadd.s32 $0xFFFFF000  }
0xd4: {  	[spmem:s2] =	stream.indirect.scatter.add.f32 [tilespmem:s21], [sflag:$0x3], $0x20, s19, s20, $0xb8;
	[tilespmem:$0x1ED00] =	vst v63  }
0xd5: {  	_ = 	snop  }
0xd6: {  	[spmem:s2] =	stream.indirect.scatter.add.f32 [tilespmem:s22], [sflag:$0x3], $0x20, s29, s20, $0xb8;
	[tilespmem:$0x1ED00] =	vst v63  }
0xd7: {  	_ = 	snop  }
0xd8: {  	[spmem:s2] =	stream.indirect.scatter.add.f32 [tilespmem:s24], [sflag:$0x3], $0x20, s30, s20, $0xb8;
	[tilespmem:$0x1ED00] =	vst v63  }
0xd9: {  	_ =	swait.ge [sflag:s31], $0x180  }
0xda: {  	[sflag:s31] =	ssyncset.done $0x0  }
0xdb: {  	[sflag:s31] =	ssyncadd.s32 $0xFFFFFE80  }
0xdc: {  	_ =	swait.ge [sflag:s31], $0x180  }
.Ltmp0:
0xdd: {  	[sflag:s31] =	ssyncset.done $0x0;
	(pc) =	sbr.rel @p1 .LBB2_2-.Ltmp0, $4  }
0xde: {  	[sflag:s31] =	ssyncadd.s32 $0xFFFFFE80  }
0xdf: {  	[tilespmem:s0], [sflag:$0x2] =	stream.indirect.gather [hbm4b:s4+s20], $0x20, s25, s20, $0xb8;
	[tilespmem:$0x1ED00] =	vst v63  }
0xe0: {  	_ = 	snop  }
0xe1: {  	[tilespmem:s6], [sflag:$0x2] =	stream.indirect.gather [hbm4b:s4+s20], $0x20, s1, s20, $0xb8;
	[tilespmem:$0x1ED00] =	vst v63  }
0xe2: {  	[tilespmem:s8], [sflag:$0x2] =	stream.indirect.gather [hbm4b:s4+s20], $0x20, s7, s20, $0xb8;
	[tilespmem:$0x1ED00] =	vst v63  }
0xe3: {  	_ =	swait.ge [sflag:s9], $0x1000  }
0xe4: {  	[sflag:s9] =	ssyncset.done $0x0  }
0xe5: {  	[sflag:s9] =	ssyncadd.s32 $0xFFFFF000  }
0xe6: {  	_ =	swait.ge [sflag:s9], $0x1000  }
0xe7: {  	[sflag:s9] =	ssyncset.done $0x0  }
0xe8: {  	[sflag:s9] =	ssyncadd.s32 $0xFFFFF000  }
0xe9: {  	_ =	swait.ge [sflag:s9], $0x1000  }
0xea: {  	[sflag:s9] =	ssyncset.done $0x0  }
0xeb: {  	s5 =	rddreg [dreg:$0x9];
	[sflag:s9] =	ssyncadd.s32 $0xFFFFF000  }
0xec: {  	[tilespmem:s3], [sflag:$0x1] =	stream.linear.gather [hbm4b:s5+s3], $0x180, $0x38;
	[tilespmem:$0x1ED00] =	vst v63  }
0xed: {  	s16 =	rddreg [dreg:$0xa]  }
0xee: {  	[tilespmem:s19], [sflag:$0x1] =	stream.linear.gather [hbm4b:s16+s3], $0x180, $0x38;
	[tilespmem:$0x1ED00] =	vst v63  }
0xef: {  	_ =	swait.ge [sflag:s28], $0x1000  }
0xf0: {  	[sflag:s28] =	ssyncset.done $0x0  }
0xf1: {  	[sflag:s28] =	ssyncadd.s32 $0xFFFFF000  }
0xf2: {  	_ =	swait.ge [sflag:s28], $0x1000  }
0xf3: {  	[sflag:s28] =	ssyncset.done $0x0  }
0xf4: {  	[sflag:s28] =	ssyncadd.s32 $0xFFFFF000  }
0xf5: {  	_ =	swait.ge [sflag:s28], $0x1000  }
0xf6: {  	[sflag:s28] =	ssyncset.done $0x0  }
0xf7: {  	[sflag:s28] =	ssyncadd.s32 $0xFFFFF000  }
0xf8: {  	[spmem:s2] =	stream.indirect.scatter.add.f32 [tilespmem:s0], [sflag:$0x3], $0x20, s26, s20, $0xb8;
	[tilespmem:$0x1ED00] =	vst v63  }
0xf9: {  	_ = 	snop  }
0xfa: {  	[spmem:s2] =	stream.indirect.scatter.add.f32 [tilespmem:s6], [sflag:$0x3], $0x20, s10, s20, $0xb8;
	[tilespmem:$0x1ED00] =	vst v63  }
0xfb: {  	_ = 	snop  }
0xfc: {  	[spmem:s2] =	stream.indirect.scatter.add.f32 [tilespmem:s8], [sflag:$0x3], $0x20, s11, s20, $0xb8;
	[tilespmem:$0x1ED00] =	vst v63  }
0xfd: {  	_ =	swait.ge [sflag:s31], $0x180  }
0xfe: {  	[sflag:s31] =	ssyncset.done $0x0  }
0xff: {  	[sflag:s31] =	ssyncadd.s32 $0xFFFFFE80  }
0x100: {  	_ =	swait.ge [sflag:s31], $0x180  }
0x101: {  	[sflag:s31] =	ssyncset.done $0x0  }
0x102: {  	[sflag:s31] =	ssyncadd.s32 $0xFFFFFE80  }
0x103: {  	[tilespmem:s21], [sflag:$0x2] =	stream.indirect.gather [hbm4b:s4+s20], $0x20, s3, s20, $0xb8;
	[tilespmem:$0x1ED00] =	vst v63  }
0x104: {  	_ = 	snop  }
0x105: {  	[tilespmem:s22], [sflag:$0x2] =	stream.indirect.gather [hbm4b:s4+s20], $0x20, s20, s20, $0xb8;
	[tilespmem:$0x1ED00] =	vst v63  }
0x106: {  	_ = 	snop  }
0x107: {  	[tilespmem:s24], [sflag:$0x2] =	stream.indirect.gather [hbm4b:s4+s20], $0x20, s23, s20, $0xb8;
	[tilespmem:$0x1ED00] =	vst v63  }
0x108: {  	_ =	swait.ge [sflag:s9], $0x1000  }
0x109: {  	[sflag:s9] =	ssyncset.done $0x0  }
0x10a: {  	[sflag:s9] =	ssyncadd.s32 $0xFFFFF000  }
0x10b: {  	_ =	swait.ge [sflag:s9], $0x1000  }
0x10c: {  	[sflag:s9] =	ssyncset.done $0x0  }
0x10d: {  	[sflag:s9] =	ssyncadd.s32 $0xFFFFF000  }
0x10e: {  	_ =	swait.ge [sflag:s9], $0x1000  }
0x10f: {  	[sflag:s9] =	ssyncset.done $0x0  }
0x110: {  	[sflag:s9] =	ssyncadd.s32 $0xFFFFF000  }
0x111: {  	_ =	swait.ge [sflag:s28], $0x1000  }
0x112: {  	[sflag:s28] =	ssyncset.done $0x0  }
0x113: {  	[sflag:s28] =	ssyncadd.s32 $0xFFFFF000  }
0x114: {  	_ =	swait.ge [sflag:s28], $0x1000  }
0x115: {  	[sflag:s28] =	ssyncset.done $0x0  }
0x116: {  	[sflag:s28] =	ssyncadd.s32 $0xFFFFF000  }
0x117: {  	_ =	swait.ge [sflag:s28], $0x1000  }
0x118: {  	[sflag:s28] =	ssyncset.done $0x0  }
0x119: {  	[sflag:s28] =	ssyncadd.s32 $0xFFFFF000  }
0x11a: {  	[spmem:s2] =	stream.indirect.scatter.add.f32 [tilespmem:s21], [sflag:$0x3], $0x20, s19, s20, $0xb8;
	[tilespmem:$0x1ED00] =	vst v63  }
0x11b: {  	_ = 	snop  }
0x11c: {  	[spmem:s2] =	stream.indirect.scatter.add.f32 [tilespmem:s22], [sflag:$0x3], $0x20, s29, s20, $0xb8;
	[tilespmem:$0x1ED00] =	vst v63  }
0x11d: {  	_ = 	snop  }
0x11e: {  	[spmem:s2] =	stream.indirect.scatter.add.f32 [tilespmem:s24], [sflag:$0x3], $0x20, s30, s20, $0xb8;
	[tilespmem:$0x1ED00] =	vst v63  }
0x11f: {  	_ =	swait.ge [sflag:s9], $0x1000  }
0x120: {  	[sflag:s9] =	ssyncset.done $0x0  }
0x121: {  	[sflag:s9] =	ssyncadd.s32 $0xFFFFF000  }
0x122: {  	_ =	swait.ge [sflag:s9], $0x1000  }
0x123: {  	[sflag:s9] =	ssyncset.done $0x0  }
0x124: {  	[sflag:s9] =	ssyncadd.s32 $0xFFFFF000  }
0x125: {  	_ =	swait.ge [sflag:s9], $0x1000  }
0x126: {  	s15 =	simm.s32 @!p0 $0x4;
	[sflag:s9] =	ssyncset.done $0x0  }
0x127: {  	s5 =	simm.s32 @!p0 $0x0;
	s13 =	rddreg [dreg:$0xb];
	[sflag:s9] =	ssyncadd.s32 $0xFFFFF000  }
0x128: {  	[tilespmem:s5], [sflag:$0x4] =	stream.linear.gather @!p0 [hbm4b:s13+s5], $0x80, $0x38;
	[tilespmem:$0x1ED00] =	vst v63  }
0x129: {  	_ =	swait.ge @!p0 [sflag:s15], $0x80  }
0x12a: {  	[sflag:s15] =	ssyncset.done @!p0 $0x0  }
0x12b: {  	s16 =	simm.s32 @!p0 $0x300;
	s13 =	rddreg [dreg:$0xc];
	[sflag:s15] =	ssyncadd.s32 @!p0 $0xFFFFFF80  }
0x12c: {  	[tilespmem:s16], [sflag:$0x4] =	stream.linear.gather @!p0 [hbm4b:s13+s5], $0x80, $0x38;
	[tilespmem:$0x1ED00] =	vst v63  }
0x12d: {  	_ =	swait.ge @!p0 [sflag:s15], $0x80  }
0x12e: {  	[sflag:s15] =	ssyncset.done @!p0 $0x0  }
0x12f: {  	s14 =	simm.s32 @!p0 $0x600;
	s13 =	simm.s32 @!p0 $0x80;
	[sflag:s15] =	ssyncadd.s32 @!p0 $0xFFFFFF80  }
0x130: {  	[tilespmem:s14], [sflag:$0x2] =	stream.indirect.gather @!p0 [hbm4b:s4+s13], $0x20, s5, s13, $0xb8;
	[tilespmem:$0x1ED00] =	vst v63  }
0x131: {  	s5 =	simm.s32 @!p0 $0x2  }
0x132: {  	_ =	swait.ge @!p0 [sflag:s5], $0x1000  }
0x133: {  	[sflag:s5] =	ssyncset.done @!p0 $0x0  }
0x134: {  	[sflag:s5] =	ssyncadd.s32 @!p0 $0xFFFFF000  }
0x135: {  	[spmem:s2] =	stream.indirect.scatter.add.f32 @!p0 [tilespmem:s14], [sflag:$0x4], $0x20, s16, s13, $0xb8;
	[tilespmem:$0x1ED00] =	vst v63  }
0x136: {  	_ =	swait.ge @!p0 [sflag:s15], $0x1000  }
0x137: {  	[sflag:s15] =	ssyncset.done @!p0 $0x0  }
0x138: {  	[sflag:s15] =	ssyncadd.s32 @!p0 $0xFFFFF000  }
0x139: {  	[bflag:$0x0] =	sbarrier.arrive $0xFFFF  }
0x13a: {  	s13 =	rddreg [dreg:$0xd]  }
0x13b: {  	s14 =	rddreg [dreg:$0xf]  }
0x13c: {  	s15 =	rddreg [dreg:$0x10]  }
0x13d: {  	[hbm:s13], [sflag:s14] =	dma.local [spmem:s15], $0x30E0  }
0x13e: {  	_ =	swait.ge [sflag:s18], $0x30E0  }
0x13f: {  	s12 =	sadd.s32 $0x1, s12;
	s16 =	rddreg [dreg:$0xe]  }
0x140: {  	p1 =	sne.s32 s12, s16  }
.Ltmp1:
0x141: {  	_ = 	snop;
	(pc) =	sbr.rel @p1 .LBB2_1-.Ltmp1, $3  }
0x142: {  	_ =	sdelay $0x1  }
0x143: {  	[sflag:s18] =	ssyncset.done $0x0  }
0x144: {  	[sflag:s18] =	ssyncadd.s32 $0xFFFFCF20  }
0x145: {  	_ =	sfence.sel $0x180000  }
0x146: {  	[bflag:$0x0] =	sbarrier.arrive $0xFFFF  }
0x147: {  	_ =	strace $0x9000004A  }
0x148: {  	s0 =	stileid.u32;
	[bflag:$0x2] =	sbarrier.arrive $0xFFFF  }
0x149: {  	p0 =	sne.s32 s0, $0x0;
	s0 =	rddreg [dreg:$0x2]  }
0x14a: {  	s0 =	sadd.s32 @!p0 $0x100000, s0  }
0x14b: {  	[sflag:s0] =	ssyncadd.tile.s32 @!p0 $0x1;
	_ =	shalt  }
.Lfunc_end2:
_tile_overlayer_lowered:
.L_overlay_start_2:
0x14c: {  	(tag) =	ssettag $0x2  }
0x14d: {  	s0 =	rddreg [dreg:$0x0];
	s2 =	stileid.u32  }
0x14e: {  	s1 =	rddreg [dreg:$0x1];
	p0 =	sne.s32 s2, $0x0  }
0x14f: {  	s3 =	rddreg [dreg:$0x2];
	[bflag:$0x3] =	sbarrier.arrive $0xFFFF;
	s2 =	simm.s32 @!p0 $0x1C04  }
0x150: {  	[timem:s3], [sflag:s2] =	dma.local @!p0 [hbm:s0], s1  }
0x151: {  	s0 =	simm.s32 @!p0 $0x4  }
0x152: {  	_ =	swait.ge @!p0 [sflag:s0], s1  }
0x153: {  	s1 =	ssub.s32 @!p0 $0x0, s1;
	[sflag:s0] =	ssyncset.done @!p0 $0x0  }
0x154: {  	[sflag:s0] =	ssyncadd.s32 @!p0 s1  }
0x155: {  	[bflag:$0x3] =	sbarrier.arrive $0xFFFF  }
0x156: {  	_ =	shalt  }

</sc_bundles>
